<compile_context>
chip_gen: v7x
topology: tpu7x:2x2x1
jax: 0.10.2.dev20260603
libtpu: 0.0.44.dev20260713+nightly
codegen_flags: <defaults>
</compile_context>

<pallas_src>
import functools

import jax
import jax.numpy as jnp
from jax import lax
from jax.experimental import pallas as pl
from jax.experimental.pallas import tpu as pltpu
from jax.experimental.pallas import tpu_sc as plsc

N = 10000
E = 320000
D = 128
H = 128
CLS = 64
G = 64

NC = 2
NS = 16
K = 128
CHE = 157
EPT = CHE * K
EP = NS * EPT
HALF = 5008
AR = 5120
TRASH = 5112
ARS = AR // NS
AZR = 160
PADDST = 1 << 29
PCH = 160
SS = 272


@functools.lru_cache(maxsize=None)
def _get_mesh():
    return plsc.VectorSubcoreMesh(core_axis_name="c", subcore_axis_name="s",
                                  num_cores=NC, num_subcores=NS)


def _part_body(srcs_hbm, dstc_hbm, psrc_hbm, pdst_hbm, cnt_hbm,
               in_s, in_d, st_s, st_d, out_s, out_d, cnt_v):
    c = lax.axis_index("c")
    s = lax.axis_index("s")
    pltpu.sync_copy(srcs_hbm.at[s], in_s)
    pltpu.sync_copy(dstc_hbm.at[c, s], in_d)

    trash = jnp.full((16,), TRASH, jnp.int32)
    zeros = jnp.zeros((16,), jnp.int32)

    def prefill(t, _):
        st_s[pl.ds(t * 16, 16)] = zeros
        st_d[pl.ds(t * 16, 16)] = trash
        return 0

    lax.fori_loop(0, SS // 16, prefill, 0)

    def flush_row(r_out):
        for q in range(K // 16):
            out_s[r_out, pl.ds(q * 16, 16)] = st_s[pl.ds(q * 16, 16)]
            out_d[r_out, pl.ds(q * 16, 16)] = st_d[pl.ds(q * 16, 16)]

    lanes = lax.iota(jnp.int32, 16)

    def vec(t, carry):
        n_local, r_out = carry
        r = t // 8
        l = t % 8
        dv = in_d[r, pl.ds(l * 16, 16)]
        sv = in_s[r, pl.ds(l * 16, 16)]
        mask = dv < TRASH
        keys = lanes + jnp.where(mask, 0, 1024)
        _, sdst = plsc.sort_key_val(keys, dv)
        _, ssrc = plsc.sort_key_val(keys, sv)
        st_d[pl.ds(n_local, 16)] = sdst
        st_s[pl.ds(n_local, 16)] = ssrc
        n_local = n_local + jnp.sum(mask.astype(jnp.int32))
        do_flush = n_local >= K

        @pl.when(do_flush)
        def _():
            flush_row(r_out)
            for q in range((SS - K) // 16):
                st_s[pl.ds(q * 16, 16)] = st_s[pl.ds(K + q * 16, 16)]
                st_d[pl.ds(q * 16, 16)] = st_d[pl.ds(K + q * 16, 16)]
            for q in range(K // 16):
                st_d[pl.ds(SS - K + q * 16, 16)] = trash

        n_local = jnp.where(do_flush, n_local - K, n_local)
        r_out = jnp.where(do_flush, r_out + 1, r_out)
        return (n_local, r_out)

    n_local, r_out = lax.fori_loop(0, CHE * 8, vec, (0, 0))

    flush_row(r_out)
    def retrash(t, _):
        st_s[pl.ds(t * 16, 16)] = zeros
        st_d[pl.ds(t * 16, 16)] = trash
        return 0

    lax.fori_loop(0, K // 16, retrash, 0)
    flush_row(r_out + 1)

    nch2 = ((r_out + 2) // 2) * 2
    cvec = jnp.broadcast_to(nch2, (16,)).astype(jnp.int32)

    def putc(t, _):
        cnt_v[0, pl.ds(t * 16, 16)] = cvec
        return 0

    lax.fori_loop(0, K // 16, putc, 0)

    pltpu.sync_copy(out_s, psrc_hbm.at[c, s])
    pltpu.sync_copy(out_d, pdst_hbm.at[c, s])
    pltpu.sync_copy(cnt_v, cnt_hbm.at[c, s])


@functools.lru_cache(maxsize=None)
def _part_kernel():
    return pl.kernel(
        _part_body,
        out_type=[jax.ShapeDtypeStruct((NC, NS, PCH, K), jnp.int32),
                  jax.ShapeDtypeStruct((NC, NS, PCH, K), jnp.int32),
                  jax.ShapeDtypeStruct((NC, NS, 1, K), jnp.int32)],
        mesh=_get_mesh(),
        scratch_types=[
            pltpu.VMEM((CHE, K), jnp.int32),
            pltpu.VMEM((CHE, K), jnp.int32),
            pltpu.VMEM((SS,), jnp.int32),
            pltpu.VMEM((SS,), jnp.int32),
            pltpu.VMEM((PCH, K), jnp.int32),
            pltpu.VMEM((PCH, K), jnp.int32),
            pltpu.VMEM((1, K), jnp.int32),
        ],
        compiler_params=pltpu.CompilerParams(needs_layout_passes=False),
    )


def _msg_body(g_hbm, zo_hbm, psrc_hbm, pdst_hbm, cnt_hbm, out_hbm,
              src_v, dst_v, cnt_v, rows0, rows1, acc, sem0, sem1):
    c = lax.axis_index("c")
    s = lax.axis_index("s")

    pltpu.sync_copy(zo_hbm.at[0], rows0)
    pltpu.sync_copy(rows0, acc.at[pl.ds(s * ARS, K)])
    pltpu.sync_copy(rows0, acc.at[pl.ds(s * ARS + K, K)])
    pltpu.sync_copy(rows0.at[pl.ds(0, ARS - 2 * K)],
                    acc.at[pl.ds(s * ARS + 2 * K, ARS - 2 * K)])

    pltpu.sync_copy(psrc_hbm.at[c, s], src_v)
    pltpu.sync_copy(pdst_hbm.at[c, s], dst_v)
    pltpu.sync_copy(cnt_hbm.at[c, s], cnt_v)
    nch2 = jnp.max(cnt_v[0, pl.ds(0, 16)], axis=0)
    plsc.subcore_barrier()

    pltpu.async_copy(g_hbm.at[src_v.at[0]], rows0, sem0)
    pltpu.async_copy(g_hbm.at[src_v.at[1]], rows1, sem1)

    def step(i, _):
        j0 = 2 * i
        pltpu.make_async_copy(g_hbm.at[src_v.at[j0]], rows0, sem0).wait()
        pltpu.sync_copy(rows0, acc.at[dst_v.at[j0]], add=True)

        @pl.when(j0 + 2 < nch2)
        def _():
            pltpu.async_copy(g_hbm.at[src_v.at[j0 + 2]], rows0, sem0)

        pltpu.make_async_copy(g_hbm.at[src_v.at[j0 + 1]], rows1, sem1).wait()
        pltpu.sync_copy(rows1, acc.at[dst_v.at[j0 + 1]], add=True)

        @pl.when(j0 + 3 < nch2)
        def _():
            pltpu.async_copy(g_hbm.at[src_v.at[j0 + 3]], rows1, sem1)

        return 0

    lax.fori_loop(0, nch2 // 2, step, 0)

    plsc.subcore_barrier()
    for i in range(ARS // AZR):
        off = s * ARS + i * AZR
        pltpu.sync_copy(acc.at[pl.ds(off, AZR)], out_hbm.at[c, pl.ds(off, AZR)])


@functools.lru_cache(maxsize=None)
def _msg_kernel():
    return pl.kernel(
        _msg_body,
        out_type=jax.ShapeDtypeStruct((NC, AR, D), jnp.float32),
        mesh=_get_mesh(),
        scratch_types=[
            pltpu.VMEM((PCH, K), jnp.int32),
            pltpu.VMEM((PCH, K), jnp.int32),
            pltpu.VMEM((1, K), jnp.int32),
            pltpu.VMEM((K, D), jnp.float32),
            pltpu.VMEM((K, D), jnp.float32),
            pltpu.VMEM_SHARED((AR, D), jnp.float32),
            pltpu.SemaphoreType.DMA,
            pltpu.SemaphoreType.DMA,
        ],
        compiler_params=pltpu.CompilerParams(needs_layout_passes=False),
    )


def _deg_body(zo_hbm, pdst_hbm, cnt_hbm, out_hbm, dst_v, cnt_v, ones_v, zbuf,
              acc, dsem):
    c = lax.axis_index("c")
    s = lax.axis_index("s")

    pltpu.sync_copy(zo_hbm.at[0], zbuf)
    pltpu.sync_copy(zo_hbm.at[1], ones_v)

    for i in range(ARS // K):
        pltpu.sync_copy(zbuf, acc.at[pl.ds(s * ARS + i * K, K)])
    pltpu.sync_copy(zbuf.at[pl.ds(0, ARS - (ARS // K) * K)],
                    acc.at[pl.ds(s * ARS + (ARS // K) * K,
                                 ARS - (ARS // K) * K)])
    pltpu.sync_copy(pdst_hbm.at[c, s], dst_v)
    pltpu.sync_copy(cnt_hbm.at[c, s], cnt_v)
    nch2 = jnp.max(cnt_v[0, pl.ds(0, 16)], axis=0)
    plsc.subcore_barrier()

    def count(j, _):
        pltpu.async_copy(ones_v, acc.at[dst_v.at[j]], dsem, add=True)
        return 0

    lax.fori_loop(0, nch2, count, 0)

    def drain(j, _):
        pltpu.make_async_copy(ones_v, acc.at[dst_v.at[j]], dsem).wait()
        return 0

    lax.fori_loop(0, nch2, drain, 0)

    plsc.subcore_barrier()
    for i in range(ARS // AZR):
        off = s * ARS + i * AZR
        pltpu.sync_copy(acc.at[pl.ds(off, AZR)], out_hbm.at[c, pl.ds(off, AZR)])


@functools.lru_cache(maxsize=None)
def _deg_kernel():
    return pl.kernel(
        _deg_body,
        out_type=jax.ShapeDtypeStruct((NC, AR, D), jnp.float32),
        mesh=_get_mesh(),
        scratch_types=[
            pltpu.VMEM((PCH, K), jnp.int32),
            pltpu.VMEM((1, K), jnp.int32),
            pltpu.VMEM((K, D), jnp.float32),
            pltpu.VMEM((K, D), jnp.float32),
            pltpu.VMEM_SHARED((AR, D), jnp.float32),
            pltpu.SemaphoreType.DMA,
        ],
        compiler_params=pltpu.CompilerParams(needs_layout_passes=False),
    )


def _dst_split_body(dst_ref, out_ref):
    d = dst_ref[...]
    for c in range(NC):
        local = d - c * HALF
        ok = (local >= 0) & (local < HALF)
        out_ref[c] = jnp.where(ok, local, TRASH)


def _tc_first_body(degp_ref, x_ref, w_ref, g_ref, dis_ref):
    deg = jnp.concatenate([degp_ref[0, :HALF, 0:1],
                           degp_ref[1, : N - HALF, 0:1]], axis=0) + 1.0
    dis = lax.rsqrt(jnp.maximum(deg, 1.0))
    dis_ref[...] = dis
    g_ref[...] = jnp.dot(x_ref[...], w_ref[...],
                         preferred_element_type=jnp.float32) * dis


def _gcn_combine(p_ref, g_ref, dis_ref, b_ref):
    scat = jnp.concatenate([p_ref[0, :HALF], p_ref[1, : N - HALF]], axis=0)
    return dis_ref[...] * (scat + g_ref[...]) + b_ref[...]


def _tc_mid_body(p_ref, g_ref, dis_ref, w_ref, b_ref, gout_ref):
    h = _gcn_combine(p_ref, g_ref, dis_ref, b_ref)
    gout_ref[...] = jnp.dot(h, w_ref[...],
                            preferred_element_type=jnp.float32) * dis_ref[...]


def _tc_final_body(p_ref, g_ref, dis_ref, b_ref, batch_ref,
                   l1w_ref, l1b_ref, l2w_ref, l2b_ref, fcw_ref, fcb_ref,
                   out_ref):
    h = _gcn_combine(p_ref, g_ref, dis_ref, b_ref)
    gids = lax.broadcasted_iota(jnp.int32, (1, G), 1)
    onehot = (batch_ref[...] == gids).astype(jnp.float32)
    dn = (((0,), (0,)), ((), ()))
    sums = lax.dot_general(onehot, h, dn,
                           preferred_element_type=jnp.float32)
    counts = lax.dot_general(onehot, jnp.ones((N, 1), jnp.float32), dn,
                             preferred_element_type=jnp.float32)
    pooled = sums / jnp.maximum(counts, 1.0)
    r = jnp.dot(pooled, l1w_ref[...],
                preferred_element_type=jnp.float32) + l1b_ref[...]
    r = jnp.dot(r, l2w_ref[...],
                preferred_element_type=jnp.float32) + l2b_ref[...]
    r = jnp.dot(r, fcw_ref[...],
                preferred_element_type=jnp.float32) + fcb_ref[...]
    out_ref[...] = jnp.where(r >= 0, r, r * 0.01)


_dst_split = pl.pallas_call(
    _dst_split_body,
    out_shape=jax.ShapeDtypeStruct((NC, EP // 128, 128), jnp.int32),
)

_tc_first = pl.pallas_call(
    _tc_first_body,
    out_shape=[jax.ShapeDtypeStruct((N, D), jnp.float32),
               jax.ShapeDtypeStruct((N, 1), jnp.float32)],
)

_tc_mid = pl.pallas_call(
    _tc_mid_body,
    out_shape=jax.ShapeDtypeStruct((N, D), jnp.float32),
)

_tc_final = pl.pallas_call(
    _tc_final_body,
    out_shape=jax.ShapeDtypeStruct((G, 1), jnp.float32),
)


def kernel(x, edge_index, batch, W0, b0, W1, b1, W2, b2,
           l1W, l1b, l2W, l2b, fcW, fcb):
    pad = EP - E
    srcp = jnp.concatenate(
        [edge_index[0], jnp.zeros((pad,), edge_index.dtype)])
    dstp = jnp.concatenate(
        [edge_index[1], jnp.full((pad,), PADDST, edge_index.dtype)])
    srcs = srcp.reshape(NS, CHE, K)
    dstc = _dst_split(dstp.reshape(EP // 128, 128)).reshape(NC, NS, CHE, K)

    zo = jnp.stack([jnp.zeros((K, D), jnp.float32),
                    jnp.ones((K, D), jnp.float32)])
    psrc, pdst, cnt = _part_kernel()(srcs, dstc)
    deg_p = _deg_kernel()(zo, pdst, cnt)
    g1, dis = _tc_first(deg_p, x, W0)

    msg = _msg_kernel()
    p1 = msg(g1, zo, psrc, pdst, cnt)
    g2 = _tc_mid(p1, g1, dis, W1, b0.reshape(1, H))

    p2 = msg(g2, zo, psrc, pdst, cnt)
    g3 = _tc_mid(p2, g2, dis, W2, b1.reshape(1, H))

    p3 = msg(g3, zo, psrc, pdst, cnt)
    return _tc_final(p3, g3, dis, b2.reshape(1, H), batch.reshape(N, 1),
                     l1W, l1b.reshape(1, CLS), l2W, l2b.reshape(1, 1),
                     fcW, fcb.reshape(1, 1))

# --- scband reference (transcript-rebuilt; emitter-appended) ---
"""Pipeline reference for scband-allmodel-73254962200757 (READ-ONLY COPY).

The authoritative reference and input builder live on the scoring server;
editing this copy changes nothing except your own understanding.
"""

import jax, jax.numpy as jnp
import numpy as np

N = 10000
E = 320000
D = 128
H = 128
CLS = 64
G = 64


def setup_inputs(seed: int = 0) -> dict:
    key = jax.random.key(seed)
    ks = jax.random.split(key, 16)
    x = jax.random.normal(ks[0], (N, D), dtype=jnp.float32)
    edge_index = jax.random.randint(ks[1], (2, E), 0, N, dtype=jnp.int32)
    batch = jnp.sort(jax.random.randint(ks[2], (N,), 0, G, dtype=jnp.int32))
    s = 0.05
    W0 = jax.random.normal(ks[3], (D, H), dtype=jnp.float32) * s
    b0 = jnp.zeros((H,), dtype=jnp.float32)
    W1 = jax.random.normal(ks[4], (H, H), dtype=jnp.float32) * s
    b1 = jnp.zeros((H,), dtype=jnp.float32)
    W2 = jax.random.normal(ks[5], (H, H), dtype=jnp.float32) * s
    b2 = jnp.zeros((H,), dtype=jnp.float32)
    l1W = jax.random.normal(ks[6], (H, CLS), dtype=jnp.float32) * s
    l1b = jnp.zeros((CLS,), dtype=jnp.float32)
    l2W = jax.random.normal(ks[7], (CLS, 1), dtype=jnp.float32) * s
    l2b = jnp.zeros((1,), dtype=jnp.float32)
    fcW = jax.random.normal(ks[8], (1, 1), dtype=jnp.float32) * s
    fcb = jnp.zeros((1,), dtype=jnp.float32)
    return {"x": x, "edge_index": edge_index, "batch": batch,
            "W0": W0, "b0": b0, "W1": W1, "b1": b1, "W2": W2, "b2": b2,
            "l1W": l1W, "l1b": l1b, "l2W": l2W, "l2b": l2b,
            "fcW": fcW, "fcb": fcb}


def reference(x, edge_index, batch, W0, b0, W1, b1, W2, b2, l1W, l1b, l2W, l2b, fcW, fcb):
    # GCNConv with self-loops and symmetric normalization, stacked layer_number=3 times
    loop = jnp.arange(N, dtype=edge_index.dtype)
    src = jnp.concatenate([edge_index[0], loop])
    dst = jnp.concatenate([edge_index[1], loop])
    deg = jax.ops.segment_sum(jnp.ones_like(src, dtype=x.dtype), dst, num_segments=N)
    dis = jax.lax.rsqrt(jnp.maximum(deg, 1.0))
    norm = dis[src] * dis[dst]
    h = x
    for (W, b) in ((W0, b0), (W1, b1), (W2, b2)):
        h = h @ W
        msg = h[src] * norm[:, None]
        h = jax.ops.segment_sum(msg, dst, num_segments=N) + b
    # global_mean_pool over the graph-id vector `batch`
    counts = jax.ops.segment_sum(jnp.ones((N,), x.dtype), batch, num_segments=G)
    sums = jax.ops.segment_sum(h, batch, num_segments=G)
    pooled = sums / jnp.maximum(counts, 1.0)[:, None]
    r = pooled @ l1W + l1b
    r = r @ l2W + l2b
    r = r @ fcW + fcb
    return jax.nn.leaky_relu(r, negative_slope=0.01)

if __name__ == "__main__":
    import jax
    _d = setup_inputs()
    print(jax.jit(kernel)(*tuple(_d.values())))

</pallas_src>

<mosaic_0001>
#map = affine_map<(d0, d1) -> (0, 0, 0)>
#map1 = affine_map<(d0, d1) -> (0, 0, 0, 0)>
module attributes {stable_mosaic.version = 14 : i64} {
  func.func @_part_body(%arg0: i32, %arg1: i32, %arg2: memref<16x157x128xi32, #tpu.memory_space<hbm>>, %arg3: memref<2x16x157x128xi32, #tpu.memory_space<hbm>>, %arg4: memref<2x16x160x128xi32, #tpu.memory_space<hbm>>, %arg5: memref<2x16x160x128xi32, #tpu.memory_space<hbm>>, %arg6: memref<2x16x1x128xi32, #tpu.memory_space<hbm>>, %arg7: memref<157x128xi32, #tpu.memory_space<vmem>>, %arg8: memref<157x128xi32, #tpu.memory_space<vmem>>, %arg9: memref<272xi32, #tpu.memory_space<vmem>>, %arg10: memref<272xi32, #tpu.memory_space<vmem>>, %arg11: memref<160x128xi32, #tpu.memory_space<vmem>>, %arg12: memref<160x128xi32, #tpu.memory_space<vmem>>, %arg13: memref<1x128xi32, #tpu.memory_space<vmem>>) attributes {dimension_semantics = [#tpu.dimension_semantics<core_parallel>, #tpu.dimension_semantics<subcore_parallel>], iteration_bounds = array<i64: 2, 16>, scalar_prefetch = 0 : i64, scratch_operands = 7 : i64, tpu.core_type = #tpu.core_type<sc_vector_subcore>, window_params = [{transform_indices = #map}, {transform_indices = #map1}, {transform_indices = #map1}, {transform_indices = #map1}, {transform_indices = #map1}]} {
    "tpu.region"() ({
      %run_scoped3A = tpu.sem_alloc : memref<!tpu.dma_semaphore, #tpu.memory_space<semaphore_mem>>
      %dma_start3A = arith.constant 0 : i32
      %dma_start3A_210 = arith.constant 0 : i32
      %dma_start3A_211 = tpu.memref_slice %arg2[%arg1, %dma_start3A, %dma_start3A_210] : memref<16x157x128xi32, #tpu.memory_space<hbm>> -> memref<1x157x128xi32, #tpu.memory_space<hbm>>
      %dma_start3A_212 = tpu.memref_squeeze %dma_start3A_211 : memref<1x157x128xi32, #tpu.memory_space<hbm>> -> memref<157x128xi32, #tpu.memory_space<hbm>>
      %dma_start3A_213 = arith.constant 0 : i32
      %dma_start3A_214 = arith.constant 0 : i32
      %dma_start3A_215 = tpu.memref_slice %arg2[%arg1, %dma_start3A_213, %dma_start3A_214] : memref<16x157x128xi32, #tpu.memory_space<hbm>> -> memref<1x157x128xi32, #tpu.memory_space<hbm>>
      %dma_start3A_216 = tpu.memref_squeeze %dma_start3A_215 : memref<1x157x128xi32, #tpu.memory_space<hbm>> -> memref<157x128xi32, #tpu.memory_space<hbm>>
      tpu.enqueue_dma source(%dma_start3A_216 : memref<157x128xi32, #tpu.memory_space<hbm>>) target(%arg7 : memref<157x128xi32, #tpu.memory_space<vmem>>) target_semaphore(%run_scoped3A : memref<!tpu.dma_semaphore, #tpu.memory_space<semaphore_mem>>)
      %dma_wait3A = arith.constant 0 : i32
      %dma_wait3A_217 = arith.constant 0 : i32
      %dma_wait3A_218 = tpu.memref_slice %arg2[%arg1, %dma_wait3A, %dma_wait3A_217] : memref<16x157x128xi32, #tpu.memory_space<hbm>> -> memref<1x157x128xi32, #tpu.memory_space<hbm>>
      %dma_wait3A_219 = tpu.memref_squeeze %dma_wait3A_218 : memref<1x157x128xi32, #tpu.memory_space<hbm>> -> memref<157x128xi32, #tpu.memory_space<hbm>>
      %dma_wait3A_220 = arith.constant 0 : i32
      %dma_wait3A_221 = arith.constant 0 : i32
      %dma_wait3A_222 = tpu.memref_slice %arg2[%arg1, %dma_wait3A_220, %dma_wait3A_221] : memref<16x157x128xi32, #tpu.memory_space<hbm>> -> memref<1x157x128xi32, #tpu.memory_space<hbm>>
      %dma_wait3A_223 = tpu.memref_squeeze %dma_wait3A_222 : memref<1x157x128xi32, #tpu.memory_space<hbm>> -> memref<157x128xi32, #tpu.memory_space<hbm>>
      tpu.wait_dma2 semaphore(%run_scoped3A : memref<!tpu.dma_semaphore, #tpu.memory_space<semaphore_mem>>) src(%dma_wait3A_223 : memref<157x128xi32, #tpu.memory_space<hbm>>) dst(%arg7 : memref<157x128xi32, #tpu.memory_space<vmem>>)
      tpu.yield
    }) : () -> ()
    "tpu.region"() ({
      %run_scoped3A = tpu.sem_alloc : memref<!tpu.dma_semaphore, #tpu.memory_space<semaphore_mem>>
      %dma_start3A = arith.constant 0 : i32
      %dma_start3A_210 = arith.constant 0 : i32
      %dma_start3A_211 = tpu.memref_slice %arg3[%arg0, %arg1, %dma_start3A, %dma_start3A_210] : memref<2x16x157x128xi32, #tpu.memory_space<hbm>> -> memref<1x1x157x128xi32, #tpu.memory_space<hbm>>
      %dma_start3A_212 = tpu.memref_squeeze %dma_start3A_211 : memref<1x1x157x128xi32, #tpu.memory_space<hbm>> -> memref<157x128xi32, #tpu.memory_space<hbm>>
      %dma_start3A_213 = arith.constant 0 : i32
      %dma_start3A_214 = arith.constant 0 : i32
      %dma_start3A_215 = tpu.memref_slice %arg3[%arg0, %arg1, %dma_start3A_213, %dma_start3A_214] : memref<2x16x157x128xi32, #tpu.memory_space<hbm>> -> memref<1x1x157x128xi32, #tpu.memory_space<hbm>>
      %dma_start3A_216 = tpu.memref_squeeze %dma_start3A_215 : memref<1x1x157x128xi32, #tpu.memory_space<hbm>> -> memref<157x128xi32, #tpu.memory_space<hbm>>
      tpu.enqueue_dma source(%dma_start3A_216 : memref<157x128xi32, #tpu.memory_space<hbm>>) target(%arg8 : memref<157x128xi32, #tpu.memory_space<vmem>>) target_semaphore(%run_scoped3A : memref<!tpu.dma_semaphore, #tpu.memory_space<semaphore_mem>>)
      %dma_wait3A = arith.constant 0 : i32
      %dma_wait3A_217 = arith.constant 0 : i32
      %dma_wait3A_218 = tpu.memref_slice %arg3[%arg0, %arg1, %dma_wait3A, %dma_wait3A_217] : memref<2x16x157x128xi32, #tpu.memory_space<hbm>> -> memref<1x1x157x128xi32, #tpu.memory_space<hbm>>
      %dma_wait3A_219 = tpu.memref_squeeze %dma_wait3A_218 : memref<1x1x157x128xi32, #tpu.memory_space<hbm>> -> memref<157x128xi32, #tpu.memory_space<hbm>>
      %dma_wait3A_220 = arith.constant 0 : i32
      %dma_wait3A_221 = arith.constant 0 : i32
      %dma_wait3A_222 = tpu.memref_slice %arg3[%arg0, %arg1, %dma_wait3A_220, %dma_wait3A_221] : memref<2x16x157x128xi32, #tpu.memory_space<hbm>> -> memref<1x1x157x128xi32, #tpu.memory_space<hbm>>
      %dma_wait3A_223 = tpu.memref_squeeze %dma_wait3A_222 : memref<1x1x157x128xi32, #tpu.memory_space<hbm>> -> memref<157x128xi32, #tpu.memory_space<hbm>>
      tpu.wait_dma2 semaphore(%run_scoped3A : memref<!tpu.dma_semaphore, #tpu.memory_space<semaphore_mem>>) src(%dma_wait3A_223 : memref<157x128xi32, #tpu.memory_space<hbm>>) dst(%arg8 : memref<157x128xi32, #tpu.memory_space<vmem>>)
      tpu.yield
    }) : () -> ()
    %broadcast_in_dim3A = arith.constant 5112 : i32
    %broadcast_in_dim3A_0 = vector.broadcast %broadcast_in_dim3A : i32 to vector<16xi32>
    %broadcast_in_dim3A_1 = arith.constant 0 : i32
    %broadcast_in_dim3A_2 = vector.broadcast %broadcast_in_dim3A_1 : i32 to vector<16xi32>
    %scan3A = arith.constant 0 : i32
    %scan3A_3 = arith.constant 0 : i32
    %scan3A_4 = arith.constant 17 : i32
    %scan3A_5 = arith.addi %scan3A_3, %scan3A_4 : i32
    %scan3A_6 = arith.constant 1 : i32
    %scan3A_7 = scf.for %scan3A_210 = %scan3A_3 to %scan3A_5 step %scan3A_6 iter_args(%scan3A_211 = %scan3A) -> (i32)  : i32 {
      %mul3A_212 = arith.constant 16 : i32
      %mul3A_213 = arith.muli %scan3A_210, %mul3A_212 : i32
      %swap3A_214 = arith.index_cast %mul3A_213 : i32 to index
      %swap3A_215 = tpu.vector_load %arg9[%swap3A_214] {strides = array<i32>} : memref<272xi32, #tpu.memory_space<vmem>>, vector<16xi32>,
      tpu.vector_store %arg9[%swap3A_214], %broadcast_in_dim3A_2 {strides = array<i32>} : memref<272xi32, #tpu.memory_space<vmem>>, vector<16xi32>,
      %mul3A_216 = arith.constant 16 : i32
      %mul3A_217 = arith.muli %scan3A_210, %mul3A_216 : i32
      %swap3A_218 = arith.index_cast %mul3A_217 : i32 to index
      %swap3A_219 = tpu.vector_load %arg10[%swap3A_218] {strides = array<i32>} : memref<272xi32, #tpu.memory_space<vmem>>, vector<16xi32>,
      tpu.vector_store %arg10[%swap3A_218], %broadcast_in_dim3A_0 {strides = array<i32>} : memref<272xi32, #tpu.memory_space<vmem>>, vector<16xi32>,
      %scan3A_220 = arith.constant 0 : i32
      scf.yield %scan3A_220 : i32
    }
    %scan3A_8 = arith.constant 17 : i32
    %iota3A = tpu.iota {dimensions = array<i32: 0>} : vector<16xi32>
    %scan3A_9 = arith.constant 0 : i32
    %scan3A_10 = arith.constant 0 : i32
    %scan3A_11 = arith.constant 0 : i32
    %scan3A_12 = arith.constant 1256 : i32
    %scan3A_13 = arith.addi %scan3A_11, %scan3A_12 : i32
    %scan3A_14 = arith.constant 1 : i32
    %scan3A_15:2 = scf.for %scan3A_210 = %scan3A_11 to %scan3A_13 step %scan3A_14 iter_args(%scan3A_211 = %scan3A_9, %scan3A_212 = %scan3A_10) -> (i32, i32)  : i32 {
      %jit3A_213 = arith.constant 8 : i32
      %div3A_214 = arith.divsi %scan3A_210, %jit3A_213 : i32
      %sign3A_215 = arith.constant 0 : i32
      %sign3A_216 = arith.cmpi sgt, %scan3A_210, %sign3A_215 : i32
      %sign3A_217 = arith.extui %sign3A_216 : i1 to i32
      %sign3A_218 = arith.constant 0 : i32
      %sign3A_219 = arith.cmpi slt, %scan3A_210, %sign3A_218 : i32
      %sign3A_220 = arith.extui %sign3A_219 : i1 to i32
      %sign3A_221 = arith.subi %sign3A_217, %sign3A_220 : i32
      %sign3A_222 = arith.constant 0 : i32
      %sign3A_223 = arith.cmpi sgt, %jit3A_213, %sign3A_222 : i32
      %sign3A_224 = arith.extui %sign3A_223 : i1 to i32
      %sign3A_225 = arith.constant 0 : i32
      %sign3A_226 = arith.cmpi slt, %jit3A_213, %sign3A_225 : i32
      %sign3A_227 = arith.extui %sign3A_226 : i1 to i32
      %sign3A_228 = arith.subi %sign3A_224, %sign3A_227 : i32
      %ne3A_229 = arith.cmpi ne, %sign3A_221, %sign3A_228 : i32
      %rem3A_230 = arith.remsi %scan3A_210, %jit3A_213 : i32
      %ne3A_231 = arith.constant 0 : i32
      %ne3A_232 = arith.cmpi ne, %rem3A_230, %ne3A_231 : i32
      %and3A_233 = arith.andi %ne3A_229, %ne3A_232 : i1
      %sub3A_234 = arith.constant 1 : i32
      %sub3A_235 = arith.subi %div3A_214, %sub3A_234 : i32
      %select_n3A_236 = arith.select %and3A_233, %sub3A_235, %div3A_214 : i32
      %jit3A_237 = arith.constant 8 : i32
      %eq3A = arith.constant 0 : i32
      %eq3A_238 = arith.cmpi eq, %jit3A_237, %eq3A : i32
      %jit3A_239 = arith.constant 1 : i32
      %select_n3A_240 = arith.select %eq3A_238, %jit3A_239, %jit3A_237 : i32
      %rem3A_241 = arith.remsi %scan3A_210, %select_n3A_240 : i32
      %ne3A_242 = arith.constant 0 : i32
      %ne3A_243 = arith.cmpi ne, %rem3A_241, %ne3A_242 : i32
      %lt3A = arith.constant 0 : i32
      %lt3A_244 = arith.cmpi slt, %rem3A_241, %lt3A : i32
      %lt3A_245 = arith.constant 0 : i32
      %lt3A_246 = arith.cmpi slt, %select_n3A_240, %lt3A_245 : i32
      %ne3A_247 = arith.xori %lt3A_244, %lt3A_246 : i1
      %and3A_248 = arith.andi %ne3A_247, %ne3A_243 : i1
      %add3A_249 = arith.addi %rem3A_241, %select_n3A_240 : i32
      %select_n3A_250 = arith.select %and3A_248, %add3A_249, %rem3A_241 : i32
      %mul3A_251 = arith.constant 16 : i32
      %mul3A_252 = arith.muli %select_n3A_250, %mul3A_251 : i32
      %get3A_253 = arith.index_cast %select_n3A_236 : i32 to index
      %get3A_254 = arith.index_cast %mul3A_252 : i32 to index
      %get3A_255 = tpu.vector_load %arg8[%get3A_253, %get3A_254] {strides = array<i32>} : memref<157x128xi32, #tpu.memory_space<vmem>>, vector<16xi32>,
      %mul3A_256 = arith.constant 16 : i32
      %mul3A_257 = arith.muli %select_n3A_250, %mul3A_256 : i32
      %get3A_258 = arith.index_cast %select_n3A_236 : i32 to index
      %get3A_259 = arith.index_cast %mul3A_257 : i32 to index
      %get3A_260 = tpu.vector_load %arg7[%get3A_258, %get3A_259] {strides = array<i32>} : memref<157x128xi32, #tpu.memory_space<vmem>>, vector<16xi32>,
      %lt3A_261 = arith.constant 5112 : i32
      %lt3A_262 = vector.broadcast %lt3A_261 : i32 to vector<16xi32>
      %lt3A_263 = arith.cmpi slt, %get3A_255, %lt3A_262 : vector<16xi32>
      %jit3A_264 = arith.constant 0 : i32
      %jit3A_265 = arith.constant 1024 : i32
      %broadcast_in_dim3A_266 = vector.broadcast %jit3A_264 : i32 to vector<16xi32>
      %broadcast_in_dim3A_267 = vector.broadcast %jit3A_265 : i32 to vector<16xi32>
      %select_n3A_268 = arith.select %lt3A_263, %broadcast_in_dim3A_266, %broadcast_in_dim3A_267 : vector<16xi1>, vector<16xi32>
      %add3A_269 = arith.addi %iota3A, %select_n3A_268 : vector<16xi32>
      %masked_sort3A = arith.constant dense<true> : vector<16xi1>
      %masked_sort3A_270 = arith.constant -2147483648 : i32
      %masked_sort3A_271 = vector.broadcast %masked_sort3A_270 : i32 to vector<16xi32>
      %masked_sort3A_272 = arith.xori %add3A_269, %masked_sort3A_271 : vector<16xi32>
      %masked_sort3A_273, %masked_sort3A_274, %masked_sort3A_275 = tpu.sort %masked_sort3A_272, %get3A_255 masked %masked_sort3A : (vector<16xi32>, vector<16xi32>, vector<16xi1>) -> (vector<16xi1>, vector<16xi32>, vector<16xi32>)
      %masked_sort3A_276 = arith.xori %masked_sort3A_274, %masked_sort3A_271 : vector<16xi32>
      %masked_sort3A_277 = arith.constant dense<true> : vector<16xi1>
      %masked_sort3A_278 = arith.constant -2147483648 : i32
      %masked_sort3A_279 = vector.broadcast %masked_sort3A_278 : i32 to vector<16xi32>
      %masked_sort3A_280 = arith.xori %add3A_269, %masked_sort3A_279 : vector<16xi32>
      %masked_sort3A_281, %masked_sort3A_282, %masked_sort3A_283 = tpu.sort %masked_sort3A_280, %get3A_260 masked %masked_sort3A_277 : (vector<16xi32>, vector<16xi32>, vector<16xi1>) -> (vector<16xi1>, vector<16xi32>, vector<16xi32>)
      %masked_sort3A_284 = arith.xori %masked_sort3A_282, %masked_sort3A_279 : vector<16xi32>
      %swap3A_285 = arith.index_cast %scan3A_211 : i32 to index
      %swap3A_286 = tpu.vector_load %arg10[%swap3A_285] {strides = array<i32>} : memref<272xi32, #tpu.memory_space<vmem>>, vector<16xi32>,
      tpu.vector_store %arg10[%swap3A_285], %masked_sort3A_275 {strides = array<i32>} : memref<272xi32, #tpu.memory_space<vmem>>, vector<16xi32>,
      %swap3A_287 = arith.index_cast %scan3A_211 : i32 to index
      %swap3A_288 = tpu.vector_load %arg9[%swap3A_287] {strides = array<i32>} : memref<272xi32, #tpu.memory_space<vmem>>, vector<16xi32>,
      tpu.vector_store %arg9[%swap3A_287], %masked_sort3A_283 {strides = array<i32>} : memref<272xi32, #tpu.memory_space<vmem>>, vector<16xi32>,
      %convert_element_type3A = arith.extui %lt3A_263 : vector<16xi1> to vector<16xi32>
      %reduce_sum3A = arith.constant true
      %reduce_sum3A_289 = vector.broadcast %reduce_sum3A : i1 to vector<16xi1>
      %reduce_sum3A_290 = tpu.scan <sum>, %convert_element_type3A masked %reduce_sum3A_289 : vector<16xi32>, vector<16xi1> -> vector<16xi32>
      %reduce_sum3A_291 = vector.extract %reduce_sum3A_290[15] : i32 from vector<16xi32>
      %add3A_292 = arith.addi %scan3A_211, %reduce_sum3A_291 : i32
      %ge3A = arith.constant 128 : i32
      %ge3A_293 = arith.cmpi sge, %add3A_292, %ge3A : i32
      %convert_element_type3A_294 = arith.extui %ge3A_293 : i1 to i32
      %cond3A = arith.constant 0 : i32
      %cond3A_295 = arith.cmpi ne, %convert_element_type3A_294, %cond3A : i32
      scf.if %cond3A_295 {
        %get3A_302 = arith.constant 0 : index
        %get3A_303 = tpu.vector_load %arg9[%get3A_302] {strides = array<i32>} : memref<272xi32, #tpu.memory_space<vmem>>, vector<16xi32>,
        %swap3A_304 = arith.index_cast %scan3A_212 : i32 to index
        %swap3A_305 = arith.constant 0 : index
        %swap3A_306 = tpu.vector_load %arg11[%swap3A_304, %swap3A_305] {strides = array<i32>} : memref<160x128xi32, #tpu.memory_space<vmem>>, vector<16xi32>,
        tpu.vector_store %arg11[%swap3A_304, %swap3A_305], %get3A_303 {strides = array<i32>} : memref<160x128xi32, #tpu.memory_space<vmem>>, vector<16xi32>,
        %get3A_307 = arith.constant 0 : index
        %get3A_308 = tpu.vector_load %arg10[%get3A_307] {strides = array<i32>} : memref<272xi32, #tpu.memory_space<vmem>>, vector<16xi32>,
        %swap3A_309 = arith.index_cast %scan3A_212 : i32 to index
        %swap3A_310 = arith.constant 0 : index
        %swap3A_311 = tpu.vector_load %arg12[%swap3A_309, %swap3A_310] {strides = array<i32>} : memref<160x128xi32, #tpu.memory_space<vmem>>, vector<16xi32>,
        tpu.vector_store %arg12[%swap3A_309, %swap3A_310], %get3A_308 {strides = array<i32>} : memref<160x128xi32, #tpu.memory_space<vmem>>, vector<16xi32>,
        %get3A_312 = arith.constant 16 : index
        %get3A_313 = tpu.vector_load %arg9[%get3A_312] {strides = array<i32>} : memref<272xi32, #tpu.memory_space<vmem>>, vector<16xi32>,
        %swap3A_314 = arith.index_cast %scan3A_212 : i32 to index
        %swap3A_315 = arith.constant 16 : index
        %swap3A_316 = tpu.vector_load %arg11[%swap3A_314, %swap3A_315] {strides = array<i32>} : memref<160x128xi32, #tpu.memory_space<vmem>>, vector<16xi32>,
        tpu.vector_store %arg11[%swap3A_314, %swap3A_315], %get3A_313 {strides = array<i32>} : memref<160x128xi32, #tpu.memory_space<vmem>>, vector<16xi32>,
        %get3A_317 = arith.constant 16 : index
        %get3A_318 = tpu.vector_load %arg10[%get3A_317] {strides = array<i32>} : memref<272xi32, #tpu.memory_space<vmem>>, vector<16xi32>,
        %swap3A_319 = arith.index_cast %scan3A_212 : i32 to index
        %swap3A_320 = arith.constant 16 : index
        %swap3A_321 = tpu.vector_load %arg12[%swap3A_319, %swap3A_320] {strides = array<i32>} : memref<160x128xi32, #tpu.memory_space<vmem>>, vector<16xi32>,
        tpu.vector_store %arg12[%swap3A_319, %swap3A_320], %get3A_318 {strides = array<i32>} : memref<160x128xi32, #tpu.memory_space<vmem>>, vector<16xi32>,
        %get3A_322 = arith.constant 32 : index
        %get3A_323 = tpu.vector_load %arg9[%get3A_322] {strides = array<i32>} : memref<272xi32, #tpu.memory_space<vmem>>, vector<16xi32>,
        %swap3A_324 = arith.index_cast %scan3A_212 : i32 to index
        %swap3A_325 = arith.constant 32 : index
        %swap3A_326 = tpu.vector_load %arg11[%swap3A_324, %swap3A_325] {strides = array<i32>} : memref<160x128xi32, #tpu.memory_space<vmem>>, vector<16xi32>,
        tpu.vector_store %arg11[%swap3A_324, %swap3A_325], %get3A_323 {strides = array<i32>} : memref<160x128xi32, #tpu.memory_space<vmem>>, vector<16xi32>,
        %get3A_327 = arith.constant 32 : index
        %get3A_328 = tpu.vector_load %arg10[%get3A_327] {strides = array<i32>} : memref<272xi32, #tpu.memory_space<vmem>>, vector<16xi32>,
        %swap3A_329 = arith.index_cast %scan3A_212 : i32 to index
        %swap3A_330 = arith.constant 32 : index
        %swap3A_331 = tpu.vector_load %arg12[%swap3A_329, %swap3A_330] {strides = array<i32>} : memref<160x128xi32, #tpu.memory_space<vmem>>, vector<16xi32>,
        tpu.vector_store %arg12[%swap3A_329, %swap3A_330], %get3A_328 {strides = array<i32>} : memref<160x128xi32, #tpu.memory_space<vmem>>, vector<16xi32>,
        %get3A_332 = arith.constant 48 : index
        %get3A_333 = tpu.vector_load %arg9[%get3A_332] {strides = array<i32>} : memref<272xi32, #tpu.memory_space<vmem>>, vector<16xi32>,
        %swap3A_334 = arith.index_cast %scan3A_212 : i32 to index
        %swap3A_335 = arith.constant 48 : index
        %swap3A_336 = tpu.vector_load %arg11[%swap3A_334, %swap3A_335] {strides = array<i32>} : memref<160x128xi32, #tpu.memory_space<vmem>>, vector<16xi32>,
        tpu.vector_store %arg11[%swap3A_334, %swap3A_335], %get3A_333 {strides = array<i32>} : memref<160x128xi32, #tpu.memory_space<vmem>>, vector<16xi32>,
        %get3A_337 = arith.constant 48 : index
        %get3A_338 = tpu.vector_load %arg10[%get3A_337] {strides = array<i32>} : memref<272xi32, #tpu.memory_space<vmem>>, vector<16xi32>,
        %swap3A_339 = arith.index_cast %scan3A_212 : i32 to index
        %swap3A_340 = arith.constant 48 : index
        %swap3A_341 = tpu.vector_load %arg12[%swap3A_339, %swap3A_340] {strides = array<i32>} : memref<160x128xi32, #tpu.memory_space<vmem>>, vector<16xi32>,
        tpu.vector_store %arg12[%swap3A_339, %swap3A_340], %get3A_338 {strides = array<i32>} : memref<160x128xi32, #tpu.memory_space<vmem>>, vector<16xi32>,
        %get3A_342 = arith.constant 64 : index
        %get3A_343 = tpu.vector_load %arg9[%get3A_342] {strides = array<i32>} : memref<272xi32, #tpu.memory_space<vmem>>, vector<16xi32>,
        %swap3A_344 = arith.index_cast %scan3A_212 : i32 to index
        %swap3A_345 = arith.constant 64 : index
        %swap3A_346 = tpu.vector_load %arg11[%swap3A_344, %swap3A_345] {strides = array<i32>} : memref<160x128xi32, #tpu.memory_space<vmem>>, vector<16xi32>,
        tpu.vector_store %arg11[%swap3A_344, %swap3A_345], %get3A_343 {strides = array<i32>} : memref<160x128xi32, #tpu.memory_space<vmem>>, vector<16xi32>,
        %get3A_347 = arith.constant 64 : index
        %get3A_348 = tpu.vector_load %arg10[%get3A_347] {strides = array<i32>} : memref<272xi32, #tpu.memory_space<vmem>>, vector<16xi32>,
        %swap3A_349 = arith.index_cast %scan3A_212 : i32 to index
        %swap3A_350 = arith.constant 64 : index
        %swap3A_351 = tpu.vector_load %arg12[%swap3A_349, %swap3A_350] {strides = array<i32>} : memref<160x128xi32, #tpu.memory_space<vmem>>, vector<16xi32>,
        tpu.vector_store %arg12[%swap3A_349, %swap3A_350], %get3A_348 {strides = array<i32>} : memref<160x128xi32, #tpu.memory_space<vmem>>, vector<16xi32>,
        %get3A_352 = arith.constant 80 : index
        %get3A_353 = tpu.vector_load %arg9[%get3A_352] {strides = array<i32>} : memref<272xi32, #tpu.memory_space<vmem>>, vector<16xi32>,
        %swap3A_354 = arith.index_cast %scan3A_212 : i32 to index
        %swap3A_355 = arith.constant 80 : index
        %swap3A_356 = tpu.vector_load %arg11[%swap3A_354, %swap3A_355] {strides = array<i32>} : memref<160x128xi32, #tpu.memory_space<vmem>>, vector<16xi32>,
        tpu.vector_store %arg11[%swap3A_354, %swap3A_355], %get3A_353 {strides = array<i32>} : memref<160x128xi32, #tpu.memory_space<vmem>>, vector<16xi32>,
        %get3A_357 = arith.constant 80 : index
        %get3A_358 = tpu.vector_load %arg10[%get3A_357] {strides = array<i32>} : memref<272xi32, #tpu.memory_space<vmem>>, vector<16xi32>,
        %swap3A_359 = arith.index_cast %scan3A_212 : i32 to index
        %swap3A_360 = arith.constant 80 : index
        %swap3A_361 = tpu.vector_load %arg12[%swap3A_359, %swap3A_360] {strides = array<i32>} : memref<160x128xi32, #tpu.memory_space<vmem>>, vector<16xi32>,
        tpu.vector_store %arg12[%swap3A_359, %swap3A_360], %get3A_358 {strides = array<i32>} : memref<160x128xi32, #tpu.memory_space<vmem>>, vector<16xi32>,
        %get3A_362 = arith.constant 96 : index
        %get3A_363 = tpu.vector_load %arg9[%get3A_362] {strides = array<i32>} : memref<272xi32, #tpu.memory_space<vmem>>, vector<16xi32>,
        %swap3A_364 = arith.index_cast %scan3A_212 : i32 to index
        %swap3A_365 = arith.constant 96 : index
        %swap3A_366 = tpu.vector_load %arg11[%swap3A_364, %swap3A_365] {strides = array<i32>} : memref<160x128xi32, #tpu.memory_space<vmem>>, vector<16xi32>,
        tpu.vector_store %arg11[%swap3A_364, %swap3A_365], %get3A_363 {strides = array<i32>} : memref<160x128xi32, #tpu.memory_space<vmem>>, vector<16xi32>,
        %get3A_367 = arith.constant 96 : index
        %get3A_368 = tpu.vector_load %arg10[%get3A_367] {strides = array<i32>} : memref<272xi32, #tpu.memory_space<vmem>>, vector<16xi32>,
        %swap3A_369 = arith.index_cast %scan3A_212 : i32 to index
        %swap3A_370 = arith.constant 96 : index
        %swap3A_371 = tpu.vector_load %arg12[%swap3A_369, %swap3A_370] {strides = array<i32>} : memref<160x128xi32, #tpu.memory_space<vmem>>, vector<16xi32>,
        tpu.vector_store %arg12[%swap3A_369, %swap3A_370], %get3A_368 {strides = array<i32>} : memref<160x128xi32, #tpu.memory_space<vmem>>, vector<16xi32>,
        %get3A_372 = arith.constant 112 : index
        %get3A_373 = tpu.vector_load %arg9[%get3A_372] {strides = array<i32>} : memref<272xi32, #tpu.memory_space<vmem>>, vector<16xi32>,
        %swap3A_374 = arith.index_cast %scan3A_212 : i32 to index
        %swap3A_375 = arith.constant 112 : index
        %swap3A_376 = tpu.vector_load %arg11[%swap3A_374, %swap3A_375] {strides = array<i32>} : memref<160x128xi32, #tpu.memory_space<vmem>>, vector<16xi32>,
        tpu.vector_store %arg11[%swap3A_374, %swap3A_375], %get3A_373 {strides = array<i32>} : memref<160x128xi32, #tpu.memory_space<vmem>>, vector<16xi32>,
        %get3A_377 = arith.constant 112 : index
        %get3A_378 = tpu.vector_load %arg10[%get3A_377] {strides = array<i32>} : memref<272xi32, #tpu.memory_space<vmem>>, vector<16xi32>,
        %swap3A_379 = arith.index_cast %scan3A_212 : i32 to index
        %swap3A_380 = arith.constant 112 : index
        %swap3A_381 = tpu.vector_load %arg12[%swap3A_379, %swap3A_380] {strides = array<i32>} : memref<160x128xi32, #tpu.memory_space<vmem>>, vector<16xi32>,
        tpu.vector_store %arg12[%swap3A_379, %swap3A_380], %get3A_378 {strides = array<i32>} : memref<160x128xi32, #tpu.memory_space<vmem>>, vector<16xi32>,
        %get3A_382 = arith.constant 128 : index
        %get3A_383 = tpu.vector_load %arg9[%get3A_382] {strides = array<i32>} : memref<272xi32, #tpu.memory_space<vmem>>, vector<16xi32>,
        %swap3A_384 = arith.constant 0 : index
        %swap3A_385 = tpu.vector_load %arg9[%swap3A_384] {strides = array<i32>} : memref<272xi32, #tpu.memory_space<vmem>>, vector<16xi32>,
        tpu.vector_store %arg9[%swap3A_384], %get3A_383 {strides = array<i32>} : memref<272xi32, #tpu.memory_space<vmem>>, vector<16xi32>,
        %get3A_386 = arith.constant 128 : index
        %get3A_387 = tpu.vector_load %arg10[%get3A_386] {strides = array<i32>} : memref<272xi32, #tpu.memory_space<vmem>>, vector<16xi32>,
        %swap3A_388 = arith.constant 0 : index
        %swap3A_389 = tpu.vector_load %arg10[%swap3A_388] {strides = array<i32>} : memref<272xi32, #tpu.memory_space<vmem>>, vector<16xi32>,
        tpu.vector_store %arg10[%swap3A_388], %get3A_387 {strides = array<i32>} : memref<272xi32, #tpu.memory_space<vmem>>, vector<16xi32>,
        %get3A_390 = arith.constant 144 : index
        %get3A_391 = tpu.vector_load %arg9[%get3A_390] {strides = array<i32>} : memref<272xi32, #tpu.memory_space<vmem>>, vector<16xi32>,
        %swap3A_392 = arith.constant 16 : index
        %swap3A_393 = tpu.vector_load %arg9[%swap3A_392] {strides = array<i32>} : memref<272xi32, #tpu.memory_space<vmem>>, vector<16xi32>,
        tpu.vector_store %arg9[%swap3A_392], %get3A_391 {strides = array<i32>} : memref<272xi32, #tpu.memory_space<vmem>>, vector<16xi32>,
        %get3A_394 = arith.constant 144 : index
        %get3A_395 = tpu.vector_load %arg10[%get3A_394] {strides = array<i32>} : memref<272xi32, #tpu.memory_space<vmem>>, vector<16xi32>,
        %swap3A_396 = arith.constant 16 : index
        %swap3A_397 = tpu.vector_load %arg10[%swap3A_396] {strides = array<i32>} : memref<272xi32, #tpu.memory_space<vmem>>, vector<16xi32>,
        tpu.vector_store %arg10[%swap3A_396], %get3A_395 {strides = array<i32>} : memref<272xi32, #tpu.memory_space<vmem>>, vector<16xi32>,
        %get3A_398 = arith.constant 160 : index
        %get3A_399 = tpu.vector_load %arg9[%get3A_398] {strides = array<i32>} : memref<272xi32, #tpu.memory_space<vmem>>, vector<16xi32>,
        %swap3A_400 = arith.constant 32 : index
        %swap3A_401 = tpu.vector_load %arg9[%swap3A_400] {strides = array<i32>} : memref<272xi32, #tpu.memory_space<vmem>>, vector<16xi32>,
        tpu.vector_store %arg9[%swap3A_400], %get3A_399 {strides = array<i32>} : memref<272xi32, #tpu.memory_space<vmem>>, vector<16xi32>,
        %get3A_402 = arith.constant 160 : index
        %get3A_403 = tpu.vector_load %arg10[%get3A_402] {strides = array<i32>} : memref<272xi32, #tpu.memory_space<vmem>>, vector<16xi32>,
        %swap3A_404 = arith.constant 32 : index
        %swap3A_405 = tpu.vector_load %arg10[%swap3A_404] {strides = array<i32>} : memref<272xi32, #tpu.memory_space<vmem>>, vector<16xi32>,
        tpu.vector_store %arg10[%swap3A_404], %get3A_403 {strides = array<i32>} : memref<272xi32, #tpu.memory_space<vmem>>, vector<16xi32>,
        %get3A_406 = arith.constant 176 : index
        %get3A_407 = tpu.vector_load %arg9[%get3A_406] {strides = array<i32>} : memref<272xi32, #tpu.memory_space<vmem>>, vector<16xi32>,
        %swap3A_408 = arith.constant 48 : index
        %swap3A_409 = tpu.vector_load %arg9[%swap3A_408] {strides = array<i32>} : memref<272xi32, #tpu.memory_space<vmem>>, vector<16xi32>,
        tpu.vector_store %arg9[%swap3A_408], %get3A_407 {strides = array<i32>} : memref<272xi32, #tpu.memory_space<vmem>>, vector<16xi32>,
        %get3A_410 = arith.constant 176 : index
        %get3A_411 = tpu.vector_load %arg10[%get3A_410] {strides = array<i32>} : memref<272xi32, #tpu.memory_space<vmem>>, vector<16xi32>,
        %swap3A_412 = arith.constant 48 : index
        %swap3A_413 = tpu.vector_load %arg10[%swap3A_412] {strides = array<i32>} : memref<272xi32, #tpu.memory_space<vmem>>, vector<16xi32>,
        tpu.vector_store %arg10[%swap3A_412], %get3A_411 {strides = array<i32>} : memref<272xi32, #tpu.memory_space<vmem>>, vector<16xi32>,
        %get3A_414 = arith.constant 192 : index
        %get3A_415 = tpu.vector_load %arg9[%get3A_414] {strides = array<i32>} : memref<272xi32, #tpu.memory_space<vmem>>, vector<16xi32>,
        %swap3A_416 = arith.constant 64 : index
        %swap3A_417 = tpu.vector_load %arg9[%swap3A_416] {strides = array<i32>} : memref<272xi32, #tpu.memory_space<vmem>>, vector<16xi32>,
        tpu.vector_store %arg9[%swap3A_416], %get3A_415 {strides = array<i32>} : memref<272xi32, #tpu.memory_space<vmem>>, vector<16xi32>,
        %get3A_418 = arith.constant 192 : index
        %get3A_419 = tpu.vector_load %arg10[%get3A_418] {strides = array<i32>} : memref<272xi32, #tpu.memory_space<vmem>>, vector<16xi32>,
        %swap3A_420 = arith.constant 64 : index
        %swap3A_421 = tpu.vector_load %arg10[%swap3A_420] {strides = array<i32>} : memref<272xi32, #tpu.memory_space<vmem>>, vector<16xi32>,
        tpu.vector_store %arg10[%swap3A_420], %get3A_419 {strides = array<i32>} : memref<272xi32, #tpu.memory_space<vmem>>, vector<16xi32>,
        %get3A_422 = arith.constant 208 : index
        %get3A_423 = tpu.vector_load %arg9[%get3A_422] {strides = array<i32>} : memref<272xi32, #tpu.memory_space<vmem>>, vector<16xi32>,
        %swap3A_424 = arith.constant 80 : index
        %swap3A_425 = tpu.vector_load %arg9[%swap3A_424] {strides = array<i32>} : memref<272xi32, #tpu.memory_space<vmem>>, vector<16xi32>,
        tpu.vector_store %arg9[%swap3A_424], %get3A_423 {strides = array<i32>} : memref<272xi32, #tpu.memory_space<vmem>>, vector<16xi32>,
        %get3A_426 = arith.constant 208 : index
        %get3A_427 = tpu.vector_load %arg10[%get3A_426] {strides = array<i32>} : memref<272xi32, #tpu.memory_space<vmem>>, vector<16xi32>,
        %swap3A_428 = arith.constant 80 : index
        %swap3A_429 = tpu.vector_load %arg10[%swap3A_428] {strides = array<i32>} : memref<272xi32, #tpu.memory_space<vmem>>, vector<16xi32>,
        tpu.vector_store %arg10[%swap3A_428], %get3A_427 {strides = array<i32>} : memref<272xi32, #tpu.memory_space<vmem>>, vector<16xi32>,
        %get3A_430 = arith.constant 224 : index
        %get3A_431 = tpu.vector_load %arg9[%get3A_430] {strides = array<i32>} : memref<272xi32, #tpu.memory_space<vmem>>, vector<16xi32>,
        %swap3A_432 = arith.constant 96 : index
        %swap3A_433 = tpu.vector_load %arg9[%swap3A_432] {strides = array<i32>} : memref<272xi32, #tpu.memory_space<vmem>>, vector<16xi32>,
        tpu.vector_store %arg9[%swap3A_432], %get3A_431 {strides = array<i32>} : memref<272xi32, #tpu.memory_space<vmem>>, vector<16xi32>,
        %get3A_434 = arith.constant 224 : index
        %get3A_435 = tpu.vector_load %arg10[%get3A_434] {strides = array<i32>} : memref<272xi32, #tpu.memory_space<vmem>>, vector<16xi32>,
        %swap3A_436 = arith.constant 96 : index
        %swap3A_437 = tpu.vector_load %arg10[%swap3A_436] {strides = array<i32>} : memref<272xi32, #tpu.memory_space<vmem>>, vector<16xi32>,
        tpu.vector_store %arg10[%swap3A_436], %get3A_435 {strides = array<i32>} : memref<272xi32, #tpu.memory_space<vmem>>, vector<16xi32>,
        %get3A_438 = arith.constant 240 : index
        %get3A_439 = tpu.vector_load %arg9[%get3A_438] {strides = array<i32>} : memref<272xi32, #tpu.memory_space<vmem>>, vector<16xi32>,
        %swap3A_440 = arith.constant 112 : index
        %swap3A_441 = tpu.vector_load %arg9[%swap3A_440] {strides = array<i32>} : memref<272xi32, #tpu.memory_space<vmem>>, vector<16xi32>,
        tpu.vector_store %arg9[%swap3A_440], %get3A_439 {strides = array<i32>} : memref<272xi32, #tpu.memory_space<vmem>>, vector<16xi32>,
        %get3A_442 = arith.constant 240 : index
        %get3A_443 = tpu.vector_load %arg10[%get3A_442] {strides = array<i32>} : memref<272xi32, #tpu.memory_space<vmem>>, vector<16xi32>,
        %swap3A_444 = arith.constant 112 : index
        %swap3A_445 = tpu.vector_load %arg10[%swap3A_444] {strides = array<i32>} : memref<272xi32, #tpu.memory_space<vmem>>, vector<16xi32>,
        tpu.vector_store %arg10[%swap3A_444], %get3A_443 {strides = array<i32>} : memref<272xi32, #tpu.memory_space<vmem>>, vector<16xi32>,
        %get3A_446 = arith.constant 256 : index
        %get3A_447 = tpu.vector_load %arg9[%get3A_446] {strides = array<i32>} : memref<272xi32, #tpu.memory_space<vmem>>, vector<16xi32>,
        %swap3A_448 = arith.constant 128 : index
        %swap3A_449 = tpu.vector_load %arg9[%swap3A_448] {strides = array<i32>} : memref<272xi32, #tpu.memory_space<vmem>>, vector<16xi32>,
        tpu.vector_store %arg9[%swap3A_448], %get3A_447 {strides = array<i32>} : memref<272xi32, #tpu.memory_space<vmem>>, vector<16xi32>,
        %get3A_450 = arith.constant 256 : index
        %get3A_451 = tpu.vector_load %arg10[%get3A_450] {strides = array<i32>} : memref<272xi32, #tpu.memory_space<vmem>>, vector<16xi32>,
        %swap3A_452 = arith.constant 128 : index
        %swap3A_453 = tpu.vector_load %arg10[%swap3A_452] {strides = array<i32>} : memref<272xi32, #tpu.memory_space<vmem>>, vector<16xi32>,
        tpu.vector_store %arg10[%swap3A_452], %get3A_451 {strides = array<i32>} : memref<272xi32, #tpu.memory_space<vmem>>, vector<16xi32>,
        %swap3A_454 = arith.constant 144 : index
        %swap3A_455 = tpu.vector_load %arg10[%swap3A_454] {strides = array<i32>} : memref<272xi32, #tpu.memory_space<vmem>>, vector<16xi32>,
        tpu.vector_store %arg10[%swap3A_454], %broadcast_in_dim3A_0 {strides = array<i32>} : memref<272xi32, #tpu.memory_space<vmem>>, vector<16xi32>,
        %swap3A_456 = arith.constant 160 : index
        %swap3A_457 = tpu.vector_load %arg10[%swap3A_456] {strides = array<i32>} : memref<272xi32, #tpu.memory_space<vmem>>, vector<16xi32>,
        tpu.vector_store %arg10[%swap3A_456], %broadcast_in_dim3A_0 {strides = array<i32>} : memref<272xi32, #tpu.memory_space<vmem>>, vector<16xi32>,
        %swap3A_458 = arith.constant 176 : index
        %swap3A_459 = tpu.vector_load %arg10[%swap3A_458] {strides = array<i32>} : memref<272xi32, #tpu.memory_space<vmem>>, vector<16xi32>,
        tpu.vector_store %arg10[%swap3A_458], %broadcast_in_dim3A_0 {strides = array<i32>} : memref<272xi32, #tpu.memory_space<vmem>>, vector<16xi32>,
        %swap3A_460 = arith.constant 192 : index
        %swap3A_461 = tpu.vector_load %arg10[%swap3A_460] {strides = array<i32>} : memref<272xi32, #tpu.memory_space<vmem>>, vector<16xi32>,
        tpu.vector_store %arg10[%swap3A_460], %broadcast_in_dim3A_0 {strides = array<i32>} : memref<272xi32, #tpu.memory_space<vmem>>, vector<16xi32>,
        %swap3A_462 = arith.constant 208 : index
        %swap3A_463 = tpu.vector_load %arg10[%swap3A_462] {strides = array<i32>} : memref<272xi32, #tpu.memory_space<vmem>>, vector<16xi32>,
        tpu.vector_store %arg10[%swap3A_462], %broadcast_in_dim3A_0 {strides = array<i32>} : memref<272xi32, #tpu.memory_space<vmem>>, vector<16xi32>,
        %swap3A_464 = arith.constant 224 : index
        %swap3A_465 = tpu.vector_load %arg10[%swap3A_464] {strides = array<i32>} : memref<272xi32, #tpu.memory_space<vmem>>, vector<16xi32>,
        tpu.vector_store %arg10[%swap3A_464], %broadcast_in_dim3A_0 {strides = array<i32>} : memref<272xi32, #tpu.memory_space<vmem>>, vector<16xi32>,
        %swap3A_466 = arith.constant 240 : index
        %swap3A_467 = tpu.vector_load %arg10[%swap3A_466] {strides = array<i32>} : memref<272xi32, #tpu.memory_space<vmem>>, vector<16xi32>,
        tpu.vector_store %arg10[%swap3A_466], %broadcast_in_dim3A_0 {strides = array<i32>} : memref<272xi32, #tpu.memory_space<vmem>>, vector<16xi32>,
        %swap3A_468 = arith.constant 256 : index
        %swap3A_469 = tpu.vector_load %arg10[%swap3A_468] {strides = array<i32>} : memref<272xi32, #tpu.memory_space<vmem>>, vector<16xi32>,
        tpu.vector_store %arg10[%swap3A_468], %broadcast_in_dim3A_0 {strides = array<i32>} : memref<272xi32, #tpu.memory_space<vmem>>, vector<16xi32>,
      } else {
      }
      %sub3A_296 = arith.constant 128 : i32
      %sub3A_297 = arith.subi %add3A_292, %sub3A_296 : i32
      %select_n3A_298 = arith.select %ge3A_293, %sub3A_297, %add3A_292 : i32
      %add3A_299 = arith.constant 1 : i32
      %add3A_300 = arith.addi %scan3A_212, %add3A_299 : i32
      %select_n3A_301 = arith.select %ge3A_293, %add3A_300, %scan3A_212 : i32
      scf.yield %select_n3A_298, %select_n3A_301 : i32, i32
    }
    %scan3A_16 = arith.constant 1256 : i32
    %get3A = arith.constant 0 : index
    %get3A_17 = tpu.vector_load %arg9[%get3A] {strides = array<i32>} : memref<272xi32, #tpu.memory_space<vmem>>, vector<16xi32>,
    %swap3A = arith.index_cast %scan3A_15#1 : i32 to index
    %swap3A_18 = arith.constant 0 : index
    %swap3A_19 = tpu.vector_load %arg11[%swap3A, %swap3A_18] {strides = array<i32>} : memref<160x128xi32, #tpu.memory_space<vmem>>, vector<16xi32>,
    tpu.vector_store %arg11[%swap3A, %swap3A_18], %get3A_17 {strides = array<i32>} : memref<160x128xi32, #tpu.memory_space<vmem>>, vector<16xi32>,
    %get3A_20 = arith.constant 0 : index
    %get3A_21 = tpu.vector_load %arg10[%get3A_20] {strides = array<i32>} : memref<272xi32, #tpu.memory_space<vmem>>, vector<16xi32>,
    %swap3A_22 = arith.index_cast %scan3A_15#1 : i32 to index
    %swap3A_23 = arith.constant 0 : index
    %swap3A_24 = tpu.vector_load %arg12[%swap3A_22, %swap3A_23] {strides = array<i32>} : memref<160x128xi32, #tpu.memory_space<vmem>>, vector<16xi32>,
    tpu.vector_store %arg12[%swap3A_22, %swap3A_23], %get3A_21 {strides = array<i32>} : memref<160x128xi32, #tpu.memory_space<vmem>>, vector<16xi32>,
    %get3A_25 = arith.constant 16 : index
    %get3A_26 = tpu.vector_load %arg9[%get3A_25] {strides = array<i32>} : memref<272xi32, #tpu.memory_space<vmem>>, vector<16xi32>,
    %swap3A_27 = arith.index_cast %scan3A_15#1 : i32 to index
    %swap3A_28 = arith.constant 16 : index
    %swap3A_29 = tpu.vector_load %arg11[%swap3A_27, %swap3A_28] {strides = array<i32>} : memref<160x128xi32, #tpu.memory_space<vmem>>, vector<16xi32>,
    tpu.vector_store %arg11[%swap3A_27, %swap3A_28], %get3A_26 {strides = array<i32>} : memref<160x128xi32, #tpu.memory_space<vmem>>, vector<16xi32>,
    %get3A_30 = arith.constant 16 : index
    %get3A_31 = tpu.vector_load %arg10[%get3A_30] {strides = array<i32>} : memref<272xi32, #tpu.memory_space<vmem>>, vector<16xi32>,
    %swap3A_32 = arith.index_cast %scan3A_15#1 : i32 to index
    %swap3A_33 = arith.constant 16 : index
    %swap3A_34 = tpu.vector_load %arg12[%swap3A_32, %swap3A_33] {strides = array<i32>} : memref<160x128xi32, #tpu.memory_space<vmem>>, vector<16xi32>,
    tpu.vector_store %arg12[%swap3A_32, %swap3A_33], %get3A_31 {strides = array<i32>} : memref<160x128xi32, #tpu.memory_space<vmem>>, vector<16xi32>,
    %get3A_35 = arith.constant 32 : index
    %get3A_36 = tpu.vector_load %arg9[%get3A_35] {strides = array<i32>} : memref<272xi32, #tpu.memory_space<vmem>>, vector<16xi32>,
    %swap3A_37 = arith.index_cast %scan3A_15#1 : i32 to index
    %swap3A_38 = arith.constant 32 : index
    %swap3A_39 = tpu.vector_load %arg11[%swap3A_37, %swap3A_38] {strides = array<i32>} : memref<160x128xi32, #tpu.memory_space<vmem>>, vector<16xi32>,
    tpu.vector_store %arg11[%swap3A_37, %swap3A_38], %get3A_36 {strides = array<i32>} : memref<160x128xi32, #tpu.memory_space<vmem>>, vector<16xi32>,
    %get3A_40 = arith.constant 32 : index
    %get3A_41 = tpu.vector_load %arg10[%get3A_40] {strides = array<i32>} : memref<272xi32, #tpu.memory_space<vmem>>, vector<16xi32>,
    %swap3A_42 = arith.index_cast %scan3A_15#1 : i32 to index
    %swap3A_43 = arith.constant 32 : index
    %swap3A_44 = tpu.vector_load %arg12[%swap3A_42, %swap3A_43] {strides = array<i32>} : memref<160x128xi32, #tpu.memory_space<vmem>>, vector<16xi32>,
    tpu.vector_store %arg12[%swap3A_42, %swap3A_43], %get3A_41 {strides = array<i32>} : memref<160x128xi32, #tpu.memory_space<vmem>>, vector<16xi32>,
    %get3A_45 = arith.constant 48 : index
    %get3A_46 = tpu.vector_load %arg9[%get3A_45] {strides = array<i32>} : memref<272xi32, #tpu.memory_space<vmem>>, vector<16xi32>,
    %swap3A_47 = arith.index_cast %scan3A_15#1 : i32 to index
    %swap3A_48 = arith.constant 48 : index
    %swap3A_49 = tpu.vector_load %arg11[%swap3A_47, %swap3A_48] {strides = array<i32>} : memref<160x128xi32, #tpu.memory_space<vmem>>, vector<16xi32>,
    tpu.vector_store %arg11[%swap3A_47, %swap3A_48], %get3A_46 {strides = array<i32>} : memref<160x128xi32, #tpu.memory_space<vmem>>, vector<16xi32>,
    %get3A_50 = arith.constant 48 : index
    %get3A_51 = tpu.vector_load %arg10[%get3A_50] {strides = array<i32>} : memref<272xi32, #tpu.memory_space<vmem>>, vector<16xi32>,
    %swap3A_52 = arith.index_cast %scan3A_15#1 : i32 to index
    %swap3A_53 = arith.constant 48 : index
    %swap3A_54 = tpu.vector_load %arg12[%swap3A_52, %swap3A_53] {strides = array<i32>} : memref<160x128xi32, #tpu.memory_space<vmem>>, vector<16xi32>,
    tpu.vector_store %arg12[%swap3A_52, %swap3A_53], %get3A_51 {strides = array<i32>} : memref<160x128xi32, #tpu.memory_space<vmem>>, vector<16xi32>,
    %get3A_55 = arith.constant 64 : index
    %get3A_56 = tpu.vector_load %arg9[%get3A_55] {strides = array<i32>} : memref<272xi32, #tpu.memory_space<vmem>>, vector<16xi32>,
    %swap3A_57 = arith.index_cast %scan3A_15#1 : i32 to index
    %swap3A_58 = arith.constant 64 : index
    %swap3A_59 = tpu.vector_load %arg11[%swap3A_57, %swap3A_58] {strides = array<i32>} : memref<160x128xi32, #tpu.memory_space<vmem>>, vector<16xi32>,
    tpu.vector_store %arg11[%swap3A_57, %swap3A_58], %get3A_56 {strides = array<i32>} : memref<160x128xi32, #tpu.memory_space<vmem>>, vector<16xi32>,
    %get3A_60 = arith.constant 64 : index
    %get3A_61 = tpu.vector_load %arg10[%get3A_60] {strides = array<i32>} : memref<272xi32, #tpu.memory_space<vmem>>, vector<16xi32>,
    %swap3A_62 = arith.index_cast %scan3A_15#1 : i32 to index
    %swap3A_63 = arith.constant 64 : index
    %swap3A_64 = tpu.vector_load %arg12[%swap3A_62, %swap3A_63] {strides = array<i32>} : memref<160x128xi32, #tpu.memory_space<vmem>>, vector<16xi32>,
    tpu.vector_store %arg12[%swap3A_62, %swap3A_63], %get3A_61 {strides = array<i32>} : memref<160x128xi32, #tpu.memory_space<vmem>>, vector<16xi32>,
    %get3A_65 = arith.constant 80 : index
    %get3A_66 = tpu.vector_load %arg9[%get3A_65] {strides = array<i32>} : memref<272xi32, #tpu.memory_space<vmem>>, vector<16xi32>,
    %swap3A_67 = arith.index_cast %scan3A_15#1 : i32 to index
    %swap3A_68 = arith.constant 80 : index
    %swap3A_69 = tpu.vector_load %arg11[%swap3A_67, %swap3A_68] {strides = array<i32>} : memref<160x128xi32, #tpu.memory_space<vmem>>, vector<16xi32>,
    tpu.vector_store %arg11[%swap3A_67, %swap3A_68], %get3A_66 {strides = array<i32>} : memref<160x128xi32, #tpu.memory_space<vmem>>, vector<16xi32>,
    %get3A_70 = arith.constant 80 : index
    %get3A_71 = tpu.vector_load %arg10[%get3A_70] {strides = array<i32>} : memref<272xi32, #tpu.memory_space<vmem>>, vector<16xi32>,
    %swap3A_72 = arith.index_cast %scan3A_15#1 : i32 to index
    %swap3A_73 = arith.constant 80 : index
    %swap3A_74 = tpu.vector_load %arg12[%swap3A_72, %swap3A_73] {strides = array<i32>} : memref<160x128xi32, #tpu.memory_space<vmem>>, vector<16xi32>,
    tpu.vector_store %arg12[%swap3A_72, %swap3A_73], %get3A_71 {strides = array<i32>} : memref<160x128xi32, #tpu.memory_space<vmem>>, vector<16xi32>,
    %get3A_75 = arith.constant 96 : index
    %get3A_76 = tpu.vector_load %arg9[%get3A_75] {strides = array<i32>} : memref<272xi32, #tpu.memory_space<vmem>>, vector<16xi32>,
    %swap3A_77 = arith.index_cast %scan3A_15#1 : i32 to index
    %swap3A_78 = arith.constant 96 : index
    %swap3A_79 = tpu.vector_load %arg11[%swap3A_77, %swap3A_78] {strides = array<i32>} : memref<160x128xi32, #tpu.memory_space<vmem>>, vector<16xi32>,
    tpu.vector_store %arg11[%swap3A_77, %swap3A_78], %get3A_76 {strides = array<i32>} : memref<160x128xi32, #tpu.memory_space<vmem>>, vector<16xi32>,
    %get3A_80 = arith.constant 96 : index
    %get3A_81 = tpu.vector_load %arg10[%get3A_80] {strides = array<i32>} : memref<272xi32, #tpu.memory_space<vmem>>, vector<16xi32>,
    %swap3A_82 = arith.index_cast %scan3A_15#1 : i32 to index
    %swap3A_83 = arith.constant 96 : index
    %swap3A_84 = tpu.vector_load %arg12[%swap3A_82, %swap3A_83] {strides = array<i32>} : memref<160x128xi32, #tpu.memory_space<vmem>>, vector<16xi32>,
    tpu.vector_store %arg12[%swap3A_82, %swap3A_83], %get3A_81 {strides = array<i32>} : memref<160x128xi32, #tpu.memory_space<vmem>>, vector<16xi32>,
    %get3A_85 = arith.constant 112 : index
    %get3A_86 = tpu.vector_load %arg9[%get3A_85] {strides = array<i32>} : memref<272xi32, #tpu.memory_space<vmem>>, vector<16xi32>,
    %swap3A_87 = arith.index_cast %scan3A_15#1 : i32 to index
    %swap3A_88 = arith.constant 112 : index
    %swap3A_89 = tpu.vector_load %arg11[%swap3A_87, %swap3A_88] {strides = array<i32>} : memref<160x128xi32, #tpu.memory_space<vmem>>, vector<16xi32>,
    tpu.vector_store %arg11[%swap3A_87, %swap3A_88], %get3A_86 {strides = array<i32>} : memref<160x128xi32, #tpu.memory_space<vmem>>, vector<16xi32>,
    %get3A_90 = arith.constant 112 : index
    %get3A_91 = tpu.vector_load %arg10[%get3A_90] {strides = array<i32>} : memref<272xi32, #tpu.memory_space<vmem>>, vector<16xi32>,
    %swap3A_92 = arith.index_cast %scan3A_15#1 : i32 to index
    %swap3A_93 = arith.constant 112 : index
    %swap3A_94 = tpu.vector_load %arg12[%swap3A_92, %swap3A_93] {strides = array<i32>} : memref<160x128xi32, #tpu.memory_space<vmem>>, vector<16xi32>,
    tpu.vector_store %arg12[%swap3A_92, %swap3A_93], %get3A_91 {strides = array<i32>} : memref<160x128xi32, #tpu.memory_space<vmem>>, vector<16xi32>,
    %scan3A_95 = arith.constant 0 : i32
    %scan3A_96 = arith.constant 0 : i32
    %scan3A_97 = arith.constant 8 : i32
    %scan3A_98 = arith.addi %scan3A_96, %scan3A_97 : i32
    %scan3A_99 = arith.constant 1 : i32
    %scan3A_100 = scf.for %scan3A_210 = %scan3A_96 to %scan3A_98 step %scan3A_99 iter_args(%scan3A_211 = %scan3A_95) -> (i32)  : i32 {
      %mul3A_212 = arith.constant 16 : i32
      %mul3A_213 = arith.muli %scan3A_210, %mul3A_212 : i32
      %swap3A_214 = arith.index_cast %mul3A_213 : i32 to index
      %swap3A_215 = tpu.vector_load %arg9[%swap3A_214] {strides = array<i32>} : memref<272xi32, #tpu.memory_space<vmem>>, vector<16xi32>,
      tpu.vector_store %arg9[%swap3A_214], %broadcast_in_dim3A_2 {strides = array<i32>} : memref<272xi32, #tpu.memory_space<vmem>>, vector<16xi32>,
      %mul3A_216 = arith.constant 16 : i32
      %mul3A_217 = arith.muli %scan3A_210, %mul3A_216 : i32
      %swap3A_218 = arith.index_cast %mul3A_217 : i32 to index
      %swap3A_219 = tpu.vector_load %arg10[%swap3A_218] {strides = array<i32>} : memref<272xi32, #tpu.memory_space<vmem>>, vector<16xi32>,
      tpu.vector_store %arg10[%swap3A_218], %broadcast_in_dim3A_0 {strides = array<i32>} : memref<272xi32, #tpu.memory_space<vmem>>, vector<16xi32>,
      %scan3A_220 = arith.constant 0 : i32
      scf.yield %scan3A_220 : i32
    }
    %scan3A_101 = arith.constant 8 : i32
    %add3A = arith.constant 1 : i32
    %add3A_102 = arith.addi %scan3A_15#1, %add3A : i32
    %get3A_103 = arith.constant 0 : index
    %get3A_104 = tpu.vector_load %arg9[%get3A_103] {strides = array<i32>} : memref<272xi32, #tpu.memory_space<vmem>>, vector<16xi32>,
    %swap3A_105 = arith.index_cast %add3A_102 : i32 to index
    %swap3A_106 = arith.constant 0 : index
    %swap3A_107 = tpu.vector_load %arg11[%swap3A_105, %swap3A_106] {strides = array<i32>} : memref<160x128xi32, #tpu.memory_space<vmem>>, vector<16xi32>,
    tpu.vector_store %arg11[%swap3A_105, %swap3A_106], %get3A_104 {strides = array<i32>} : memref<160x128xi32, #tpu.memory_space<vmem>>, vector<16xi32>,
    %get3A_108 = arith.constant 0 : index
    %get3A_109 = tpu.vector_load %arg10[%get3A_108] {strides = array<i32>} : memref<272xi32, #tpu.memory_space<vmem>>, vector<16xi32>,
    %swap3A_110 = arith.index_cast %add3A_102 : i32 to index
    %swap3A_111 = arith.constant 0 : index
    %swap3A_112 = tpu.vector_load %arg12[%swap3A_110, %swap3A_111] {strides = array<i32>} : memref<160x128xi32, #tpu.memory_space<vmem>>, vector<16xi32>,
    tpu.vector_store %arg12[%swap3A_110, %swap3A_111], %get3A_109 {strides = array<i32>} : memref<160x128xi32, #tpu.memory_space<vmem>>, vector<16xi32>,
    %get3A_113 = arith.constant 16 : index
    %get3A_114 = tpu.vector_load %arg9[%get3A_113] {strides = array<i32>} : memref<272xi32, #tpu.memory_space<vmem>>, vector<16xi32>,
    %swap3A_115 = arith.index_cast %add3A_102 : i32 to index
    %swap3A_116 = arith.constant 16 : index
    %swap3A_117 = tpu.vector_load %arg11[%swap3A_115, %swap3A_116] {strides = array<i32>} : memref<160x128xi32, #tpu.memory_space<vmem>>, vector<16xi32>,
    tpu.vector_store %arg11[%swap3A_115, %swap3A_116], %get3A_114 {strides = array<i32>} : memref<160x128xi32, #tpu.memory_space<vmem>>, vector<16xi32>,
    %get3A_118 = arith.constant 16 : index
    %get3A_119 = tpu.vector_load %arg10[%get3A_118] {strides = array<i32>} : memref<272xi32, #tpu.memory_space<vmem>>, vector<16xi32>,
    %swap3A_120 = arith.index_cast %add3A_102 : i32 to index
    %swap3A_121 = arith.constant 16 : index
    %swap3A_122 = tpu.vector_load %arg12[%swap3A_120, %swap3A_121] {strides = array<i32>} : memref<160x128xi32, #tpu.memory_space<vmem>>, vector<16xi32>,
    tpu.vector_store %arg12[%swap3A_120, %swap3A_121], %get3A_119 {strides = array<i32>} : memref<160x128xi32, #tpu.memory_space<vmem>>, vector<16xi32>,
    %get3A_123 = arith.constant 32 : index
    %get3A_124 = tpu.vector_load %arg9[%get3A_123] {strides = array<i32>} : memref<272xi32, #tpu.memory_space<vmem>>, vector<16xi32>,
    %swap3A_125 = arith.index_cast %add3A_102 : i32 to index
    %swap3A_126 = arith.constant 32 : index
    %swap3A_127 = tpu.vector_load %arg11[%swap3A_125, %swap3A_126] {strides = array<i32>} : memref<160x128xi32, #tpu.memory_space<vmem>>, vector<16xi32>,
    tpu.vector_store %arg11[%swap3A_125, %swap3A_126], %get3A_124 {strides = array<i32>} : memref<160x128xi32, #tpu.memory_space<vmem>>, vector<16xi32>,
    %get3A_128 = arith.constant 32 : index
    %get3A_129 = tpu.vector_load %arg10[%get3A_128] {strides = array<i32>} : memref<272xi32, #tpu.memory_space<vmem>>, vector<16xi32>,
    %swap3A_130 = arith.index_cast %add3A_102 : i32 to index
    %swap3A_131 = arith.constant 32 : index
    %swap3A_132 = tpu.vector_load %arg12[%swap3A_130, %swap3A_131] {strides = array<i32>} : memref<160x128xi32, #tpu.memory_space<vmem>>, vector<16xi32>,
    tpu.vector_store %arg12[%swap3A_130, %swap3A_131], %get3A_129 {strides = array<i32>} : memref<160x128xi32, #tpu.memory_space<vmem>>, vector<16xi32>,
    %get3A_133 = arith.constant 48 : index
    %get3A_134 = tpu.vector_load %arg9[%get3A_133] {strides = array<i32>} : memref<272xi32, #tpu.memory_space<vmem>>, vector<16xi32>,
    %swap3A_135 = arith.index_cast %add3A_102 : i32 to index
    %swap3A_136 = arith.constant 48 : index
    %swap3A_137 = tpu.vector_load %arg11[%swap3A_135, %swap3A_136] {strides = array<i32>} : memref<160x128xi32, #tpu.memory_space<vmem>>, vector<16xi32>,
    tpu.vector_store %arg11[%swap3A_135, %swap3A_136], %get3A_134 {strides = array<i32>} : memref<160x128xi32, #tpu.memory_space<vmem>>, vector<16xi32>,
    %get3A_138 = arith.constant 48 : index
    %get3A_139 = tpu.vector_load %arg10[%get3A_138] {strides = array<i32>} : memref<272xi32, #tpu.memory_space<vmem>>, vector<16xi32>,
    %swap3A_140 = arith.index_cast %add3A_102 : i32 to index
    %swap3A_141 = arith.constant 48 : index
    %swap3A_142 = tpu.vector_load %arg12[%swap3A_140, %swap3A_141] {strides = array<i32>} : memref<160x128xi32, #tpu.memory_space<vmem>>, vector<16xi32>,
    tpu.vector_store %arg12[%swap3A_140, %swap3A_141], %get3A_139 {strides = array<i32>} : memref<160x128xi32, #tpu.memory_space<vmem>>, vector<16xi32>,
    %get3A_143 = arith.constant 64 : index
    %get3A_144 = tpu.vector_load %arg9[%get3A_143] {strides = array<i32>} : memref<272xi32, #tpu.memory_space<vmem>>, vector<16xi32>,
    %swap3A_145 = arith.index_cast %add3A_102 : i32 to index
    %swap3A_146 = arith.constant 64 : index
    %swap3A_147 = tpu.vector_load %arg11[%swap3A_145, %swap3A_146] {strides = array<i32>} : memref<160x128xi32, #tpu.memory_space<vmem>>, vector<16xi32>,
    tpu.vector_store %arg11[%swap3A_145, %swap3A_146], %get3A_144 {strides = array<i32>} : memref<160x128xi32, #tpu.memory_space<vmem>>, vector<16xi32>,
    %get3A_148 = arith.constant 64 : index
    %get3A_149 = tpu.vector_load %arg10[%get3A_148] {strides = array<i32>} : memref<272xi32, #tpu.memory_space<vmem>>, vector<16xi32>,
    %swap3A_150 = arith.index_cast %add3A_102 : i32 to index
    %swap3A_151 = arith.constant 64 : index
    %swap3A_152 = tpu.vector_load %arg12[%swap3A_150, %swap3A_151] {strides = array<i32>} : memref<160x128xi32, #tpu.memory_space<vmem>>, vector<16xi32>,
    tpu.vector_store %arg12[%swap3A_150, %swap3A_151], %get3A_149 {strides = array<i32>} : memref<160x128xi32, #tpu.memory_space<vmem>>, vector<16xi32>,
    %get3A_153 = arith.constant 80 : index
    %get3A_154 = tpu.vector_load %arg9[%get3A_153] {strides = array<i32>} : memref<272xi32, #tpu.memory_space<vmem>>, vector<16xi32>,
    %swap3A_155 = arith.index_cast %add3A_102 : i32 to index
    %swap3A_156 = arith.constant 80 : index
    %swap3A_157 = tpu.vector_load %arg11[%swap3A_155, %swap3A_156] {strides = array<i32>} : memref<160x128xi32, #tpu.memory_space<vmem>>, vector<16xi32>,
    tpu.vector_store %arg11[%swap3A_155, %swap3A_156], %get3A_154 {strides = array<i32>} : memref<160x128xi32, #tpu.memory_space<vmem>>, vector<16xi32>,
    %get3A_158 = arith.constant 80 : index
    %get3A_159 = tpu.vector_load %arg10[%get3A_158] {strides = array<i32>} : memref<272xi32, #tpu.memory_space<vmem>>, vector<16xi32>,
    %swap3A_160 = arith.index_cast %add3A_102 : i32 to index
    %swap3A_161 = arith.constant 80 : index
    %swap3A_162 = tpu.vector_load %arg12[%swap3A_160, %swap3A_161] {strides = array<i32>} : memref<160x128xi32, #tpu.memory_space<vmem>>, vector<16xi32>,
    tpu.vector_store %arg12[%swap3A_160, %swap3A_161], %get3A_159 {strides = array<i32>} : memref<160x128xi32, #tpu.memory_space<vmem>>, vector<16xi32>,
    %get3A_163 = arith.constant 96 : index
    %get3A_164 = tpu.vector_load %arg9[%get3A_163] {strides = array<i32>} : memref<272xi32, #tpu.memory_space<vmem>>, vector<16xi32>,
    %swap3A_165 = arith.index_cast %add3A_102 : i32 to index
    %swap3A_166 = arith.constant 96 : index
    %swap3A_167 = tpu.vector_load %arg11[%swap3A_165, %swap3A_166] {strides = array<i32>} : memref<160x128xi32, #tpu.memory_space<vmem>>, vector<16xi32>,
    tpu.vector_store %arg11[%swap3A_165, %swap3A_166], %get3A_164 {strides = array<i32>} : memref<160x128xi32, #tpu.memory_space<vmem>>, vector<16xi32>,
    %get3A_168 = arith.constant 96 : index
    %get3A_169 = tpu.vector_load %arg10[%get3A_168] {strides = array<i32>} : memref<272xi32, #tpu.memory_space<vmem>>, vector<16xi32>,
    %swap3A_170 = arith.index_cast %add3A_102 : i32 to index
    %swap3A_171 = arith.constant 96 : index
    %swap3A_172 = tpu.vector_load %arg12[%swap3A_170, %swap3A_171] {strides = array<i32>} : memref<160x128xi32, #tpu.memory_space<vmem>>, vector<16xi32>,
    tpu.vector_store %arg12[%swap3A_170, %swap3A_171], %get3A_169 {strides = array<i32>} : memref<160x128xi32, #tpu.memory_space<vmem>>, vector<16xi32>,
    %get3A_173 = arith.constant 112 : index
    %get3A_174 = tpu.vector_load %arg9[%get3A_173] {strides = array<i32>} : memref<272xi32, #tpu.memory_space<vmem>>, vector<16xi32>,
    %swap3A_175 = arith.index_cast %add3A_102 : i32 to index
    %swap3A_176 = arith.constant 112 : index
    %swap3A_177 = tpu.vector_load %arg11[%swap3A_175, %swap3A_176] {strides = array<i32>} : memref<160x128xi32, #tpu.memory_space<vmem>>, vector<16xi32>,
    tpu.vector_store %arg11[%swap3A_175, %swap3A_176], %get3A_174 {strides = array<i32>} : memref<160x128xi32, #tpu.memory_space<vmem>>, vector<16xi32>,
    %get3A_178 = arith.constant 112 : index
    %get3A_179 = tpu.vector_load %arg10[%get3A_178] {strides = array<i32>} : memref<272xi32, #tpu.memory_space<vmem>>, vector<16xi32>,
    %swap3A_180 = arith.index_cast %add3A_102 : i32 to index
    %swap3A_181 = arith.constant 112 : index
    %swap3A_182 = tpu.vector_load %arg12[%swap3A_180, %swap3A_181] {strides = array<i32>} : memref<160x128xi32, #tpu.memory_space<vmem>>, vector<16xi32>,
    tpu.vector_store %arg12[%swap3A_180, %swap3A_181], %get3A_179 {strides = array<i32>} : memref<160x128xi32, #tpu.memory_space<vmem>>, vector<16xi32>,
    %add3A_183 = arith.constant 2 : i32
    %add3A_184 = arith.addi %scan3A_15#1, %add3A_183 : i32
    %jit3A = arith.constant 2 : i32
    %div3A = arith.divsi %add3A_184, %jit3A : i32
    %sign3A = arith.constant 0 : i32
    %sign3A_185 = arith.cmpi sgt, %add3A_184, %sign3A : i32
    %sign3A_186 = arith.extui %sign3A_185 : i1 to i32
    %sign3A_187 = arith.constant 0 : i32
    %sign3A_188 = arith.cmpi slt, %add3A_184, %sign3A_187 : i32
    %sign3A_189 = arith.extui %sign3A_188 : i1 to i32
    %sign3A_190 = arith.subi %sign3A_186, %sign3A_189 : i32
    %sign3A_191 = arith.constant 0 : i32
    %sign3A_192 = arith.cmpi sgt, %jit3A, %sign3A_191 : i32
    %sign3A_193 = arith.extui %sign3A_192 : i1 to i32
    %sign3A_194 = arith.constant 0 : i32
    %sign3A_195 = arith.cmpi slt, %jit3A, %sign3A_194 : i32
    %sign3A_196 = arith.extui %sign3A_195 : i1 to i32
    %sign3A_197 = arith.subi %sign3A_193, %sign3A_196 : i32
    %ne3A = arith.cmpi ne, %sign3A_190, %sign3A_197 : i32
    %rem3A = arith.remsi %add3A_184, %jit3A : i32
    %ne3A_198 = arith.constant 0 : i32
    %ne3A_199 = arith.cmpi ne, %rem3A, %ne3A_198 : i32
    %and3A = arith.andi %ne3A, %ne3A_199 : i1
    %sub3A = arith.constant 1 : i32
    %sub3A_200 = arith.subi %div3A, %sub3A : i32
    %select_n3A = arith.select %and3A, %sub3A_200, %div3A : i32
    %mul3A = arith.constant 2 : i32
    %mul3A_201 = arith.muli %select_n3A, %mul3A : i32
    %broadcast_in_dim3A_202 = vector.broadcast %mul3A_201 : i32 to vector<16xi32>
    %scan3A_203 = arith.constant 0 : i32
    %scan3A_204 = arith.constant 0 : i32
    %scan3A_205 = arith.constant 8 : i32
    %scan3A_206 = arith.addi %scan3A_204, %scan3A_205 : i32
    %scan3A_207 = arith.constant 1 : i32
    %scan3A_208 = scf.for %scan3A_210 = %scan3A_204 to %scan3A_206 step %scan3A_207 iter_args(%scan3A_211 = %scan3A_203) -> (i32)  : i32 {
      %mul3A_212 = arith.constant 16 : i32
      %mul3A_213 = arith.muli %scan3A_210, %mul3A_212 : i32
      %swap3A_214 = arith.constant 0 : i32
      %swap3A_215 = arith.index_cast %swap3A_214 : i32 to index
      %swap3A_216 = arith.index_cast %mul3A_213 : i32 to index
      %swap3A_217 = tpu.vector_load %arg13[%swap3A_215, %swap3A_216] {strides = array<i32>} : memref<1x128xi32, #tpu.memory_space<vmem>>, vector<16xi32>,
      tpu.vector_store %arg13[%swap3A_215, %swap3A_216], %broadcast_in_dim3A_202 {strides = array<i32>} : memref<1x128xi32, #tpu.memory_space<vmem>>, vector<16xi32>,
      %scan3A_218 = arith.constant 0 : i32
      scf.yield %scan3A_218 : i32
    }
    %scan3A_209 = arith.constant 8 : i32
    "tpu.region"() ({
      %run_scoped3A = tpu.sem_alloc : memref<!tpu.dma_semaphore, #tpu.memory_space<semaphore_mem>>
      %dma_start3A = arith.constant 0 : i32
      %dma_start3A_210 = arith.constant 0 : i32
      %dma_start3A_211 = tpu.memref_slice %arg4[%arg0, %arg1, %dma_start3A, %dma_start3A_210] : memref<2x16x160x128xi32, #tpu.memory_space<hbm>> -> memref<1x1x160x128xi32, #tpu.memory_space<hbm>>
      %dma_start3A_212 = tpu.memref_squeeze %dma_start3A_211 : memref<1x1x160x128xi32, #tpu.memory_space<hbm>> -> memref<160x128xi32, #tpu.memory_space<hbm>>
      %dma_start3A_213 = arith.constant 0 : i32
      %dma_start3A_214 = arith.constant 0 : i32
      %dma_start3A_215 = tpu.memref_slice %arg4[%arg0, %arg1, %dma_start3A_213, %dma_start3A_214] : memref<2x16x160x128xi32, #tpu.memory_space<hbm>> -> memref<1x1x160x128xi32, #tpu.memory_space<hbm>>
      %dma_start3A_216 = tpu.memref_squeeze %dma_start3A_215 : memref<1x1x160x128xi32, #tpu.memory_space<hbm>> -> memref<160x128xi32, #tpu.memory_space<hbm>>
      tpu.enqueue_dma source(%arg11 : memref<160x128xi32, #tpu.memory_space<vmem>>) target(%dma_start3A_216 : memref<160x128xi32, #tpu.memory_space<hbm>>) target_semaphore(%run_scoped3A : memref<!tpu.dma_semaphore, #tpu.memory_space<semaphore_mem>>)
      %dma_wait3A = arith.constant 0 : i32
      %dma_wait3A_217 = arith.constant 0 : i32
      %dma_wait3A_218 = tpu.memref_slice %arg4[%arg0, %arg1, %dma_wait3A, %dma_wait3A_217] : memref<2x16x160x128xi32, #tpu.memory_space<hbm>> -> memref<1x1x160x128xi32, #tpu.memory_space<hbm>>
      %dma_wait3A_219 = tpu.memref_squeeze %dma_wait3A_218 : memref<1x1x160x128xi32, #tpu.memory_space<hbm>> -> memref<160x128xi32, #tpu.memory_space<hbm>>
      %dma_wait3A_220 = arith.constant 0 : i32
      %dma_wait3A_221 = arith.constant 0 : i32
      %dma_wait3A_222 = tpu.memref_slice %arg4[%arg0, %arg1, %dma_wait3A_220, %dma_wait3A_221] : memref<2x16x160x128xi32, #tpu.memory_space<hbm>> -> memref<1x1x160x128xi32, #tpu.memory_space<hbm>>
      %dma_wait3A_223 = tpu.memref_squeeze %dma_wait3A_222 : memref<1x1x160x128xi32, #tpu.memory_space<hbm>> -> memref<160x128xi32, #tpu.memory_space<hbm>>
      tpu.wait_dma2 semaphore(%run_scoped3A : memref<!tpu.dma_semaphore, #tpu.memory_space<semaphore_mem>>) src(%arg11 : memref<160x128xi32, #tpu.memory_space<vmem>>) dst(%dma_wait3A_223 : memref<160x128xi32, #tpu.memory_space<hbm>>)
      tpu.yield
    }) : () -> ()
    "tpu.region"() ({
      %run_scoped3A = tpu.sem_alloc : memref<!tpu.dma_semaphore, #tpu.memory_space<semaphore_mem>>
      %dma_start3A = arith.constant 0 : i32
      %dma_start3A_210 = arith.constant 0 : i32
      %dma_start3A_211 = tpu.memref_slice %arg5[%arg0, %arg1, %dma_start3A, %dma_start3A_210] : memref<2x16x160x128xi32, #tpu.memory_space<hbm>> -> memref<1x1x160x128xi32, #tpu.memory_space<hbm>>
      %dma_start3A_212 = tpu.memref_squeeze %dma_start3A_211 : memref<1x1x160x128xi32, #tpu.memory_space<hbm>> -> memref<160x128xi32, #tpu.memory_space<hbm>>
      %dma_start3A_213 = arith.constant 0 : i32
      %dma_start3A_214 = arith.constant 0 : i32
      %dma_start3A_215 = tpu.memref_slice %arg5[%arg0, %arg1, %dma_start3A_213, %dma_start3A_214] : memref<2x16x160x128xi32, #tpu.memory_space<hbm>> -> memref<1x1x160x128xi32, #tpu.memory_space<hbm>>
      %dma_start3A_216 = tpu.memref_squeeze %dma_start3A_215 : memref<1x1x160x128xi32, #tpu.memory_space<hbm>> -> memref<160x128xi32, #tpu.memory_space<hbm>>
      tpu.enqueue_dma source(%arg12 : memref<160x128xi32, #tpu.memory_space<vmem>>) target(%dma_start3A_216 : memref<160x128xi32, #tpu.memory_space<hbm>>) target_semaphore(%run_scoped3A : memref<!tpu.dma_semaphore, #tpu.memory_space<semaphore_mem>>)
      %dma_wait3A = arith.constant 0 : i32
      %dma_wait3A_217 = arith.constant 0 : i32
      %dma_wait3A_218 = tpu.memref_slice %arg5[%arg0, %arg1, %dma_wait3A, %dma_wait3A_217] : memref<2x16x160x128xi32, #tpu.memory_space<hbm>> -> memref<1x1x160x128xi32, #tpu.memory_space<hbm>>
      %dma_wait3A_219 = tpu.memref_squeeze %dma_wait3A_218 : memref<1x1x160x128xi32, #tpu.memory_space<hbm>> -> memref<160x128xi32, #tpu.memory_space<hbm>>
      %dma_wait3A_220 = arith.constant 0 : i32
      %dma_wait3A_221 = arith.constant 0 : i32
      %dma_wait3A_222 = tpu.memref_slice %arg5[%arg0, %arg1, %dma_wait3A_220, %dma_wait3A_221] : memref<2x16x160x128xi32, #tpu.memory_space<hbm>> -> memref<1x1x160x128xi32, #tpu.memory_space<hbm>>
      %dma_wait3A_223 = tpu.memref_squeeze %dma_wait3A_222 : memref<1x1x160x128xi32, #tpu.memory_space<hbm>> -> memref<160x128xi32, #tpu.memory_space<hbm>>
      tpu.wait_dma2 semaphore(%run_scoped3A : memref<!tpu.dma_semaphore, #tpu.memory_space<semaphore_mem>>) src(%arg12 : memref<160x128xi32, #tpu.memory_space<vmem>>) dst(%dma_wait3A_223 : memref<160x128xi32, #tpu.memory_space<hbm>>)
      tpu.yield
    }) : () -> ()
    "tpu.region"() ({
      %run_scoped3A = tpu.sem_alloc : memref<!tpu.dma_semaphore, #tpu.memory_space<semaphore_mem>>
      %dma_start3A = arith.constant 0 : i32
      %dma_start3A_210 = arith.constant 0 : i32
      %dma_start3A_211 = tpu.memref_slice %arg6[%arg0, %arg1, %dma_start3A, %dma_start3A_210] : memref<2x16x1x128xi32, #tpu.memory_space<hbm>> -> memref<1x1x1x128xi32, #tpu.memory_space<hbm>>
      %dma_start3A_212 = tpu.memref_squeeze %dma_start3A_211 : memref<1x1x1x128xi32, #tpu.memory_space<hbm>> -> memref<1x128xi32, #tpu.memory_space<hbm>>
      %dma_start3A_213 = arith.constant 0 : i32
      %dma_start3A_214 = arith.constant 0 : i32
      %dma_start3A_215 = tpu.memref_slice %arg6[%arg0, %arg1, %dma_start3A_213, %dma_start3A_214] : memref<2x16x1x128xi32, #tpu.memory_space<hbm>> -> memref<1x1x1x128xi32, #tpu.memory_space<hbm>>
      %dma_start3A_216 = tpu.memref_squeeze %dma_start3A_215 : memref<1x1x1x128xi32, #tpu.memory_space<hbm>> -> memref<1x128xi32, #tpu.memory_space<hbm>>
      tpu.enqueue_dma source(%arg13 : memref<1x128xi32, #tpu.memory_space<vmem>>) target(%dma_start3A_216 : memref<1x128xi32, #tpu.memory_space<hbm>>) target_semaphore(%run_scoped3A : memref<!tpu.dma_semaphore, #tpu.memory_space<semaphore_mem>>)
      %dma_wait3A = arith.constant 0 : i32
      %dma_wait3A_217 = arith.constant 0 : i32
      %dma_wait3A_218 = tpu.memref_slice %arg6[%arg0, %arg1, %dma_wait3A, %dma_wait3A_217] : memref<2x16x1x128xi32, #tpu.memory_space<hbm>> -> memref<1x1x1x128xi32, #tpu.memory_space<hbm>>
      %dma_wait3A_219 = tpu.memref_squeeze %dma_wait3A_218 : memref<1x1x1x128xi32, #tpu.memory_space<hbm>> -> memref<1x128xi32, #tpu.memory_space<hbm>>
      %dma_wait3A_220 = arith.constant 0 : i32
      %dma_wait3A_221 = arith.constant 0 : i32
      %dma_wait3A_222 = tpu.memref_slice %arg6[%arg0, %arg1, %dma_wait3A_220, %dma_wait3A_221] : memref<2x16x1x128xi32, #tpu.memory_space<hbm>> -> memref<1x1x1x128xi32, #tpu.memory_space<hbm>>
      %dma_wait3A_223 = tpu.memref_squeeze %dma_wait3A_222 : memref<1x1x1x128xi32, #tpu.memory_space<hbm>> -> memref<1x128xi32, #tpu.memory_space<hbm>>
      tpu.wait_dma2 semaphore(%run_scoped3A : memref<!tpu.dma_semaphore, #tpu.memory_space<semaphore_mem>>) src(%arg13 : memref<1x128xi32, #tpu.memory_space<vmem>>) dst(%dma_wait3A_223 : memref<1x128xi32, #tpu.memory_space<hbm>>)
      tpu.yield
    }) : () -> ()
    return
  }
}

#map = affine_map<(d0, d1) -> (0, 0, 0)>
#map1 = affine_map<(d0, d1) -> (0, 0, 0, 0)>
module attributes {stable_mosaic.version = 14 : i64} {
  func.func @_deg_body(%arg0: i32, %arg1: i32, %arg2: memref<2x128x128xf32, #tpu.memory_space<hbm>>, %arg3: memref<2x16x160x128xi32, #tpu.memory_space<hbm>>, %arg4: memref<2x16x1x128xi32, #tpu.memory_space<hbm>>, %arg5: memref<2x5120x128xf32, #tpu.memory_space<hbm>>, %arg6: memref<160x128xi32, #tpu.memory_space<vmem>>, %arg7: memref<1x128xi32, #tpu.memory_space<vmem>>, %arg8: memref<128x128xf32, #tpu.memory_space<vmem>>, %arg9: memref<128x128xf32, #tpu.memory_space<vmem>>, %arg10: memref<5120x128xf32, #tpu.memory_space<vmem_shared>>, %arg11: memref<!tpu.dma_semaphore, #tpu.memory_space<semaphore_mem>>) attributes {dimension_semantics = [#tpu.dimension_semantics<core_parallel>, #tpu.dimension_semantics<subcore_parallel>], iteration_bounds = array<i64: 2, 16>, scalar_prefetch = 0 : i64, scratch_operands = 6 : i64, tpu.core_type = #tpu.core_type<sc_vector_subcore>, window_params = [{transform_indices = #map}, {transform_indices = #map1}, {transform_indices = #map1}, {transform_indices = #map}]} {
    %run_scoped3A = arith.constant 0 : i32
    "tpu.region"() ({
      %run_scoped3A_53 = tpu.sem_alloc : memref<!tpu.dma_semaphore, #tpu.memory_space<semaphore_mem>>
      %dma_start3A = arith.constant 0 : i32
      %dma_start3A_54 = arith.constant 0 : i32
      %dma_start3A_55 = tpu.memref_slice %arg2[%run_scoped3A, %dma_start3A, %dma_start3A_54] : memref<2x128x128xf32, #tpu.memory_space<hbm>> -> memref<1x128x128xf32, #tpu.memory_space<hbm>>
      %dma_start3A_56 = tpu.memref_squeeze %dma_start3A_55 : memref<1x128x128xf32, #tpu.memory_space<hbm>> -> memref<128x128xf32, #tpu.memory_space<hbm>>
      %dma_start3A_57 = arith.constant 0 : i32
      %dma_start3A_58 = arith.constant 0 : i32
      %dma_start3A_59 = tpu.memref_slice %arg2[%run_scoped3A, %dma_start3A_57, %dma_start3A_58] : memref<2x128x128xf32, #tpu.memory_space<hbm>> -> memref<1x128x128xf32, #tpu.memory_space<hbm>>
      %dma_start3A_60 = tpu.memref_squeeze %dma_start3A_59 : memref<1x128x128xf32, #tpu.memory_space<hbm>> -> memref<128x128xf32, #tpu.memory_space<hbm>>
      tpu.enqueue_dma source(%dma_start3A_60 : memref<128x128xf32, #tpu.memory_space<hbm>>) target(%arg9 : memref<128x128xf32, #tpu.memory_space<vmem>>) target_semaphore(%run_scoped3A_53 : memref<!tpu.dma_semaphore, #tpu.memory_space<semaphore_mem>>)
      %dma_wait3A = arith.constant 0 : i32
      %dma_wait3A_61 = arith.constant 0 : i32
      %dma_wait3A_62 = tpu.memref_slice %arg2[%run_scoped3A, %dma_wait3A, %dma_wait3A_61] : memref<2x128x128xf32, #tpu.memory_space<hbm>> -> memref<1x128x128xf32, #tpu.memory_space<hbm>>
      %dma_wait3A_63 = tpu.memref_squeeze %dma_wait3A_62 : memref<1x128x128xf32, #tpu.memory_space<hbm>> -> memref<128x128xf32, #tpu.memory_space<hbm>>
      %dma_wait3A_64 = arith.constant 0 : i32
      %dma_wait3A_65 = arith.constant 0 : i32
      %dma_wait3A_66 = tpu.memref_slice %arg2[%run_scoped3A, %dma_wait3A_64, %dma_wait3A_65] : memref<2x128x128xf32, #tpu.memory_space<hbm>> -> memref<1x128x128xf32, #tpu.memory_space<hbm>>
      %dma_wait3A_67 = tpu.memref_squeeze %dma_wait3A_66 : memref<1x128x128xf32, #tpu.memory_space<hbm>> -> memref<128x128xf32, #tpu.memory_space<hbm>>
      tpu.wait_dma2 semaphore(%run_scoped3A_53 : memref<!tpu.dma_semaphore, #tpu.memory_space<semaphore_mem>>) src(%dma_wait3A_67 : memref<128x128xf32, #tpu.memory_space<hbm>>) dst(%arg9 : memref<128x128xf32, #tpu.memory_space<vmem>>)
      tpu.yield
    }) : () -> ()
    %run_scoped3A_0 = arith.constant 1 : i32
    "tpu.region"() ({
      %run_scoped3A_53 = tpu.sem_alloc : memref<!tpu.dma_semaphore, #tpu.memory_space<semaphore_mem>>
      %dma_start3A = arith.constant 0 : i32
      %dma_start3A_54 = arith.constant 0 : i32
      %dma_start3A_55 = tpu.memref_slice %arg2[%run_scoped3A_0, %dma_start3A, %dma_start3A_54] : memref<2x128x128xf32, #tpu.memory_space<hbm>> -> memref<1x128x128xf32, #tpu.memory_space<hbm>>
      %dma_start3A_56 = tpu.memref_squeeze %dma_start3A_55 : memref<1x128x128xf32, #tpu.memory_space<hbm>> -> memref<128x128xf32, #tpu.memory_space<hbm>>
      %dma_start3A_57 = arith.constant 0 : i32
      %dma_start3A_58 = arith.constant 0 : i32
      %dma_start3A_59 = tpu.memref_slice %arg2[%run_scoped3A_0, %dma_start3A_57, %dma_start3A_58] : memref<2x128x128xf32, #tpu.memory_space<hbm>> -> memref<1x128x128xf32, #tpu.memory_space<hbm>>
      %dma_start3A_60 = tpu.memref_squeeze %dma_start3A_59 : memref<1x128x128xf32, #tpu.memory_space<hbm>> -> memref<128x128xf32, #tpu.memory_space<hbm>>
      tpu.enqueue_dma source(%dma_start3A_60 : memref<128x128xf32, #tpu.memory_space<hbm>>) target(%arg8 : memref<128x128xf32, #tpu.memory_space<vmem>>) target_semaphore(%run_scoped3A_53 : memref<!tpu.dma_semaphore, #tpu.memory_space<semaphore_mem>>)
      %dma_wait3A = arith.constant 0 : i32
      %dma_wait3A_61 = arith.constant 0 : i32
      %dma_wait3A_62 = tpu.memref_slice %arg2[%run_scoped3A_0, %dma_wait3A, %dma_wait3A_61] : memref<2x128x128xf32, #tpu.memory_space<hbm>> -> memref<1x128x128xf32, #tpu.memory_space<hbm>>
      %dma_wait3A_63 = tpu.memref_squeeze %dma_wait3A_62 : memref<1x128x128xf32, #tpu.memory_space<hbm>> -> memref<128x128xf32, #tpu.memory_space<hbm>>
      %dma_wait3A_64 = arith.constant 0 : i32
      %dma_wait3A_65 = arith.constant 0 : i32
      %dma_wait3A_66 = tpu.memref_slice %arg2[%run_scoped3A_0, %dma_wait3A_64, %dma_wait3A_65] : memref<2x128x128xf32, #tpu.memory_space<hbm>> -> memref<1x128x128xf32, #tpu.memory_space<hbm>>
      %dma_wait3A_67 = tpu.memref_squeeze %dma_wait3A_66 : memref<1x128x128xf32, #tpu.memory_space<hbm>> -> memref<128x128xf32, #tpu.memory_space<hbm>>
      tpu.wait_dma2 semaphore(%run_scoped3A_53 : memref<!tpu.dma_semaphore, #tpu.memory_space<semaphore_mem>>) src(%dma_wait3A_67 : memref<128x128xf32, #tpu.memory_space<hbm>>) dst(%arg8 : memref<128x128xf32, #tpu.memory_space<vmem>>)
      tpu.yield
    }) : () -> ()
    %mul3A = arith.constant 320 : i32
    %mul3A_1 = arith.muli %arg1, %mul3A : i32
    %add3A = arith.constant 0 : i32
    %add3A_2 = arith.addi %mul3A_1, %add3A : i32
    "tpu.region"() ({
      %run_scoped3A_53 = tpu.sem_alloc : memref<!tpu.dma_semaphore, #tpu.memory_space<semaphore_mem>>
      %dma_start3A = arith.constant 0 : i32
      %dma_start3A_54 = tpu.memref_slice %arg10[%add3A_2, %dma_start3A] : memref<5120x128xf32, #tpu.memory_space<vmem_shared>> -> memref<128x128xf32, #tpu.memory_space<vmem_shared>>
      %dma_start3A_55 = arith.constant 0 : i32
      %dma_start3A_56 = tpu.memref_slice %arg10[%add3A_2, %dma_start3A_55] : memref<5120x128xf32, #tpu.memory_space<vmem_shared>> -> memref<128x128xf32, #tpu.memory_space<vmem_shared>>
      tpu.enqueue_dma source(%arg9 : memref<128x128xf32, #tpu.memory_space<vmem>>) target(%dma_start3A_56 : memref<128x128xf32, #tpu.memory_space<vmem_shared>>) target_semaphore(%run_scoped3A_53 : memref<!tpu.dma_semaphore, #tpu.memory_space<semaphore_mem>>)
      %dma_wait3A = arith.constant 0 : i32
      %dma_wait3A_57 = tpu.memref_slice %arg10[%add3A_2, %dma_wait3A] : memref<5120x128xf32, #tpu.memory_space<vmem_shared>> -> memref<128x128xf32, #tpu.memory_space<vmem_shared>>
      %dma_wait3A_58 = arith.constant 0 : i32
      %dma_wait3A_59 = tpu.memref_slice %arg10[%add3A_2, %dma_wait3A_58] : memref<5120x128xf32, #tpu.memory_space<vmem_shared>> -> memref<128x128xf32, #tpu.memory_space<vmem_shared>>
      tpu.wait_dma2 semaphore(%run_scoped3A_53 : memref<!tpu.dma_semaphore, #tpu.memory_space<semaphore_mem>>) src(%arg9 : memref<128x128xf32, #tpu.memory_space<vmem>>) dst(%dma_wait3A_59 : memref<128x128xf32, #tpu.memory_space<vmem_shared>>)
      tpu.yield
    }) : () -> ()
    %mul3A_3 = arith.constant 320 : i32
    %mul3A_4 = arith.muli %arg1, %mul3A_3 : i32
    %add3A_5 = arith.constant 128 : i32
    %add3A_6 = arith.addi %mul3A_4, %add3A_5 : i32
    "tpu.region"() ({
      %run_scoped3A_53 = tpu.sem_alloc : memref<!tpu.dma_semaphore, #tpu.memory_space<semaphore_mem>>
      %dma_start3A = arith.constant 0 : i32
      %dma_start3A_54 = tpu.memref_slice %arg10[%add3A_6, %dma_start3A] : memref<5120x128xf32, #tpu.memory_space<vmem_shared>> -> memref<128x128xf32, #tpu.memory_space<vmem_shared>>
      %dma_start3A_55 = arith.constant 0 : i32
      %dma_start3A_56 = tpu.memref_slice %arg10[%add3A_6, %dma_start3A_55] : memref<5120x128xf32, #tpu.memory_space<vmem_shared>> -> memref<128x128xf32, #tpu.memory_space<vmem_shared>>
      tpu.enqueue_dma source(%arg9 : memref<128x128xf32, #tpu.memory_space<vmem>>) target(%dma_start3A_56 : memref<128x128xf32, #tpu.memory_space<vmem_shared>>) target_semaphore(%run_scoped3A_53 : memref<!tpu.dma_semaphore, #tpu.memory_space<semaphore_mem>>)
      %dma_wait3A = arith.constant 0 : i32
      %dma_wait3A_57 = tpu.memref_slice %arg10[%add3A_6, %dma_wait3A] : memref<5120x128xf32, #tpu.memory_space<vmem_shared>> -> memref<128x128xf32, #tpu.memory_space<vmem_shared>>
      %dma_wait3A_58 = arith.constant 0 : i32
      %dma_wait3A_59 = tpu.memref_slice %arg10[%add3A_6, %dma_wait3A_58] : memref<5120x128xf32, #tpu.memory_space<vmem_shared>> -> memref<128x128xf32, #tpu.memory_space<vmem_shared>>
      tpu.wait_dma2 semaphore(%run_scoped3A_53 : memref<!tpu.dma_semaphore, #tpu.memory_space<semaphore_mem>>) src(%arg9 : memref<128x128xf32, #tpu.memory_space<vmem>>) dst(%dma_wait3A_59 : memref<128x128xf32, #tpu.memory_space<vmem_shared>>)
      tpu.yield
    }) : () -> ()
    %mul3A_7 = arith.constant 320 : i32
    %mul3A_8 = arith.muli %arg1, %mul3A_7 : i32
    %add3A_9 = arith.constant 256 : i32
    %add3A_10 = arith.addi %mul3A_8, %add3A_9 : i32
    "tpu.region"() ({
      %run_scoped3A_53 = tpu.sem_alloc : memref<!tpu.dma_semaphore, #tpu.memory_space<semaphore_mem>>
      %dma_start3A = arith.constant 0 : i32
      %dma_start3A_54 = arith.constant 0 : i32
      %dma_start3A_55 = tpu.memref_slice %arg9[%dma_start3A, %dma_start3A_54] : memref<128x128xf32, #tpu.memory_space<vmem>> -> memref<64x128xf32, #tpu.memory_space<vmem>>
      %dma_start3A_56 = arith.constant 0 : i32
      %dma_start3A_57 = tpu.memref_slice %arg10[%add3A_10, %dma_start3A_56] : memref<5120x128xf32, #tpu.memory_space<vmem_shared>> -> memref<64x128xf32, #tpu.memory_space<vmem_shared>>
      %dma_start3A_58 = arith.constant 0 : i32
      %dma_start3A_59 = tpu.memref_slice %arg10[%add3A_10, %dma_start3A_58] : memref<5120x128xf32, #tpu.memory_space<vmem_shared>> -> memref<64x128xf32, #tpu.memory_space<vmem_shared>>
      %dma_start3A_60 = arith.constant 0 : i32
      %dma_start3A_61 = arith.constant 0 : i32
      %dma_start3A_62 = tpu.memref_slice %arg9[%dma_start3A_60, %dma_start3A_61] : memref<128x128xf32, #tpu.memory_space<vmem>> -> memref<64x128xf32, #tpu.memory_space<vmem>>
      tpu.enqueue_dma source(%dma_start3A_62 : memref<64x128xf32, #tpu.memory_space<vmem>>) target(%dma_start3A_59 : memref<64x128xf32, #tpu.memory_space<vmem_shared>>) target_semaphore(%run_scoped3A_53 : memref<!tpu.dma_semaphore, #tpu.memory_space<semaphore_mem>>)
      %dma_wait3A = arith.constant 0 : i32
      %dma_wait3A_63 = arith.constant 0 : i32
      %dma_wait3A_64 = tpu.memref_slice %arg9[%dma_wait3A, %dma_wait3A_63] : memref<128x128xf32, #tpu.memory_space<vmem>> -> memref<64x128xf32, #tpu.memory_space<vmem>>
      %dma_wait3A_65 = arith.constant 0 : i32
      %dma_wait3A_66 = tpu.memref_slice %arg10[%add3A_10, %dma_wait3A_65] : memref<5120x128xf32, #tpu.memory_space<vmem_shared>> -> memref<64x128xf32, #tpu.memory_space<vmem_shared>>
      %dma_wait3A_67 = arith.constant 0 : i32
      %dma_wait3A_68 = tpu.memref_slice %arg10[%add3A_10, %dma_wait3A_67] : memref<5120x128xf32, #tpu.memory_space<vmem_shared>> -> memref<64x128xf32, #tpu.memory_space<vmem_shared>>
      %dma_wait3A_69 = arith.constant 0 : i32
      %dma_wait3A_70 = arith.constant 0 : i32
      %dma_wait3A_71 = tpu.memref_slice %arg9[%dma_wait3A_69, %dma_wait3A_70] : memref<128x128xf32, #tpu.memory_space<vmem>> -> memref<64x128xf32, #tpu.memory_space<vmem>>
      tpu.wait_dma2 semaphore(%run_scoped3A_53 : memref<!tpu.dma_semaphore, #tpu.memory_space<semaphore_mem>>) src(%dma_wait3A_71 : memref<64x128xf32, #tpu.memory_space<vmem>>) dst(%dma_wait3A_68 : memref<64x128xf32, #tpu.memory_space<vmem_shared>>)
      tpu.yield
    }) : () -> ()
    "tpu.region"() ({
      %run_scoped3A_53 = tpu.sem_alloc : memref<!tpu.dma_semaphore, #tpu.memory_space<semaphore_mem>>
      %dma_start3A = arith.constant 0 : i32
      %dma_start3A_54 = arith.constant 0 : i32
      %dma_start3A_55 = tpu.memref_slice %arg3[%arg0, %arg1, %dma_start3A, %dma_start3A_54] : memref<2x16x160x128xi32, #tpu.memory_space<hbm>> -> memref<1x1x160x128xi32, #tpu.memory_space<hbm>>
      %dma_start3A_56 = tpu.memref_squeeze %dma_start3A_55 : memref<1x1x160x128xi32, #tpu.memory_space<hbm>> -> memref<160x128xi32, #tpu.memory_space<hbm>>
      %dma_start3A_57 = arith.constant 0 : i32
      %dma_start3A_58 = arith.constant 0 : i32
      %dma_start3A_59 = tpu.memref_slice %arg3[%arg0, %arg1, %dma_start3A_57, %dma_start3A_58] : memref<2x16x160x128xi32, #tpu.memory_space<hbm>> -> memref<1x1x160x128xi32, #tpu.memory_space<hbm>>
      %dma_start3A_60 = tpu.memref_squeeze %dma_start3A_59 : memref<1x1x160x128xi32, #tpu.memory_space<hbm>> -> memref<160x128xi32, #tpu.memory_space<hbm>>
      tpu.enqueue_dma source(%dma_start3A_60 : memref<160x128xi32, #tpu.memory_space<hbm>>) target(%arg6 : memref<160x128xi32, #tpu.memory_space<vmem>>) target_semaphore(%run_scoped3A_53 : memref<!tpu.dma_semaphore, #tpu.memory_space<semaphore_mem>>)
      %dma_wait3A = arith.constant 0 : i32
      %dma_wait3A_61 = arith.constant 0 : i32
      %dma_wait3A_62 = tpu.memref_slice %arg3[%arg0, %arg1, %dma_wait3A, %dma_wait3A_61] : memref<2x16x160x128xi32, #tpu.memory_space<hbm>> -> memref<1x1x160x128xi32, #tpu.memory_space<hbm>>
      %dma_wait3A_63 = tpu.memref_squeeze %dma_wait3A_62 : memref<1x1x160x128xi32, #tpu.memory_space<hbm>> -> memref<160x128xi32, #tpu.memory_space<hbm>>
      %dma_wait3A_64 = arith.constant 0 : i32
      %dma_wait3A_65 = arith.constant 0 : i32
      %dma_wait3A_66 = tpu.memref_slice %arg3[%arg0, %arg1, %dma_wait3A_64, %dma_wait3A_65] : memref<2x16x160x128xi32, #tpu.memory_space<hbm>> -> memref<1x1x160x128xi32, #tpu.memory_space<hbm>>
      %dma_wait3A_67 = tpu.memref_squeeze %dma_wait3A_66 : memref<1x1x160x128xi32, #tpu.memory_space<hbm>> -> memref<160x128xi32, #tpu.memory_space<hbm>>
      tpu.wait_dma2 semaphore(%run_scoped3A_53 : memref<!tpu.dma_semaphore, #tpu.memory_space<semaphore_mem>>) src(%dma_wait3A_67 : memref<160x128xi32, #tpu.memory_space<hbm>>) dst(%arg6 : memref<160x128xi32, #tpu.memory_space<vmem>>)
      tpu.yield
    }) : () -> ()
    "tpu.region"() ({
      %run_scoped3A_53 = tpu.sem_alloc : memref<!tpu.dma_semaphore, #tpu.memory_space<semaphore_mem>>
      %dma_start3A = arith.constant 0 : i32
      %dma_start3A_54 = arith.constant 0 : i32
      %dma_start3A_55 = tpu.memref_slice %arg4[%arg0, %arg1, %dma_start3A, %dma_start3A_54] : memref<2x16x1x128xi32, #tpu.memory_space<hbm>> -> memref<1x1x1x128xi32, #tpu.memory_space<hbm>>
      %dma_start3A_56 = tpu.memref_squeeze %dma_start3A_55 : memref<1x1x1x128xi32, #tpu.memory_space<hbm>> -> memref<1x128xi32, #tpu.memory_space<hbm>>
      %dma_start3A_57 = arith.constant 0 : i32
      %dma_start3A_58 = arith.constant 0 : i32
      %dma_start3A_59 = tpu.memref_slice %arg4[%arg0, %arg1, %dma_start3A_57, %dma_start3A_58] : memref<2x16x1x128xi32, #tpu.memory_space<hbm>> -> memref<1x1x1x128xi32, #tpu.memory_space<hbm>>
      %dma_start3A_60 = tpu.memref_squeeze %dma_start3A_59 : memref<1x1x1x128xi32, #tpu.memory_space<hbm>> -> memref<1x128xi32, #tpu.memory_space<hbm>>
      tpu.enqueue_dma source(%dma_start3A_60 : memref<1x128xi32, #tpu.memory_space<hbm>>) target(%arg7 : memref<1x128xi32, #tpu.memory_space<vmem>>) target_semaphore(%run_scoped3A_53 : memref<!tpu.dma_semaphore, #tpu.memory_space<semaphore_mem>>)
      %dma_wait3A = arith.constant 0 : i32
      %dma_wait3A_61 = arith.constant 0 : i32
      %dma_wait3A_62 = tpu.memref_slice %arg4[%arg0, %arg1, %dma_wait3A, %dma_wait3A_61] : memref<2x16x1x128xi32, #tpu.memory_space<hbm>> -> memref<1x1x1x128xi32, #tpu.memory_space<hbm>>
      %dma_wait3A_63 = tpu.memref_squeeze %dma_wait3A_62 : memref<1x1x1x128xi32, #tpu.memory_space<hbm>> -> memref<1x128xi32, #tpu.memory_space<hbm>>
      %dma_wait3A_64 = arith.constant 0 : i32
      %dma_wait3A_65 = arith.constant 0 : i32
      %dma_wait3A_66 = tpu.memref_slice %arg4[%arg0, %arg1, %dma_wait3A_64, %dma_wait3A_65] : memref<2x16x1x128xi32, #tpu.memory_space<hbm>> -> memref<1x1x1x128xi32, #tpu.memory_space<hbm>>
      %dma_wait3A_67 = tpu.memref_squeeze %dma_wait3A_66 : memref<1x1x1x128xi32, #tpu.memory_space<hbm>> -> memref<1x128xi32, #tpu.memory_space<hbm>>
      tpu.wait_dma2 semaphore(%run_scoped3A_53 : memref<!tpu.dma_semaphore, #tpu.memory_space<semaphore_mem>>) src(%dma_wait3A_67 : memref<1x128xi32, #tpu.memory_space<hbm>>) dst(%arg7 : memref<1x128xi32, #tpu.memory_space<vmem>>)
      tpu.yield
    }) : () -> ()
    %get3A = arith.constant 0 : i32
    %get3A_11 = arith.index_cast %get3A : i32 to index
    %get3A_12 = arith.constant 0 : index
    %get3A_13 = tpu.vector_load %arg7[%get3A_11, %get3A_12] {strides = array<i32>} : memref<1x128xi32, #tpu.memory_space<vmem>>, vector<16xi32>,
    %reduce_max3A = arith.constant true
    %reduce_max3A_14 = vector.broadcast %reduce_max3A : i1 to vector<16xi1>
    %reduce_max3A_15 = arith.constant -2147483648 : i32
    %reduce_max3A_16 = vector.broadcast %reduce_max3A_15 : i32 to vector<16xi32>
    %reduce_max3A_17 = arith.xori %get3A_13, %reduce_max3A_16 : vector<16xi32>
    %reduce_max3A_18 = tpu.scan <max>, %reduce_max3A_17 masked %reduce_max3A_14 : vector<16xi32>, vector<16xi1> -> vector<16xi32>
    %reduce_max3A_19 = arith.xori %reduce_max3A_18, %reduce_max3A_16 : vector<16xi32>
    %reduce_max3A_20 = vector.extract %reduce_max3A_19[15] : i32 from vector<16xi32>
    %barrier3A = arith.constant 0 : index
    tpu.barrier barrier_id(%barrier3A)
    %while3A = arith.constant 0 : i32
    %while3A_21 = arith.constant 0 : i32
    %while3A_22 = arith.subi %reduce_max3A_20, %while3A : i32
    %while3A_23 = arith.addi %while3A, %while3A_22 : i32
    %while3A_24 = arith.constant 1 : i32
    %while3A_25 = arith.divsi %while3A_22, %while3A_24 : i32
    %while3A_26 = arith.muli %while3A_25, %while3A_24 : i32
    %while3A_27 = arith.addi %while3A, %while3A_26 : i32
    %while3A_28 = arith.constant 1 : i32
    %while3A_29 = scf.for %while3A_53 = %while3A to %while3A_27 step %while3A_28 iter_args(%while3A_54 = %while3A_21) -> (i32)  : i32 {
      %dma_start3A = arith.constant 0 : i32
      %dma_start3A_55 = tpu.memref_slice %arg6[%while3A_53, %dma_start3A] : memref<160x128xi32, #tpu.memory_space<vmem>> -> memref<1x128xi32, #tpu.memory_space<vmem>>
      %dma_start3A_56 = tpu.memref_squeeze %dma_start3A_55 : memref<1x128xi32, #tpu.memory_space<vmem>> -> memref<128xi32, #tpu.memory_space<vmem>>
      %dma_start3A_57 = arith.constant 0 : i32
      %dma_start3A_58 = arith.constant 0 : i32
      %dma_start3A_59 = tpu.memref_slice %arg10[%dma_start3A_57, %dma_start3A_58] : memref<5120x128xf32, #tpu.memory_space<vmem_shared>> -> memref<5120x128xf32, #tpu.memory_space<vmem_shared>>
      tpu.enqueue_indirect_dma source(%arg8 : memref<128x128xf32, #tpu.memory_space<vmem>>) target(%dma_start3A_59 : memref<5120x128xf32, #tpu.memory_space<vmem_shared>>) offsets(%dma_start3A_56 : memref<128xi32, #tpu.memory_space<vmem>>) semaphore(%arg11 : memref<!tpu.dma_semaphore, #tpu.memory_space<semaphore_mem>>) {add = true}
      %while3A_60 = arith.constant 0 : i32
      scf.yield %while3A_60 : i32
    }
    %while3A_30 = arith.constant 1 : i32
    %while3A_31 = scf.for %while3A_53 = %while3A_27 to %while3A_23 step %while3A_30 iter_args(%while3A_54 = %while3A_29) -> (i32)  : i32 {
      %dma_start3A = arith.constant 0 : i32
      %dma_start3A_55 = tpu.memref_slice %arg6[%while3A_53, %dma_start3A] : memref<160x128xi32, #tpu.memory_space<vmem>> -> memref<1x128xi32, #tpu.memory_space<vmem>>
      %dma_start3A_56 = tpu.memref_squeeze %dma_start3A_55 : memref<1x128xi32, #tpu.memory_space<vmem>> -> memref<128xi32, #tpu.memory_space<vmem>>
      %dma_start3A_57 = arith.constant 0 : i32
      %dma_start3A_58 = arith.constant 0 : i32
      %dma_start3A_59 = tpu.memref_slice %arg10[%dma_start3A_57, %dma_start3A_58] : memref<5120x128xf32, #tpu.memory_space<vmem_shared>> -> memref<5120x128xf32, #tpu.memory_space<vmem_shared>>
      tpu.enqueue_indirect_dma source(%arg8 : memref<128x128xf32, #tpu.memory_space<vmem>>) target(%dma_start3A_59 : memref<5120x128xf32, #tpu.memory_space<vmem_shared>>) offsets(%dma_start3A_56 : memref<128xi32, #tpu.memory_space<vmem>>) semaphore(%arg11 : memref<!tpu.dma_semaphore, #tpu.memory_space<semaphore_mem>>) {add = true}
      %while3A_60 = arith.constant 0 : i32
      scf.yield %while3A_60 : i32
    }
    %while3A_32 = arith.constant 0 : i32
    %while3A_33 = arith.constant 0 : i32
    %while3A_34 = arith.subi %reduce_max3A_20, %while3A_32 : i32
    %while3A_35 = arith.addi %while3A_32, %while3A_34 : i32
    %while3A_36 = arith.constant 1 : i32
    %while3A_37 = arith.divsi %while3A_34, %while3A_36 : i32
    %while3A_38 = arith.muli %while3A_37, %while3A_36 : i32
    %while3A_39 = arith.addi %while3A_32, %while3A_38 : i32
    %while3A_40 = arith.constant 1 : i32
    %while3A_41 = scf.for %while3A_53 = %while3A_32 to %while3A_39 step %while3A_40 iter_args(%while3A_54 = %while3A_33) -> (i32)  : i32 {
      %dma_wait3A = arith.constant 0 : i32
      %dma_wait3A_55 = tpu.memref_slice %arg6[%while3A_53, %dma_wait3A] : memref<160x128xi32, #tpu.memory_space<vmem>> -> memref<1x128xi32, #tpu.memory_space<vmem>>
      %dma_wait3A_56 = tpu.memref_squeeze %dma_wait3A_55 : memref<1x128xi32, #tpu.memory_space<vmem>> -> memref<128xi32, #tpu.memory_space<vmem>>
      %dma_wait3A_57 = arith.constant 0 : i32
      %dma_wait3A_58 = arith.constant 0 : i32
      %dma_wait3A_59 = tpu.memref_slice %arg10[%dma_wait3A_57, %dma_wait3A_58] : memref<5120x128xf32, #tpu.memory_space<vmem_shared>> -> memref<5120x128xf32, #tpu.memory_space<vmem_shared>>
      tpu.wait_indirect_dma semaphore(%arg11 : memref<!tpu.dma_semaphore, #tpu.memory_space<semaphore_mem>>) src(%arg8 : memref<128x128xf32, #tpu.memory_space<vmem>>) dst(%dma_wait3A_59 : memref<5120x128xf32, #tpu.memory_space<vmem_shared>>)
      %while3A_60 = arith.constant 0 : i32
      scf.yield %while3A_60 : i32
    }
    %while3A_42 = arith.constant 1 : i32
    %while3A_43 = scf.for %while3A_53 = %while3A_39 to %while3A_35 step %while3A_42 iter_args(%while3A_54 = %while3A_41) -> (i32)  : i32 {
      %dma_wait3A = arith.constant 0 : i32
      %dma_wait3A_55 = tpu.memref_slice %arg6[%while3A_53, %dma_wait3A] : memref<160x128xi32, #tpu.memory_space<vmem>> -> memref<1x128xi32, #tpu.memory_space<vmem>>
      %dma_wait3A_56 = tpu.memref_squeeze %dma_wait3A_55 : memref<1x128xi32, #tpu.memory_space<vmem>> -> memref<128xi32, #tpu.memory_space<vmem>>
      %dma_wait3A_57 = arith.constant 0 : i32
      %dma_wait3A_58 = arith.constant 0 : i32
      %dma_wait3A_59 = tpu.memref_slice %arg10[%dma_wait3A_57, %dma_wait3A_58] : memref<5120x128xf32, #tpu.memory_space<vmem_shared>> -> memref<5120x128xf32, #tpu.memory_space<vmem_shared>>
      tpu.wait_indirect_dma semaphore(%arg11 : memref<!tpu.dma_semaphore, #tpu.memory_space<semaphore_mem>>) src(%arg8 : memref<128x128xf32, #tpu.memory_space<vmem>>) dst(%dma_wait3A_59 : memref<5120x128xf32, #tpu.memory_space<vmem_shared>>)
      %while3A_60 = arith.constant 0 : i32
      scf.yield %while3A_60 : i32
    }
    %barrier3A_44 = arith.constant 0 : index
    tpu.barrier barrier_id(%barrier3A_44)
    %mul3A_45 = arith.constant 320 : i32
    %mul3A_46 = arith.muli %arg1, %mul3A_45 : i32
    %add3A_47 = arith.constant 0 : i32
    %add3A_48 = arith.addi %mul3A_46, %add3A_47 : i32
    "tpu.region"() ({
      %run_scoped3A_53 = tpu.sem_alloc : memref<!tpu.dma_semaphore, #tpu.memory_space<semaphore_mem>>
      %dma_start3A = arith.constant 0 : i32
      %dma_start3A_54 = tpu.memref_slice %arg5[%arg0, %add3A_48, %dma_start3A] : memref<2x5120x128xf32, #tpu.memory_space<hbm>> -> memref<1x160x128xf32, #tpu.memory_space<hbm>>
      %dma_start3A_55 = tpu.memref_squeeze %dma_start3A_54 : memref<1x160x128xf32, #tpu.memory_space<hbm>> -> memref<160x128xf32, #tpu.memory_space<hbm>>
      %dma_start3A_56 = arith.constant 0 : i32
      %dma_start3A_57 = tpu.memref_slice %arg10[%add3A_48, %dma_start3A_56] : memref<5120x128xf32, #tpu.memory_space<vmem_shared>> -> memref<160x128xf32, #tpu.memory_space<vmem_shared>>
      tpu.enqueue_dma source(%dma_start3A_57 : memref<160x128xf32, #tpu.memory_space<vmem_shared>>) target(%dma_start3A_55 : memref<160x128xf32, #tpu.memory_space<hbm>>) target_semaphore(%run_scoped3A_53 : memref<!tpu.dma_semaphore, #tpu.memory_space<semaphore_mem>>)
      %dma_wait3A = arith.constant 0 : i32
      %dma_wait3A_58 = tpu.memref_slice %arg5[%arg0, %add3A_48, %dma_wait3A] : memref<2x5120x128xf32, #tpu.memory_space<hbm>> -> memref<1x160x128xf32, #tpu.memory_space<hbm>>
      %dma_wait3A_59 = tpu.memref_squeeze %dma_wait3A_58 : memref<1x160x128xf32, #tpu.memory_space<hbm>> -> memref<160x128xf32, #tpu.memory_space<hbm>>
      %dma_wait3A_60 = arith.constant 0 : i32
      %dma_wait3A_61 = tpu.memref_slice %arg10[%add3A_48, %dma_wait3A_60] : memref<5120x128xf32, #tpu.memory_space<vmem_shared>> -> memref<160x128xf32, #tpu.memory_space<vmem_shared>>
      tpu.wait_dma2 semaphore(%run_scoped3A_53 : memref<!tpu.dma_semaphore, #tpu.memory_space<semaphore_mem>>) src(%dma_wait3A_61 : memref<160x128xf32, #tpu.memory_space<vmem_shared>>) dst(%dma_wait3A_59 : memref<160x128xf32, #tpu.memory_space<hbm>>)
      tpu.yield
    }) : () -> ()
    %mul3A_49 = arith.constant 320 : i32
    %mul3A_50 = arith.muli %arg1, %mul3A_49 : i32
    %add3A_51 = arith.constant 160 : i32
    %add3A_52 = arith.addi %mul3A_50, %add3A_51 : i32
    "tpu.region"() ({
      %run_scoped3A_53 = tpu.sem_alloc : memref<!tpu.dma_semaphore, #tpu.memory_space<semaphore_mem>>
      %dma_start3A = arith.constant 0 : i32
      %dma_start3A_54 = tpu.memref_slice %arg5[%arg0, %add3A_52, %dma_start3A] : memref<2x5120x128xf32, #tpu.memory_space<hbm>> -> memref<1x160x128xf32, #tpu.memory_space<hbm>>
      %dma_start3A_55 = tpu.memref_squeeze %dma_start3A_54 : memref<1x160x128xf32, #tpu.memory_space<hbm>> -> memref<160x128xf32, #tpu.memory_space<hbm>>
      %dma_start3A_56 = arith.constant 0 : i32
      %dma_start3A_57 = tpu.memref_slice %arg10[%add3A_52, %dma_start3A_56] : memref<5120x128xf32, #tpu.memory_space<vmem_shared>> -> memref<160x128xf32, #tpu.memory_space<vmem_shared>>
      tpu.enqueue_dma source(%dma_start3A_57 : memref<160x128xf32, #tpu.memory_space<vmem_shared>>) target(%dma_start3A_55 : memref<160x128xf32, #tpu.memory_space<hbm>>) target_semaphore(%run_scoped3A_53 : memref<!tpu.dma_semaphore, #tpu.memory_space<semaphore_mem>>)
      %dma_wait3A = arith.constant 0 : i32
      %dma_wait3A_58 = tpu.memref_slice %arg5[%arg0, %add3A_52, %dma_wait3A] : memref<2x5120x128xf32, #tpu.memory_space<hbm>> -> memref<1x160x128xf32, #tpu.memory_space<hbm>>
      %dma_wait3A_59 = tpu.memref_squeeze %dma_wait3A_58 : memref<1x160x128xf32, #tpu.memory_space<hbm>> -> memref<160x128xf32, #tpu.memory_space<hbm>>
      %dma_wait3A_60 = arith.constant 0 : i32
      %dma_wait3A_61 = tpu.memref_slice %arg10[%add3A_52, %dma_wait3A_60] : memref<5120x128xf32, #tpu.memory_space<vmem_shared>> -> memref<160x128xf32, #tpu.memory_space<vmem_shared>>
      tpu.wait_dma2 semaphore(%run_scoped3A_53 : memref<!tpu.dma_semaphore, #tpu.memory_space<semaphore_mem>>) src(%dma_wait3A_61 : memref<160x128xf32, #tpu.memory_space<vmem_shared>>) dst(%dma_wait3A_59 : memref<160x128xf32, #tpu.memory_space<hbm>>)
      tpu.yield
    }) : () -> ()
    return
  }
}

#map = affine_map<(d0, d1) -> (0, 0)>
#map1 = affine_map<(d0, d1) -> (0, 0, 0)>
#map2 = affine_map<(d0, d1) -> (0, 0, 0, 0)>
module attributes {stable_mosaic.version = 14 : i64} {
  func.func @_msg_body(%arg0: i32, %arg1: i32, %arg2: memref<10000x128xf32, #tpu.memory_space<hbm>>, %arg3: memref<2x128x128xf32, #tpu.memory_space<hbm>>, %arg4: memref<2x16x160x128xi32, #tpu.memory_space<hbm>>, %arg5: memref<2x16x160x128xi32, #tpu.memory_space<hbm>>, %arg6: memref<2x16x1x128xi32, #tpu.memory_space<hbm>>, %arg7: memref<2x5120x128xf32, #tpu.memory_space<hbm>>, %arg8: memref<160x128xi32, #tpu.memory_space<vmem>>, %arg9: memref<160x128xi32, #tpu.memory_space<vmem>>, %arg10: memref<1x128xi32, #tpu.memory_space<vmem>>, %arg11: memref<128x128xf32, #tpu.memory_space<vmem>>, %arg12: memref<128x128xf32, #tpu.memory_space<vmem>>, %arg13: memref<5120x128xf32, #tpu.memory_space<vmem_shared>>, %arg14: memref<!tpu.dma_semaphore, #tpu.memory_space<semaphore_mem>>, %arg15: memref<!tpu.dma_semaphore, #tpu.memory_space<semaphore_mem>>) attributes {dimension_semantics = [#tpu.dimension_semantics<core_parallel>, #tpu.dimension_semantics<subcore_parallel>], iteration_bounds = array<i64: 2, 16>, scalar_prefetch = 0 : i64, scratch_operands = 8 : i64, tpu.core_type = #tpu.core_type<sc_vector_subcore>, window_params = [{transform_indices = #map}, {transform_indices = #map1}, {transform_indices = #map2}, {transform_indices = #map2}, {transform_indices = #map2}, {transform_indices = #map1}]} {
    %run_scoped3A = arith.constant 0 : i32
    "tpu.region"() ({
      %run_scoped3A_67 = tpu.sem_alloc : memref<!tpu.dma_semaphore, #tpu.memory_space<semaphore_mem>>
      %dma_start3A_68 = arith.constant 0 : i32
      %dma_start3A_69 = arith.constant 0 : i32
      %dma_start3A_70 = tpu.memref_slice %arg3[%run_scoped3A, %dma_start3A_68, %dma_start3A_69] : memref<2x128x128xf32, #tpu.memory_space<hbm>> -> memref<1x128x128xf32, #tpu.memory_space<hbm>>
      %dma_start3A_71 = tpu.memref_squeeze %dma_start3A_70 : memref<1x128x128xf32, #tpu.memory_space<hbm>> -> memref<128x128xf32, #tpu.memory_space<hbm>>
      %dma_start3A_72 = arith.constant 0 : i32
      %dma_start3A_73 = arith.constant 0 : i32
      %dma_start3A_74 = tpu.memref_slice %arg3[%run_scoped3A, %dma_start3A_72, %dma_start3A_73] : memref<2x128x128xf32, #tpu.memory_space<hbm>> -> memref<1x128x128xf32, #tpu.memory_space<hbm>>
      %dma_start3A_75 = tpu.memref_squeeze %dma_start3A_74 : memref<1x128x128xf32, #tpu.memory_space<hbm>> -> memref<128x128xf32, #tpu.memory_space<hbm>>
      tpu.enqueue_dma source(%dma_start3A_75 : memref<128x128xf32, #tpu.memory_space<hbm>>) target(%arg11 : memref<128x128xf32, #tpu.memory_space<vmem>>) target_semaphore(%run_scoped3A_67 : memref<!tpu.dma_semaphore, #tpu.memory_space<semaphore_mem>>)
      %dma_wait3A = arith.constant 0 : i32
      %dma_wait3A_76 = arith.constant 0 : i32
      %dma_wait3A_77 = tpu.memref_slice %arg3[%run_scoped3A, %dma_wait3A, %dma_wait3A_76] : memref<2x128x128xf32, #tpu.memory_space<hbm>> -> memref<1x128x128xf32, #tpu.memory_space<hbm>>
      %dma_wait3A_78 = tpu.memref_squeeze %dma_wait3A_77 : memref<1x128x128xf32, #tpu.memory_space<hbm>> -> memref<128x128xf32, #tpu.memory_space<hbm>>
      %dma_wait3A_79 = arith.constant 0 : i32
      %dma_wait3A_80 = arith.constant 0 : i32
      %dma_wait3A_81 = tpu.memref_slice %arg3[%run_scoped3A, %dma_wait3A_79, %dma_wait3A_80] : memref<2x128x128xf32, #tpu.memory_space<hbm>> -> memref<1x128x128xf32, #tpu.memory_space<hbm>>
      %dma_wait3A_82 = tpu.memref_squeeze %dma_wait3A_81 : memref<1x128x128xf32, #tpu.memory_space<hbm>> -> memref<128x128xf32, #tpu.memory_space<hbm>>
      tpu.wait_dma2 semaphore(%run_scoped3A_67 : memref<!tpu.dma_semaphore, #tpu.memory_space<semaphore_mem>>) src(%dma_wait3A_82 : memref<128x128xf32, #tpu.memory_space<hbm>>) dst(%arg11 : memref<128x128xf32, #tpu.memory_space<vmem>>)
      tpu.yield
    }) : () -> ()
    %mul3A = arith.constant 320 : i32
    %mul3A_0 = arith.muli %arg1, %mul3A : i32
    "tpu.region"() ({
      %run_scoped3A_67 = tpu.sem_alloc : memref<!tpu.dma_semaphore, #tpu.memory_space<semaphore_mem>>
      %dma_start3A_68 = arith.constant 0 : i32
      %dma_start3A_69 = tpu.memref_slice %arg13[%mul3A_0, %dma_start3A_68] : memref<5120x128xf32, #tpu.memory_space<vmem_shared>> -> memref<128x128xf32, #tpu.memory_space<vmem_shared>>
      %dma_start3A_70 = arith.constant 0 : i32
      %dma_start3A_71 = tpu.memref_slice %arg13[%mul3A_0, %dma_start3A_70] : memref<5120x128xf32, #tpu.memory_space<vmem_shared>> -> memref<128x128xf32, #tpu.memory_space<vmem_shared>>
      tpu.enqueue_dma source(%arg11 : memref<128x128xf32, #tpu.memory_space<vmem>>) target(%dma_start3A_71 : memref<128x128xf32, #tpu.memory_space<vmem_shared>>) target_semaphore(%run_scoped3A_67 : memref<!tpu.dma_semaphore, #tpu.memory_space<semaphore_mem>>)
      %dma_wait3A = arith.constant 0 : i32
      %dma_wait3A_72 = tpu.memref_slice %arg13[%mul3A_0, %dma_wait3A] : memref<5120x128xf32, #tpu.memory_space<vmem_shared>> -> memref<128x128xf32, #tpu.memory_space<vmem_shared>>
      %dma_wait3A_73 = arith.constant 0 : i32
      %dma_wait3A_74 = tpu.memref_slice %arg13[%mul3A_0, %dma_wait3A_73] : memref<5120x128xf32, #tpu.memory_space<vmem_shared>> -> memref<128x128xf32, #tpu.memory_space<vmem_shared>>
      tpu.wait_dma2 semaphore(%run_scoped3A_67 : memref<!tpu.dma_semaphore, #tpu.memory_space<semaphore_mem>>) src(%arg11 : memref<128x128xf32, #tpu.memory_space<vmem>>) dst(%dma_wait3A_74 : memref<128x128xf32, #tpu.memory_space<vmem_shared>>)
      tpu.yield
    }) : () -> ()
    %mul3A_1 = arith.constant 320 : i32
    %mul3A_2 = arith.muli %arg1, %mul3A_1 : i32
    %add3A = arith.constant 128 : i32
    %add3A_3 = arith.addi %mul3A_2, %add3A : i32
    "tpu.region"() ({
      %run_scoped3A_67 = tpu.sem_alloc : memref<!tpu.dma_semaphore, #tpu.memory_space<semaphore_mem>>
      %dma_start3A_68 = arith.constant 0 : i32
      %dma_start3A_69 = tpu.memref_slice %arg13[%add3A_3, %dma_start3A_68] : memref<5120x128xf32, #tpu.memory_space<vmem_shared>> -> memref<128x128xf32, #tpu.memory_space<vmem_shared>>
      %dma_start3A_70 = arith.constant 0 : i32
      %dma_start3A_71 = tpu.memref_slice %arg13[%add3A_3, %dma_start3A_70] : memref<5120x128xf32, #tpu.memory_space<vmem_shared>> -> memref<128x128xf32, #tpu.memory_space<vmem_shared>>
      tpu.enqueue_dma source(%arg11 : memref<128x128xf32, #tpu.memory_space<vmem>>) target(%dma_start3A_71 : memref<128x128xf32, #tpu.memory_space<vmem_shared>>) target_semaphore(%run_scoped3A_67 : memref<!tpu.dma_semaphore, #tpu.memory_space<semaphore_mem>>)
      %dma_wait3A = arith.constant 0 : i32
      %dma_wait3A_72 = tpu.memref_slice %arg13[%add3A_3, %dma_wait3A] : memref<5120x128xf32, #tpu.memory_space<vmem_shared>> -> memref<128x128xf32, #tpu.memory_space<vmem_shared>>
      %dma_wait3A_73 = arith.constant 0 : i32
      %dma_wait3A_74 = tpu.memref_slice %arg13[%add3A_3, %dma_wait3A_73] : memref<5120x128xf32, #tpu.memory_space<vmem_shared>> -> memref<128x128xf32, #tpu.memory_space<vmem_shared>>
      tpu.wait_dma2 semaphore(%run_scoped3A_67 : memref<!tpu.dma_semaphore, #tpu.memory_space<semaphore_mem>>) src(%arg11 : memref<128x128xf32, #tpu.memory_space<vmem>>) dst(%dma_wait3A_74 : memref<128x128xf32, #tpu.memory_space<vmem_shared>>)
      tpu.yield
    }) : () -> ()
    %mul3A_4 = arith.constant 320 : i32
    %mul3A_5 = arith.muli %arg1, %mul3A_4 : i32
    %add3A_6 = arith.constant 256 : i32
    %add3A_7 = arith.addi %mul3A_5, %add3A_6 : i32
    "tpu.region"() ({
      %run_scoped3A_67 = tpu.sem_alloc : memref<!tpu.dma_semaphore, #tpu.memory_space<semaphore_mem>>
      %dma_start3A_68 = arith.constant 0 : i32
      %dma_start3A_69 = arith.constant 0 : i32
      %dma_start3A_70 = tpu.memref_slice %arg11[%dma_start3A_68, %dma_start3A_69] : memref<128x128xf32, #tpu.memory_space<vmem>> -> memref<64x128xf32, #tpu.memory_space<vmem>>
      %dma_start3A_71 = arith.constant 0 : i32
      %dma_start3A_72 = tpu.memref_slice %arg13[%add3A_7, %dma_start3A_71] : memref<5120x128xf32, #tpu.memory_space<vmem_shared>> -> memref<64x128xf32, #tpu.memory_space<vmem_shared>>
      %dma_start3A_73 = arith.constant 0 : i32
      %dma_start3A_74 = tpu.memref_slice %arg13[%add3A_7, %dma_start3A_73] : memref<5120x128xf32, #tpu.memory_space<vmem_shared>> -> memref<64x128xf32, #tpu.memory_space<vmem_shared>>
      %dma_start3A_75 = arith.constant 0 : i32
      %dma_start3A_76 = arith.constant 0 : i32
      %dma_start3A_77 = tpu.memref_slice %arg11[%dma_start3A_75, %dma_start3A_76] : memref<128x128xf32, #tpu.memory_space<vmem>> -> memref<64x128xf32, #tpu.memory_space<vmem>>
      tpu.enqueue_dma source(%dma_start3A_77 : memref<64x128xf32, #tpu.memory_space<vmem>>) target(%dma_start3A_74 : memref<64x128xf32, #tpu.memory_space<vmem_shared>>) target_semaphore(%run_scoped3A_67 : memref<!tpu.dma_semaphore, #tpu.memory_space<semaphore_mem>>)
      %dma_wait3A = arith.constant 0 : i32
      %dma_wait3A_78 = arith.constant 0 : i32
      %dma_wait3A_79 = tpu.memref_slice %arg11[%dma_wait3A, %dma_wait3A_78] : memref<128x128xf32, #tpu.memory_space<vmem>> -> memref<64x128xf32, #tpu.memory_space<vmem>>
      %dma_wait3A_80 = arith.constant 0 : i32
      %dma_wait3A_81 = tpu.memref_slice %arg13[%add3A_7, %dma_wait3A_80] : memref<5120x128xf32, #tpu.memory_space<vmem_shared>> -> memref<64x128xf32, #tpu.memory_space<vmem_shared>>
      %dma_wait3A_82 = arith.constant 0 : i32
      %dma_wait3A_83 = tpu.memref_slice %arg13[%add3A_7, %dma_wait3A_82] : memref<5120x128xf32, #tpu.memory_space<vmem_shared>> -> memref<64x128xf32, #tpu.memory_space<vmem_shared>>
      %dma_wait3A_84 = arith.constant 0 : i32
      %dma_wait3A_85 = arith.constant 0 : i32
      %dma_wait3A_86 = tpu.memref_slice %arg11[%dma_wait3A_84, %dma_wait3A_85] : memref<128x128xf32, #tpu.memory_space<vmem>> -> memref<64x128xf32, #tpu.memory_space<vmem>>
      tpu.wait_dma2 semaphore(%run_scoped3A_67 : memref<!tpu.dma_semaphore, #tpu.memory_space<semaphore_mem>>) src(%dma_wait3A_86 : memref<64x128xf32, #tpu.memory_space<vmem>>) dst(%dma_wait3A_83 : memref<64x128xf32, #tpu.memory_space<vmem_shared>>)
      tpu.yield
    }) : () -> ()
    "tpu.region"() ({
      %run_scoped3A_67 = tpu.sem_alloc : memref<!tpu.dma_semaphore, #tpu.memory_space<semaphore_mem>>
      %dma_start3A_68 = arith.constant 0 : i32
      %dma_start3A_69 = arith.constant 0 : i32
      %dma_start3A_70 = tpu.memref_slice %arg4[%arg0, %arg1, %dma_start3A_68, %dma_start3A_69] : memref<2x16x160x128xi32, #tpu.memory_space<hbm>> -> memref<1x1x160x128xi32, #tpu.memory_space<hbm>>
      %dma_start3A_71 = tpu.memref_squeeze %dma_start3A_70 : memref<1x1x160x128xi32, #tpu.memory_space<hbm>> -> memref<160x128xi32, #tpu.memory_space<hbm>>
      %dma_start3A_72 = arith.constant 0 : i32
      %dma_start3A_73 = arith.constant 0 : i32
      %dma_start3A_74 = tpu.memref_slice %arg4[%arg0, %arg1, %dma_start3A_72, %dma_start3A_73] : memref<2x16x160x128xi32, #tpu.memory_space<hbm>> -> memref<1x1x160x128xi32, #tpu.memory_space<hbm>>
      %dma_start3A_75 = tpu.memref_squeeze %dma_start3A_74 : memref<1x1x160x128xi32, #tpu.memory_space<hbm>> -> memref<160x128xi32, #tpu.memory_space<hbm>>
      tpu.enqueue_dma source(%dma_start3A_75 : memref<160x128xi32, #tpu.memory_space<hbm>>) target(%arg8 : memref<160x128xi32, #tpu.memory_space<vmem>>) target_semaphore(%run_scoped3A_67 : memref<!tpu.dma_semaphore, #tpu.memory_space<semaphore_mem>>)
      %dma_wait3A = arith.constant 0 : i32
      %dma_wait3A_76 = arith.constant 0 : i32
      %dma_wait3A_77 = tpu.memref_slice %arg4[%arg0, %arg1, %dma_wait3A, %dma_wait3A_76] : memref<2x16x160x128xi32, #tpu.memory_space<hbm>> -> memref<1x1x160x128xi32, #tpu.memory_space<hbm>>
      %dma_wait3A_78 = tpu.memref_squeeze %dma_wait3A_77 : memref<1x1x160x128xi32, #tpu.memory_space<hbm>> -> memref<160x128xi32, #tpu.memory_space<hbm>>
      %dma_wait3A_79 = arith.constant 0 : i32
      %dma_wait3A_80 = arith.constant 0 : i32
      %dma_wait3A_81 = tpu.memref_slice %arg4[%arg0, %arg1, %dma_wait3A_79, %dma_wait3A_80] : memref<2x16x160x128xi32, #tpu.memory_space<hbm>> -> memref<1x1x160x128xi32, #tpu.memory_space<hbm>>
      %dma_wait3A_82 = tpu.memref_squeeze %dma_wait3A_81 : memref<1x1x160x128xi32, #tpu.memory_space<hbm>> -> memref<160x128xi32, #tpu.memory_space<hbm>>
      tpu.wait_dma2 semaphore(%run_scoped3A_67 : memref<!tpu.dma_semaphore, #tpu.memory_space<semaphore_mem>>) src(%dma_wait3A_82 : memref<160x128xi32, #tpu.memory_space<hbm>>) dst(%arg8 : memref<160x128xi32, #tpu.memory_space<vmem>>)
      tpu.yield
    }) : () -> ()
    "tpu.region"() ({
      %run_scoped3A_67 = tpu.sem_alloc : memref<!tpu.dma_semaphore, #tpu.memory_space<semaphore_mem>>
      %dma_start3A_68 = arith.constant 0 : i32
      %dma_start3A_69 = arith.constant 0 : i32
      %dma_start3A_70 = tpu.memref_slice %arg5[%arg0, %arg1, %dma_start3A_68, %dma_start3A_69] : memref<2x16x160x128xi32, #tpu.memory_space<hbm>> -> memref<1x1x160x128xi32, #tpu.memory_space<hbm>>
      %dma_start3A_71 = tpu.memref_squeeze %dma_start3A_70 : memref<1x1x160x128xi32, #tpu.memory_space<hbm>> -> memref<160x128xi32, #tpu.memory_space<hbm>>
      %dma_start3A_72 = arith.constant 0 : i32
      %dma_start3A_73 = arith.constant 0 : i32
      %dma_start3A_74 = tpu.memref_slice %arg5[%arg0, %arg1, %dma_start3A_72, %dma_start3A_73] : memref<2x16x160x128xi32, #tpu.memory_space<hbm>> -> memref<1x1x160x128xi32, #tpu.memory_space<hbm>>
      %dma_start3A_75 = tpu.memref_squeeze %dma_start3A_74 : memref<1x1x160x128xi32, #tpu.memory_space<hbm>> -> memref<160x128xi32, #tpu.memory_space<hbm>>
      tpu.enqueue_dma source(%dma_start3A_75 : memref<160x128xi32, #tpu.memory_space<hbm>>) target(%arg9 : memref<160x128xi32, #tpu.memory_space<vmem>>) target_semaphore(%run_scoped3A_67 : memref<!tpu.dma_semaphore, #tpu.memory_space<semaphore_mem>>)
      %dma_wait3A = arith.constant 0 : i32
      %dma_wait3A_76 = arith.constant 0 : i32
      %dma_wait3A_77 = tpu.memref_slice %arg5[%arg0, %arg1, %dma_wait3A, %dma_wait3A_76] : memref<2x16x160x128xi32, #tpu.memory_space<hbm>> -> memref<1x1x160x128xi32, #tpu.memory_space<hbm>>
      %dma_wait3A_78 = tpu.memref_squeeze %dma_wait3A_77 : memref<1x1x160x128xi32, #tpu.memory_space<hbm>> -> memref<160x128xi32, #tpu.memory_space<hbm>>
      %dma_wait3A_79 = arith.constant 0 : i32
      %dma_wait3A_80 = arith.constant 0 : i32
      %dma_wait3A_81 = tpu.memref_slice %arg5[%arg0, %arg1, %dma_wait3A_79, %dma_wait3A_80] : memref<2x16x160x128xi32, #tpu.memory_space<hbm>> -> memref<1x1x160x128xi32, #tpu.memory_space<hbm>>
      %dma_wait3A_82 = tpu.memref_squeeze %dma_wait3A_81 : memref<1x1x160x128xi32, #tpu.memory_space<hbm>> -> memref<160x128xi32, #tpu.memory_space<hbm>>
      tpu.wait_dma2 semaphore(%run_scoped3A_67 : memref<!tpu.dma_semaphore, #tpu.memory_space<semaphore_mem>>) src(%dma_wait3A_82 : memref<160x128xi32, #tpu.memory_space<hbm>>) dst(%arg9 : memref<160x128xi32, #tpu.memory_space<vmem>>)
      tpu.yield
    }) : () -> ()
    "tpu.region"() ({
      %run_scoped3A_67 = tpu.sem_alloc : memref<!tpu.dma_semaphore, #tpu.memory_space<semaphore_mem>>
      %dma_start3A_68 = arith.constant 0 : i32
      %dma_start3A_69 = arith.constant 0 : i32
      %dma_start3A_70 = tpu.memref_slice %arg6[%arg0, %arg1, %dma_start3A_68, %dma_start3A_69] : memref<2x16x1x128xi32, #tpu.memory_space<hbm>> -> memref<1x1x1x128xi32, #tpu.memory_space<hbm>>
      %dma_start3A_71 = tpu.memref_squeeze %dma_start3A_70 : memref<1x1x1x128xi32, #tpu.memory_space<hbm>> -> memref<1x128xi32, #tpu.memory_space<hbm>>
      %dma_start3A_72 = arith.constant 0 : i32
      %dma_start3A_73 = arith.constant 0 : i32
      %dma_start3A_74 = tpu.memref_slice %arg6[%arg0, %arg1, %dma_start3A_72, %dma_start3A_73] : memref<2x16x1x128xi32, #tpu.memory_space<hbm>> -> memref<1x1x1x128xi32, #tpu.memory_space<hbm>>
      %dma_start3A_75 = tpu.memref_squeeze %dma_start3A_74 : memref<1x1x1x128xi32, #tpu.memory_space<hbm>> -> memref<1x128xi32, #tpu.memory_space<hbm>>
      tpu.enqueue_dma source(%dma_start3A_75 : memref<1x128xi32, #tpu.memory_space<hbm>>) target(%arg10 : memref<1x128xi32, #tpu.memory_space<vmem>>) target_semaphore(%run_scoped3A_67 : memref<!tpu.dma_semaphore, #tpu.memory_space<semaphore_mem>>)
      %dma_wait3A = arith.constant 0 : i32
      %dma_wait3A_76 = arith.constant 0 : i32
      %dma_wait3A_77 = tpu.memref_slice %arg6[%arg0, %arg1, %dma_wait3A, %dma_wait3A_76] : memref<2x16x1x128xi32, #tpu.memory_space<hbm>> -> memref<1x1x1x128xi32, #tpu.memory_space<hbm>>
      %dma_wait3A_78 = tpu.memref_squeeze %dma_wait3A_77 : memref<1x1x1x128xi32, #tpu.memory_space<hbm>> -> memref<1x128xi32, #tpu.memory_space<hbm>>
      %dma_wait3A_79 = arith.constant 0 : i32
      %dma_wait3A_80 = arith.constant 0 : i32
      %dma_wait3A_81 = tpu.memref_slice %arg6[%arg0, %arg1, %dma_wait3A_79, %dma_wait3A_80] : memref<2x16x1x128xi32, #tpu.memory_space<hbm>> -> memref<1x1x1x128xi32, #tpu.memory_space<hbm>>
      %dma_wait3A_82 = tpu.memref_squeeze %dma_wait3A_81 : memref<1x1x1x128xi32, #tpu.memory_space<hbm>> -> memref<1x128xi32, #tpu.memory_space<hbm>>
      tpu.wait_dma2 semaphore(%run_scoped3A_67 : memref<!tpu.dma_semaphore, #tpu.memory_space<semaphore_mem>>) src(%dma_wait3A_82 : memref<1x128xi32, #tpu.memory_space<hbm>>) dst(%arg10 : memref<1x128xi32, #tpu.memory_space<vmem>>)
      tpu.yield
    }) : () -> ()
    %get3A = arith.constant 0 : i32
    %get3A_8 = arith.index_cast %get3A : i32 to index
    %get3A_9 = arith.constant 0 : index
    %get3A_10 = tpu.vector_load %arg10[%get3A_8, %get3A_9] {strides = array<i32>} : memref<1x128xi32, #tpu.memory_space<vmem>>, vector<16xi32>,
    %reduce_max3A = arith.constant true
    %reduce_max3A_11 = vector.broadcast %reduce_max3A : i1 to vector<16xi1>
    %reduce_max3A_12 = arith.constant -2147483648 : i32
    %reduce_max3A_13 = vector.broadcast %reduce_max3A_12 : i32 to vector<16xi32>
    %reduce_max3A_14 = arith.xori %get3A_10, %reduce_max3A_13 : vector<16xi32>
    %reduce_max3A_15 = tpu.scan <max>, %reduce_max3A_14 masked %reduce_max3A_11 : vector<16xi32>, vector<16xi1> -> vector<16xi32>
    %reduce_max3A_16 = arith.xori %reduce_max3A_15, %reduce_max3A_13 : vector<16xi32>
    %reduce_max3A_17 = vector.extract %reduce_max3A_16[15] : i32 from vector<16xi32>
    %barrier3A = arith.constant 0 : index
    tpu.barrier barrier_id(%barrier3A)
    %dma_start3A = arith.constant 0 : i32
    %dma_start3A_18 = arith.constant 0 : i32
    %dma_start3A_19 = tpu.memref_slice %arg8[%dma_start3A, %dma_start3A_18] : memref<160x128xi32, #tpu.memory_space<vmem>> -> memref<1x128xi32, #tpu.memory_space<vmem>>
    %dma_start3A_20 = tpu.memref_squeeze %dma_start3A_19 : memref<1x128xi32, #tpu.memory_space<vmem>> -> memref<128xi32, #tpu.memory_space<vmem>>
    %dma_start3A_21 = arith.constant 0 : i32
    %dma_start3A_22 = arith.constant 0 : i32
    %dma_start3A_23 = tpu.memref_slice %arg2[%dma_start3A_21, %dma_start3A_22] : memref<10000x128xf32, #tpu.memory_space<hbm>> -> memref<10000x128xf32, #tpu.memory_space<hbm>>
    tpu.enqueue_indirect_dma source(%dma_start3A_23 : memref<10000x128xf32, #tpu.memory_space<hbm>>) target(%arg11 : memref<128x128xf32, #tpu.memory_space<vmem>>) offsets(%dma_start3A_20 : memref<128xi32, #tpu.memory_space<vmem>>) semaphore(%arg14 : memref<!tpu.dma_semaphore, #tpu.memory_space<semaphore_mem>>)
    %dma_start3A_24 = arith.constant 1 : i32
    %dma_start3A_25 = arith.constant 0 : i32
    %dma_start3A_26 = tpu.memref_slice %arg8[%dma_start3A_24, %dma_start3A_25] : memref<160x128xi32, #tpu.memory_space<vmem>> -> memref<1x128xi32, #tpu.memory_space<vmem>>
    %dma_start3A_27 = tpu.memref_squeeze %dma_start3A_26 : memref<1x128xi32, #tpu.memory_space<vmem>> -> memref<128xi32, #tpu.memory_space<vmem>>
    %dma_start3A_28 = arith.constant 0 : i32
    %dma_start3A_29 = arith.constant 0 : i32
    %dma_start3A_30 = tpu.memref_slice %arg2[%dma_start3A_28, %dma_start3A_29] : memref<10000x128xf32, #tpu.memory_space<hbm>> -> memref<10000x128xf32, #tpu.memory_space<hbm>>
    tpu.enqueue_indirect_dma source(%dma_start3A_30 : memref<10000x128xf32, #tpu.memory_space<hbm>>) target(%arg12 : memref<128x128xf32, #tpu.memory_space<vmem>>) offsets(%dma_start3A_27 : memref<128xi32, #tpu.memory_space<vmem>>) semaphore(%arg15 : memref<!tpu.dma_semaphore, #tpu.memory_space<semaphore_mem>>)
    %jit3A = arith.constant 2 : i32
    %div3A = arith.divsi %reduce_max3A_17, %jit3A : i32
    %sign3A = arith.constant 0 : i32
    %sign3A_31 = arith.cmpi sgt, %reduce_max3A_17, %sign3A : i32
    %sign3A_32 = arith.extui %sign3A_31 : i1 to i32
    %sign3A_33 = arith.constant 0 : i32
    %sign3A_34 = arith.cmpi slt, %reduce_max3A_17, %sign3A_33 : i32
    %sign3A_35 = arith.extui %sign3A_34 : i1 to i32
    %sign3A_36 = arith.subi %sign3A_32, %sign3A_35 : i32
    %sign3A_37 = arith.constant 0 : i32
    %sign3A_38 = arith.cmpi sgt, %jit3A, %sign3A_37 : i32
    %sign3A_39 = arith.extui %sign3A_38 : i1 to i32
    %sign3A_40 = arith.constant 0 : i32
    %sign3A_41 = arith.cmpi slt, %jit3A, %sign3A_40 : i32
    %sign3A_42 = arith.extui %sign3A_41 : i1 to i32
    %sign3A_43 = arith.subi %sign3A_39, %sign3A_42 : i32
    %ne3A = arith.cmpi ne, %sign3A_36, %sign3A_43 : i32
    %rem3A = arith.remsi %reduce_max3A_17, %jit3A : i32
    %ne3A_44 = arith.constant 0 : i32
    %ne3A_45 = arith.cmpi ne, %rem3A, %ne3A_44 : i32
    %and3A = arith.andi %ne3A, %ne3A_45 : i1
    %sub3A = arith.constant 1 : i32
    %sub3A_46 = arith.subi %div3A, %sub3A : i32
    %select_n3A = arith.select %and3A, %sub3A_46, %div3A : i32
    %while3A = arith.constant 0 : i32
    %while3A_47 = arith.constant 0 : i32
    %while3A_48 = arith.subi %select_n3A, %while3A : i32
    %while3A_49 = arith.addi %while3A, %while3A_48 : i32
    %while3A_50 = arith.constant 1 : i32
    %while3A_51 = arith.divsi %while3A_48, %while3A_50 : i32
    %while3A_52 = arith.muli %while3A_51, %while3A_50 : i32
    %while3A_53 = arith.addi %while3A, %while3A_52 : i32
    %while3A_54 = arith.constant 1 : i32
    %while3A_55 = scf.for %while3A_67 = %while3A to %while3A_53 step %while3A_54 iter_args(%while3A_68 = %while3A_47) -> (i32)  : i32 {
      %mul3A_69 = arith.constant 2 : i32
      %mul3A_70 = arith.muli %mul3A_69, %while3A_67 : i32
      %dma_wait3A = arith.constant 0 : i32
      %dma_wait3A_71 = tpu.memref_slice %arg8[%mul3A_70, %dma_wait3A] : memref<160x128xi32, #tpu.memory_space<vmem>> -> memref<1x128xi32, #tpu.memory_space<vmem>>
      %dma_wait3A_72 = tpu.memref_squeeze %dma_wait3A_71 : memref<1x128xi32, #tpu.memory_space<vmem>> -> memref<128xi32, #tpu.memory_space<vmem>>
      %dma_wait3A_73 = arith.constant 0 : i32
      %dma_wait3A_74 = arith.constant 0 : i32
      %dma_wait3A_75 = tpu.memref_slice %arg2[%dma_wait3A_73, %dma_wait3A_74] : memref<10000x128xf32, #tpu.memory_space<hbm>> -> memref<10000x128xf32, #tpu.memory_space<hbm>>
      tpu.wait_indirect_dma semaphore(%arg14 : memref<!tpu.dma_semaphore, #tpu.memory_space<semaphore_mem>>) src(%dma_wait3A_75 : memref<10000x128xf32, #tpu.memory_space<hbm>>) dst(%arg11 : memref<128x128xf32, #tpu.memory_space<vmem>>)
      "tpu.region"() ({
        %run_scoped3A_96 = tpu.sem_alloc : memref<!tpu.dma_semaphore, #tpu.memory_space<semaphore_mem>>
        %dma_start3A_97 = arith.constant 0 : i32
        %dma_start3A_98 = tpu.memref_slice %arg9[%mul3A_70, %dma_start3A_97] : memref<160x128xi32, #tpu.memory_space<vmem>> -> memref<1x128xi32, #tpu.memory_space<vmem>>
        %dma_start3A_99 = tpu.memref_squeeze %dma_start3A_98 : memref<1x128xi32, #tpu.memory_space<vmem>> -> memref<128xi32, #tpu.memory_space<vmem>>
        %dma_start3A_100 = arith.constant 0 : i32
        %dma_start3A_101 = arith.constant 0 : i32
        %dma_start3A_102 = tpu.memref_slice %arg13[%dma_start3A_100, %dma_start3A_101] : memref<5120x128xf32, #tpu.memory_space<vmem_shared>> -> memref<5120x128xf32, #tpu.memory_space<vmem_shared>>
        tpu.enqueue_indirect_dma source(%arg11 : memref<128x128xf32, #tpu.memory_space<vmem>>) target(%dma_start3A_102 : memref<5120x128xf32, #tpu.memory_space<vmem_shared>>) offsets(%dma_start3A_99 : memref<128xi32, #tpu.memory_space<vmem>>) semaphore(%run_scoped3A_96 : memref<!tpu.dma_semaphore, #tpu.memory_space<semaphore_mem>>) {add = true}
        %dma_wait3A_103 = arith.constant 0 : i32
        %dma_wait3A_104 = tpu.memref_slice %arg9[%mul3A_70, %dma_wait3A_103] : memref<160x128xi32, #tpu.memory_space<vmem>> -> memref<1x128xi32, #tpu.memory_space<vmem>>
        %dma_wait3A_105 = tpu.memref_squeeze %dma_wait3A_104 : memref<1x128xi32, #tpu.memory_space<vmem>> -> memref<128xi32, #tpu.memory_space<vmem>>
        %dma_wait3A_106 = arith.constant 0 : i32
        %dma_wait3A_107 = arith.constant 0 : i32
        %dma_wait3A_108 = tpu.memref_slice %arg13[%dma_wait3A_106, %dma_wait3A_107] : memref<5120x128xf32, #tpu.memory_space<vmem_shared>> -> memref<5120x128xf32, #tpu.memory_space<vmem_shared>>
        tpu.wait_indirect_dma semaphore(%run_scoped3A_96 : memref<!tpu.dma_semaphore, #tpu.memory_space<semaphore_mem>>) src(%arg11 : memref<128x128xf32, #tpu.memory_space<vmem>>) dst(%dma_wait3A_108 : memref<5120x128xf32, #tpu.memory_space<vmem_shared>>)
        tpu.yield
      }) : () -> ()
      %add3A_76 = arith.constant 2 : i32
      %add3A_77 = arith.addi %mul3A_70, %add3A_76 : i32
      %lt3A = arith.cmpi slt, %add3A_77, %reduce_max3A_17 : i32
      %convert_element_type3A = arith.extui %lt3A : i1 to i32
      %cond3A = arith.constant 0 : i32
      %cond3A_78 = arith.cmpi ne, %convert_element_type3A, %cond3A : i32
      scf.if %cond3A_78 {
        %add3A_96 = arith.constant 2 : i32
        %add3A_97 = arith.addi %mul3A_70, %add3A_96 : i32
        %dma_start3A_98 = arith.constant 0 : i32
        %dma_start3A_99 = tpu.memref_slice %arg8[%add3A_97, %dma_start3A_98] : memref<160x128xi32, #tpu.memory_space<vmem>> -> memref<1x128xi32, #tpu.memory_space<vmem>>
        %dma_start3A_100 = tpu.memref_squeeze %dma_start3A_99 : memref<1x128xi32, #tpu.memory_space<vmem>> -> memref<128xi32, #tpu.memory_space<vmem>>
        %dma_start3A_101 = arith.constant 0 : i32
        %dma_start3A_102 = arith.constant 0 : i32
        %dma_start3A_103 = tpu.memref_slice %arg2[%dma_start3A_101, %dma_start3A_102] : memref<10000x128xf32, #tpu.memory_space<hbm>> -> memref<10000x128xf32, #tpu.memory_space<hbm>>
        tpu.enqueue_indirect_dma source(%dma_start3A_103 : memref<10000x128xf32, #tpu.memory_space<hbm>>) target(%arg11 : memref<128x128xf32, #tpu.memory_space<vmem>>) offsets(%dma_start3A_100 : memref<128xi32, #tpu.memory_space<vmem>>) semaphore(%arg14 : memref<!tpu.dma_semaphore, #tpu.memory_space<semaphore_mem>>)
      } else {
      }
      %add3A_79 = arith.constant 1 : i32
      %add3A_80 = arith.addi %mul3A_70, %add3A_79 : i32
      %dma_wait3A_81 = arith.constant 0 : i32
      %dma_wait3A_82 = tpu.memref_slice %arg8[%add3A_80, %dma_wait3A_81] : memref<160x128xi32, #tpu.memory_space<vmem>> -> memref<1x128xi32, #tpu.memory_space<vmem>>
      %dma_wait3A_83 = tpu.memref_squeeze %dma_wait3A_82 : memref<1x128xi32, #tpu.memory_space<vmem>> -> memref<128xi32, #tpu.memory_space<vmem>>
      %dma_wait3A_84 = arith.constant 0 : i32
      %dma_wait3A_85 = arith.constant 0 : i32
      %dma_wait3A_86 = tpu.memref_slice %arg2[%dma_wait3A_84, %dma_wait3A_85] : memref<10000x128xf32, #tpu.memory_space<hbm>> -> memref<10000x128xf32, #tpu.memory_space<hbm>>
      tpu.wait_indirect_dma semaphore(%arg15 : memref<!tpu.dma_semaphore, #tpu.memory_space<semaphore_mem>>) src(%dma_wait3A_86 : memref<10000x128xf32, #tpu.memory_space<hbm>>) dst(%arg12 : memref<128x128xf32, #tpu.memory_space<vmem>>)
      %add3A_87 = arith.constant 1 : i32
      %add3A_88 = arith.addi %mul3A_70, %add3A_87 : i32
      "tpu.region"() ({
        %run_scoped3A_96 = tpu.sem_alloc : memref<!tpu.dma_semaphore, #tpu.memory_space<semaphore_mem>>
        %dma_start3A_97 = arith.constant 0 : i32
        %dma_start3A_98 = tpu.memref_slice %arg9[%add3A_88, %dma_start3A_97] : memref<160x128xi32, #tpu.memory_space<vmem>> -> memref<1x128xi32, #tpu.memory_space<vmem>>
        %dma_start3A_99 = tpu.memref_squeeze %dma_start3A_98 : memref<1x128xi32, #tpu.memory_space<vmem>> -> memref<128xi32, #tpu.memory_space<vmem>>
        %dma_start3A_100 = arith.constant 0 : i32
        %dma_start3A_101 = arith.constant 0 : i32
        %dma_start3A_102 = tpu.memref_slice %arg13[%dma_start3A_100, %dma_start3A_101] : memref<5120x128xf32, #tpu.memory_space<vmem_shared>> -> memref<5120x128xf32, #tpu.memory_space<vmem_shared>>
        tpu.enqueue_indirect_dma source(%arg12 : memref<128x128xf32, #tpu.memory_space<vmem>>) target(%dma_start3A_102 : memref<5120x128xf32, #tpu.memory_space<vmem_shared>>) offsets(%dma_start3A_99 : memref<128xi32, #tpu.memory_space<vmem>>) semaphore(%run_scoped3A_96 : memref<!tpu.dma_semaphore, #tpu.memory_space<semaphore_mem>>) {add = true}
        %dma_wait3A_103 = arith.constant 0 : i32
        %dma_wait3A_104 = tpu.memref_slice %arg9[%add3A_88, %dma_wait3A_103] : memref<160x128xi32, #tpu.memory_space<vmem>> -> memref<1x128xi32, #tpu.memory_space<vmem>>
        %dma_wait3A_105 = tpu.memref_squeeze %dma_wait3A_104 : memref<1x128xi32, #tpu.memory_space<vmem>> -> memref<128xi32, #tpu.memory_space<vmem>>
        %dma_wait3A_106 = arith.constant 0 : i32
        %dma_wait3A_107 = arith.constant 0 : i32
        %dma_wait3A_108 = tpu.memref_slice %arg13[%dma_wait3A_106, %dma_wait3A_107] : memref<5120x128xf32, #tpu.memory_space<vmem_shared>> -> memref<5120x128xf32, #tpu.memory_space<vmem_shared>>
        tpu.wait_indirect_dma semaphore(%run_scoped3A_96 : memref<!tpu.dma_semaphore, #tpu.memory_space<semaphore_mem>>) src(%arg12 : memref<128x128xf32, #tpu.memory_space<vmem>>) dst(%dma_wait3A_108 : memref<5120x128xf32, #tpu.memory_space<vmem_shared>>)
        tpu.yield
      }) : () -> ()
      %add3A_89 = arith.constant 3 : i32
      %add3A_90 = arith.addi %mul3A_70, %add3A_89 : i32
      %lt3A_91 = arith.cmpi slt, %add3A_90, %reduce_max3A_17 : i32
      %convert_element_type3A_92 = arith.extui %lt3A_91 : i1 to i32
      %cond3A_93 = arith.constant 0 : i32
      %cond3A_94 = arith.cmpi ne, %convert_element_type3A_92, %cond3A_93 : i32
      scf.if %cond3A_94 {
        %add3A_96 = arith.constant 3 : i32
        %add3A_97 = arith.addi %mul3A_70, %add3A_96 : i32
        %dma_start3A_98 = arith.constant 0 : i32
        %dma_start3A_99 = tpu.memref_slice %arg8[%add3A_97, %dma_start3A_98] : memref<160x128xi32, #tpu.memory_space<vmem>> -> memref<1x128xi32, #tpu.memory_space<vmem>>
        %dma_start3A_100 = tpu.memref_squeeze %dma_start3A_99 : memref<1x128xi32, #tpu.memory_space<vmem>> -> memref<128xi32, #tpu.memory_space<vmem>>
        %dma_start3A_101 = arith.constant 0 : i32
        %dma_start3A_102 = arith.constant 0 : i32
        %dma_start3A_103 = tpu.memref_slice %arg2[%dma_start3A_101, %dma_start3A_102] : memref<10000x128xf32, #tpu.memory_space<hbm>> -> memref<10000x128xf32, #tpu.memory_space<hbm>>
        tpu.enqueue_indirect_dma source(%dma_start3A_103 : memref<10000x128xf32, #tpu.memory_space<hbm>>) target(%arg12 : memref<128x128xf32, #tpu.memory_space<vmem>>) offsets(%dma_start3A_100 : memref<128xi32, #tpu.memory_space<vmem>>) semaphore(%arg15 : memref<!tpu.dma_semaphore, #tpu.memory_space<semaphore_mem>>)
      } else {
      }
      %while3A_95 = arith.constant 0 : i32
      scf.yield %while3A_95 : i32
    }
    %while3A_56 = arith.constant 1 : i32
    %while3A_57 = scf.for %while3A_67 = %while3A_53 to %while3A_49 step %while3A_56 iter_args(%while3A_68 = %while3A_55) -> (i32)  : i32 {
      %mul3A_69 = arith.constant 2 : i32
      %mul3A_70 = arith.muli %mul3A_69, %while3A_67 : i32
      %dma_wait3A = arith.constant 0 : i32
      %dma_wait3A_71 = tpu.memref_slice %arg8[%mul3A_70, %dma_wait3A] : memref<160x128xi32, #tpu.memory_space<vmem>> -> memref<1x128xi32, #tpu.memory_space<vmem>>
      %dma_wait3A_72 = tpu.memref_squeeze %dma_wait3A_71 : memref<1x128xi32, #tpu.memory_space<vmem>> -> memref<128xi32, #tpu.memory_space<vmem>>
      %dma_wait3A_73 = arith.constant 0 : i32
      %dma_wait3A_74 = arith.constant 0 : i32
      %dma_wait3A_75 = tpu.memref_slice %arg2[%dma_wait3A_73, %dma_wait3A_74] : memref<10000x128xf32, #tpu.memory_space<hbm>> -> memref<10000x128xf32, #tpu.memory_space<hbm>>
      tpu.wait_indirect_dma semaphore(%arg14 : memref<!tpu.dma_semaphore, #tpu.memory_space<semaphore_mem>>) src(%dma_wait3A_75 : memref<10000x128xf32, #tpu.memory_space<hbm>>) dst(%arg11 : memref<128x128xf32, #tpu.memory_space<vmem>>)
      "tpu.region"() ({
        %run_scoped3A_96 = tpu.sem_alloc : memref<!tpu.dma_semaphore, #tpu.memory_space<semaphore_mem>>
        %dma_start3A_97 = arith.constant 0 : i32
        %dma_start3A_98 = tpu.memref_slice %arg9[%mul3A_70, %dma_start3A_97] : memref<160x128xi32, #tpu.memory_space<vmem>> -> memref<1x128xi32, #tpu.memory_space<vmem>>
        %dma_start3A_99 = tpu.memref_squeeze %dma_start3A_98 : memref<1x128xi32, #tpu.memory_space<vmem>> -> memref<128xi32, #tpu.memory_space<vmem>>
        %dma_start3A_100 = arith.constant 0 : i32
        %dma_start3A_101 = arith.constant 0 : i32
        %dma_start3A_102 = tpu.memref_slice %arg13[%dma_start3A_100, %dma_start3A_101] : memref<5120x128xf32, #tpu.memory_space<vmem_shared>> -> memref<5120x128xf32, #tpu.memory_space<vmem_shared>>
        tpu.enqueue_indirect_dma source(%arg11 : memref<128x128xf32, #tpu.memory_space<vmem>>) target(%dma_start3A_102 : memref<5120x128xf32, #tpu.memory_space<vmem_shared>>) offsets(%dma_start3A_99 : memref<128xi32, #tpu.memory_space<vmem>>) semaphore(%run_scoped3A_96 : memref<!tpu.dma_semaphore, #tpu.memory_space<semaphore_mem>>) {add = true}
        %dma_wait3A_103 = arith.constant 0 : i32
        %dma_wait3A_104 = tpu.memref_slice %arg9[%mul3A_70, %dma_wait3A_103] : memref<160x128xi32, #tpu.memory_space<vmem>> -> memref<1x128xi32, #tpu.memory_space<vmem>>
        %dma_wait3A_105 = tpu.memref_squeeze %dma_wait3A_104 : memref<1x128xi32, #tpu.memory_space<vmem>> -> memref<128xi32, #tpu.memory_space<vmem>>
        %dma_wait3A_106 = arith.constant 0 : i32
        %dma_wait3A_107 = arith.constant 0 : i32
        %dma_wait3A_108 = tpu.memref_slice %arg13[%dma_wait3A_106, %dma_wait3A_107] : memref<5120x128xf32, #tpu.memory_space<vmem_shared>> -> memref<5120x128xf32, #tpu.memory_space<vmem_shared>>
        tpu.wait_indirect_dma semaphore(%run_scoped3A_96 : memref<!tpu.dma_semaphore, #tpu.memory_space<semaphore_mem>>) src(%arg11 : memref<128x128xf32, #tpu.memory_space<vmem>>) dst(%dma_wait3A_108 : memref<5120x128xf32, #tpu.memory_space<vmem_shared>>)
        tpu.yield
      }) : () -> ()
      %add3A_76 = arith.constant 2 : i32
      %add3A_77 = arith.addi %mul3A_70, %add3A_76 : i32
      %lt3A = arith.cmpi slt, %add3A_77, %reduce_max3A_17 : i32
      %convert_element_type3A = arith.extui %lt3A : i1 to i32
      %cond3A = arith.constant 0 : i32
      %cond3A_78 = arith.cmpi ne, %convert_element_type3A, %cond3A : i32
      scf.if %cond3A_78 {
        %add3A_96 = arith.constant 2 : i32
        %add3A_97 = arith.addi %mul3A_70, %add3A_96 : i32
        %dma_start3A_98 = arith.constant 0 : i32
        %dma_start3A_99 = tpu.memref_slice %arg8[%add3A_97, %dma_start3A_98] : memref<160x128xi32, #tpu.memory_space<vmem>> -> memref<1x128xi32, #tpu.memory_space<vmem>>
        %dma_start3A_100 = tpu.memref_squeeze %dma_start3A_99 : memref<1x128xi32, #tpu.memory_space<vmem>> -> memref<128xi32, #tpu.memory_space<vmem>>
        %dma_start3A_101 = arith.constant 0 : i32
        %dma_start3A_102 = arith.constant 0 : i32
        %dma_start3A_103 = tpu.memref_slice %arg2[%dma_start3A_101, %dma_start3A_102] : memref<10000x128xf32, #tpu.memory_space<hbm>> -> memref<10000x128xf32, #tpu.memory_space<hbm>>
        tpu.enqueue_indirect_dma source(%dma_start3A_103 : memref<10000x128xf32, #tpu.memory_space<hbm>>) target(%arg11 : memref<128x128xf32, #tpu.memory_space<vmem>>) offsets(%dma_start3A_100 : memref<128xi32, #tpu.memory_space<vmem>>) semaphore(%arg14 : memref<!tpu.dma_semaphore, #tpu.memory_space<semaphore_mem>>)
      } else {
      }
      %add3A_79 = arith.constant 1 : i32
      %add3A_80 = arith.addi %mul3A_70, %add3A_79 : i32
      %dma_wait3A_81 = arith.constant 0 : i32
      %dma_wait3A_82 = tpu.memref_slice %arg8[%add3A_80, %dma_wait3A_81] : memref<160x128xi32, #tpu.memory_space<vmem>> -> memref<1x128xi32, #tpu.memory_space<vmem>>
      %dma_wait3A_83 = tpu.memref_squeeze %dma_wait3A_82 : memref<1x128xi32, #tpu.memory_space<vmem>> -> memref<128xi32, #tpu.memory_space<vmem>>
      %dma_wait3A_84 = arith.constant 0 : i32
      %dma_wait3A_85 = arith.constant 0 : i32
      %dma_wait3A_86 = tpu.memref_slice %arg2[%dma_wait3A_84, %dma_wait3A_85] : memref<10000x128xf32, #tpu.memory_space<hbm>> -> memref<10000x128xf32, #tpu.memory_space<hbm>>
      tpu.wait_indirect_dma semaphore(%arg15 : memref<!tpu.dma_semaphore, #tpu.memory_space<semaphore_mem>>) src(%dma_wait3A_86 : memref<10000x128xf32, #tpu.memory_space<hbm>>) dst(%arg12 : memref<128x128xf32, #tpu.memory_space<vmem>>)
      %add3A_87 = arith.constant 1 : i32
      %add3A_88 = arith.addi %mul3A_70, %add3A_87 : i32
      "tpu.region"() ({
        %run_scoped3A_96 = tpu.sem_alloc : memref<!tpu.dma_semaphore, #tpu.memory_space<semaphore_mem>>
        %dma_start3A_97 = arith.constant 0 : i32
        %dma_start3A_98 = tpu.memref_slice %arg9[%add3A_88, %dma_start3A_97] : memref<160x128xi32, #tpu.memory_space<vmem>> -> memref<1x128xi32, #tpu.memory_space<vmem>>
        %dma_start3A_99 = tpu.memref_squeeze %dma_start3A_98 : memref<1x128xi32, #tpu.memory_space<vmem>> -> memref<128xi32, #tpu.memory_space<vmem>>
        %dma_start3A_100 = arith.constant 0 : i32
        %dma_start3A_101 = arith.constant 0 : i32
        %dma_start3A_102 = tpu.memref_slice %arg13[%dma_start3A_100, %dma_start3A_101] : memref<5120x128xf32, #tpu.memory_space<vmem_shared>> -> memref<5120x128xf32, #tpu.memory_space<vmem_shared>>
        tpu.enqueue_indirect_dma source(%arg12 : memref<128x128xf32, #tpu.memory_space<vmem>>) target(%dma_start3A_102 : memref<5120x128xf32, #tpu.memory_space<vmem_shared>>) offsets(%dma_start3A_99 : memref<128xi32, #tpu.memory_space<vmem>>) semaphore(%run_scoped3A_96 : memref<!tpu.dma_semaphore, #tpu.memory_space<semaphore_mem>>) {add = true}
        %dma_wait3A_103 = arith.constant 0 : i32
        %dma_wait3A_104 = tpu.memref_slice %arg9[%add3A_88, %dma_wait3A_103] : memref<160x128xi32, #tpu.memory_space<vmem>> -> memref<1x128xi32, #tpu.memory_space<vmem>>
        %dma_wait3A_105 = tpu.memref_squeeze %dma_wait3A_104 : memref<1x128xi32, #tpu.memory_space<vmem>> -> memref<128xi32, #tpu.memory_space<vmem>>
        %dma_wait3A_106 = arith.constant 0 : i32
        %dma_wait3A_107 = arith.constant 0 : i32
        %dma_wait3A_108 = tpu.memref_slice %arg13[%dma_wait3A_106, %dma_wait3A_107] : memref<5120x128xf32, #tpu.memory_space<vmem_shared>> -> memref<5120x128xf32, #tpu.memory_space<vmem_shared>>
        tpu.wait_indirect_dma semaphore(%run_scoped3A_96 : memref<!tpu.dma_semaphore, #tpu.memory_space<semaphore_mem>>) src(%arg12 : memref<128x128xf32, #tpu.memory_space<vmem>>) dst(%dma_wait3A_108 : memref<5120x128xf32, #tpu.memory_space<vmem_shared>>)
        tpu.yield
      }) : () -> ()
      %add3A_89 = arith.constant 3 : i32
      %add3A_90 = arith.addi %mul3A_70, %add3A_89 : i32
      %lt3A_91 = arith.cmpi slt, %add3A_90, %reduce_max3A_17 : i32
      %convert_element_type3A_92 = arith.extui %lt3A_91 : i1 to i32
      %cond3A_93 = arith.constant 0 : i32
      %cond3A_94 = arith.cmpi ne, %convert_element_type3A_92, %cond3A_93 : i32
      scf.if %cond3A_94 {
        %add3A_96 = arith.constant 3 : i32
        %add3A_97 = arith.addi %mul3A_70, %add3A_96 : i32
        %dma_start3A_98 = arith.constant 0 : i32
        %dma_start3A_99 = tpu.memref_slice %arg8[%add3A_97, %dma_start3A_98] : memref<160x128xi32, #tpu.memory_space<vmem>> -> memref<1x128xi32, #tpu.memory_space<vmem>>
        %dma_start3A_100 = tpu.memref_squeeze %dma_start3A_99 : memref<1x128xi32, #tpu.memory_space<vmem>> -> memref<128xi32, #tpu.memory_space<vmem>>
        %dma_start3A_101 = arith.constant 0 : i32
        %dma_start3A_102 = arith.constant 0 : i32
        %dma_start3A_103 = tpu.memref_slice %arg2[%dma_start3A_101, %dma_start3A_102] : memref<10000x128xf32, #tpu.memory_space<hbm>> -> memref<10000x128xf32, #tpu.memory_space<hbm>>
        tpu.enqueue_indirect_dma source(%dma_start3A_103 : memref<10000x128xf32, #tpu.memory_space<hbm>>) target(%arg12 : memref<128x128xf32, #tpu.memory_space<vmem>>) offsets(%dma_start3A_100 : memref<128xi32, #tpu.memory_space<vmem>>) semaphore(%arg15 : memref<!tpu.dma_semaphore, #tpu.memory_space<semaphore_mem>>)
      } else {
      }
      %while3A_95 = arith.constant 0 : i32
      scf.yield %while3A_95 : i32
    }
    %barrier3A_58 = arith.constant 0 : index
    tpu.barrier barrier_id(%barrier3A_58)
    %mul3A_59 = arith.constant 320 : i32
    %mul3A_60 = arith.muli %arg1, %mul3A_59 : i32
    %add3A_61 = arith.constant 0 : i32
    %add3A_62 = arith.addi %mul3A_60, %add3A_61 : i32
    "tpu.region"() ({
      %run_scoped3A_67 = tpu.sem_alloc : memref<!tpu.dma_semaphore, #tpu.memory_space<semaphore_mem>>
      %dma_start3A_68 = arith.constant 0 : i32
      %dma_start3A_69 = tpu.memref_slice %arg7[%arg0, %add3A_62, %dma_start3A_68] : memref<2x5120x128xf32, #tpu.memory_space<hbm>> -> memref<1x160x128xf32, #tpu.memory_space<hbm>>
      %dma_start3A_70 = tpu.memref_squeeze %dma_start3A_69 : memref<1x160x128xf32, #tpu.memory_space<hbm>> -> memref<160x128xf32, #tpu.memory_space<hbm>>
      %dma_start3A_71 = arith.constant 0 : i32
      %dma_start3A_72 = tpu.memref_slice %arg13[%add3A_62, %dma_start3A_71] : memref<5120x128xf32, #tpu.memory_space<vmem_shared>> -> memref<160x128xf32, #tpu.memory_space<vmem_shared>>
      tpu.enqueue_dma source(%dma_start3A_72 : memref<160x128xf32, #tpu.memory_space<vmem_shared>>) target(%dma_start3A_70 : memref<160x128xf32, #tpu.memory_space<hbm>>) target_semaphore(%run_scoped3A_67 : memref<!tpu.dma_semaphore, #tpu.memory_space<semaphore_mem>>)
      %dma_wait3A = arith.constant 0 : i32
      %dma_wait3A_73 = tpu.memref_slice %arg7[%arg0, %add3A_62, %dma_wait3A] : memref<2x5120x128xf32, #tpu.memory_space<hbm>> -> memref<1x160x128xf32, #tpu.memory_space<hbm>>
      %dma_wait3A_74 = tpu.memref_squeeze %dma_wait3A_73 : memref<1x160x128xf32, #tpu.memory_space<hbm>> -> memref<160x128xf32, #tpu.memory_space<hbm>>
      %dma_wait3A_75 = arith.constant 0 : i32
      %dma_wait3A_76 = tpu.memref_slice %arg13[%add3A_62, %dma_wait3A_75] : memref<5120x128xf32, #tpu.memory_space<vmem_shared>> -> memref<160x128xf32, #tpu.memory_space<vmem_shared>>
      tpu.wait_dma2 semaphore(%run_scoped3A_67 : memref<!tpu.dma_semaphore, #tpu.memory_space<semaphore_mem>>) src(%dma_wait3A_76 : memref<160x128xf32, #tpu.memory_space<vmem_shared>>) dst(%dma_wait3A_74 : memref<160x128xf32, #tpu.memory_space<hbm>>)
      tpu.yield
    }) : () -> ()
    %mul3A_63 = arith.constant 320 : i32
    %mul3A_64 = arith.muli %arg1, %mul3A_63 : i32
    %add3A_65 = arith.constant 160 : i32
    %add3A_66 = arith.addi %mul3A_64, %add3A_65 : i32
    "tpu.region"() ({
      %run_scoped3A_67 = tpu.sem_alloc : memref<!tpu.dma_semaphore, #tpu.memory_space<semaphore_mem>>
      %dma_start3A_68 = arith.constant 0 : i32
      %dma_start3A_69 = tpu.memref_slice %arg7[%arg0, %add3A_66, %dma_start3A_68] : memref<2x5120x128xf32, #tpu.memory_space<hbm>> -> memref<1x160x128xf32, #tpu.memory_space<hbm>>
      %dma_start3A_70 = tpu.memref_squeeze %dma_start3A_69 : memref<1x160x128xf32, #tpu.memory_space<hbm>> -> memref<160x128xf32, #tpu.memory_space<hbm>>
      %dma_start3A_71 = arith.constant 0 : i32
      %dma_start3A_72 = tpu.memref_slice %arg13[%add3A_66, %dma_start3A_71] : memref<5120x128xf32, #tpu.memory_space<vmem_shared>> -> memref<160x128xf32, #tpu.memory_space<vmem_shared>>
      tpu.enqueue_dma source(%dma_start3A_72 : memref<160x128xf32, #tpu.memory_space<vmem_shared>>) target(%dma_start3A_70 : memref<160x128xf32, #tpu.memory_space<hbm>>) target_semaphore(%run_scoped3A_67 : memref<!tpu.dma_semaphore, #tpu.memory_space<semaphore_mem>>)
      %dma_wait3A = arith.constant 0 : i32
      %dma_wait3A_73 = tpu.memref_slice %arg7[%arg0, %add3A_66, %dma_wait3A] : memref<2x5120x128xf32, #tpu.memory_space<hbm>> -> memref<1x160x128xf32, #tpu.memory_space<hbm>>
      %dma_wait3A_74 = tpu.memref_squeeze %dma_wait3A_73 : memref<1x160x128xf32, #tpu.memory_space<hbm>> -> memref<160x128xf32, #tpu.memory_space<hbm>>
      %dma_wait3A_75 = arith.constant 0 : i32
      %dma_wait3A_76 = tpu.memref_slice %arg13[%add3A_66, %dma_wait3A_75] : memref<5120x128xf32, #tpu.memory_space<vmem_shared>> -> memref<160x128xf32, #tpu.memory_space<vmem_shared>>
      tpu.wait_dma2 semaphore(%run_scoped3A_67 : memref<!tpu.dma_semaphore, #tpu.memory_space<semaphore_mem>>) src(%dma_wait3A_76 : memref<160x128xf32, #tpu.memory_space<vmem_shared>>) dst(%dma_wait3A_74 : memref<160x128xf32, #tpu.memory_space<hbm>>)
      tpu.yield
    }) : () -> ()
    return
  }
}

#map = affine_map<(d0, d1) -> (0, 0)>
#map1 = affine_map<(d0, d1) -> (0, 0, 0)>
#map2 = affine_map<(d0, d1) -> (0, 0, 0, 0)>
module attributes {stable_mosaic.version = 14 : i64} {
  func.func @_msg_body(%arg0: i32, %arg1: i32, %arg2: memref<10000x128xf32, #tpu.memory_space<hbm>>, %arg3: memref<2x128x128xf32, #tpu.memory_space<hbm>>, %arg4: memref<2x16x160x128xi32, #tpu.memory_space<hbm>>, %arg5: memref<2x16x160x128xi32, #tpu.memory_space<hbm>>, %arg6: memref<2x16x1x128xi32, #tpu.memory_space<hbm>>, %arg7: memref<2x5120x128xf32, #tpu.memory_space<hbm>>, %arg8: memref<160x128xi32, #tpu.memory_space<vmem>>, %arg9: memref<160x128xi32, #tpu.memory_space<vmem>>, %arg10: memref<1x128xi32, #tpu.memory_space<vmem>>, %arg11: memref<128x128xf32, #tpu.memory_space<vmem>>, %arg12: memref<128x128xf32, #tpu.memory_space<vmem>>, %arg13: memref<5120x128xf32, #tpu.memory_space<vmem_shared>>, %arg14: memref<!tpu.dma_semaphore, #tpu.memory_space<semaphore_mem>>, %arg15: memref<!tpu.dma_semaphore, #tpu.memory_space<semaphore_mem>>) attributes {dimension_semantics = [#tpu.dimension_semantics<core_parallel>, #tpu.dimension_semantics<subcore_parallel>], iteration_bounds = array<i64: 2, 16>, scalar_prefetch = 0 : i64, scratch_operands = 8 : i64, tpu.core_type = #tpu.core_type<sc_vector_subcore>, window_params = [{transform_indices = #map}, {transform_indices = #map1}, {transform_indices = #map2}, {transform_indices = #map2}, {transform_indices = #map2}, {transform_indices = #map1}]} {
    %run_scoped3A = arith.constant 0 : i32
    "tpu.region"() ({
      %run_scoped3A_67 = tpu.sem_alloc : memref<!tpu.dma_semaphore, #tpu.memory_space<semaphore_mem>>
      %dma_start3A_68 = arith.constant 0 : i32
      %dma_start3A_69 = arith.constant 0 : i32
      %dma_start3A_70 = tpu.memref_slice %arg3[%run_scoped3A, %dma_start3A_68, %dma_start3A_69] : memref<2x128x128xf32, #tpu.memory_space<hbm>> -> memref<1x128x128xf32, #tpu.memory_space<hbm>>
      %dma_start3A_71 = tpu.memref_squeeze %dma_start3A_70 : memref<1x128x128xf32, #tpu.memory_space<hbm>> -> memref<128x128xf32, #tpu.memory_space<hbm>>
      %dma_start3A_72 = arith.constant 0 : i32
      %dma_start3A_73 = arith.constant 0 : i32
      %dma_start3A_74 = tpu.memref_slice %arg3[%run_scoped3A, %dma_start3A_72, %dma_start3A_73] : memref<2x128x128xf32, #tpu.memory_space<hbm>> -> memref<1x128x128xf32, #tpu.memory_space<hbm>>
      %dma_start3A_75 = tpu.memref_squeeze %dma_start3A_74 : memref<1x128x128xf32, #tpu.memory_space<hbm>> -> memref<128x128xf32, #tpu.memory_space<hbm>>
      tpu.enqueue_dma source(%dma_start3A_75 : memref<128x128xf32, #tpu.memory_space<hbm>>) target(%arg11 : memref<128x128xf32, #tpu.memory_space<vmem>>) target_semaphore(%run_scoped3A_67 : memref<!tpu.dma_semaphore, #tpu.memory_space<semaphore_mem>>)
      %dma_wait3A = arith.constant 0 : i32
      %dma_wait3A_76 = arith.constant 0 : i32
      %dma_wait3A_77 = tpu.memref_slice %arg3[%run_scoped3A, %dma_wait3A, %dma_wait3A_76] : memref<2x128x128xf32, #tpu.memory_space<hbm>> -> memref<1x128x128xf32, #tpu.memory_space<hbm>>
      %dma_wait3A_78 = tpu.memref_squeeze %dma_wait3A_77 : memref<1x128x128xf32, #tpu.memory_space<hbm>> -> memref<128x128xf32, #tpu.memory_space<hbm>>
      %dma_wait3A_79 = arith.constant 0 : i32
      %dma_wait3A_80 = arith.constant 0 : i32
      %dma_wait3A_81 = tpu.memref_slice %arg3[%run_scoped3A, %dma_wait3A_79, %dma_wait3A_80] : memref<2x128x128xf32, #tpu.memory_space<hbm>> -> memref<1x128x128xf32, #tpu.memory_space<hbm>>
      %dma_wait3A_82 = tpu.memref_squeeze %dma_wait3A_81 : memref<1x128x128xf32, #tpu.memory_space<hbm>> -> memref<128x128xf32, #tpu.memory_space<hbm>>
      tpu.wait_dma2 semaphore(%run_scoped3A_67 : memref<!tpu.dma_semaphore, #tpu.memory_space<semaphore_mem>>) src(%dma_wait3A_82 : memref<128x128xf32, #tpu.memory_space<hbm>>) dst(%arg11 : memref<128x128xf32, #tpu.memory_space<vmem>>)
      tpu.yield
    }) : () -> ()
    %mul3A = arith.constant 320 : i32
    %mul3A_0 = arith.muli %arg1, %mul3A : i32
    "tpu.region"() ({
      %run_scoped3A_67 = tpu.sem_alloc : memref<!tpu.dma_semaphore, #tpu.memory_space<semaphore_mem>>
      %dma_start3A_68 = arith.constant 0 : i32
      %dma_start3A_69 = tpu.memref_slice %arg13[%mul3A_0, %dma_start3A_68] : memref<5120x128xf32, #tpu.memory_space<vmem_shared>> -> memref<128x128xf32, #tpu.memory_space<vmem_shared>>
      %dma_start3A_70 = arith.constant 0 : i32
      %dma_start3A_71 = tpu.memref_slice %arg13[%mul3A_0, %dma_start3A_70] : memref<5120x128xf32, #tpu.memory_space<vmem_shared>> -> memref<128x128xf32, #tpu.memory_space<vmem_shared>>
      tpu.enqueue_dma source(%arg11 : memref<128x128xf32, #tpu.memory_space<vmem>>) target(%dma_start3A_71 : memref<128x128xf32, #tpu.memory_space<vmem_shared>>) target_semaphore(%run_scoped3A_67 : memref<!tpu.dma_semaphore, #tpu.memory_space<semaphore_mem>>)
      %dma_wait3A = arith.constant 0 : i32
      %dma_wait3A_72 = tpu.memref_slice %arg13[%mul3A_0, %dma_wait3A] : memref<5120x128xf32, #tpu.memory_space<vmem_shared>> -> memref<128x128xf32, #tpu.memory_space<vmem_shared>>
      %dma_wait3A_73 = arith.constant 0 : i32
      %dma_wait3A_74 = tpu.memref_slice %arg13[%mul3A_0, %dma_wait3A_73] : memref<5120x128xf32, #tpu.memory_space<vmem_shared>> -> memref<128x128xf32, #tpu.memory_space<vmem_shared>>
      tpu.wait_dma2 semaphore(%run_scoped3A_67 : memref<!tpu.dma_semaphore, #tpu.memory_space<semaphore_mem>>) src(%arg11 : memref<128x128xf32, #tpu.memory_space<vmem>>) dst(%dma_wait3A_74 : memref<128x128xf32, #tpu.memory_space<vmem_shared>>)
      tpu.yield
    }) : () -> ()
    %mul3A_1 = arith.constant 320 : i32
    %mul3A_2 = arith.muli %arg1, %mul3A_1 : i32
    %add3A = arith.constant 128 : i32
    %add3A_3 = arith.addi %mul3A_2, %add3A : i32
    "tpu.region"() ({
      %run_scoped3A_67 = tpu.sem_alloc : memref<!tpu.dma_semaphore, #tpu.memory_space<semaphore_mem>>
      %dma_start3A_68 = arith.constant 0 : i32
      %dma_start3A_69 = tpu.memref_slice %arg13[%add3A_3, %dma_start3A_68] : memref<5120x128xf32, #tpu.memory_space<vmem_shared>> -> memref<128x128xf32, #tpu.memory_space<vmem_shared>>
      %dma_start3A_70 = arith.constant 0 : i32
      %dma_start3A_71 = tpu.memref_slice %arg13[%add3A_3, %dma_start3A_70] : memref<5120x128xf32, #tpu.memory_space<vmem_shared>> -> memref<128x128xf32, #tpu.memory_space<vmem_shared>>
      tpu.enqueue_dma source(%arg11 : memref<128x128xf32, #tpu.memory_space<vmem>>) target(%dma_start3A_71 : memref<128x128xf32, #tpu.memory_space<vmem_shared>>) target_semaphore(%run_scoped3A_67 : memref<!tpu.dma_semaphore, #tpu.memory_space<semaphore_mem>>)
      %dma_wait3A = arith.constant 0 : i32
      %dma_wait3A_72 = tpu.memref_slice %arg13[%add3A_3, %dma_wait3A] : memref<5120x128xf32, #tpu.memory_space<vmem_shared>> -> memref<128x128xf32, #tpu.memory_space<vmem_shared>>
      %dma_wait3A_73 = arith.constant 0 : i32
      %dma_wait3A_74 = tpu.memref_slice %arg13[%add3A_3, %dma_wait3A_73] : memref<5120x128xf32, #tpu.memory_space<vmem_shared>> -> memref<128x128xf32, #tpu.memory_space<vmem_shared>>
      tpu.wait_dma2 semaphore(%run_scoped3A_67 : memref<!tpu.dma_semaphore, #tpu.memory_space<semaphore_mem>>) src(%arg11 : memref<128x128xf32, #tpu.memory_space<vmem>>) dst(%dma_wait3A_74 : memref<128x128xf32, #tpu.memory_space<vmem_shared>>)
      tpu.yield
    }) : () -> ()
    %mul3A_4 = arith.constant 320 : i32
    %mul3A_5 = arith.muli %arg1, %mul3A_4 : i32
    %add3A_6 = arith.constant 256 : i32
    %add3A_7 = arith.addi %mul3A_5, %add3A_6 : i32
    "tpu.region"() ({
      %run_scoped3A_67 = tpu.sem_alloc : memref<!tpu.dma_semaphore, #tpu.memory_space<semaphore_mem>>
      %dma_start3A_68 = arith.constant 0 : i32
      %dma_start3A_69 = arith.constant 0 : i32
      %dma_start3A_70 = tpu.memref_slice %arg11[%dma_start3A_68, %dma_start3A_69] : memref<128x128xf32, #tpu.memory_space<vmem>> -> memref<64x128xf32, #tpu.memory_space<vmem>>
      %dma_start3A_71 = arith.constant 0 : i32
      %dma_start3A_72 = tpu.memref_slice %arg13[%add3A_7, %dma_start3A_71] : memref<5120x128xf32, #tpu.memory_space<vmem_shared>> -> memref<64x128xf32, #tpu.memory_space<vmem_shared>>
      %dma_start3A_73 = arith.constant 0 : i32
      %dma_start3A_74 = tpu.memref_slice %arg13[%add3A_7, %dma_start3A_73] : memref<5120x128xf32, #tpu.memory_space<vmem_shared>> -> memref<64x128xf32, #tpu.memory_space<vmem_shared>>
      %dma_start3A_75 = arith.constant 0 : i32
      %dma_start3A_76 = arith.constant 0 : i32
      %dma_start3A_77 = tpu.memref_slice %arg11[%dma_start3A_75, %dma_start3A_76] : memref<128x128xf32, #tpu.memory_space<vmem>> -> memref<64x128xf32, #tpu.memory_space<vmem>>
      tpu.enqueue_dma source(%dma_start3A_77 : memref<64x128xf32, #tpu.memory_space<vmem>>) target(%dma_start3A_74 : memref<64x128xf32, #tpu.memory_space<vmem_shared>>) target_semaphore(%run_scoped3A_67 : memref<!tpu.dma_semaphore, #tpu.memory_space<semaphore_mem>>)
      %dma_wait3A = arith.constant 0 : i32
      %dma_wait3A_78 = arith.constant 0 : i32
      %dma_wait3A_79 = tpu.memref_slice %arg11[%dma_wait3A, %dma_wait3A_78] : memref<128x128xf32, #tpu.memory_space<vmem>> -> memref<64x128xf32, #tpu.memory_space<vmem>>
      %dma_wait3A_80 = arith.constant 0 : i32
      %dma_wait3A_81 = tpu.memref_slice %arg13[%add3A_7, %dma_wait3A_80] : memref<5120x128xf32, #tpu.memory_space<vmem_shared>> -> memref<64x128xf32, #tpu.memory_space<vmem_shared>>
      %dma_wait3A_82 = arith.constant 0 : i32
      %dma_wait3A_83 = tpu.memref_slice %arg13[%add3A_7, %dma_wait3A_82] : memref<5120x128xf32, #tpu.memory_space<vmem_shared>> -> memref<64x128xf32, #tpu.memory_space<vmem_shared>>
      %dma_wait3A_84 = arith.constant 0 : i32
      %dma_wait3A_85 = arith.constant 0 : i32
      %dma_wait3A_86 = tpu.memref_slice %arg11[%dma_wait3A_84, %dma_wait3A_85] : memref<128x128xf32, #tpu.memory_space<vmem>> -> memref<64x128xf32, #tpu.memory_space<vmem>>
      tpu.wait_dma2 semaphore(%run_scoped3A_67 : memref<!tpu.dma_semaphore, #tpu.memory_space<semaphore_mem>>) src(%dma_wait3A_86 : memref<64x128xf32, #tpu.memory_space<vmem>>) dst(%dma_wait3A_83 : memref<64x128xf32, #tpu.memory_space<vmem_shared>>)
      tpu.yield
    }) : () -> ()
    "tpu.region"() ({
      %run_scoped3A_67 = tpu.sem_alloc : memref<!tpu.dma_semaphore, #tpu.memory_space<semaphore_mem>>
      %dma_start3A_68 = arith.constant 0 : i32
      %dma_start3A_69 = arith.constant 0 : i32
      %dma_start3A_70 = tpu.memref_slice %arg4[%arg0, %arg1, %dma_start3A_68, %dma_start3A_69] : memref<2x16x160x128xi32, #tpu.memory_space<hbm>> -> memref<1x1x160x128xi32, #tpu.memory_space<hbm>>
      %dma_start3A_71 = tpu.memref_squeeze %dma_start3A_70 : memref<1x1x160x128xi32, #tpu.memory_space<hbm>> -> memref<160x128xi32, #tpu.memory_space<hbm>>
      %dma_start3A_72 = arith.constant 0 : i32
      %dma_start3A_73 = arith.constant 0 : i32
      %dma_start3A_74 = tpu.memref_slice %arg4[%arg0, %arg1, %dma_start3A_72, %dma_start3A_73] : memref<2x16x160x128xi32, #tpu.memory_space<hbm>> -> memref<1x1x160x128xi32, #tpu.memory_space<hbm>>
      %dma_start3A_75 = tpu.memref_squeeze %dma_start3A_74 : memref<1x1x160x128xi32, #tpu.memory_space<hbm>> -> memref<160x128xi32, #tpu.memory_space<hbm>>
      tpu.enqueue_dma source(%dma_start3A_75 : memref<160x128xi32, #tpu.memory_space<hbm>>) target(%arg8 : memref<160x128xi32, #tpu.memory_space<vmem>>) target_semaphore(%run_scoped3A_67 : memref<!tpu.dma_semaphore, #tpu.memory_space<semaphore_mem>>)
      %dma_wait3A = arith.constant 0 : i32
      %dma_wait3A_76 = arith.constant 0 : i32
      %dma_wait3A_77 = tpu.memref_slice %arg4[%arg0, %arg1, %dma_wait3A, %dma_wait3A_76] : memref<2x16x160x128xi32, #tpu.memory_space<hbm>> -> memref<1x1x160x128xi32, #tpu.memory_space<hbm>>
      %dma_wait3A_78 = tpu.memref_squeeze %dma_wait3A_77 : memref<1x1x160x128xi32, #tpu.memory_space<hbm>> -> memref<160x128xi32, #tpu.memory_space<hbm>>
      %dma_wait3A_79 = arith.constant 0 : i32
      %dma_wait3A_80 = arith.constant 0 : i32
      %dma_wait3A_81 = tpu.memref_slice %arg4[%arg0, %arg1, %dma_wait3A_79, %dma_wait3A_80] : memref<2x16x160x128xi32, #tpu.memory_space<hbm>> -> memref<1x1x160x128xi32, #tpu.memory_space<hbm>>
      %dma_wait3A_82 = tpu.memref_squeeze %dma_wait3A_81 : memref<1x1x160x128xi32, #tpu.memory_space<hbm>> -> memref<160x128xi32, #tpu.memory_space<hbm>>
      tpu.wait_dma2 semaphore(%run_scoped3A_67 : memref<!tpu.dma_semaphore, #tpu.memory_space<semaphore_mem>>) src(%dma_wait3A_82 : memref<160x128xi32, #tpu.memory_space<hbm>>) dst(%arg8 : memref<160x128xi32, #tpu.memory_space<vmem>>)
      tpu.yield
    }) : () -> ()
    "tpu.region"() ({
      %run_scoped3A_67 = tpu.sem_alloc : memref<!tpu.dma_semaphore, #tpu.memory_space<semaphore_mem>>
      %dma_start3A_68 = arith.constant 0 : i32
      %dma_start3A_69 = arith.constant 0 : i32
      %dma_start3A_70 = tpu.memref_slice %arg5[%arg0, %arg1, %dma_start3A_68, %dma_start3A_69] : memref<2x16x160x128xi32, #tpu.memory_space<hbm>> -> memref<1x1x160x128xi32, #tpu.memory_space<hbm>>
      %dma_start3A_71 = tpu.memref_squeeze %dma_start3A_70 : memref<1x1x160x128xi32, #tpu.memory_space<hbm>> -> memref<160x128xi32, #tpu.memory_space<hbm>>
      %dma_start3A_72 = arith.constant 0 : i32
      %dma_start3A_73 = arith.constant 0 : i32
      %dma_start3A_74 = tpu.memref_slice %arg5[%arg0, %arg1, %dma_start3A_72, %dma_start3A_73] : memref<2x16x160x128xi32, #tpu.memory_space<hbm>> -> memref<1x1x160x128xi32, #tpu.memory_space<hbm>>
      %dma_start3A_75 = tpu.memref_squeeze %dma_start3A_74 : memref<1x1x160x128xi32, #tpu.memory_space<hbm>> -> memref<160x128xi32, #tpu.memory_space<hbm>>
      tpu.enqueue_dma source(%dma_start3A_75 : memref<160x128xi32, #tpu.memory_space<hbm>>) target(%arg9 : memref<160x128xi32, #tpu.memory_space<vmem>>) target_semaphore(%run_scoped3A_67 : memref<!tpu.dma_semaphore, #tpu.memory_space<semaphore_mem>>)
      %dma_wait3A = arith.constant 0 : i32
      %dma_wait3A_76 = arith.constant 0 : i32
      %dma_wait3A_77 = tpu.memref_slice %arg5[%arg0, %arg1, %dma_wait3A, %dma_wait3A_76] : memref<2x16x160x128xi32, #tpu.memory_space<hbm>> -> memref<1x1x160x128xi32, #tpu.memory_space<hbm>>
      %dma_wait3A_78 = tpu.memref_squeeze %dma_wait3A_77 : memref<1x1x160x128xi32, #tpu.memory_space<hbm>> -> memref<160x128xi32, #tpu.memory_space<hbm>>
      %dma_wait3A_79 = arith.constant 0 : i32
      %dma_wait3A_80 = arith.constant 0 : i32
      %dma_wait3A_81 = tpu.memref_slice %arg5[%arg0, %arg1, %dma_wait3A_79, %dma_wait3A_80] : memref<2x16x160x128xi32, #tpu.memory_space<hbm>> -> memref<1x1x160x128xi32, #tpu.memory_space<hbm>>
      %dma_wait3A_82 = tpu.memref_squeeze %dma_wait3A_81 : memref<1x1x160x128xi32, #tpu.memory_space<hbm>> -> memref<160x128xi32, #tpu.memory_space<hbm>>
      tpu.wait_dma2 semaphore(%run_scoped3A_67 : memref<!tpu.dma_semaphore, #tpu.memory_space<semaphore_mem>>) src(%dma_wait3A_82 : memref<160x128xi32, #tpu.memory_space<hbm>>) dst(%arg9 : memref<160x128xi32, #tpu.memory_space<vmem>>)
      tpu.yield
    }) : () -> ()
    "tpu.region"() ({
      %run_scoped3A_67 = tpu.sem_alloc : memref<!tpu.dma_semaphore, #tpu.memory_space<semaphore_mem>>
      %dma_start3A_68 = arith.constant 0 : i32
      %dma_start3A_69 = arith.constant 0 : i32
      %dma_start3A_70 = tpu.memref_slice %arg6[%arg0, %arg1, %dma_start3A_68, %dma_start3A_69] : memref<2x16x1x128xi32, #tpu.memory_space<hbm>> -> memref<1x1x1x128xi32, #tpu.memory_space<hbm>>
      %dma_start3A_71 = tpu.memref_squeeze %dma_start3A_70 : memref<1x1x1x128xi32, #tpu.memory_space<hbm>> -> memref<1x128xi32, #tpu.memory_space<hbm>>
      %dma_start3A_72 = arith.constant 0 : i32
      %dma_start3A_73 = arith.constant 0 : i32
      %dma_start3A_74 = tpu.memref_slice %arg6[%arg0, %arg1, %dma_start3A_72, %dma_start3A_73] : memref<2x16x1x128xi32, #tpu.memory_space<hbm>> -> memref<1x1x1x128xi32, #tpu.memory_space<hbm>>
      %dma_start3A_75 = tpu.memref_squeeze %dma_start3A_74 : memref<1x1x1x128xi32, #tpu.memory_space<hbm>> -> memref<1x128xi32, #tpu.memory_space<hbm>>
      tpu.enqueue_dma source(%dma_start3A_75 : memref<1x128xi32, #tpu.memory_space<hbm>>) target(%arg10 : memref<1x128xi32, #tpu.memory_space<vmem>>) target_semaphore(%run_scoped3A_67 : memref<!tpu.dma_semaphore, #tpu.memory_space<semaphore_mem>>)
      %dma_wait3A = arith.constant 0 : i32
      %dma_wait3A_76 = arith.constant 0 : i32
      %dma_wait3A_77 = tpu.memref_slice %arg6[%arg0, %arg1, %dma_wait3A, %dma_wait3A_76] : memref<2x16x1x128xi32, #tpu.memory_space<hbm>> -> memref<1x1x1x128xi32, #tpu.memory_space<hbm>>
      %dma_wait3A_78 = tpu.memref_squeeze %dma_wait3A_77 : memref<1x1x1x128xi32, #tpu.memory_space<hbm>> -> memref<1x128xi32, #tpu.memory_space<hbm>>
      %dma_wait3A_79 = arith.constant 0 : i32
      %dma_wait3A_80 = arith.constant 0 : i32
      %dma_wait3A_81 = tpu.memref_slice %arg6[%arg0, %arg1, %dma_wait3A_79, %dma_wait3A_80] : memref<2x16x1x128xi32, #tpu.memory_space<hbm>> -> memref<1x1x1x128xi32, #tpu.memory_space<hbm>>
      %dma_wait3A_82 = tpu.memref_squeeze %dma_wait3A_81 : memref<1x1x1x128xi32, #tpu.memory_space<hbm>> -> memref<1x128xi32, #tpu.memory_space<hbm>>
      tpu.wait_dma2 semaphore(%run_scoped3A_67 : memref<!tpu.dma_semaphore, #tpu.memory_space<semaphore_mem>>) src(%dma_wait3A_82 : memref<1x128xi32, #tpu.memory_space<hbm>>) dst(%arg10 : memref<1x128xi32, #tpu.memory_space<vmem>>)
      tpu.yield
    }) : () -> ()
    %get3A = arith.constant 0 : i32
    %get3A_8 = arith.index_cast %get3A : i32 to index
    %get3A_9 = arith.constant 0 : index
    %get3A_10 = tpu.vector_load %arg10[%get3A_8, %get3A_9] {strides = array<i32>} : memref<1x128xi32, #tpu.memory_space<vmem>>, vector<16xi32>,
    %reduce_max3A = arith.constant true
    %reduce_max3A_11 = vector.broadcast %reduce_max3A : i1 to vector<16xi1>
    %reduce_max3A_12 = arith.constant -2147483648 : i32
    %reduce_max3A_13 = vector.broadcast %reduce_max3A_12 : i32 to vector<16xi32>
    %reduce_max3A_14 = arith.xori %get3A_10, %reduce_max3A_13 : vector<16xi32>
    %reduce_max3A_15 = tpu.scan <max>, %reduce_max3A_14 masked %reduce_max3A_11 : vector<16xi32>, vector<16xi1> -> vector<16xi32>
    %reduce_max3A_16 = arith.xori %reduce_max3A_15, %reduce_max3A_13 : vector<16xi32>
    %reduce_max3A_17 = vector.extract %reduce_max3A_16[15] : i32 from vector<16xi32>
    %barrier3A = arith.constant 0 : index
    tpu.barrier barrier_id(%barrier3A)
    %dma_start3A = arith.constant 0 : i32
    %dma_start3A_18 = arith.constant 0 : i32
    %dma_start3A_19 = tpu.memref_slice %arg8[%dma_start3A, %dma_start3A_18] : memref<160x128xi32, #tpu.memory_space<vmem>> -> memref<1x128xi32, #tpu.memory_space<vmem>>
    %dma_start3A_20 = tpu.memref_squeeze %dma_start3A_19 : memref<1x128xi32, #tpu.memory_space<vmem>> -> memref<128xi32, #tpu.memory_space<vmem>>
    %dma_start3A_21 = arith.constant 0 : i32
    %dma_start3A_22 = arith.constant 0 : i32
    %dma_start3A_23 = tpu.memref_slice %arg2[%dma_start3A_21, %dma_start3A_22] : memref<10000x128xf32, #tpu.memory_space<hbm>> -> memref<10000x128xf32, #tpu.memory_space<hbm>>
    tpu.enqueue_indirect_dma source(%dma_start3A_23 : memref<10000x128xf32, #tpu.memory_space<hbm>>) target(%arg11 : memref<128x128xf32, #tpu.memory_space<vmem>>) offsets(%dma_start3A_20 : memref<128xi32, #tpu.memory_space<vmem>>) semaphore(%arg14 : memref<!tpu.dma_semaphore, #tpu.memory_space<semaphore_mem>>)
    %dma_start3A_24 = arith.constant 1 : i32
    %dma_start3A_25 = arith.constant 0 : i32
    %dma_start3A_26 = tpu.memref_slice %arg8[%dma_start3A_24, %dma_start3A_25] : memref<160x128xi32, #tpu.memory_space<vmem>> -> memref<1x128xi32, #tpu.memory_space<vmem>>
    %dma_start3A_27 = tpu.memref_squeeze %dma_start3A_26 : memref<1x128xi32, #tpu.memory_space<vmem>> -> memref<128xi32, #tpu.memory_space<vmem>>
    %dma_start3A_28 = arith.constant 0 : i32
    %dma_start3A_29 = arith.constant 0 : i32
    %dma_start3A_30 = tpu.memref_slice %arg2[%dma_start3A_28, %dma_start3A_29] : memref<10000x128xf32, #tpu.memory_space<hbm>> -> memref<10000x128xf32, #tpu.memory_space<hbm>>
    tpu.enqueue_indirect_dma source(%dma_start3A_30 : memref<10000x128xf32, #tpu.memory_space<hbm>>) target(%arg12 : memref<128x128xf32, #tpu.memory_space<vmem>>) offsets(%dma_start3A_27 : memref<128xi32, #tpu.memory_space<vmem>>) semaphore(%arg15 : memref<!tpu.dma_semaphore, #tpu.memory_space<semaphore_mem>>)
    %jit3A = arith.constant 2 : i32
    %div3A = arith.divsi %reduce_max3A_17, %jit3A : i32
    %sign3A = arith.constant 0 : i32
    %sign3A_31 = arith.cmpi sgt, %reduce_max3A_17, %sign3A : i32
    %sign3A_32 = arith.extui %sign3A_31 : i1 to i32
    %sign3A_33 = arith.constant 0 : i32
    %sign3A_34 = arith.cmpi slt, %reduce_max3A_17, %sign3A_33 : i32
    %sign3A_35 = arith.extui %sign3A_34 : i1 to i32
    %sign3A_36 = arith.subi %sign3A_32, %sign3A_35 : i32
    %sign3A_37 = arith.constant 0 : i32
    %sign3A_38 = arith.cmpi sgt, %jit3A, %sign3A_37 : i32
    %sign3A_39 = arith.extui %sign3A_38 : i1 to i32
    %sign3A_40 = arith.constant 0 : i32
    %sign3A_41 = arith.cmpi slt, %jit3A, %sign3A_40 : i32
    %sign3A_42 = arith.extui %sign3A_41 : i1 to i32
    %sign3A_43 = arith.subi %sign3A_39, %sign3A_42 : i32
    %ne3A = arith.cmpi ne, %sign3A_36, %sign3A_43 : i32
    %rem3A = arith.remsi %reduce_max3A_17, %jit3A : i32
    %ne3A_44 = arith.constant 0 : i32
    %ne3A_45 = arith.cmpi ne, %rem3A, %ne3A_44 : i32
    %and3A = arith.andi %ne3A, %ne3A_45 : i1
    %sub3A = arith.constant 1 : i32
    %sub3A_46 = arith.subi %div3A, %sub3A : i32
    %select_n3A = arith.select %and3A, %sub3A_46, %div3A : i32
    %while3A = arith.constant 0 : i32
    %while3A_47 = arith.constant 0 : i32
    %while3A_48 = arith.subi %select_n3A, %while3A : i32
    %while3A_49 = arith.addi %while3A, %while3A_48 : i32
    %while3A_50 = arith.constant 1 : i32
    %while3A_51 = arith.divsi %while3A_48, %while3A_50 : i32
    %while3A_52 = arith.muli %while3A_51, %while3A_50 : i32
    %while3A_53 = arith.addi %while3A, %while3A_52 : i32
    %while3A_54 = arith.constant 1 : i32
    %while3A_55 = scf.for %while3A_67 = %while3A to %while3A_53 step %while3A_54 iter_args(%while3A_68 = %while3A_47) -> (i32)  : i32 {
      %mul3A_69 = arith.constant 2 : i32
      %mul3A_70 = arith.muli %mul3A_69, %while3A_67 : i32
      %dma_wait3A = arith.constant 0 : i32
      %dma_wait3A_71 = tpu.memref_slice %arg8[%mul3A_70, %dma_wait3A] : memref<160x128xi32, #tpu.memory_space<vmem>> -> memref<1x128xi32, #tpu.memory_space<vmem>>
      %dma_wait3A_72 = tpu.memref_squeeze %dma_wait3A_71 : memref<1x128xi32, #tpu.memory_space<vmem>> -> memref<128xi32, #tpu.memory_space<vmem>>
      %dma_wait3A_73 = arith.constant 0 : i32
      %dma_wait3A_74 = arith.constant 0 : i32
      %dma_wait3A_75 = tpu.memref_slice %arg2[%dma_wait3A_73, %dma_wait3A_74] : memref<10000x128xf32, #tpu.memory_space<hbm>> -> memref<10000x128xf32, #tpu.memory_space<hbm>>
      tpu.wait_indirect_dma semaphore(%arg14 : memref<!tpu.dma_semaphore, #tpu.memory_space<semaphore_mem>>) src(%dma_wait3A_75 : memref<10000x128xf32, #tpu.memory_space<hbm>>) dst(%arg11 : memref<128x128xf32, #tpu.memory_space<vmem>>)
      "tpu.region"() ({
        %run_scoped3A_96 = tpu.sem_alloc : memref<!tpu.dma_semaphore, #tpu.memory_space<semaphore_mem>>
        %dma_start3A_97 = arith.constant 0 : i32
        %dma_start3A_98 = tpu.memref_slice %arg9[%mul3A_70, %dma_start3A_97] : memref<160x128xi32, #tpu.memory_space<vmem>> -> memref<1x128xi32, #tpu.memory_space<vmem>>
        %dma_start3A_99 = tpu.memref_squeeze %dma_start3A_98 : memref<1x128xi32, #tpu.memory_space<vmem>> -> memref<128xi32, #tpu.memory_space<vmem>>
        %dma_start3A_100 = arith.constant 0 : i32
        %dma_start3A_101 = arith.constant 0 : i32
        %dma_start3A_102 = tpu.memref_slice %arg13[%dma_start3A_100, %dma_start3A_101] : memref<5120x128xf32, #tpu.memory_space<vmem_shared>> -> memref<5120x128xf32, #tpu.memory_space<vmem_shared>>
        tpu.enqueue_indirect_dma source(%arg11 : memref<128x128xf32, #tpu.memory_space<vmem>>) target(%dma_start3A_102 : memref<5120x128xf32, #tpu.memory_space<vmem_shared>>) offsets(%dma_start3A_99 : memref<128xi32, #tpu.memory_space<vmem>>) semaphore(%run_scoped3A_96 : memref<!tpu.dma_semaphore, #tpu.memory_space<semaphore_mem>>) {add = true}
        %dma_wait3A_103 = arith.constant 0 : i32
        %dma_wait3A_104 = tpu.memref_slice %arg9[%mul3A_70, %dma_wait3A_103] : memref<160x128xi32, #tpu.memory_space<vmem>> -> memref<1x128xi32, #tpu.memory_space<vmem>>
        %dma_wait3A_105 = tpu.memref_squeeze %dma_wait3A_104 : memref<1x128xi32, #tpu.memory_space<vmem>> -> memref<128xi32, #tpu.memory_space<vmem>>
        %dma_wait3A_106 = arith.constant 0 : i32
        %dma_wait3A_107 = arith.constant 0 : i32
        %dma_wait3A_108 = tpu.memref_slice %arg13[%dma_wait3A_106, %dma_wait3A_107] : memref<5120x128xf32, #tpu.memory_space<vmem_shared>> -> memref<5120x128xf32, #tpu.memory_space<vmem_shared>>
        tpu.wait_indirect_dma semaphore(%run_scoped3A_96 : memref<!tpu.dma_semaphore, #tpu.memory_space<semaphore_mem>>) src(%arg11 : memref<128x128xf32, #tpu.memory_space<vmem>>) dst(%dma_wait3A_108 : memref<5120x128xf32, #tpu.memory_space<vmem_shared>>)
        tpu.yield
      }) : () -> ()
      %add3A_76 = arith.constant 2 : i32
      %add3A_77 = arith.addi %mul3A_70, %add3A_76 : i32
      %lt3A = arith.cmpi slt, %add3A_77, %reduce_max3A_17 : i32
      %convert_element_type3A = arith.extui %lt3A : i1 to i32
      %cond3A = arith.constant 0 : i32
      %cond3A_78 = arith.cmpi ne, %convert_element_type3A, %cond3A : i32
      scf.if %cond3A_78 {
        %add3A_96 = arith.constant 2 : i32
        %add3A_97 = arith.addi %mul3A_70, %add3A_96 : i32
        %dma_start3A_98 = arith.constant 0 : i32
        %dma_start3A_99 = tpu.memref_slice %arg8[%add3A_97, %dma_start3A_98] : memref<160x128xi32, #tpu.memory_space<vmem>> -> memref<1x128xi32, #tpu.memory_space<vmem>>
        %dma_start3A_100 = tpu.memref_squeeze %dma_start3A_99 : memref<1x128xi32, #tpu.memory_space<vmem>> -> memref<128xi32, #tpu.memory_space<vmem>>
        %dma_start3A_101 = arith.constant 0 : i32
        %dma_start3A_102 = arith.constant 0 : i32
        %dma_start3A_103 = tpu.memref_slice %arg2[%dma_start3A_101, %dma_start3A_102] : memref<10000x128xf32, #tpu.memory_space<hbm>> -> memref<10000x128xf32, #tpu.memory_space<hbm>>
        tpu.enqueue_indirect_dma source(%dma_start3A_103 : memref<10000x128xf32, #tpu.memory_space<hbm>>) target(%arg11 : memref<128x128xf32, #tpu.memory_space<vmem>>) offsets(%dma_start3A_100 : memref<128xi32, #tpu.memory_space<vmem>>) semaphore(%arg14 : memref<!tpu.dma_semaphore, #tpu.memory_space<semaphore_mem>>)
      } else {
      }
      %add3A_79 = arith.constant 1 : i32
      %add3A_80 = arith.addi %mul3A_70, %add3A_79 : i32
      %dma_wait3A_81 = arith.constant 0 : i32
      %dma_wait3A_82 = tpu.memref_slice %arg8[%add3A_80, %dma_wait3A_81] : memref<160x128xi32, #tpu.memory_space<vmem>> -> memref<1x128xi32, #tpu.memory_space<vmem>>
      %dma_wait3A_83 = tpu.memref_squeeze %dma_wait3A_82 : memref<1x128xi32, #tpu.memory_space<vmem>> -> memref<128xi32, #tpu.memory_space<vmem>>
      %dma_wait3A_84 = arith.constant 0 : i32
      %dma_wait3A_85 = arith.constant 0 : i32
      %dma_wait3A_86 = tpu.memref_slice %arg2[%dma_wait3A_84, %dma_wait3A_85] : memref<10000x128xf32, #tpu.memory_space<hbm>> -> memref<10000x128xf32, #tpu.memory_space<hbm>>
      tpu.wait_indirect_dma semaphore(%arg15 : memref<!tpu.dma_semaphore, #tpu.memory_space<semaphore_mem>>) src(%dma_wait3A_86 : memref<10000x128xf32, #tpu.memory_space<hbm>>) dst(%arg12 : memref<128x128xf32, #tpu.memory_space<vmem>>)
      %add3A_87 = arith.constant 1 : i32
      %add3A_88 = arith.addi %mul3A_70, %add3A_87 : i32
      "tpu.region"() ({
        %run_scoped3A_96 = tpu.sem_alloc : memref<!tpu.dma_semaphore, #tpu.memory_space<semaphore_mem>>
        %dma_start3A_97 = arith.constant 0 : i32
        %dma_start3A_98 = tpu.memref_slice %arg9[%add3A_88, %dma_start3A_97] : memref<160x128xi32, #tpu.memory_space<vmem>> -> memref<1x128xi32, #tpu.memory_space<vmem>>
        %dma_start3A_99 = tpu.memref_squeeze %dma_start3A_98 : memref<1x128xi32, #tpu.memory_space<vmem>> -> memref<128xi32, #tpu.memory_space<vmem>>
        %dma_start3A_100 = arith.constant 0 : i32
        %dma_start3A_101 = arith.constant 0 : i32
        %dma_start3A_102 = tpu.memref_slice %arg13[%dma_start3A_100, %dma_start3A_101] : memref<5120x128xf32, #tpu.memory_space<vmem_shared>> -> memref<5120x128xf32, #tpu.memory_space<vmem_shared>>
        tpu.enqueue_indirect_dma source(%arg12 : memref<128x128xf32, #tpu.memory_space<vmem>>) target(%dma_start3A_102 : memref<5120x128xf32, #tpu.memory_space<vmem_shared>>) offsets(%dma_start3A_99 : memref<128xi32, #tpu.memory_space<vmem>>) semaphore(%run_scoped3A_96 : memref<!tpu.dma_semaphore, #tpu.memory_space<semaphore_mem>>) {add = true}
        %dma_wait3A_103 = arith.constant 0 : i32
        %dma_wait3A_104 = tpu.memref_slice %arg9[%add3A_88, %dma_wait3A_103] : memref<160x128xi32, #tpu.memory_space<vmem>> -> memref<1x128xi32, #tpu.memory_space<vmem>>
        %dma_wait3A_105 = tpu.memref_squeeze %dma_wait3A_104 : memref<1x128xi32, #tpu.memory_space<vmem>> -> memref<128xi32, #tpu.memory_space<vmem>>
        %dma_wait3A_106 = arith.constant 0 : i32
        %dma_wait3A_107 = arith.constant 0 : i32
        %dma_wait3A_108 = tpu.memref_slice %arg13[%dma_wait3A_106, %dma_wait3A_107] : memref<5120x128xf32, #tpu.memory_space<vmem_shared>> -> memref<5120x128xf32, #tpu.memory_space<vmem_shared>>
        tpu.wait_indirect_dma semaphore(%run_scoped3A_96 : memref<!tpu.dma_semaphore, #tpu.memory_space<semaphore_mem>>) src(%arg12 : memref<128x128xf32, #tpu.memory_space<vmem>>) dst(%dma_wait3A_108 : memref<5120x128xf32, #tpu.memory_space<vmem_shared>>)
        tpu.yield
      }) : () -> ()
      %add3A_89 = arith.constant 3 : i32
      %add3A_90 = arith.addi %mul3A_70, %add3A_89 : i32
      %lt3A_91 = arith.cmpi slt, %add3A_90, %reduce_max3A_17 : i32
      %convert_element_type3A_92 = arith.extui %lt3A_91 : i1 to i32
      %cond3A_93 = arith.constant 0 : i32
      %cond3A_94 = arith.cmpi ne, %convert_element_type3A_92, %cond3A_93 : i32
      scf.if %cond3A_94 {
        %add3A_96 = arith.constant 3 : i32
        %add3A_97 = arith.addi %mul3A_70, %add3A_96 : i32
        %dma_start3A_98 = arith.constant 0 : i32
        %dma_start3A_99 = tpu.memref_slice %arg8[%add3A_97, %dma_start3A_98] : memref<160x128xi32, #tpu.memory_space<vmem>> -> memref<1x128xi32, #tpu.memory_space<vmem>>
        %dma_start3A_100 = tpu.memref_squeeze %dma_start3A_99 : memref<1x128xi32, #tpu.memory_space<vmem>> -> memref<128xi32, #tpu.memory_space<vmem>>
        %dma_start3A_101 = arith.constant 0 : i32
        %dma_start3A_102 = arith.constant 0 : i32
        %dma_start3A_103 = tpu.memref_slice %arg2[%dma_start3A_101, %dma_start3A_102] : memref<10000x128xf32, #tpu.memory_space<hbm>> -> memref<10000x128xf32, #tpu.memory_space<hbm>>
        tpu.enqueue_indirect_dma source(%dma_start3A_103 : memref<10000x128xf32, #tpu.memory_space<hbm>>) target(%arg12 : memref<128x128xf32, #tpu.memory_space<vmem>>) offsets(%dma_start3A_100 : memref<128xi32, #tpu.memory_space<vmem>>) semaphore(%arg15 : memref<!tpu.dma_semaphore, #tpu.memory_space<semaphore_mem>>)
      } else {
      }
      %while3A_95 = arith.constant 0 : i32
      scf.yield %while3A_95 : i32
    }
    %while3A_56 = arith.constant 1 : i32
    %while3A_57 = scf.for %while3A_67 = %while3A_53 to %while3A_49 step %while3A_56 iter_args(%while3A_68 = %while3A_55) -> (i32)  : i32 {
      %mul3A_69 = arith.constant 2 : i32
      %mul3A_70 = arith.muli %mul3A_69, %while3A_67 : i32
      %dma_wait3A = arith.constant 0 : i32
      %dma_wait3A_71 = tpu.memref_slice %arg8[%mul3A_70, %dma_wait3A] : memref<160x128xi32, #tpu.memory_space<vmem>> -> memref<1x128xi32, #tpu.memory_space<vmem>>
      %dma_wait3A_72 = tpu.memref_squeeze %dma_wait3A_71 : memref<1x128xi32, #tpu.memory_space<vmem>> -> memref<128xi32, #tpu.memory_space<vmem>>
      %dma_wait3A_73 = arith.constant 0 : i32
      %dma_wait3A_74 = arith.constant 0 : i32
      %dma_wait3A_75 = tpu.memref_slice %arg2[%dma_wait3A_73, %dma_wait3A_74] : memref<10000x128xf32, #tpu.memory_space<hbm>> -> memref<10000x128xf32, #tpu.memory_space<hbm>>
      tpu.wait_indirect_dma semaphore(%arg14 : memref<!tpu.dma_semaphore, #tpu.memory_space<semaphore_mem>>) src(%dma_wait3A_75 : memref<10000x128xf32, #tpu.memory_space<hbm>>) dst(%arg11 : memref<128x128xf32, #tpu.memory_space<vmem>>)
      "tpu.region"() ({
        %run_scoped3A_96 = tpu.sem_alloc : memref<!tpu.dma_semaphore, #tpu.memory_space<semaphore_mem>>
        %dma_start3A_97 = arith.constant 0 : i32
        %dma_start3A_98 = tpu.memref_slice %arg9[%mul3A_70, %dma_start3A_97] : memref<160x128xi32, #tpu.memory_space<vmem>> -> memref<1x128xi32, #tpu.memory_space<vmem>>
        %dma_start3A_99 = tpu.memref_squeeze %dma_start3A_98 : memref<1x128xi32, #tpu.memory_space<vmem>> -> memref<128xi32, #tpu.memory_space<vmem>>
        %dma_start3A_100 = arith.constant 0 : i32
        %dma_start3A_101 = arith.constant 0 : i32
        %dma_start3A_102 = tpu.memref_slice %arg13[%dma_start3A_100, %dma_start3A_101] : memref<5120x128xf32, #tpu.memory_space<vmem_shared>> -> memref<5120x128xf32, #tpu.memory_space<vmem_shared>>
        tpu.enqueue_indirect_dma source(%arg11 : memref<128x128xf32, #tpu.memory_space<vmem>>) target(%dma_start3A_102 : memref<5120x128xf32, #tpu.memory_space<vmem_shared>>) offsets(%dma_start3A_99 : memref<128xi32, #tpu.memory_space<vmem>>) semaphore(%run_scoped3A_96 : memref<!tpu.dma_semaphore, #tpu.memory_space<semaphore_mem>>) {add = true}
        %dma_wait3A_103 = arith.constant 0 : i32
        %dma_wait3A_104 = tpu.memref_slice %arg9[%mul3A_70, %dma_wait3A_103] : memref<160x128xi32, #tpu.memory_space<vmem>> -> memref<1x128xi32, #tpu.memory_space<vmem>>
        %dma_wait3A_105 = tpu.memref_squeeze %dma_wait3A_104 : memref<1x128xi32, #tpu.memory_space<vmem>> -> memref<128xi32, #tpu.memory_space<vmem>>
        %dma_wait3A_106 = arith.constant 0 : i32
        %dma_wait3A_107 = arith.constant 0 : i32
        %dma_wait3A_108 = tpu.memref_slice %arg13[%dma_wait3A_106, %dma_wait3A_107] : memref<5120x128xf32, #tpu.memory_space<vmem_shared>> -> memref<5120x128xf32, #tpu.memory_space<vmem_shared>>
        tpu.wait_indirect_dma semaphore(%run_scoped3A_96 : memref<!tpu.dma_semaphore, #tpu.memory_space<semaphore_mem>>) src(%arg11 : memref<128x128xf32, #tpu.memory_space<vmem>>) dst(%dma_wait3A_108 : memref<5120x128xf32, #tpu.memory_space<vmem_shared>>)
        tpu.yield
      }) : () -> ()
      %add3A_76 = arith.constant 2 : i32
      %add3A_77 = arith.addi %mul3A_70, %add3A_76 : i32
      %lt3A = arith.cmpi slt, %add3A_77, %reduce_max3A_17 : i32
      %convert_element_type3A = arith.extui %lt3A : i1 to i32
      %cond3A = arith.constant 0 : i32
      %cond3A_78 = arith.cmpi ne, %convert_element_type3A, %cond3A : i32
      scf.if %cond3A_78 {
        %add3A_96 = arith.constant 2 : i32
        %add3A_97 = arith.addi %mul3A_70, %add3A_96 : i32
        %dma_start3A_98 = arith.constant 0 : i32
        %dma_start3A_99 = tpu.memref_slice %arg8[%add3A_97, %dma_start3A_98] : memref<160x128xi32, #tpu.memory_space<vmem>> -> memref<1x128xi32, #tpu.memory_space<vmem>>
        %dma_start3A_100 = tpu.memref_squeeze %dma_start3A_99 : memref<1x128xi32, #tpu.memory_space<vmem>> -> memref<128xi32, #tpu.memory_space<vmem>>
        %dma_start3A_101 = arith.constant 0 : i32
        %dma_start3A_102 = arith.constant 0 : i32
        %dma_start3A_103 = tpu.memref_slice %arg2[%dma_start3A_101, %dma_start3A_102] : memref<10000x128xf32, #tpu.memory_space<hbm>> -> memref<10000x128xf32, #tpu.memory_space<hbm>>
        tpu.enqueue_indirect_dma source(%dma_start3A_103 : memref<10000x128xf32, #tpu.memory_space<hbm>>) target(%arg11 : memref<128x128xf32, #tpu.memory_space<vmem>>) offsets(%dma_start3A_100 : memref<128xi32, #tpu.memory_space<vmem>>) semaphore(%arg14 : memref<!tpu.dma_semaphore, #tpu.memory_space<semaphore_mem>>)
      } else {
      }
      %add3A_79 = arith.constant 1 : i32
      %add3A_80 = arith.addi %mul3A_70, %add3A_79 : i32
      %dma_wait3A_81 = arith.constant 0 : i32
      %dma_wait3A_82 = tpu.memref_slice %arg8[%add3A_80, %dma_wait3A_81] : memref<160x128xi32, #tpu.memory_space<vmem>> -> memref<1x128xi32, #tpu.memory_space<vmem>>
      %dma_wait3A_83 = tpu.memref_squeeze %dma_wait3A_82 : memref<1x128xi32, #tpu.memory_space<vmem>> -> memref<128xi32, #tpu.memory_space<vmem>>
      %dma_wait3A_84 = arith.constant 0 : i32
      %dma_wait3A_85 = arith.constant 0 : i32
      %dma_wait3A_86 = tpu.memref_slice %arg2[%dma_wait3A_84, %dma_wait3A_85] : memref<10000x128xf32, #tpu.memory_space<hbm>> -> memref<10000x128xf32, #tpu.memory_space<hbm>>
      tpu.wait_indirect_dma semaphore(%arg15 : memref<!tpu.dma_semaphore, #tpu.memory_space<semaphore_mem>>) src(%dma_wait3A_86 : memref<10000x128xf32, #tpu.memory_space<hbm>>) dst(%arg12 : memref<128x128xf32, #tpu.memory_space<vmem>>)
      %add3A_87 = arith.constant 1 : i32
      %add3A_88 = arith.addi %mul3A_70, %add3A_87 : i32
      "tpu.region"() ({
        %run_scoped3A_96 = tpu.sem_alloc : memref<!tpu.dma_semaphore, #tpu.memory_space<semaphore_mem>>
        %dma_start3A_97 = arith.constant 0 : i32
        %dma_start3A_98 = tpu.memref_slice %arg9[%add3A_88, %dma_start3A_97] : memref<160x128xi32, #tpu.memory_space<vmem>> -> memref<1x128xi32, #tpu.memory_space<vmem>>
        %dma_start3A_99 = tpu.memref_squeeze %dma_start3A_98 : memref<1x128xi32, #tpu.memory_space<vmem>> -> memref<128xi32, #tpu.memory_space<vmem>>
        %dma_start3A_100 = arith.constant 0 : i32
        %dma_start3A_101 = arith.constant 0 : i32
        %dma_start3A_102 = tpu.memref_slice %arg13[%dma_start3A_100, %dma_start3A_101] : memref<5120x128xf32, #tpu.memory_space<vmem_shared>> -> memref<5120x128xf32, #tpu.memory_space<vmem_shared>>
        tpu.enqueue_indirect_dma source(%arg12 : memref<128x128xf32, #tpu.memory_space<vmem>>) target(%dma_start3A_102 : memref<5120x128xf32, #tpu.memory_space<vmem_shared>>) offsets(%dma_start3A_99 : memref<128xi32, #tpu.memory_space<vmem>>) semaphore(%run_scoped3A_96 : memref<!tpu.dma_semaphore, #tpu.memory_space<semaphore_mem>>) {add = true}
        %dma_wait3A_103 = arith.constant 0 : i32
        %dma_wait3A_104 = tpu.memref_slice %arg9[%add3A_88, %dma_wait3A_103] : memref<160x128xi32, #tpu.memory_space<vmem>> -> memref<1x128xi32, #tpu.memory_space<vmem>>
        %dma_wait3A_105 = tpu.memref_squeeze %dma_wait3A_104 : memref<1x128xi32, #tpu.memory_space<vmem>> -> memref<128xi32, #tpu.memory_space<vmem>>
        %dma_wait3A_106 = arith.constant 0 : i32
        %dma_wait3A_107 = arith.constant 0 : i32
        %dma_wait3A_108 = tpu.memref_slice %arg13[%dma_wait3A_106, %dma_wait3A_107] : memref<5120x128xf32, #tpu.memory_space<vmem_shared>> -> memref<5120x128xf32, #tpu.memory_space<vmem_shared>>
        tpu.wait_indirect_dma semaphore(%run_scoped3A_96 : memref<!tpu.dma_semaphore, #tpu.memory_space<semaphore_mem>>) src(%arg12 : memref<128x128xf32, #tpu.memory_space<vmem>>) dst(%dma_wait3A_108 : memref<5120x128xf32, #tpu.memory_space<vmem_shared>>)
        tpu.yield
      }) : () -> ()
      %add3A_89 = arith.constant 3 : i32
      %add3A_90 = arith.addi %mul3A_70, %add3A_89 : i32
      %lt3A_91 = arith.cmpi slt, %add3A_90, %reduce_max3A_17 : i32
      %convert_element_type3A_92 = arith.extui %lt3A_91 : i1 to i32
      %cond3A_93 = arith.constant 0 : i32
      %cond3A_94 = arith.cmpi ne, %convert_element_type3A_92, %cond3A_93 : i32
      scf.if %cond3A_94 {
        %add3A_96 = arith.constant 3 : i32
        %add3A_97 = arith.addi %mul3A_70, %add3A_96 : i32
        %dma_start3A_98 = arith.constant 0 : i32
        %dma_start3A_99 = tpu.memref_slice %arg8[%add3A_97, %dma_start3A_98] : memref<160x128xi32, #tpu.memory_space<vmem>> -> memref<1x128xi32, #tpu.memory_space<vmem>>
        %dma_start3A_100 = tpu.memref_squeeze %dma_start3A_99 : memref<1x128xi32, #tpu.memory_space<vmem>> -> memref<128xi32, #tpu.memory_space<vmem>>
        %dma_start3A_101 = arith.constant 0 : i32
        %dma_start3A_102 = arith.constant 0 : i32
        %dma_start3A_103 = tpu.memref_slice %arg2[%dma_start3A_101, %dma_start3A_102] : memref<10000x128xf32, #tpu.memory_space<hbm>> -> memref<10000x128xf32, #tpu.memory_space<hbm>>
        tpu.enqueue_indirect_dma source(%dma_start3A_103 : memref<10000x128xf32, #tpu.memory_space<hbm>>) target(%arg12 : memref<128x128xf32, #tpu.memory_space<vmem>>) offsets(%dma_start3A_100 : memref<128xi32, #tpu.memory_space<vmem>>) semaphore(%arg15 : memref<!tpu.dma_semaphore, #tpu.memory_space<semaphore_mem>>)
      } else {
      }
      %while3A_95 = arith.constant 0 : i32
      scf.yield %while3A_95 : i32
    }
    %barrier3A_58 = arith.constant 0 : index
    tpu.barrier barrier_id(%barrier3A_58)
    %mul3A_59 = arith.constant 320 : i32
    %mul3A_60 = arith.muli %arg1, %mul3A_59 : i32
    %add3A_61 = arith.constant 0 : i32
    %add3A_62 = arith.addi %mul3A_60, %add3A_61 : i32
    "tpu.region"() ({
      %run_scoped3A_67 = tpu.sem_alloc : memref<!tpu.dma_semaphore, #tpu.memory_space<semaphore_mem>>
      %dma_start3A_68 = arith.constant 0 : i32
      %dma_start3A_69 = tpu.memref_slice %arg7[%arg0, %add3A_62, %dma_start3A_68] : memref<2x5120x128xf32, #tpu.memory_space<hbm>> -> memref<1x160x128xf32, #tpu.memory_space<hbm>>
      %dma_start3A_70 = tpu.memref_squeeze %dma_start3A_69 : memref<1x160x128xf32, #tpu.memory_space<hbm>> -> memref<160x128xf32, #tpu.memory_space<hbm>>
      %dma_start3A_71 = arith.constant 0 : i32
      %dma_start3A_72 = tpu.memref_slice %arg13[%add3A_62, %dma_start3A_71] : memref<5120x128xf32, #tpu.memory_space<vmem_shared>> -> memref<160x128xf32, #tpu.memory_space<vmem_shared>>
      tpu.enqueue_dma source(%dma_start3A_72 : memref<160x128xf32, #tpu.memory_space<vmem_shared>>) target(%dma_start3A_70 : memref<160x128xf32, #tpu.memory_space<hbm>>) target_semaphore(%run_scoped3A_67 : memref<!tpu.dma_semaphore, #tpu.memory_space<semaphore_mem>>)
      %dma_wait3A = arith.constant 0 : i32
      %dma_wait3A_73 = tpu.memref_slice %arg7[%arg0, %add3A_62, %dma_wait3A] : memref<2x5120x128xf32, #tpu.memory_space<hbm>> -> memref<1x160x128xf32, #tpu.memory_space<hbm>>
      %dma_wait3A_74 = tpu.memref_squeeze %dma_wait3A_73 : memref<1x160x128xf32, #tpu.memory_space<hbm>> -> memref<160x128xf32, #tpu.memory_space<hbm>>
      %dma_wait3A_75 = arith.constant 0 : i32
      %dma_wait3A_76 = tpu.memref_slice %arg13[%add3A_62, %dma_wait3A_75] : memref<5120x128xf32, #tpu.memory_space<vmem_shared>> -> memref<160x128xf32, #tpu.memory_space<vmem_shared>>
      tpu.wait_dma2 semaphore(%run_scoped3A_67 : memref<!tpu.dma_semaphore, #tpu.memory_space<semaphore_mem>>) src(%dma_wait3A_76 : memref<160x128xf32, #tpu.memory_space<vmem_shared>>) dst(%dma_wait3A_74 : memref<160x128xf32, #tpu.memory_space<hbm>>)
      tpu.yield
    }) : () -> ()
    %mul3A_63 = arith.constant 320 : i32
    %mul3A_64 = arith.muli %arg1, %mul3A_63 : i32
    %add3A_65 = arith.constant 160 : i32
    %add3A_66 = arith.addi %mul3A_64, %add3A_65 : i32
    "tpu.region"() ({
      %run_scoped3A_67 = tpu.sem_alloc : memref<!tpu.dma_semaphore, #tpu.memory_space<semaphore_mem>>
      %dma_start3A_68 = arith.constant 0 : i32
      %dma_start3A_69 = tpu.memref_slice %arg7[%arg0, %add3A_66, %dma_start3A_68] : memref<2x5120x128xf32, #tpu.memory_space<hbm>> -> memref<1x160x128xf32, #tpu.memory_space<hbm>>
      %dma_start3A_70 = tpu.memref_squeeze %dma_start3A_69 : memref<1x160x128xf32, #tpu.memory_space<hbm>> -> memref<160x128xf32, #tpu.memory_space<hbm>>
      %dma_start3A_71 = arith.constant 0 : i32
      %dma_start3A_72 = tpu.memref_slice %arg13[%add3A_66, %dma_start3A_71] : memref<5120x128xf32, #tpu.memory_space<vmem_shared>> -> memref<160x128xf32, #tpu.memory_space<vmem_shared>>
      tpu.enqueue_dma source(%dma_start3A_72 : memref<160x128xf32, #tpu.memory_space<vmem_shared>>) target(%dma_start3A_70 : memref<160x128xf32, #tpu.memory_space<hbm>>) target_semaphore(%run_scoped3A_67 : memref<!tpu.dma_semaphore, #tpu.memory_space<semaphore_mem>>)
      %dma_wait3A = arith.constant 0 : i32
      %dma_wait3A_73 = tpu.memref_slice %arg7[%arg0, %add3A_66, %dma_wait3A] : memref<2x5120x128xf32, #tpu.memory_space<hbm>> -> memref<1x160x128xf32, #tpu.memory_space<hbm>>
      %dma_wait3A_74 = tpu.memref_squeeze %dma_wait3A_73 : memref<1x160x128xf32, #tpu.memory_space<hbm>> -> memref<160x128xf32, #tpu.memory_space<hbm>>
      %dma_wait3A_75 = arith.constant 0 : i32
      %dma_wait3A_76 = tpu.memref_slice %arg13[%add3A_66, %dma_wait3A_75] : memref<5120x128xf32, #tpu.memory_space<vmem_shared>> -> memref<160x128xf32, #tpu.memory_space<vmem_shared>>
      tpu.wait_dma2 semaphore(%run_scoped3A_67 : memref<!tpu.dma_semaphore, #tpu.memory_space<semaphore_mem>>) src(%dma_wait3A_76 : memref<160x128xf32, #tpu.memory_space<vmem_shared>>) dst(%dma_wait3A_74 : memref<160x128xf32, #tpu.memory_space<hbm>>)
      tpu.yield
    }) : () -> ()
    return
  }
}

#map = affine_map<(d0, d1) -> (0, 0)>
#map1 = affine_map<(d0, d1) -> (0, 0, 0)>
#map2 = affine_map<(d0, d1) -> (0, 0, 0, 0)>
module attributes {stable_mosaic.version = 14 : i64} {
  func.func @_msg_body(%arg0: i32, %arg1: i32, %arg2: memref<10000x128xf32, #tpu.memory_space<hbm>>, %arg3: memref<2x128x128xf32, #tpu.memory_space<hbm>>, %arg4: memref<2x16x160x128xi32, #tpu.memory_space<hbm>>, %arg5: memref<2x16x160x128xi32, #tpu.memory_space<hbm>>, %arg6: memref<2x16x1x128xi32, #tpu.memory_space<hbm>>, %arg7: memref<2x5120x128xf32, #tpu.memory_space<hbm>>, %arg8: memref<160x128xi32, #tpu.memory_space<vmem>>, %arg9: memref<160x128xi32, #tpu.memory_space<vmem>>, %arg10: memref<1x128xi32, #tpu.memory_space<vmem>>, %arg11: memref<128x128xf32, #tpu.memory_space<vmem>>, %arg12: memref<128x128xf32, #tpu.memory_space<vmem>>, %arg13: memref<5120x128xf32, #tpu.memory_space<vmem_shared>>, %arg14: memref<!tpu.dma_semaphore, #tpu.memory_space<semaphore_mem>>, %arg15: memref<!tpu.dma_semaphore, #tpu.memory_space<semaphore_mem>>) attributes {dimension_semantics = [#tpu.dimension_semantics<core_parallel>, #tpu.dimension_semantics<subcore_parallel>], iteration_bounds = array<i64: 2, 16>, scalar_prefetch = 0 : i64, scratch_operands = 8 : i64, tpu.core_type = #tpu.core_type<sc_vector_subcore>, window_params = [{transform_indices = #map}, {transform_indices = #map1}, {transform_indices = #map2}, {transform_indices = #map2}, {transform_indices = #map2}, {transform_indices = #map1}]} {
    %run_scoped3A = arith.constant 0 : i32
    "tpu.region"() ({
      %run_scoped3A_67 = tpu.sem_alloc : memref<!tpu.dma_semaphore, #tpu.memory_space<semaphore_mem>>
      %dma_start3A_68 = arith.constant 0 : i32
      %dma_start3A_69 = arith.constant 0 : i32
      %dma_start3A_70 = tpu.memref_slice %arg3[%run_scoped3A, %dma_start3A_68, %dma_start3A_69] : memref<2x128x128xf32, #tpu.memory_space<hbm>> -> memref<1x128x128xf32, #tpu.memory_space<hbm>>
      %dma_start3A_71 = tpu.memref_squeeze %dma_start3A_70 : memref<1x128x128xf32, #tpu.memory_space<hbm>> -> memref<128x128xf32, #tpu.memory_space<hbm>>
      %dma_start3A_72 = arith.constant 0 : i32
      %dma_start3A_73 = arith.constant 0 : i32
      %dma_start3A_74 = tpu.memref_slice %arg3[%run_scoped3A, %dma_start3A_72, %dma_start3A_73] : memref<2x128x128xf32, #tpu.memory_space<hbm>> -> memref<1x128x128xf32, #tpu.memory_space<hbm>>
      %dma_start3A_75 = tpu.memref_squeeze %dma_start3A_74 : memref<1x128x128xf32, #tpu.memory_space<hbm>> -> memref<128x128xf32, #tpu.memory_space<hbm>>
      tpu.enqueue_dma source(%dma_start3A_75 : memref<128x128xf32, #tpu.memory_space<hbm>>) target(%arg11 : memref<128x128xf32, #tpu.memory_space<vmem>>) target_semaphore(%run_scoped3A_67 : memref<!tpu.dma_semaphore, #tpu.memory_space<semaphore_mem>>)
      %dma_wait3A = arith.constant 0 : i32
      %dma_wait3A_76 = arith.constant 0 : i32
      %dma_wait3A_77 = tpu.memref_slice %arg3[%run_scoped3A, %dma_wait3A, %dma_wait3A_76] : memref<2x128x128xf32, #tpu.memory_space<hbm>> -> memref<1x128x128xf32, #tpu.memory_space<hbm>>
      %dma_wait3A_78 = tpu.memref_squeeze %dma_wait3A_77 : memref<1x128x128xf32, #tpu.memory_space<hbm>> -> memref<128x128xf32, #tpu.memory_space<hbm>>
      %dma_wait3A_79 = arith.constant 0 : i32
      %dma_wait3A_80 = arith.constant 0 : i32
      %dma_wait3A_81 = tpu.memref_slice %arg3[%run_scoped3A, %dma_wait3A_79, %dma_wait3A_80] : memref<2x128x128xf32, #tpu.memory_space<hbm>> -> memref<1x128x128xf32, #tpu.memory_space<hbm>>
      %dma_wait3A_82 = tpu.memref_squeeze %dma_wait3A_81 : memref<1x128x128xf32, #tpu.memory_space<hbm>> -> memref<128x128xf32, #tpu.memory_space<hbm>>
      tpu.wait_dma2 semaphore(%run_scoped3A_67 : memref<!tpu.dma_semaphore, #tpu.memory_space<semaphore_mem>>) src(%dma_wait3A_82 : memref<128x128xf32, #tpu.memory_space<hbm>>) dst(%arg11 : memref<128x128xf32, #tpu.memory_space<vmem>>)
      tpu.yield
    }) : () -> ()
    %mul3A = arith.constant 320 : i32
    %mul3A_0 = arith.muli %arg1, %mul3A : i32
    "tpu.region"() ({
      %run_scoped3A_67 = tpu.sem_alloc : memref<!tpu.dma_semaphore, #tpu.memory_space<semaphore_mem>>
      %dma_start3A_68 = arith.constant 0 : i32
      %dma_start3A_69 = tpu.memref_slice %arg13[%mul3A_0, %dma_start3A_68] : memref<5120x128xf32, #tpu.memory_space<vmem_shared>> -> memref<128x128xf32, #tpu.memory_space<vmem_shared>>
      %dma_start3A_70 = arith.constant 0 : i32
      %dma_start3A_71 = tpu.memref_slice %arg13[%mul3A_0, %dma_start3A_70] : memref<5120x128xf32, #tpu.memory_space<vmem_shared>> -> memref<128x128xf32, #tpu.memory_space<vmem_shared>>
      tpu.enqueue_dma source(%arg11 : memref<128x128xf32, #tpu.memory_space<vmem>>) target(%dma_start3A_71 : memref<128x128xf32, #tpu.memory_space<vmem_shared>>) target_semaphore(%run_scoped3A_67 : memref<!tpu.dma_semaphore, #tpu.memory_space<semaphore_mem>>)
      %dma_wait3A = arith.constant 0 : i32
      %dma_wait3A_72 = tpu.memref_slice %arg13[%mul3A_0, %dma_wait3A] : memref<5120x128xf32, #tpu.memory_space<vmem_shared>> -> memref<128x128xf32, #tpu.memory_space<vmem_shared>>
      %dma_wait3A_73 = arith.constant 0 : i32
      %dma_wait3A_74 = tpu.memref_slice %arg13[%mul3A_0, %dma_wait3A_73] : memref<5120x128xf32, #tpu.memory_space<vmem_shared>> -> memref<128x128xf32, #tpu.memory_space<vmem_shared>>
      tpu.wait_dma2 semaphore(%run_scoped3A_67 : memref<!tpu.dma_semaphore, #tpu.memory_space<semaphore_mem>>) src(%arg11 : memref<128x128xf32, #tpu.memory_space<vmem>>) dst(%dma_wait3A_74 : memref<128x128xf32, #tpu.memory_space<vmem_shared>>)
      tpu.yield
    }) : () -> ()
    %mul3A_1 = arith.constant 320 : i32
    %mul3A_2 = arith.muli %arg1, %mul3A_1 : i32
    %add3A = arith.constant 128 : i32
    %add3A_3 = arith.addi %mul3A_2, %add3A : i32
    "tpu.region"() ({
      %run_scoped3A_67 = tpu.sem_alloc : memref<!tpu.dma_semaphore, #tpu.memory_space<semaphore_mem>>
      %dma_start3A_68 = arith.constant 0 : i32
      %dma_start3A_69 = tpu.memref_slice %arg13[%add3A_3, %dma_start3A_68] : memref<5120x128xf32, #tpu.memory_space<vmem_shared>> -> memref<128x128xf32, #tpu.memory_space<vmem_shared>>
      %dma_start3A_70 = arith.constant 0 : i32
      %dma_start3A_71 = tpu.memref_slice %arg13[%add3A_3, %dma_start3A_70] : memref<5120x128xf32, #tpu.memory_space<vmem_shared>> -> memref<128x128xf32, #tpu.memory_space<vmem_shared>>
      tpu.enqueue_dma source(%arg11 : memref<128x128xf32, #tpu.memory_space<vmem>>) target(%dma_start3A_71 : memref<128x128xf32, #tpu.memory_space<vmem_shared>>) target_semaphore(%run_scoped3A_67 : memref<!tpu.dma_semaphore, #tpu.memory_space<semaphore_mem>>)
      %dma_wait3A = arith.constant 0 : i32
      %dma_wait3A_72 = tpu.memref_slice %arg13[%add3A_3, %dma_wait3A] : memref<5120x128xf32, #tpu.memory_space<vmem_shared>> -> memref<128x128xf32, #tpu.memory_space<vmem_shared>>
      %dma_wait3A_73 = arith.constant 0 : i32
      %dma_wait3A_74 = tpu.memref_slice %arg13[%add3A_3, %dma_wait3A_73] : memref<5120x128xf32, #tpu.memory_space<vmem_shared>> -> memref<128x128xf32, #tpu.memory_space<vmem_shared>>
      tpu.wait_dma2 semaphore(%run_scoped3A_67 : memref<!tpu.dma_semaphore, #tpu.memory_space<semaphore_mem>>) src(%arg11 : memref<128x128xf32, #tpu.memory_space<vmem>>) dst(%dma_wait3A_74 : memref<128x128xf32, #tpu.memory_space<vmem_shared>>)
      tpu.yield
    }) : () -> ()
    %mul3A_4 = arith.constant 320 : i32
    %mul3A_5 = arith.muli %arg1, %mul3A_4 : i32
    %add3A_6 = arith.constant 256 : i32
    %add3A_7 = arith.addi %mul3A_5, %add3A_6 : i32
    "tpu.region"() ({
      %run_scoped3A_67 = tpu.sem_alloc : memref<!tpu.dma_semaphore, #tpu.memory_space<semaphore_mem>>
      %dma_start3A_68 = arith.constant 0 : i32
      %dma_start3A_69 = arith.constant 0 : i32
      %dma_start3A_70 = tpu.memref_slice %arg11[%dma_start3A_68, %dma_start3A_69] : memref<128x128xf32, #tpu.memory_space<vmem>> -> memref<64x128xf32, #tpu.memory_space<vmem>>
      %dma_start3A_71 = arith.constant 0 : i32
      %dma_start3A_72 = tpu.memref_slice %arg13[%add3A_7, %dma_start3A_71] : memref<5120x128xf32, #tpu.memory_space<vmem_shared>> -> memref<64x128xf32, #tpu.memory_space<vmem_shared>>
      %dma_start3A_73 = arith.constant 0 : i32
      %dma_start3A_74 = tpu.memref_slice %arg13[%add3A_7, %dma_start3A_73] : memref<5120x128xf32, #tpu.memory_space<vmem_shared>> -> memref<64x128xf32, #tpu.memory_space<vmem_shared>>
      %dma_start3A_75 = arith.constant 0 : i32
      %dma_start3A_76 = arith.constant 0 : i32
      %dma_start3A_77 = tpu.memref_slice %arg11[%dma_start3A_75, %dma_start3A_76] : memref<128x128xf32, #tpu.memory_space<vmem>> -> memref<64x128xf32, #tpu.memory_space<vmem>>
      tpu.enqueue_dma source(%dma_start3A_77 : memref<64x128xf32, #tpu.memory_space<vmem>>) target(%dma_start3A_74 : memref<64x128xf32, #tpu.memory_space<vmem_shared>>) target_semaphore(%run_scoped3A_67 : memref<!tpu.dma_semaphore, #tpu.memory_space<semaphore_mem>>)
      %dma_wait3A = arith.constant 0 : i32
      %dma_wait3A_78 = arith.constant 0 : i32
      %dma_wait3A_79 = tpu.memref_slice %arg11[%dma_wait3A, %dma_wait3A_78] : memref<128x128xf32, #tpu.memory_space<vmem>> -> memref<64x128xf32, #tpu.memory_space<vmem>>
      %dma_wait3A_80 = arith.constant 0 : i32
      %dma_wait3A_81 = tpu.memref_slice %arg13[%add3A_7, %dma_wait3A_80] : memref<5120x128xf32, #tpu.memory_space<vmem_shared>> -> memref<64x128xf32, #tpu.memory_space<vmem_shared>>
      %dma_wait3A_82 = arith.constant 0 : i32
      %dma_wait3A_83 = tpu.memref_slice %arg13[%add3A_7, %dma_wait3A_82] : memref<5120x128xf32, #tpu.memory_space<vmem_shared>> -> memref<64x128xf32, #tpu.memory_space<vmem_shared>>
      %dma_wait3A_84 = arith.constant 0 : i32
      %dma_wait3A_85 = arith.constant 0 : i32
      %dma_wait3A_86 = tpu.memref_slice %arg11[%dma_wait3A_84, %dma_wait3A_85] : memref<128x128xf32, #tpu.memory_space<vmem>> -> memref<64x128xf32, #tpu.memory_space<vmem>>
      tpu.wait_dma2 semaphore(%run_scoped3A_67 : memref<!tpu.dma_semaphore, #tpu.memory_space<semaphore_mem>>) src(%dma_wait3A_86 : memref<64x128xf32, #tpu.memory_space<vmem>>) dst(%dma_wait3A_83 : memref<64x128xf32, #tpu.memory_space<vmem_shared>>)
      tpu.yield
    }) : () -> ()
    "tpu.region"() ({
      %run_scoped3A_67 = tpu.sem_alloc : memref<!tpu.dma_semaphore, #tpu.memory_space<semaphore_mem>>
      %dma_start3A_68 = arith.constant 0 : i32
      %dma_start3A_69 = arith.constant 0 : i32
      %dma_start3A_70 = tpu.memref_slice %arg4[%arg0, %arg1, %dma_start3A_68, %dma_start3A_69] : memref<2x16x160x128xi32, #tpu.memory_space<hbm>> -> memref<1x1x160x128xi32, #tpu.memory_space<hbm>>
      %dma_start3A_71 = tpu.memref_squeeze %dma_start3A_70 : memref<1x1x160x128xi32, #tpu.memory_space<hbm>> -> memref<160x128xi32, #tpu.memory_space<hbm>>
      %dma_start3A_72 = arith.constant 0 : i32
      %dma_start3A_73 = arith.constant 0 : i32
      %dma_start3A_74 = tpu.memref_slice %arg4[%arg0, %arg1, %dma_start3A_72, %dma_start3A_73] : memref<2x16x160x128xi32, #tpu.memory_space<hbm>> -> memref<1x1x160x128xi32, #tpu.memory_space<hbm>>
      %dma_start3A_75 = tpu.memref_squeeze %dma_start3A_74 : memref<1x1x160x128xi32, #tpu.memory_space<hbm>> -> memref<160x128xi32, #tpu.memory_space<hbm>>
      tpu.enqueue_dma source(%dma_start3A_75 : memref<160x128xi32, #tpu.memory_space<hbm>>) target(%arg8 : memref<160x128xi32, #tpu.memory_space<vmem>>) target_semaphore(%run_scoped3A_67 : memref<!tpu.dma_semaphore, #tpu.memory_space<semaphore_mem>>)
      %dma_wait3A = arith.constant 0 : i32
      %dma_wait3A_76 = arith.constant 0 : i32
      %dma_wait3A_77 = tpu.memref_slice %arg4[%arg0, %arg1, %dma_wait3A, %dma_wait3A_76] : memref<2x16x160x128xi32, #tpu.memory_space<hbm>> -> memref<1x1x160x128xi32, #tpu.memory_space<hbm>>
      %dma_wait3A_78 = tpu.memref_squeeze %dma_wait3A_77 : memref<1x1x160x128xi32, #tpu.memory_space<hbm>> -> memref<160x128xi32, #tpu.memory_space<hbm>>
      %dma_wait3A_79 = arith.constant 0 : i32
      %dma_wait3A_80 = arith.constant 0 : i32
      %dma_wait3A_81 = tpu.memref_slice %arg4[%arg0, %arg1, %dma_wait3A_79, %dma_wait3A_80] : memref<2x16x160x128xi32, #tpu.memory_space<hbm>> -> memref<1x1x160x128xi32, #tpu.memory_space<hbm>>
      %dma_wait3A_82 = tpu.memref_squeeze %dma_wait3A_81 : memref<1x1x160x128xi32, #tpu.memory_space<hbm>> -> memref<160x128xi32, #tpu.memory_space<hbm>>
      tpu.wait_dma2 semaphore(%run_scoped3A_67 : memref<!tpu.dma_semaphore, #tpu.memory_space<semaphore_mem>>) src(%dma_wait3A_82 : memref<160x128xi32, #tpu.memory_space<hbm>>) dst(%arg8 : memref<160x128xi32, #tpu.memory_space<vmem>>)
      tpu.yield
    }) : () -> ()
    "tpu.region"() ({
      %run_scoped3A_67 = tpu.sem_alloc : memref<!tpu.dma_semaphore, #tpu.memory_space<semaphore_mem>>
      %dma_start3A_68 = arith.constant 0 : i32
      %dma_start3A_69 = arith.constant 0 : i32
      %dma_start3A_70 = tpu.memref_slice %arg5[%arg0, %arg1, %dma_start3A_68, %dma_start3A_69] : memref<2x16x160x128xi32, #tpu.memory_space<hbm>> -> memref<1x1x160x128xi32, #tpu.memory_space<hbm>>
      %dma_start3A_71 = tpu.memref_squeeze %dma_start3A_70 : memref<1x1x160x128xi32, #tpu.memory_space<hbm>> -> memref<160x128xi32, #tpu.memory_space<hbm>>
      %dma_start3A_72 = arith.constant 0 : i32
      %dma_start3A_73 = arith.constant 0 : i32
      %dma_start3A_74 = tpu.memref_slice %arg5[%arg0, %arg1, %dma_start3A_72, %dma_start3A_73] : memref<2x16x160x128xi32, #tpu.memory_space<hbm>> -> memref<1x1x160x128xi32, #tpu.memory_space<hbm>>
      %dma_start3A_75 = tpu.memref_squeeze %dma_start3A_74 : memref<1x1x160x128xi32, #tpu.memory_space<hbm>> -> memref<160x128xi32, #tpu.memory_space<hbm>>
      tpu.enqueue_dma source(%dma_start3A_75 : memref<160x128xi32, #tpu.memory_space<hbm>>) target(%arg9 : memref<160x128xi32, #tpu.memory_space<vmem>>) target_semaphore(%run_scoped3A_67 : memref<!tpu.dma_semaphore, #tpu.memory_space<semaphore_mem>>)
      %dma_wait3A = arith.constant 0 : i32
      %dma_wait3A_76 = arith.constant 0 : i32
      %dma_wait3A_77 = tpu.memref_slice %arg5[%arg0, %arg1, %dma_wait3A, %dma_wait3A_76] : memref<2x16x160x128xi32, #tpu.memory_space<hbm>> -> memref<1x1x160x128xi32, #tpu.memory_space<hbm>>
      %dma_wait3A_78 = tpu.memref_squeeze %dma_wait3A_77 : memref<1x1x160x128xi32, #tpu.memory_space<hbm>> -> memref<160x128xi32, #tpu.memory_space<hbm>>
      %dma_wait3A_79 = arith.constant 0 : i32
      %dma_wait3A_80 = arith.constant 0 : i32
      %dma_wait3A_81 = tpu.memref_slice %arg5[%arg0, %arg1, %dma_wait3A_79, %dma_wait3A_80] : memref<2x16x160x128xi32, #tpu.memory_space<hbm>> -> memref<1x1x160x128xi32, #tpu.memory_space<hbm>>
      %dma_wait3A_82 = tpu.memref_squeeze %dma_wait3A_81 : memref<1x1x160x128xi32, #tpu.memory_space<hbm>> -> memref<160x128xi32, #tpu.memory_space<hbm>>
      tpu.wait_dma2 semaphore(%run_scoped3A_67 : memref<!tpu.dma_semaphore, #tpu.memory_space<semaphore_mem>>) src(%dma_wait3A_82 : memref<160x128xi32, #tpu.memory_space<hbm>>) dst(%arg9 : memref<160x128xi32, #tpu.memory_space<vmem>>)
      tpu.yield
    }) : () -> ()
    "tpu.region"() ({
      %run_scoped3A_67 = tpu.sem_alloc : memref<!tpu.dma_semaphore, #tpu.memory_space<semaphore_mem>>
      %dma_start3A_68 = arith.constant 0 : i32
      %dma_start3A_69 = arith.constant 0 : i32
      %dma_start3A_70 = tpu.memref_slice %arg6[%arg0, %arg1, %dma_start3A_68, %dma_start3A_69] : memref<2x16x1x128xi32, #tpu.memory_space<hbm>> -> memref<1x1x1x128xi32, #tpu.memory_space<hbm>>
      %dma_start3A_71 = tpu.memref_squeeze %dma_start3A_70 : memref<1x1x1x128xi32, #tpu.memory_space<hbm>> -> memref<1x128xi32, #tpu.memory_space<hbm>>
      %dma_start3A_72 = arith.constant 0 : i32
      %dma_start3A_73 = arith.constant 0 : i32
      %dma_start3A_74 = tpu.memref_slice %arg6[%arg0, %arg1, %dma_start3A_72, %dma_start3A_73] : memref<2x16x1x128xi32, #tpu.memory_space<hbm>> -> memref<1x1x1x128xi32, #tpu.memory_space<hbm>>
      %dma_start3A_75 = tpu.memref_squeeze %dma_start3A_74 : memref<1x1x1x128xi32, #tpu.memory_space<hbm>> -> memref<1x128xi32, #tpu.memory_space<hbm>>
      tpu.enqueue_dma source(%dma_start3A_75 : memref<1x128xi32, #tpu.memory_space<hbm>>) target(%arg10 : memref<1x128xi32, #tpu.memory_space<vmem>>) target_semaphore(%run_scoped3A_67 : memref<!tpu.dma_semaphore, #tpu.memory_space<semaphore_mem>>)
      %dma_wait3A = arith.constant 0 : i32
      %dma_wait3A_76 = arith.constant 0 : i32
      %dma_wait3A_77 = tpu.memref_slice %arg6[%arg0, %arg1, %dma_wait3A, %dma_wait3A_76] : memref<2x16x1x128xi32, #tpu.memory_space<hbm>> -> memref<1x1x1x128xi32, #tpu.memory_space<hbm>>
      %dma_wait3A_78 = tpu.memref_squeeze %dma_wait3A_77 : memref<1x1x1x128xi32, #tpu.memory_space<hbm>> -> memref<1x128xi32, #tpu.memory_space<hbm>>
      %dma_wait3A_79 = arith.constant 0 : i32
      %dma_wait3A_80 = arith.constant 0 : i32
      %dma_wait3A_81 = tpu.memref_slice %arg6[%arg0, %arg1, %dma_wait3A_79, %dma_wait3A_80] : memref<2x16x1x128xi32, #tpu.memory_space<hbm>> -> memref<1x1x1x128xi32, #tpu.memory_space<hbm>>
      %dma_wait3A_82 = tpu.memref_squeeze %dma_wait3A_81 : memref<1x1x1x128xi32, #tpu.memory_space<hbm>> -> memref<1x128xi32, #tpu.memory_space<hbm>>
      tpu.wait_dma2 semaphore(%run_scoped3A_67 : memref<!tpu.dma_semaphore, #tpu.memory_space<semaphore_mem>>) src(%dma_wait3A_82 : memref<1x128xi32, #tpu.memory_space<hbm>>) dst(%arg10 : memref<1x128xi32, #tpu.memory_space<vmem>>)
      tpu.yield
    }) : () -> ()
    %get3A = arith.constant 0 : i32
    %get3A_8 = arith.index_cast %get3A : i32 to index
    %get3A_9 = arith.constant 0 : index
    %get3A_10 = tpu.vector_load %arg10[%get3A_8, %get3A_9] {strides = array<i32>} : memref<1x128xi32, #tpu.memory_space<vmem>>, vector<16xi32>,
    %reduce_max3A = arith.constant true
    %reduce_max3A_11 = vector.broadcast %reduce_max3A : i1 to vector<16xi1>
    %reduce_max3A_12 = arith.constant -2147483648 : i32
    %reduce_max3A_13 = vector.broadcast %reduce_max3A_12 : i32 to vector<16xi32>
    %reduce_max3A_14 = arith.xori %get3A_10, %reduce_max3A_13 : vector<16xi32>
    %reduce_max3A_15 = tpu.scan <max>, %reduce_max3A_14 masked %reduce_max3A_11 : vector<16xi32>, vector<16xi1> -> vector<16xi32>
    %reduce_max3A_16 = arith.xori %reduce_max3A_15, %reduce_max3A_13 : vector<16xi32>
    %reduce_max3A_17 = vector.extract %reduce_max3A_16[15] : i32 from vector<16xi32>
    %barrier3A = arith.constant 0 : index
    tpu.barrier barrier_id(%barrier3A)
    %dma_start3A = arith.constant 0 : i32
    %dma_start3A_18 = arith.constant 0 : i32
    %dma_start3A_19 = tpu.memref_slice %arg8[%dma_start3A, %dma_start3A_18] : memref<160x128xi32, #tpu.memory_space<vmem>> -> memref<1x128xi32, #tpu.memory_space<vmem>>
    %dma_start3A_20 = tpu.memref_squeeze %dma_start3A_19 : memref<1x128xi32, #tpu.memory_space<vmem>> -> memref<128xi32, #tpu.memory_space<vmem>>
    %dma_start3A_21 = arith.constant 0 : i32
    %dma_start3A_22 = arith.constant 0 : i32
    %dma_start3A_23 = tpu.memref_slice %arg2[%dma_start3A_21, %dma_start3A_22] : memref<10000x128xf32, #tpu.memory_space<hbm>> -> memref<10000x128xf32, #tpu.memory_space<hbm>>
    tpu.enqueue_indirect_dma source(%dma_start3A_23 : memref<10000x128xf32, #tpu.memory_space<hbm>>) target(%arg11 : memref<128x128xf32, #tpu.memory_space<vmem>>) offsets(%dma_start3A_20 : memref<128xi32, #tpu.memory_space<vmem>>) semaphore(%arg14 : memref<!tpu.dma_semaphore, #tpu.memory_space<semaphore_mem>>)
    %dma_start3A_24 = arith.constant 1 : i32
    %dma_start3A_25 = arith.constant 0 : i32
    %dma_start3A_26 = tpu.memref_slice %arg8[%dma_start3A_24, %dma_start3A_25] : memref<160x128xi32, #tpu.memory_space<vmem>> -> memref<1x128xi32, #tpu.memory_space<vmem>>
    %dma_start3A_27 = tpu.memref_squeeze %dma_start3A_26 : memref<1x128xi32, #tpu.memory_space<vmem>> -> memref<128xi32, #tpu.memory_space<vmem>>
    %dma_start3A_28 = arith.constant 0 : i32
    %dma_start3A_29 = arith.constant 0 : i32
    %dma_start3A_30 = tpu.memref_slice %arg2[%dma_start3A_28, %dma_start3A_29] : memref<10000x128xf32, #tpu.memory_space<hbm>> -> memref<10000x128xf32, #tpu.memory_space<hbm>>
    tpu.enqueue_indirect_dma source(%dma_start3A_30 : memref<10000x128xf32, #tpu.memory_space<hbm>>) target(%arg12 : memref<128x128xf32, #tpu.memory_space<vmem>>) offsets(%dma_start3A_27 : memref<128xi32, #tpu.memory_space<vmem>>) semaphore(%arg15 : memref<!tpu.dma_semaphore, #tpu.memory_space<semaphore_mem>>)
    %jit3A = arith.constant 2 : i32
    %div3A = arith.divsi %reduce_max3A_17, %jit3A : i32
    %sign3A = arith.constant 0 : i32
    %sign3A_31 = arith.cmpi sgt, %reduce_max3A_17, %sign3A : i32
    %sign3A_32 = arith.extui %sign3A_31 : i1 to i32
    %sign3A_33 = arith.constant 0 : i32
    %sign3A_34 = arith.cmpi slt, %reduce_max3A_17, %sign3A_33 : i32
    %sign3A_35 = arith.extui %sign3A_34 : i1 to i32
    %sign3A_36 = arith.subi %sign3A_32, %sign3A_35 : i32
    %sign3A_37 = arith.constant 0 : i32
    %sign3A_38 = arith.cmpi sgt, %jit3A, %sign3A_37 : i32
    %sign3A_39 = arith.extui %sign3A_38 : i1 to i32
    %sign3A_40 = arith.constant 0 : i32
    %sign3A_41 = arith.cmpi slt, %jit3A, %sign3A_40 : i32
    %sign3A_42 = arith.extui %sign3A_41 : i1 to i32
    %sign3A_43 = arith.subi %sign3A_39, %sign3A_42 : i32
    %ne3A = arith.cmpi ne, %sign3A_36, %sign3A_43 : i32
    %rem3A = arith.remsi %reduce_max3A_17, %jit3A : i32
    %ne3A_44 = arith.constant 0 : i32
    %ne3A_45 = arith.cmpi ne, %rem3A, %ne3A_44 : i32
    %and3A = arith.andi %ne3A, %ne3A_45 : i1
    %sub3A = arith.constant 1 : i32
    %sub3A_46 = arith.subi %div3A, %sub3A : i32
    %select_n3A = arith.select %and3A, %sub3A_46, %div3A : i32
    %while3A = arith.constant 0 : i32
    %while3A_47 = arith.constant 0 : i32
    %while3A_48 = arith.subi %select_n3A, %while3A : i32
    %while3A_49 = arith.addi %while3A, %while3A_48 : i32
    %while3A_50 = arith.constant 1 : i32
    %while3A_51 = arith.divsi %while3A_48, %while3A_50 : i32
    %while3A_52 = arith.muli %while3A_51, %while3A_50 : i32
    %while3A_53 = arith.addi %while3A, %while3A_52 : i32
    %while3A_54 = arith.constant 1 : i32
    %while3A_55 = scf.for %while3A_67 = %while3A to %while3A_53 step %while3A_54 iter_args(%while3A_68 = %while3A_47) -> (i32)  : i32 {
      %mul3A_69 = arith.constant 2 : i32
      %mul3A_70 = arith.muli %mul3A_69, %while3A_67 : i32
      %dma_wait3A = arith.constant 0 : i32
      %dma_wait3A_71 = tpu.memref_slice %arg8[%mul3A_70, %dma_wait3A] : memref<160x128xi32, #tpu.memory_space<vmem>> -> memref<1x128xi32, #tpu.memory_space<vmem>>
      %dma_wait3A_72 = tpu.memref_squeeze %dma_wait3A_71 : memref<1x128xi32, #tpu.memory_space<vmem>> -> memref<128xi32, #tpu.memory_space<vmem>>
      %dma_wait3A_73 = arith.constant 0 : i32
      %dma_wait3A_74 = arith.constant 0 : i32
      %dma_wait3A_75 = tpu.memref_slice %arg2[%dma_wait3A_73, %dma_wait3A_74] : memref<10000x128xf32, #tpu.memory_space<hbm>> -> memref<10000x128xf32, #tpu.memory_space<hbm>>
      tpu.wait_indirect_dma semaphore(%arg14 : memref<!tpu.dma_semaphore, #tpu.memory_space<semaphore_mem>>) src(%dma_wait3A_75 : memref<10000x128xf32, #tpu.memory_space<hbm>>) dst(%arg11 : memref<128x128xf32, #tpu.memory_space<vmem>>)
      "tpu.region"() ({
        %run_scoped3A_96 = tpu.sem_alloc : memref<!tpu.dma_semaphore, #tpu.memory_space<semaphore_mem>>
        %dma_start3A_97 = arith.constant 0 : i32
        %dma_start3A_98 = tpu.memref_slice %arg9[%mul3A_70, %dma_start3A_97] : memref<160x128xi32, #tpu.memory_space<vmem>> -> memref<1x128xi32, #tpu.memory_space<vmem>>
        %dma_start3A_99 = tpu.memref_squeeze %dma_start3A_98 : memref<1x128xi32, #tpu.memory_space<vmem>> -> memref<128xi32, #tpu.memory_space<vmem>>
        %dma_start3A_100 = arith.constant 0 : i32
        %dma_start3A_101 = arith.constant 0 : i32
        %dma_start3A_102 = tpu.memref_slice %arg13[%dma_start3A_100, %dma_start3A_101] : memref<5120x128xf32, #tpu.memory_space<vmem_shared>> -> memref<5120x128xf32, #tpu.memory_space<vmem_shared>>
        tpu.enqueue_indirect_dma source(%arg11 : memref<128x128xf32, #tpu.memory_space<vmem>>) target(%dma_start3A_102 : memref<5120x128xf32, #tpu.memory_space<vmem_shared>>) offsets(%dma_start3A_99 : memref<128xi32, #tpu.memory_space<vmem>>) semaphore(%run_scoped3A_96 : memref<!tpu.dma_semaphore, #tpu.memory_space<semaphore_mem>>) {add = true}
        %dma_wait3A_103 = arith.constant 0 : i32
        %dma_wait3A_104 = tpu.memref_slice %arg9[%mul3A_70, %dma_wait3A_103] : memref<160x128xi32, #tpu.memory_space<vmem>> -> memref<1x128xi32, #tpu.memory_space<vmem>>
        %dma_wait3A_105 = tpu.memref_squeeze %dma_wait3A_104 : memref<1x128xi32, #tpu.memory_space<vmem>> -> memref<128xi32, #tpu.memory_space<vmem>>
        %dma_wait3A_106 = arith.constant 0 : i32
        %dma_wait3A_107 = arith.constant 0 : i32
        %dma_wait3A_108 = tpu.memref_slice %arg13[%dma_wait3A_106, %dma_wait3A_107] : memref<5120x128xf32, #tpu.memory_space<vmem_shared>> -> memref<5120x128xf32, #tpu.memory_space<vmem_shared>>
        tpu.wait_indirect_dma semaphore(%run_scoped3A_96 : memref<!tpu.dma_semaphore, #tpu.memory_space<semaphore_mem>>) src(%arg11 : memref<128x128xf32, #tpu.memory_space<vmem>>) dst(%dma_wait3A_108 : memref<5120x128xf32, #tpu.memory_space<vmem_shared>>)
        tpu.yield
      }) : () -> ()
      %add3A_76 = arith.constant 2 : i32
      %add3A_77 = arith.addi %mul3A_70, %add3A_76 : i32
      %lt3A = arith.cmpi slt, %add3A_77, %reduce_max3A_17 : i32
      %convert_element_type3A = arith.extui %lt3A : i1 to i32
      %cond3A = arith.constant 0 : i32
      %cond3A_78 = arith.cmpi ne, %convert_element_type3A, %cond3A : i32
      scf.if %cond3A_78 {
        %add3A_96 = arith.constant 2 : i32
        %add3A_97 = arith.addi %mul3A_70, %add3A_96 : i32
        %dma_start3A_98 = arith.constant 0 : i32
        %dma_start3A_99 = tpu.memref_slice %arg8[%add3A_97, %dma_start3A_98] : memref<160x128xi32, #tpu.memory_space<vmem>> -> memref<1x128xi32, #tpu.memory_space<vmem>>
        %dma_start3A_100 = tpu.memref_squeeze %dma_start3A_99 : memref<1x128xi32, #tpu.memory_space<vmem>> -> memref<128xi32, #tpu.memory_space<vmem>>
        %dma_start3A_101 = arith.constant 0 : i32
        %dma_start3A_102 = arith.constant 0 : i32
        %dma_start3A_103 = tpu.memref_slice %arg2[%dma_start3A_101, %dma_start3A_102] : memref<10000x128xf32, #tpu.memory_space<hbm>> -> memref<10000x128xf32, #tpu.memory_space<hbm>>
        tpu.enqueue_indirect_dma source(%dma_start3A_103 : memref<10000x128xf32, #tpu.memory_space<hbm>>) target(%arg11 : memref<128x128xf32, #tpu.memory_space<vmem>>) offsets(%dma_start3A_100 : memref<128xi32, #tpu.memory_space<vmem>>) semaphore(%arg14 : memref<!tpu.dma_semaphore, #tpu.memory_space<semaphore_mem>>)
      } else {
      }
      %add3A_79 = arith.constant 1 : i32
      %add3A_80 = arith.addi %mul3A_70, %add3A_79 : i32
      %dma_wait3A_81 = arith.constant 0 : i32
      %dma_wait3A_82 = tpu.memref_slice %arg8[%add3A_80, %dma_wait3A_81] : memref<160x128xi32, #tpu.memory_space<vmem>> -> memref<1x128xi32, #tpu.memory_space<vmem>>
      %dma_wait3A_83 = tpu.memref_squeeze %dma_wait3A_82 : memref<1x128xi32, #tpu.memory_space<vmem>> -> memref<128xi32, #tpu.memory_space<vmem>>
      %dma_wait3A_84 = arith.constant 0 : i32
      %dma_wait3A_85 = arith.constant 0 : i32
      %dma_wait3A_86 = tpu.memref_slice %arg2[%dma_wait3A_84, %dma_wait3A_85] : memref<10000x128xf32, #tpu.memory_space<hbm>> -> memref<10000x128xf32, #tpu.memory_space<hbm>>
      tpu.wait_indirect_dma semaphore(%arg15 : memref<!tpu.dma_semaphore, #tpu.memory_space<semaphore_mem>>) src(%dma_wait3A_86 : memref<10000x128xf32, #tpu.memory_space<hbm>>) dst(%arg12 : memref<128x128xf32, #tpu.memory_space<vmem>>)
      %add3A_87 = arith.constant 1 : i32
      %add3A_88 = arith.addi %mul3A_70, %add3A_87 : i32
      "tpu.region"() ({
        %run_scoped3A_96 = tpu.sem_alloc : memref<!tpu.dma_semaphore, #tpu.memory_space<semaphore_mem>>
        %dma_start3A_97 = arith.constant 0 : i32
        %dma_start3A_98 = tpu.memref_slice %arg9[%add3A_88, %dma_start3A_97] : memref<160x128xi32, #tpu.memory_space<vmem>> -> memref<1x128xi32, #tpu.memory_space<vmem>>
        %dma_start3A_99 = tpu.memref_squeeze %dma_start3A_98 : memref<1x128xi32, #tpu.memory_space<vmem>> -> memref<128xi32, #tpu.memory_space<vmem>>
        %dma_start3A_100 = arith.constant 0 : i32
        %dma_start3A_101 = arith.constant 0 : i32
        %dma_start3A_102 = tpu.memref_slice %arg13[%dma_start3A_100, %dma_start3A_101] : memref<5120x128xf32, #tpu.memory_space<vmem_shared>> -> memref<5120x128xf32, #tpu.memory_space<vmem_shared>>
        tpu.enqueue_indirect_dma source(%arg12 : memref<128x128xf32, #tpu.memory_space<vmem>>) target(%dma_start3A_102 : memref<5120x128xf32, #tpu.memory_space<vmem_shared>>) offsets(%dma_start3A_99 : memref<128xi32, #tpu.memory_space<vmem>>) semaphore(%run_scoped3A_96 : memref<!tpu.dma_semaphore, #tpu.memory_space<semaphore_mem>>) {add = true}
        %dma_wait3A_103 = arith.constant 0 : i32
        %dma_wait3A_104 = tpu.memref_slice %arg9[%add3A_88, %dma_wait3A_103] : memref<160x128xi32, #tpu.memory_space<vmem>> -> memref<1x128xi32, #tpu.memory_space<vmem>>
        %dma_wait3A_105 = tpu.memref_squeeze %dma_wait3A_104 : memref<1x128xi32, #tpu.memory_space<vmem>> -> memref<128xi32, #tpu.memory_space<vmem>>
        %dma_wait3A_106 = arith.constant 0 : i32
        %dma_wait3A_107 = arith.constant 0 : i32
        %dma_wait3A_108 = tpu.memref_slice %arg13[%dma_wait3A_106, %dma_wait3A_107] : memref<5120x128xf32, #tpu.memory_space<vmem_shared>> -> memref<5120x128xf32, #tpu.memory_space<vmem_shared>>
        tpu.wait_indirect_dma semaphore(%run_scoped3A_96 : memref<!tpu.dma_semaphore, #tpu.memory_space<semaphore_mem>>) src(%arg12 : memref<128x128xf32, #tpu.memory_space<vmem>>) dst(%dma_wait3A_108 : memref<5120x128xf32, #tpu.memory_space<vmem_shared>>)
        tpu.yield
      }) : () -> ()
      %add3A_89 = arith.constant 3 : i32
      %add3A_90 = arith.addi %mul3A_70, %add3A_89 : i32
      %lt3A_91 = arith.cmpi slt, %add3A_90, %reduce_max3A_17 : i32
      %convert_element_type3A_92 = arith.extui %lt3A_91 : i1 to i32
      %cond3A_93 = arith.constant 0 : i32
      %cond3A_94 = arith.cmpi ne, %convert_element_type3A_92, %cond3A_93 : i32
      scf.if %cond3A_94 {
        %add3A_96 = arith.constant 3 : i32
        %add3A_97 = arith.addi %mul3A_70, %add3A_96 : i32
        %dma_start3A_98 = arith.constant 0 : i32
        %dma_start3A_99 = tpu.memref_slice %arg8[%add3A_97, %dma_start3A_98] : memref<160x128xi32, #tpu.memory_space<vmem>> -> memref<1x128xi32, #tpu.memory_space<vmem>>
        %dma_start3A_100 = tpu.memref_squeeze %dma_start3A_99 : memref<1x128xi32, #tpu.memory_space<vmem>> -> memref<128xi32, #tpu.memory_space<vmem>>
        %dma_start3A_101 = arith.constant 0 : i32
        %dma_start3A_102 = arith.constant 0 : i32
        %dma_start3A_103 = tpu.memref_slice %arg2[%dma_start3A_101, %dma_start3A_102] : memref<10000x128xf32, #tpu.memory_space<hbm>> -> memref<10000x128xf32, #tpu.memory_space<hbm>>
        tpu.enqueue_indirect_dma source(%dma_start3A_103 : memref<10000x128xf32, #tpu.memory_space<hbm>>) target(%arg12 : memref<128x128xf32, #tpu.memory_space<vmem>>) offsets(%dma_start3A_100 : memref<128xi32, #tpu.memory_space<vmem>>) semaphore(%arg15 : memref<!tpu.dma_semaphore, #tpu.memory_space<semaphore_mem>>)
      } else {
      }
      %while3A_95 = arith.constant 0 : i32
      scf.yield %while3A_95 : i32
    }
    %while3A_56 = arith.constant 1 : i32
    %while3A_57 = scf.for %while3A_67 = %while3A_53 to %while3A_49 step %while3A_56 iter_args(%while3A_68 = %while3A_55) -> (i32)  : i32 {
      %mul3A_69 = arith.constant 2 : i32
      %mul3A_70 = arith.muli %mul3A_69, %while3A_67 : i32
      %dma_wait3A = arith.constant 0 : i32
      %dma_wait3A_71 = tpu.memref_slice %arg8[%mul3A_70, %dma_wait3A] : memref<160x128xi32, #tpu.memory_space<vmem>> -> memref<1x128xi32, #tpu.memory_space<vmem>>
      %dma_wait3A_72 = tpu.memref_squeeze %dma_wait3A_71 : memref<1x128xi32, #tpu.memory_space<vmem>> -> memref<128xi32, #tpu.memory_space<vmem>>
      %dma_wait3A_73 = arith.constant 0 : i32
      %dma_wait3A_74 = arith.constant 0 : i32
      %dma_wait3A_75 = tpu.memref_slice %arg2[%dma_wait3A_73, %dma_wait3A_74] : memref<10000x128xf32, #tpu.memory_space<hbm>> -> memref<10000x128xf32, #tpu.memory_space<hbm>>
      tpu.wait_indirect_dma semaphore(%arg14 : memref<!tpu.dma_semaphore, #tpu.memory_space<semaphore_mem>>) src(%dma_wait3A_75 : memref<10000x128xf32, #tpu.memory_space<hbm>>) dst(%arg11 : memref<128x128xf32, #tpu.memory_space<vmem>>)
      "tpu.region"() ({
        %run_scoped3A_96 = tpu.sem_alloc : memref<!tpu.dma_semaphore, #tpu.memory_space<semaphore_mem>>
        %dma_start3A_97 = arith.constant 0 : i32
        %dma_start3A_98 = tpu.memref_slice %arg9[%mul3A_70, %dma_start3A_97] : memref<160x128xi32, #tpu.memory_space<vmem>> -> memref<1x128xi32, #tpu.memory_space<vmem>>
        %dma_start3A_99 = tpu.memref_squeeze %dma_start3A_98 : memref<1x128xi32, #tpu.memory_space<vmem>> -> memref<128xi32, #tpu.memory_space<vmem>>
        %dma_start3A_100 = arith.constant 0 : i32
        %dma_start3A_101 = arith.constant 0 : i32
        %dma_start3A_102 = tpu.memref_slice %arg13[%dma_start3A_100, %dma_start3A_101] : memref<5120x128xf32, #tpu.memory_space<vmem_shared>> -> memref<5120x128xf32, #tpu.memory_space<vmem_shared>>
        tpu.enqueue_indirect_dma source(%arg11 : memref<128x128xf32, #tpu.memory_space<vmem>>) target(%dma_start3A_102 : memref<5120x128xf32, #tpu.memory_space<vmem_shared>>) offsets(%dma_start3A_99 : memref<128xi32, #tpu.memory_space<vmem>>) semaphore(%run_scoped3A_96 : memref<!tpu.dma_semaphore, #tpu.memory_space<semaphore_mem>>) {add = true}
        %dma_wait3A_103 = arith.constant 0 : i32
        %dma_wait3A_104 = tpu.memref_slice %arg9[%mul3A_70, %dma_wait3A_103] : memref<160x128xi32, #tpu.memory_space<vmem>> -> memref<1x128xi32, #tpu.memory_space<vmem>>
        %dma_wait3A_105 = tpu.memref_squeeze %dma_wait3A_104 : memref<1x128xi32, #tpu.memory_space<vmem>> -> memref<128xi32, #tpu.memory_space<vmem>>
        %dma_wait3A_106 = arith.constant 0 : i32
        %dma_wait3A_107 = arith.constant 0 : i32
        %dma_wait3A_108 = tpu.memref_slice %arg13[%dma_wait3A_106, %dma_wait3A_107] : memref<5120x128xf32, #tpu.memory_space<vmem_shared>> -> memref<5120x128xf32, #tpu.memory_space<vmem_shared>>
        tpu.wait_indirect_dma semaphore(%run_scoped3A_96 : memref<!tpu.dma_semaphore, #tpu.memory_space<semaphore_mem>>) src(%arg11 : memref<128x128xf32, #tpu.memory_space<vmem>>) dst(%dma_wait3A_108 : memref<5120x128xf32, #tpu.memory_space<vmem_shared>>)
        tpu.yield
      }) : () -> ()
      %add3A_76 = arith.constant 2 : i32
      %add3A_77 = arith.addi %mul3A_70, %add3A_76 : i32
      %lt3A = arith.cmpi slt, %add3A_77, %reduce_max3A_17 : i32
      %convert_element_type3A = arith.extui %lt3A : i1 to i32
      %cond3A = arith.constant 0 : i32
      %cond3A_78 = arith.cmpi ne, %convert_element_type3A, %cond3A : i32
      scf.if %cond3A_78 {
        %add3A_96 = arith.constant 2 : i32
        %add3A_97 = arith.addi %mul3A_70, %add3A_96 : i32
        %dma_start3A_98 = arith.constant 0 : i32
        %dma_start3A_99 = tpu.memref_slice %arg8[%add3A_97, %dma_start3A_98] : memref<160x128xi32, #tpu.memory_space<vmem>> -> memref<1x128xi32, #tpu.memory_space<vmem>>
        %dma_start3A_100 = tpu.memref_squeeze %dma_start3A_99 : memref<1x128xi32, #tpu.memory_space<vmem>> -> memref<128xi32, #tpu.memory_space<vmem>>
        %dma_start3A_101 = arith.constant 0 : i32
        %dma_start3A_102 = arith.constant 0 : i32
        %dma_start3A_103 = tpu.memref_slice %arg2[%dma_start3A_101, %dma_start3A_102] : memref<10000x128xf32, #tpu.memory_space<hbm>> -> memref<10000x128xf32, #tpu.memory_space<hbm>>
        tpu.enqueue_indirect_dma source(%dma_start3A_103 : memref<10000x128xf32, #tpu.memory_space<hbm>>) target(%arg11 : memref<128x128xf32, #tpu.memory_space<vmem>>) offsets(%dma_start3A_100 : memref<128xi32, #tpu.memory_space<vmem>>) semaphore(%arg14 : memref<!tpu.dma_semaphore, #tpu.memory_space<semaphore_mem>>)
      } else {
      }
      %add3A_79 = arith.constant 1 : i32
      %add3A_80 = arith.addi %mul3A_70, %add3A_79 : i32
      %dma_wait3A_81 = arith.constant 0 : i32
      %dma_wait3A_82 = tpu.memref_slice %arg8[%add3A_80, %dma_wait3A_81] : memref<160x128xi32, #tpu.memory_space<vmem>> -> memref<1x128xi32, #tpu.memory_space<vmem>>
      %dma_wait3A_83 = tpu.memref_squeeze %dma_wait3A_82 : memref<1x128xi32, #tpu.memory_space<vmem>> -> memref<128xi32, #tpu.memory_space<vmem>>
      %dma_wait3A_84 = arith.constant 0 : i32
      %dma_wait3A_85 = arith.constant 0 : i32
      %dma_wait3A_86 = tpu.memref_slice %arg2[%dma_wait3A_84, %dma_wait3A_85] : memref<10000x128xf32, #tpu.memory_space<hbm>> -> memref<10000x128xf32, #tpu.memory_space<hbm>>
      tpu.wait_indirect_dma semaphore(%arg15 : memref<!tpu.dma_semaphore, #tpu.memory_space<semaphore_mem>>) src(%dma_wait3A_86 : memref<10000x128xf32, #tpu.memory_space<hbm>>) dst(%arg12 : memref<128x128xf32, #tpu.memory_space<vmem>>)
      %add3A_87 = arith.constant 1 : i32
      %add3A_88 = arith.addi %mul3A_70, %add3A_87 : i32
      "tpu.region"() ({
        %run_scoped3A_96 = tpu.sem_alloc : memref<!tpu.dma_semaphore, #tpu.memory_space<semaphore_mem>>
        %dma_start3A_97 = arith.constant 0 : i32
        %dma_start3A_98 = tpu.memref_slice %arg9[%add3A_88, %dma_start3A_97] : memref<160x128xi32, #tpu.memory_space<vmem>> -> memref<1x128xi32, #tpu.memory_space<vmem>>
        %dma_start3A_99 = tpu.memref_squeeze %dma_start3A_98 : memref<1x128xi32, #tpu.memory_space<vmem>> -> memref<128xi32, #tpu.memory_space<vmem>>
        %dma_start3A_100 = arith.constant 0 : i32
        %dma_start3A_101 = arith.constant 0 : i32
        %dma_start3A_102 = tpu.memref_slice %arg13[%dma_start3A_100, %dma_start3A_101] : memref<5120x128xf32, #tpu.memory_space<vmem_shared>> -> memref<5120x128xf32, #tpu.memory_space<vmem_shared>>
        tpu.enqueue_indirect_dma source(%arg12 : memref<128x128xf32, #tpu.memory_space<vmem>>) target(%dma_start3A_102 : memref<5120x128xf32, #tpu.memory_space<vmem_shared>>) offsets(%dma_start3A_99 : memref<128xi32, #tpu.memory_space<vmem>>) semaphore(%run_scoped3A_96 : memref<!tpu.dma_semaphore, #tpu.memory_space<semaphore_mem>>) {add = true}
        %dma_wait3A_103 = arith.constant 0 : i32
        %dma_wait3A_104 = tpu.memref_slice %arg9[%add3A_88, %dma_wait3A_103] : memref<160x128xi32, #tpu.memory_space<vmem>> -> memref<1x128xi32, #tpu.memory_space<vmem>>
        %dma_wait3A_105 = tpu.memref_squeeze %dma_wait3A_104 : memref<1x128xi32, #tpu.memory_space<vmem>> -> memref<128xi32, #tpu.memory_space<vmem>>
        %dma_wait3A_106 = arith.constant 0 : i32
        %dma_wait3A_107 = arith.constant 0 : i32
        %dma_wait3A_108 = tpu.memref_slice %arg13[%dma_wait3A_106, %dma_wait3A_107] : memref<5120x128xf32, #tpu.memory_space<vmem_shared>> -> memref<5120x128xf32, #tpu.memory_space<vmem_shared>>
        tpu.wait_indirect_dma semaphore(%run_scoped3A_96 : memref<!tpu.dma_semaphore, #tpu.memory_space<semaphore_mem>>) src(%arg12 : memref<128x128xf32, #tpu.memory_space<vmem>>) dst(%dma_wait3A_108 : memref<5120x128xf32, #tpu.memory_space<vmem_shared>>)
        tpu.yield
      }) : () -> ()
      %add3A_89 = arith.constant 3 : i32
      %add3A_90 = arith.addi %mul3A_70, %add3A_89 : i32
      %lt3A_91 = arith.cmpi slt, %add3A_90, %reduce_max3A_17 : i32
      %convert_element_type3A_92 = arith.extui %lt3A_91 : i1 to i32
      %cond3A_93 = arith.constant 0 : i32
      %cond3A_94 = arith.cmpi ne, %convert_element_type3A_92, %cond3A_93 : i32
      scf.if %cond3A_94 {
        %add3A_96 = arith.constant 3 : i32
        %add3A_97 = arith.addi %mul3A_70, %add3A_96 : i32
        %dma_start3A_98 = arith.constant 0 : i32
        %dma_start3A_99 = tpu.memref_slice %arg8[%add3A_97, %dma_start3A_98] : memref<160x128xi32, #tpu.memory_space<vmem>> -> memref<1x128xi32, #tpu.memory_space<vmem>>
        %dma_start3A_100 = tpu.memref_squeeze %dma_start3A_99 : memref<1x128xi32, #tpu.memory_space<vmem>> -> memref<128xi32, #tpu.memory_space<vmem>>
        %dma_start3A_101 = arith.constant 0 : i32
        %dma_start3A_102 = arith.constant 0 : i32
        %dma_start3A_103 = tpu.memref_slice %arg2[%dma_start3A_101, %dma_start3A_102] : memref<10000x128xf32, #tpu.memory_space<hbm>> -> memref<10000x128xf32, #tpu.memory_space<hbm>>
        tpu.enqueue_indirect_dma source(%dma_start3A_103 : memref<10000x128xf32, #tpu.memory_space<hbm>>) target(%arg12 : memref<128x128xf32, #tpu.memory_space<vmem>>) offsets(%dma_start3A_100 : memref<128xi32, #tpu.memory_space<vmem>>) semaphore(%arg15 : memref<!tpu.dma_semaphore, #tpu.memory_space<semaphore_mem>>)
      } else {
      }
      %while3A_95 = arith.constant 0 : i32
      scf.yield %while3A_95 : i32
    }
    %barrier3A_58 = arith.constant 0 : index
    tpu.barrier barrier_id(%barrier3A_58)
    %mul3A_59 = arith.constant 320 : i32
    %mul3A_60 = arith.muli %arg1, %mul3A_59 : i32
    %add3A_61 = arith.constant 0 : i32
    %add3A_62 = arith.addi %mul3A_60, %add3A_61 : i32
    "tpu.region"() ({
      %run_scoped3A_67 = tpu.sem_alloc : memref<!tpu.dma_semaphore, #tpu.memory_space<semaphore_mem>>
      %dma_start3A_68 = arith.constant 0 : i32
      %dma_start3A_69 = tpu.memref_slice %arg7[%arg0, %add3A_62, %dma_start3A_68] : memref<2x5120x128xf32, #tpu.memory_space<hbm>> -> memref<1x160x128xf32, #tpu.memory_space<hbm>>
      %dma_start3A_70 = tpu.memref_squeeze %dma_start3A_69 : memref<1x160x128xf32, #tpu.memory_space<hbm>> -> memref<160x128xf32, #tpu.memory_space<hbm>>
      %dma_start3A_71 = arith.constant 0 : i32
      %dma_start3A_72 = tpu.memref_slice %arg13[%add3A_62, %dma_start3A_71] : memref<5120x128xf32, #tpu.memory_space<vmem_shared>> -> memref<160x128xf32, #tpu.memory_space<vmem_shared>>
      tpu.enqueue_dma source(%dma_start3A_72 : memref<160x128xf32, #tpu.memory_space<vmem_shared>>) target(%dma_start3A_70 : memref<160x128xf32, #tpu.memory_space<hbm>>) target_semaphore(%run_scoped3A_67 : memref<!tpu.dma_semaphore, #tpu.memory_space<semaphore_mem>>)
      %dma_wait3A = arith.constant 0 : i32
      %dma_wait3A_73 = tpu.memref_slice %arg7[%arg0, %add3A_62, %dma_wait3A] : memref<2x5120x128xf32, #tpu.memory_space<hbm>> -> memref<1x160x128xf32, #tpu.memory_space<hbm>>
      %dma_wait3A_74 = tpu.memref_squeeze %dma_wait3A_73 : memref<1x160x128xf32, #tpu.memory_space<hbm>> -> memref<160x128xf32, #tpu.memory_space<hbm>>
      %dma_wait3A_75 = arith.constant 0 : i32
      %dma_wait3A_76 = tpu.memref_slice %arg13[%add3A_62, %dma_wait3A_75] : memref<5120x128xf32, #tpu.memory_space<vmem_shared>> -> memref<160x128xf32, #tpu.memory_space<vmem_shared>>
      tpu.wait_dma2 semaphore(%run_scoped3A_67 : memref<!tpu.dma_semaphore, #tpu.memory_space<semaphore_mem>>) src(%dma_wait3A_76 : memref<160x128xf32, #tpu.memory_space<vmem_shared>>) dst(%dma_wait3A_74 : memref<160x128xf32, #tpu.memory_space<hbm>>)
      tpu.yield
    }) : () -> ()
    %mul3A_63 = arith.constant 320 : i32
    %mul3A_64 = arith.muli %arg1, %mul3A_63 : i32
    %add3A_65 = arith.constant 160 : i32
    %add3A_66 = arith.addi %mul3A_64, %add3A_65 : i32
    "tpu.region"() ({
      %run_scoped3A_67 = tpu.sem_alloc : memref<!tpu.dma_semaphore, #tpu.memory_space<semaphore_mem>>
      %dma_start3A_68 = arith.constant 0 : i32
      %dma_start3A_69 = tpu.memref_slice %arg7[%arg0, %add3A_66, %dma_start3A_68] : memref<2x5120x128xf32, #tpu.memory_space<hbm>> -> memref<1x160x128xf32, #tpu.memory_space<hbm>>
      %dma_start3A_70 = tpu.memref_squeeze %dma_start3A_69 : memref<1x160x128xf32, #tpu.memory_space<hbm>> -> memref<160x128xf32, #tpu.memory_space<hbm>>
      %dma_start3A_71 = arith.constant 0 : i32
      %dma_start3A_72 = tpu.memref_slice %arg13[%add3A_66, %dma_start3A_71] : memref<5120x128xf32, #tpu.memory_space<vmem_shared>> -> memref<160x128xf32, #tpu.memory_space<vmem_shared>>
      tpu.enqueue_dma source(%dma_start3A_72 : memref<160x128xf32, #tpu.memory_space<vmem_shared>>) target(%dma_start3A_70 : memref<160x128xf32, #tpu.memory_space<hbm>>) target_semaphore(%run_scoped3A_67 : memref<!tpu.dma_semaphore, #tpu.memory_space<semaphore_mem>>)
      %dma_wait3A = arith.constant 0 : i32
      %dma_wait3A_73 = tpu.memref_slice %arg7[%arg0, %add3A_66, %dma_wait3A] : memref<2x5120x128xf32, #tpu.memory_space<hbm>> -> memref<1x160x128xf32, #tpu.memory_space<hbm>>
      %dma_wait3A_74 = tpu.memref_squeeze %dma_wait3A_73 : memref<1x160x128xf32, #tpu.memory_space<hbm>> -> memref<160x128xf32, #tpu.memory_space<hbm>>
      %dma_wait3A_75 = arith.constant 0 : i32
      %dma_wait3A_76 = tpu.memref_slice %arg13[%add3A_66, %dma_wait3A_75] : memref<5120x128xf32, #tpu.memory_space<vmem_shared>> -> memref<160x128xf32, #tpu.memory_space<vmem_shared>>
      tpu.wait_dma2 semaphore(%run_scoped3A_67 : memref<!tpu.dma_semaphore, #tpu.memory_space<semaphore_mem>>) src(%dma_wait3A_76 : memref<160x128xf32, #tpu.memory_space<vmem_shared>>) dst(%dma_wait3A_74 : memref<160x128xf32, #tpu.memory_space<hbm>>)
      tpu.yield
    }) : () -> ()
    return
  }
}

module attributes {stable_mosaic.version = 14 : i64} {
  func.func @_dst_split_body(%arg0: memref<2512x128xi32, #tpu.memory_space<vmem>>, %arg1: memref<2x2512x128xi32, #tpu.memory_space<vmem>>) attributes {dimension_semantics = [], scalar_prefetch = 0 : i64, scratch_operands = 0 : i64, tpu.core_type = #tpu.core_type<tc>} {
    %get3A = arith.constant 0 : index
    %get3A_0 = arith.constant 0 : index
    %get3A_1 = vector.load %arg0[%get3A, %get3A_0] : memref<2512x128xi32, #tpu.memory_space<vmem>>, vector<2512x128xi32>
    %sub3A = arith.constant 0 : i32
    %sub3A_2 = vector.broadcast %sub3A : i32 to vector<2512x128xi32>
    %sub3A_3 = arith.subi %get3A_1, %sub3A_2 : vector<2512x128xi32>
    %ge3A = arith.constant 0 : i32
    %ge3A_4 = vector.broadcast %ge3A : i32 to vector<2512x128xi32>
    %ge3A_5 = arith.cmpi sge, %sub3A_3, %ge3A_4 : vector<2512x128xi32>
    %lt3A = arith.constant 5008 : i32
    %lt3A_6 = vector.broadcast %lt3A : i32 to vector<2512x128xi32>
    %lt3A_7 = arith.cmpi slt, %sub3A_3, %lt3A_6 : vector<2512x128xi32>
    %and3A = arith.andi %ge3A_5, %lt3A_7 : vector<2512x128xi1>
    %jit3A = arith.constant 5112 : i32
    %broadcast_in_dim3A = vector.broadcast %jit3A : i32 to vector<2512x128xi32>
    %select_n3A = arith.select %and3A, %sub3A_3, %broadcast_in_dim3A : vector<2512x128xi1>, vector<2512x128xi32>
    %swap3A = arith.constant 0 : index
    %swap3A_8 = arith.constant 0 : index
    %swap3A_9 = arith.constant 0 : index
    %swap3A_10 = vector.load %arg1[%swap3A, %swap3A_8, %swap3A_9] : memref<2x2512x128xi32, #tpu.memory_space<vmem>>, vector<1x2512x128xi32>
    %swap3A_11 = vector.shape_cast %swap3A_10 : vector<1x2512x128xi32> to vector<2512x128xi32>
    %swap3A_12 = vector.shape_cast %select_n3A : vector<2512x128xi32> to vector<1x2512x128xi32>
    tpu.vector_store %arg1[%swap3A, %swap3A_8, %swap3A_9], %swap3A_12 {strides = array<i32>} : memref<2x2512x128xi32, #tpu.memory_space<vmem>>, vector<1x2512x128xi32>,
    %sub3A_13 = arith.constant 5008 : i32
    %sub3A_14 = vector.broadcast %sub3A_13 : i32 to vector<2512x128xi32>
    %sub3A_15 = arith.subi %get3A_1, %sub3A_14 : vector<2512x128xi32>
    %ge3A_16 = arith.constant 0 : i32
    %ge3A_17 = vector.broadcast %ge3A_16 : i32 to vector<2512x128xi32>
    %ge3A_18 = arith.cmpi sge, %sub3A_15, %ge3A_17 : vector<2512x128xi32>
    %lt3A_19 = arith.constant 5008 : i32
    %lt3A_20 = vector.broadcast %lt3A_19 : i32 to vector<2512x128xi32>
    %lt3A_21 = arith.cmpi slt, %sub3A_15, %lt3A_20 : vector<2512x128xi32>
    %and3A_22 = arith.andi %ge3A_18, %lt3A_21 : vector<2512x128xi1>
    %jit3A_23 = arith.constant 5112 : i32
    %broadcast_in_dim3A_24 = vector.broadcast %jit3A_23 : i32 to vector<2512x128xi32>
    %select_n3A_25 = arith.select %and3A_22, %sub3A_15, %broadcast_in_dim3A_24 : vector<2512x128xi1>, vector<2512x128xi32>
    %swap3A_26 = arith.constant 1 : index
    %swap3A_27 = arith.constant 0 : index
    %swap3A_28 = arith.constant 0 : index
    %swap3A_29 = vector.load %arg1[%swap3A_26, %swap3A_27, %swap3A_28] : memref<2x2512x128xi32, #tpu.memory_space<vmem>>, vector<1x2512x128xi32>
    %swap3A_30 = vector.shape_cast %swap3A_29 : vector<1x2512x128xi32> to vector<2512x128xi32>
    %swap3A_31 = vector.shape_cast %select_n3A_25 : vector<2512x128xi32> to vector<1x2512x128xi32>
    tpu.vector_store %arg1[%swap3A_26, %swap3A_27, %swap3A_28], %swap3A_31 {strides = array<i32>} : memref<2x2512x128xi32, #tpu.memory_space<vmem>>, vector<1x2512x128xi32>,
    return
  }
}

module attributes {stable_mosaic.version = 14 : i64} {
  func.func @_tc_mid_body(%arg0: memref<2x5120x128xf32, #tpu.memory_space<vmem>>, %arg1: memref<10000x128xf32, #tpu.memory_space<vmem>>, %arg2: memref<10000x1xf32, #tpu.memory_space<vmem>>, %arg3: memref<128x128xf32, #tpu.memory_space<vmem>>, %arg4: memref<1x128xf32, #tpu.memory_space<vmem>>, %arg5: memref<10000x128xf32, #tpu.memory_space<vmem>>) attributes {dimension_semantics = [], scalar_prefetch = 0 : i64, scratch_operands = 0 : i64, tpu.core_type = #tpu.core_type<tc>} {
    %get3A = arith.constant 0 : index
    %get3A_0 = arith.constant 0 : index
    %get3A_1 = arith.constant 0 : index
    %get3A_2 = vector.load %arg0[%get3A, %get3A_0, %get3A_1] : memref<2x5120x128xf32, #tpu.memory_space<vmem>>, vector<1x5008x128xf32>
    %get3A_3 = vector.shape_cast %get3A_2 : vector<1x5008x128xf32> to vector<5008x128xf32>
    %get3A_4 = arith.constant 1 : index
    %get3A_5 = arith.constant 0 : index
    %get3A_6 = arith.constant 0 : index
    %get3A_7 = vector.load %arg0[%get3A_4, %get3A_5, %get3A_6] : memref<2x5120x128xf32, #tpu.memory_space<vmem>>, vector<1x4992x128xf32>
    %get3A_8 = vector.shape_cast %get3A_7 : vector<1x4992x128xf32> to vector<4992x128xf32>
    %concatenate3A = tpu.concatenate %get3A_3, %get3A_8 in 0 : vector<5008x128xf32>, vector<4992x128xf32> -> vector<10000x128xf32>
    %get3A_9 = arith.constant 0 : index
    %get3A_10 = arith.constant 0 : index
    %get3A_11 = vector.load %arg2[%get3A_9, %get3A_10] : memref<10000x1xf32, #tpu.memory_space<vmem>>, vector<10000x1xf32>
    %get3A_12 = arith.constant 0 : index
    %get3A_13 = arith.constant 0 : index
    %get3A_14 = vector.load %arg1[%get3A_12, %get3A_13] : memref<10000x128xf32, #tpu.memory_space<vmem>>, vector<10000x128xf32>
    %add3A = arith.addf %concatenate3A, %get3A_14 : vector<10000x128xf32>
    %mul3A = vector.broadcast %get3A_11 : vector<10000x1xf32> to vector<10000x128xf32>
    %mul3A_15 = arith.mulf %mul3A, %add3A : vector<10000x128xf32>
    %get3A_16 = arith.constant 0 : index
    %get3A_17 = arith.constant 0 : index
    %get3A_18 = vector.load %arg4[%get3A_16, %get3A_17] : memref<1x128xf32, #tpu.memory_space<vmem>>, vector<1x128xf32>
    %add3A_19 = vector.broadcast %get3A_18 : vector<1x128xf32> to vector<10000x128xf32>
    %add3A_20 = arith.addf %mul3A_15, %add3A_19 : vector<10000x128xf32>
    %get3A_21 = arith.constant 0 : index
    %get3A_22 = arith.constant 0 : index
    %get3A_23 = vector.load %arg3[%get3A_21, %get3A_22] : memref<128x128xf32, #tpu.memory_space<vmem>>, vector<128x128xf32>
    %dot_general3A = arith.constant dense<0.000000e+00> : vector<10000x128xf32>
    %dot_general3A_24 = tpu.matmul %add3A_20, %get3A_23, %dot_general3A {dimension_numbers = #tpu.dot_dimension_numbers<[1], [0], [0], [1], [0, 0, 1, 1], [], []>, transpose_lhs_hint = false} : vector<10000x128xf32>, vector<128x128xf32>, vector<10000x128xf32> -> vector<10000x128xf32>
    %get3A_25 = arith.constant 0 : index
    %get3A_26 = arith.constant 0 : index
    %get3A_27 = vector.load %arg2[%get3A_25, %get3A_26] : memref<10000x1xf32, #tpu.memory_space<vmem>>, vector<10000x1xf32>
    %mul3A_28 = vector.broadcast %get3A_27 : vector<10000x1xf32> to vector<10000x128xf32>
    %mul3A_29 = arith.mulf %dot_general3A_24, %mul3A_28 : vector<10000x128xf32>
    %swap3A = arith.constant 0 : index
    %swap3A_30 = arith.constant 0 : index
    %swap3A_31 = vector.load %arg5[%swap3A, %swap3A_30] : memref<10000x128xf32, #tpu.memory_space<vmem>>, vector<10000x128xf32>
    tpu.vector_store %arg5[%swap3A, %swap3A_30], %mul3A_29 {strides = array<i32>} : memref<10000x128xf32, #tpu.memory_space<vmem>>, vector<10000x128xf32>,
    return
  }
}

module attributes {stable_mosaic.version = 14 : i64} {
  func.func @_tc_first_body(%arg0: memref<2x5120x128xf32, #tpu.memory_space<vmem>>, %arg1: memref<10000x128xf32, #tpu.memory_space<vmem>>, %arg2: memref<128x128xf32, #tpu.memory_space<vmem>>, %arg3: memref<10000x128xf32, #tpu.memory_space<vmem>>, %arg4: memref<10000x1xf32, #tpu.memory_space<vmem>>) attributes {dimension_semantics = [], scalar_prefetch = 0 : i64, scratch_operands = 0 : i64, tpu.core_type = #tpu.core_type<tc>} {
    %get3A = arith.constant 0 : index
    %get3A_0 = arith.constant 0 : index
    %get3A_1 = arith.constant 0 : index
    %get3A_2 = vector.load %arg0[%get3A, %get3A_0, %get3A_1] : memref<2x5120x128xf32, #tpu.memory_space<vmem>>, vector<1x5008x1xf32>
    %get3A_3 = vector.shape_cast %get3A_2 : vector<1x5008x1xf32> to vector<5008x1xf32>
    %get3A_4 = arith.constant 1 : index
    %get3A_5 = arith.constant 0 : index
    %get3A_6 = arith.constant 0 : index
    %get3A_7 = vector.load %arg0[%get3A_4, %get3A_5, %get3A_6] : memref<2x5120x128xf32, #tpu.memory_space<vmem>>, vector<1x4992x1xf32>
    %get3A_8 = vector.shape_cast %get3A_7 : vector<1x4992x1xf32> to vector<4992x1xf32>
    %concatenate3A = tpu.concatenate %get3A_3, %get3A_8 in 0 : vector<5008x1xf32>, vector<4992x1xf32> -> vector<10000x1xf32>
    %add3A = arith.constant 1.000000e+00 : f32
    %add3A_9 = vector.broadcast %add3A : f32 to vector<10000x1xf32>
    %add3A_10 = arith.addf %concatenate3A, %add3A_9 : vector<10000x1xf32>
    %max3A = arith.constant 1.000000e+00 : f32
    %max3A_11 = vector.broadcast %max3A : f32 to vector<10000x1xf32>
    %max3A_12 = arith.maximumf %add3A_10, %max3A_11 : vector<10000x1xf32>
    %rsqrt3A = math.rsqrt %max3A_12 : vector<10000x1xf32>
    %swap3A = arith.constant 0 : index
    %swap3A_13 = arith.constant 0 : index
    %swap3A_14 = vector.load %arg4[%swap3A, %swap3A_13] : memref<10000x1xf32, #tpu.memory_space<vmem>>, vector<10000x1xf32>
    tpu.vector_store %arg4[%swap3A, %swap3A_13], %rsqrt3A {strides = array<i32>} : memref<10000x1xf32, #tpu.memory_space<vmem>>, vector<10000x1xf32>,
    %get3A_15 = arith.constant 0 : index
    %get3A_16 = arith.constant 0 : index
    %get3A_17 = vector.load %arg1[%get3A_15, %get3A_16] : memref<10000x128xf32, #tpu.memory_space<vmem>>, vector<10000x128xf32>
    %get3A_18 = arith.constant 0 : index
    %get3A_19 = arith.constant 0 : index
    %get3A_20 = vector.load %arg2[%get3A_18, %get3A_19] : memref<128x128xf32, #tpu.memory_space<vmem>>, vector<128x128xf32>
    %dot_general3A = arith.constant dense<0.000000e+00> : vector<10000x128xf32>
    %dot_general3A_21 = tpu.matmul %get3A_17, %get3A_20, %dot_general3A {dimension_numbers = #tpu.dot_dimension_numbers<[1], [0], [0], [1], [0, 0, 1, 1], [], []>, transpose_lhs_hint = false} : vector<10000x128xf32>, vector<128x128xf32>, vector<10000x128xf32> -> vector<10000x128xf32>
    %mul3A = vector.broadcast %rsqrt3A : vector<10000x1xf32> to vector<10000x128xf32>
    %mul3A_22 = arith.mulf %dot_general3A_21, %mul3A : vector<10000x128xf32>
    %swap3A_23 = arith.constant 0 : index
    %swap3A_24 = arith.constant 0 : index
    %swap3A_25 = vector.load %arg3[%swap3A_23, %swap3A_24] : memref<10000x128xf32, #tpu.memory_space<vmem>>, vector<10000x128xf32>
    tpu.vector_store %arg3[%swap3A_23, %swap3A_24], %mul3A_22 {strides = array<i32>} : memref<10000x128xf32, #tpu.memory_space<vmem>>, vector<10000x128xf32>,
    return
  }
}

module attributes {stable_mosaic.version = 14 : i64} {
  func.func @_tc_final_body(%arg0: memref<2x5120x128xf32, #tpu.memory_space<vmem>>, %arg1: memref<10000x128xf32, #tpu.memory_space<vmem>>, %arg2: memref<10000x1xf32, #tpu.memory_space<vmem>>, %arg3: memref<1x128xf32, #tpu.memory_space<vmem>>, %arg4: memref<10000x1xi32, #tpu.memory_space<vmem>>, %arg5: memref<128x64xf32, #tpu.memory_space<vmem>>, %arg6: memref<1x64xf32, #tpu.memory_space<vmem>>, %arg7: memref<64x1xf32, #tpu.memory_space<vmem>>, %arg8: memref<1x1xf32, #tpu.memory_space<vmem>>, %arg9: memref<1x1xf32, #tpu.memory_space<vmem>>, %arg10: memref<1x1xf32, #tpu.memory_space<vmem>>, %arg11: memref<64x1xf32, #tpu.memory_space<vmem>>) attributes {dimension_semantics = [], scalar_prefetch = 0 : i64, scratch_operands = 0 : i64, tpu.core_type = #tpu.core_type<tc>} {
    %get3A = arith.constant 0 : index
    %get3A_0 = arith.constant 0 : index
    %get3A_1 = arith.constant 0 : index
    %get3A_2 = vector.load %arg0[%get3A, %get3A_0, %get3A_1] : memref<2x5120x128xf32, #tpu.memory_space<vmem>>, vector<1x5008x128xf32>
    %get3A_3 = vector.shape_cast %get3A_2 : vector<1x5008x128xf32> to vector<5008x128xf32>
    %get3A_4 = arith.constant 1 : index
    %get3A_5 = arith.constant 0 : index
    %get3A_6 = arith.constant 0 : index
    %get3A_7 = vector.load %arg0[%get3A_4, %get3A_5, %get3A_6] : memref<2x5120x128xf32, #tpu.memory_space<vmem>>, vector<1x4992x128xf32>
    %get3A_8 = vector.shape_cast %get3A_7 : vector<1x4992x128xf32> to vector<4992x128xf32>
    %concatenate3A = tpu.concatenate %get3A_3, %get3A_8 in 0 : vector<5008x128xf32>, vector<4992x128xf32> -> vector<10000x128xf32>
    %get3A_9 = arith.constant 0 : index
    %get3A_10 = arith.constant 0 : index
    %get3A_11 = vector.load %arg2[%get3A_9, %get3A_10] : memref<10000x1xf32, #tpu.memory_space<vmem>>, vector<10000x1xf32>
    %get3A_12 = arith.constant 0 : index
    %get3A_13 = arith.constant 0 : index
    %get3A_14 = vector.load %arg1[%get3A_12, %get3A_13] : memref<10000x128xf32, #tpu.memory_space<vmem>>, vector<10000x128xf32>
    %add3A = arith.addf %concatenate3A, %get3A_14 : vector<10000x128xf32>
    %mul3A = vector.broadcast %get3A_11 : vector<10000x1xf32> to vector<10000x128xf32>
    %mul3A_15 = arith.mulf %mul3A, %add3A : vector<10000x128xf32>
    %get3A_16 = arith.constant 0 : index
    %get3A_17 = arith.constant 0 : index
    %get3A_18 = vector.load %arg3[%get3A_16, %get3A_17] : memref<1x128xf32, #tpu.memory_space<vmem>>, vector<1x128xf32>
    %add3A_19 = vector.broadcast %get3A_18 : vector<1x128xf32> to vector<10000x128xf32>
    %add3A_20 = arith.addf %mul3A_15, %add3A_19 : vector<10000x128xf32>
    %iota3A = tpu.iota {dimensions = array<i32: 1>} : vector<1x64xi32>
    %get3A_21 = arith.constant 0 : index
    %get3A_22 = arith.constant 0 : index
    %get3A_23 = vector.load %arg4[%get3A_21, %get3A_22] : memref<10000x1xi32, #tpu.memory_space<vmem>>, vector<10000x1xi32>
    %eq3A = vector.broadcast %get3A_23 : vector<10000x1xi32> to vector<10000x64xi32>
    %eq3A_24 = vector.broadcast %iota3A : vector<1x64xi32> to vector<10000x64xi32>
    %eq3A_25 = arith.cmpi eq, %eq3A, %eq3A_24 : vector<10000x64xi32>
    %convert_element_type3A = arith.extui %eq3A_25 : vector<10000x64xi1> to vector<10000x64xi32>
    %convert_element_type3A_26 = arith.sitofp %convert_element_type3A : vector<10000x64xi32> to vector<10000x64xf32>
    %dot_general3A = arith.constant dense<0.000000e+00> : vector<64x128xf32>
    %dot_general3A_27 = tpu.matmul %convert_element_type3A_26, %add3A_20, %dot_general3A {dimension_numbers = #tpu.dot_dimension_numbers<[0], [0], [1], [1], [0, 1, 1, 1], [], []>, transpose_lhs_hint = false} : vector<10000x64xf32>, vector<10000x128xf32>, vector<64x128xf32> -> vector<64x128xf32>
    %broadcast_in_dim3A = arith.constant 1.000000e+00 : f32
    %broadcast_in_dim3A_28 = vector.broadcast %broadcast_in_dim3A : f32 to vector<10000x1xf32>
    %dot_general3A_29 = arith.constant dense<0.000000e+00> : vector<64x1xf32>
    %dot_general3A_30 = tpu.matmul %convert_element_type3A_26, %broadcast_in_dim3A_28, %dot_general3A_29 {dimension_numbers = #tpu.dot_dimension_numbers<[0], [0], [1], [1], [0, 1, 1, 1], [], []>, transpose_lhs_hint = false} : vector<10000x64xf32>, vector<10000x1xf32>, vector<64x1xf32> -> vector<64x1xf32>
    %max3A = arith.constant 1.000000e+00 : f32
    %max3A_31 = vector.broadcast %max3A : f32 to vector<64x1xf32>
    %max3A_32 = arith.maximumf %dot_general3A_30, %max3A_31 : vector<64x1xf32>
    %div3A = vector.broadcast %max3A_32 : vector<64x1xf32> to vector<64x128xf32>
    %div3A_33 = arith.divf %dot_general3A_27, %div3A : vector<64x128xf32>
    %get3A_34 = arith.constant 0 : index
    %get3A_35 = arith.constant 0 : index
    %get3A_36 = vector.load %arg5[%get3A_34, %get3A_35] : memref<128x64xf32, #tpu.memory_space<vmem>>, vector<128x64xf32>
    %dot_general3A_37 = arith.constant dense<0.000000e+00> : vector<64x64xf32>
    %dot_general3A_38 = tpu.matmul %div3A_33, %get3A_36, %dot_general3A_37 {dimension_numbers = #tpu.dot_dimension_numbers<[1], [0], [0], [1], [0, 0, 1, 1], [], []>, transpose_lhs_hint = false} : vector<64x128xf32>, vector<128x64xf32>, vector<64x64xf32> -> vector<64x64xf32>
    %get3A_39 = arith.constant 0 : index
    %get3A_40 = arith.constant 0 : index
    %get3A_41 = vector.load %arg6[%get3A_39, %get3A_40] : memref<1x64xf32, #tpu.memory_space<vmem>>, vector<1x64xf32>
    %add3A_42 = vector.broadcast %get3A_41 : vector<1x64xf32> to vector<64x64xf32>
    %add3A_43 = arith.addf %dot_general3A_38, %add3A_42 : vector<64x64xf32>
    %get3A_44 = arith.constant 0 : index
    %get3A_45 = arith.constant 0 : index
    %get3A_46 = vector.load %arg7[%get3A_44, %get3A_45] : memref<64x1xf32, #tpu.memory_space<vmem>>, vector<64x1xf32>
    %dot_general3A_47 = arith.constant dense<0.000000e+00> : vector<64x1xf32>
    %dot_general3A_48 = tpu.matmul %add3A_43, %get3A_46, %dot_general3A_47 {dimension_numbers = #tpu.dot_dimension_numbers<[1], [0], [0], [1], [0, 0, 1, 1], [], []>, transpose_lhs_hint = false} : vector<64x64xf32>, vector<64x1xf32>, vector<64x1xf32> -> vector<64x1xf32>
    %get3A_49 = arith.constant 0 : index
    %get3A_50 = arith.constant 0 : index
    %get3A_51 = vector.load %arg8[%get3A_49, %get3A_50] : memref<1x1xf32, #tpu.memory_space<vmem>>, vector<1x1xf32>
    %add3A_52 = vector.broadcast %get3A_51 : vector<1x1xf32> to vector<64x1xf32>
    %add3A_53 = arith.addf %dot_general3A_48, %add3A_52 : vector<64x1xf32>
    %get3A_54 = arith.constant 0 : index
    %get3A_55 = arith.constant 0 : index
    %get3A_56 = vector.load %arg9[%get3A_54, %get3A_55] : memref<1x1xf32, #tpu.memory_space<vmem>>, vector<1x1xf32>
    %dot_general3A_57 = arith.constant dense<0.000000e+00> : vector<64x1xf32>
    %dot_general3A_58 = tpu.matmul %add3A_53, %get3A_56, %dot_general3A_57 {dimension_numbers = #tpu.dot_dimension_numbers<[1], [0], [0], [1], [0, 0, 1, 1], [], []>, transpose_lhs_hint = false} : vector<64x1xf32>, vector<1x1xf32>, vector<64x1xf32> -> vector<64x1xf32>
    %get3A_59 = arith.constant 0 : index
    %get3A_60 = arith.constant 0 : index
    %get3A_61 = vector.load %arg10[%get3A_59, %get3A_60] : memref<1x1xf32, #tpu.memory_space<vmem>>, vector<1x1xf32>
    %add3A_62 = vector.broadcast %get3A_61 : vector<1x1xf32> to vector<64x1xf32>
    %add3A_63 = arith.addf %dot_general3A_58, %add3A_62 : vector<64x1xf32>
    %ge3A = arith.constant 0.000000e+00 : f32
    %ge3A_64 = vector.broadcast %ge3A : f32 to vector<64x1xf32>
    %ge3A_65 = arith.cmpf oge, %add3A_63, %ge3A_64 : vector<64x1xf32>
    %mul3A_66 = arith.constant 0.00999999977 : f32
    %mul3A_67 = vector.broadcast %mul3A_66 : f32 to vector<64x1xf32>
    %mul3A_68 = arith.mulf %add3A_63, %mul3A_67 : vector<64x1xf32>
    %select_n3A = arith.select %ge3A_65, %add3A_63, %mul3A_68 : vector<64x1xi1>, vector<64x1xf32>
    %swap3A = arith.constant 0 : index
    %swap3A_69 = arith.constant 0 : index
    %swap3A_70 = vector.load %arg11[%swap3A, %swap3A_69] : memref<64x1xf32, #tpu.memory_space<vmem>>, vector<64x1xf32>
    tpu.vector_store %arg11[%swap3A, %swap3A_69], %select_n3A {strides = array<i32>} : memref<64x1xf32, #tpu.memory_space<vmem>>, vector<64x1xf32>,
    return
  }
}

</mosaic_0001>

<sc_bundles>
// kernel: kernel.12.cloned.1.call-start
scs
__scs_entry_jumppad:
0x0: {  	(pc) =	sbr.rel $0x88, $3  }
0x1: {  	(tag) =	ssettag $0x0;
	lr =	simm.s32 $0x1  }
0x2: {  	[smem:$0x3F92] =	sst lr;
	_ =	strace $0xD0000000  }
0x3: {  	_ = 	snop  }
0x4: {  	_ = 	snop  }
0x5: {  	_ = 	snop  }
0x6: {  	_ = 	snop  }
0x7: {  	_ = 	snop  }
__scs_overlays_trampoline_lowered:
0x8: {  	[smem:$0x3FA1] =	sst s0  }
0x9: {  	[smem:$0x3FA2] =	sst s1  }
0xa: {  	[smem:$0x3FA3] =	sst s2  }
0xb: {  	[smem:$0x3FA4] =	sst s3  }
0xc: {  	[smem:$0x3FA5] =	sst s4  }
0xd: {  	[smem:$0x3FA6] =	sst s5  }
0xe: {  	[smem:$0x3FA7] =	sst s6  }
0xf: {  	[smem:$0x3FA8] =	sst s7  }
0x10: {  	[smem:$0x3FA9] =	sst s8  }
0x11: {  	[smem:$0x3FAA] =	sst s9;
	s0 =	simm.s32 @!p0 $0x0  }
0x12: {  	s1 =	sld [smem:$0x3F90];
	s0 =	simm.s32 @p0 $0x1  }
0x13: {  	[smem:$0x3FAB] =	sst s0;
	s0 =	simm.s32 @!p1 $0x0  }
0x14: {  	s2 =	sld [smem:$0x3F8F];
	s0 =	simm.s32 @p1 $0x1  }
0x15: {  	[smem:$0x3FAC] =	sst s0;
	s0 =	simm.s32 @!p2 $0x0  }
0x16: {  	s3 =	sld [smem:$0x3FDB];
	s0 =	simm.s32 @p2 $0x1  }
0x17: {  	s4 =	simm.s32 $0x1BF5;
	[smem:$0x3FAE] =	sst s0  }
0x18: {  	s0 =	sld [smem:$0x3F91];
	_ =	swait.ge [sflag:s4], $0x0  }
0x19: {  	s7 =	sld [smem:$0x3F92]  }
0x1a: {  	s8 =	sadd.s32 $0xFFFFE003, lr  }
0x1b: {  	s9 =	sadd.s32 $0xFFFFFEF7, lr;
	s5 =	simm.s32 $0xFFFFFFFF;
	p2 =	slt.u32 s8, $0xFFFFF086  }
0x1c: {  	p1 =	slt.u32 s9, $0xF7A;
	s5 =	simm.s32 @!p2 $0x0  }
0x1d: {  	s5 =	simm.s32 @p1 $0x1;
	p0 =	seq.s32 s7, s2  }
0x1e: {  	s7 =	smul.u32 @!p0 $0xF7A, s2;
	p2 =	seq.s32 @!p0 s5, $0x0  }
0x1f: {  	s9 =	smul.u32 $0xF7A, s1;
	s8 =	simm.s32 @!p0 $0x1BF5;
	p2 =	por !p2, p0  }
0x20: {  	[sflag:s8] =	ssyncset.s32 @!p0 $0xFFFFF086;
	s6 =	sadd.s32 @!p0 s3, s7;
	s7 =	simm.s32 @!p0 $0x108  }
0x21: {  	s3 =	sadd.s32 s3, s9;
	s6 =	sadd.s32 @!p0 $0x88, s6;
	s7 =	simm.s32 @p2 $0x1082  }
0x22: {  	[simem:s7], [sflag:s8] =	dma.local @!p0 [hbm:s6], $0xF7A  }
0x23: {  	s9 =	sor.u32 $0xD0000000, s2;
	s6 =	simm.s32 $0x108;
	_ =	swait.ge @!p0 [sflag:s8], $0x0  }
0x24: {  	s3 =	sadd.s32 $0x88, s3;
	s6 =	simm.s32 @!p1 $0x1082;
	[sflag:s4] =	ssyncset.s32 $0xFFFFF086  }
0x25: {  	[simem:s6], [sflag:s4] =	dma.local [hbm:s3], $0xF7A  }
0x26: {  	[smem:$0x3F92] =	sst s1;
	(tag) =	ssettag s2;
	_ =	strace s9  }
0x27: {  	s1 =	sld [smem:$0x3FA2]  }
0x28: {  	s2 =	sld [smem:$0x3FA3]  }
0x29: {  	s4 =	sld [smem:$0x3FA5]  }
0x2a: {  	p0 =	seq.s32 s5, $0x0;
	s5 =	sld [smem:$0x3FA6]  }
0x2b: {  	s6 =	sld [smem:$0x3FA7]  }
0x2c: {  	s7 =	sld [smem:$0x3FA8]  }
0x2d: {  	s3 =	simm.s32 $0x108;
	s8 =	sld [smem:$0x3FA9]  }
0x2e: {  	s3 =	simm.s32 @!p0 $0x1082;
	s9 =	sld [smem:$0x3FAA]  }
0x2f: {  	lr =	sadd.s32 s0, s3;
	s0 =	sld [smem:$0x3FA1]  }
0x30: {  	s3 =	sld [smem:$0x3FA4]  }
0x31: {  	[smem:$0x3FAD] =	sst s10  }
0x32: {  	s10 =	sld [smem:$0x3FAB];
	_ =	sdelay $0x3  }
0x33: {  	p0 =	seq.s32 s10, $0x1;
	s10 =	sld [smem:$0x3FAD];
	_ =	sdelay $0x3  }
0x34: {  	[smem:$0x3FAD] =	sst s10  }
0x35: {  	s10 =	sld [smem:$0x3FAC];
	_ =	sdelay $0x3  }
0x36: {  	p1 =	seq.s32 s10, $0x1;
	s10 =	sld [smem:$0x3FAD];
	_ =	sdelay $0x3  }
0x37: {  	[smem:$0x3FAD] =	sst s10  }
0x38: {  	s10 =	sld [smem:$0x3FAE]  }
0x39: {  	_ = 	snop;
	(pc) =	sbr.ind lr, $3  }
0x3a: {  	_ = 	snop  }
0x3b: {  	_ = 	snop  }
0x3c: {  	p2 =	seq.s32 s10, $0x1;
	s10 =	sld [smem:$0x3FAD]  }
0x3d: {  	_ =	shalt  }
0x3e: {  	_ =	shalt  }
0x3f: {  	_ =	shalt  }
0x40: {  	_ =	shalt  }
0x41: {  	_ =	shalt  }
0x42: {  	_ =	shalt  }
0x43: {  	_ =	shalt  }
0x44: {  	_ =	shalt  }
0x45: {  	_ =	shalt  }
0x46: {  	_ =	shalt  }
0x47: {  	_ =	shalt  }
0x48: {  	_ =	shalt  }
0x49: {  	_ =	shalt  }
0x4a: {  	_ =	shalt  }
0x4b: {  	_ =	shalt  }
0x4c: {  	_ =	shalt  }
0x4d: {  	_ =	shalt  }
0x4e: {  	_ =	shalt  }
0x4f: {  	_ =	shalt  }
0x50: {  	_ =	shalt  }
0x51: {  	_ =	shalt  }
0x52: {  	_ =	shalt  }
0x53: {  	_ =	shalt  }
0x54: {  	_ =	shalt  }
0x55: {  	_ =	shalt  }
0x56: {  	_ =	shalt  }
0x57: {  	_ =	shalt  }
0x58: {  	_ =	shalt  }
0x59: {  	_ =	shalt  }
0x5a: {  	_ =	shalt  }
0x5b: {  	_ =	shalt  }
0x5c: {  	_ =	shalt  }
0x5d: {  	_ =	shalt  }
0x5e: {  	_ =	shalt  }
0x5f: {  	_ =	shalt  }
0x60: {  	_ =	shalt  }
0x61: {  	_ =	shalt  }
0x62: {  	_ =	shalt  }
0x63: {  	_ =	shalt  }
0x64: {  	_ =	shalt  }
0x65: {  	_ =	shalt  }
0x66: {  	_ =	shalt  }
0x67: {  	_ =	shalt  }
0x68: {  	_ =	shalt  }
0x69: {  	_ =	shalt  }
0x6a: {  	_ =	shalt  }
0x6b: {  	_ =	shalt  }
0x6c: {  	_ =	shalt  }
0x6d: {  	_ =	shalt  }
0x6e: {  	_ =	shalt  }
0x6f: {  	_ =	shalt  }
0x70: {  	_ =	shalt  }
0x71: {  	_ =	shalt  }
0x72: {  	_ =	shalt  }
0x73: {  	_ =	shalt  }
0x74: {  	_ =	shalt  }
0x75: {  	_ =	shalt  }
0x76: {  	_ =	shalt  }
0x77: {  	_ =	shalt  }
0x78: {  	_ =	shalt  }
0x79: {  	_ =	shalt  }
0x7a: {  	_ =	shalt  }
0x7b: {  	_ =	shalt  }
0x7c: {  	_ =	shalt  }
0x7d: {  	_ =	shalt  }
0x7e: {  	_ =	shalt  }
0x7f: {  	_ =	shalt  }
0x80: {  	_ =	shalt  }
0x81: {  	_ =	shalt  }
0x82: {  	_ =	shalt  }
0x83: {  	_ =	shalt  }
0x84: {  	_ =	shalt  }
0x85: {  	_ =	shalt  }
0x86: {  	_ =	shalt  }
0x87: {  	_ =	shalt  }
.Lfunc_end0:
.L_simem_size_0:
called_computation_lowered:
.L_overlay_start_0:
0x88: {  	s2 =	sld [smem:$0x3FD9]  }
0x89: {  	s3 =	sld [smem:$0x3FFE];
	_ =	sdelay $0x1  }
0x8a: {  	s1 =	srdreg.scid  }
0x8b: {  	s0 =	sand.u32 $0x1, s1  }
0x8c: {  	s16 =	sshll.u32 s0, $0xA;
	s2 =	sadd.s32 s3, s2  }
0x8d: {  	s2 =	sadd.s32 s2, s16  }
0x8e: {  	[smem:$0x3FB9] =	sst s2  }
0x8f: {  	_ = 	snop  }
0x90: {  	(tm) =	ssettm $0x1  }
0x91: {  	s17 =	sld [smem:$0x3FFB];
	_ =	sdelay $0x3  }
0x92: {  	_ =	strace s17  }
0x93: {  	s2 =	sld [smem:$0x3FFC];
	_ =	sdelay $0x3  }
0x94: {  	_ =	strace s2  }
0x95: {  	s2 =	sld [smem:$0x3FFD];
	_ =	sdelay $0x3  }
0x96: {  	_ =	strace s2  }
0x97: {  	_ =	strace $0x8FFFFFFF  }
0x98: {  	s18 =	sld [smem:$0x3FDB];
	_ =	sdelay $0x1  }
0x99: {  	s19 =	simm.s32 $_scs_section_size  }
0x9a: {  	s4 =	simm.s32 $_size__tile_overlayer_lowered;
	s5 =	simm.s32 $_tile_overlayer_lowered  }
0x9b: {  	s22 =	simm.s32 $0x1BFF;
	s21 =	sshll.u32 s5, $0x1;
	s2 =	sadd.s32 s19, s18  }
0x9c: {  	s6 =	simm.s32 $0x0;
	s20 =	sshll.u32 s4, $0x1;
	s4 =	sadd.s32 s21, s2  }
0x9d: {  	[timem:s6], [sflag:s22] =	dma.local [hbm:s4], s20  }
0x9e: {  	_ =	swait.ge [sflag:s22], s20  }
0x9f: {  	s3 =	ssub.s32 $0x0, s20;
	[sflag:s22] =	ssyncset.done $0x0  }
0xa0: {  	[sflag:s22] =	ssyncadd.s32 s3;
	_ =	sdelay $0x1  }
0xa1: {  	s23 =	simm.s32 $0x1B8B  }
0xa2: {  	_ =	swait.ge [sflag:s23], $0x1  }
0xa3: {  	[sflag:s23] =	ssyncset.done $0x0  }
0xa4: {  	s25 =	simm.s32 $0x1B8E;
	s24 =	sld [smem:$0x3FFE];
	[sflag:s23] =	ssyncadd.s32 $0xFFFFFFFF  }
0xa5: {  	s26 =	simm.s32 $execute0_lowered;
	[smem:$0x3FD2] =	sst s25  }
0xa6: {  	s4 =	sshll.u32 s26, $0x1;
	_ =	strace $0x80000046;
	[dreg:$0x1] =	wrdreg $0xFFFFFFFF  }
0xa7: {  	s28 =	simm.s32 $_size_execute0_lowered;
	s2 =	sadd.s32 s2, s4;
	[dreg:$0x0] =	wrdreg $0x0  }
0xa8: {  	s4 =	sshll.u32 s28, $0x1;
	[dreg:$0x2] =	wrdreg s2  }
0xa9: {  	[dreg:$0x3] =	wrdreg s4  }
0xaa: {  	[dreg:$0x4] =	wrdreg $0xC0  }
0xab: {  	_ =	task [dreg:s6], $0x5FFFF  }
0xac: {  	[dreg:$0x1] =	wrdreg $0xFFFFFFFF  }
0xad: {  	[dreg:$0x0] =	wrdreg $0x60  }
0xae: {  	[dreg:$0x2] =	wrdreg s24  }
0xaf: {  	[dreg:$0x3] =	wrdreg $0x9  }
0xb0: {  	_ =	task.clear_ibuf [dreg:s6], $0x4FFFF;
	_ =	strace $0x90000046  }
0xb1: {  	s29 =	simm.s32 $0x9;
	_ =	strace $0x80000048  }
0xb2: {  	_ =	swait.ge [sflag:s29], $0x1  }
0xb3: {  	[sflag:s29] =	ssyncadd.s32 $0xFFFFFFFF  }
0xb4: {  	_ =	strace $0x90000048  }
0xb5: {  	_ =	sfence  }
0xb6: {  	s30 =	sld [smem:$0x0];
	_ =	sdelay $0x2  }
0xb7: {  	s31 =	sshll.u32 s1, $0xD;
	s1 =	sshrl.u32 s1, $0x2  }
0xb8: {  	s3 =	sand.u32 $0x4000, s31;
	s1 =	sadd.s32 s1, s30  }
0xb9: {  	s0 =	sor.u32 s3, s0;
	s1 =	sshll.u32 s1, $0x11  }
0xba: {  	s0 =	sor.u32 s1, s0  }
0xbb: {  	s0 =	sadd.s32 $0x8F2B, s0  }
0xbc: {  	[sflag:s0] =	ssyncadd.remote.s32 $0x1  }
0xbd: {  	_ =	sfence.sel $0xFFFF  }
0xbe: {  	[dreg:$0x0] =	wrdreg $0xFFFFFFFF;
	(pc) =	sbr.abs _section_cstart, $3  }
0xbf: {  	[dreg:$0x1] =	wrdreg $0xFFFFFFFF  }
0xc0: {  	_ =	task.clear_ibuf [dreg:s6], $0x2FFFF;
	_ =	strace $0x9FFFFFFF  }
0xc1: {  	(tm) =	ssettm $0x7FFFFFFF  }
tec
execute0_lowered:
.L_overlay_start_1:
0x0: {  	(tag) =	ssettag $0x1  }
0x1: {  	s0 =	stileid.u32;
	s1 =	srdreg.scid  }
0x2: {  	s3 =	rddreg [dreg:$0x0];
	s2 =	simm.s32 $0x0;
	s10 =	simm.s32 $0x5000  }
0x3: {  	s11 =	simm.s32 $0xA300;
	s12 =	simm.s32 $0xF300;
	s13 =	simm.s32 $0x14300  }
0x4: {  	s14 =	simm.s32 $0x0;
	s5 =	sand.u32 $0x1, s1;
	s1 =	rddreg [dreg:$0x1]  }
0x5: {  	s4 =	smul.u32 $0x5000, s0;
	[smem:$0x7FF] =	sst s2;
	s29 =	sshll.u32 s0, $0x4  }
0x6: {  	s6 =	smul.u32 $0x50000, s5;
	_ =	strace $0x80000047;
	s8 =	ssub.s32 $0x2, s5  }
0x7: {  	s31 =	sshll.u32 s5, $0x8;
	s7 =	sshrl.u32 s4, $0x3;
	s30 =	sshrl.u32 s8, $0x1  }
.Ltmp0:
0x8: {  	s7 =	sadd.s32 s7, s3;
	s4 =	sadd.s32 s4, s6;
	(pc) =	sbr.rel .LBB2_1-.Ltmp0, $4  }
0x9: {  	s6 =	sadd.s32 s29, s3;
	s8 =	ssub.s32 s8, s30;
	s4 =	sshrl.u32 s4, $0x3  }
0xa: {  	s8 =	smax.u32 s8, $0x1;
	s9 =	sadd.s32 s4, s3;
	s3 =	sadd.s32 $0x18A00, s7  }
0xb: {  	v0 =	vimm.s32 $0x0;
	v3 =	vlaneseq.u32;
	s7 =	sadd.s32 s31, s6;
	s4 =	sadd.s32 $0x4A00, s9;
	s5 =	sadd.s32 $0x22A00, s9  }
0xc: {  	v1 =	vimm.s32 $0x13F8;
	v2 =	vor.u32 $0x80000400, v3;
	v3 =	vor.u32 $0x80000000, v3;
	s6 =	sadd.s32 $0x36A00, s9;
	s7 =	sadd.s32 $0x4AA00, s7;
	s9 =	simm.s32 $0x1  }
.LBB2_5:
0xd: {  	v4 =	vld [tilespmem:$0xA000];
	_ =	sdelay $0x3  }
0xe: {  	s16 =	sshll.u32 s15, $0x7  }
0xf: {  	[tilespmem:s16+$0xA300] =	vst v4  }
0x10: {  	v4 =	vld [tilespmem:$0xA180];
	_ =	sdelay $0x4  }
0x11: {  	[tilespmem:s16+$0xF300] =	vst v4  }
0x12: {  	v4 =	vld [tilespmem:$0xA010];
	_ =	sdelay $0x4  }
0x13: {  	[tilespmem:s16+$0xA310] =	vst v4  }
0x14: {  	v4 =	vld [tilespmem:$0xA190];
	_ =	sdelay $0x4  }
0x15: {  	[tilespmem:s16+$0xF310] =	vst v4  }
0x16: {  	v4 =	vld [tilespmem:$0xA020];
	_ =	sdelay $0x4  }
0x17: {  	[tilespmem:s16+$0xA320] =	vst v4  }
0x18: {  	v4 =	vld [tilespmem:$0xA1A0];
	_ =	sdelay $0x4  }
0x19: {  	[tilespmem:s16+$0xF320] =	vst v4  }
0x1a: {  	v4 =	vld [tilespmem:$0xA030];
	_ =	sdelay $0x4  }
0x1b: {  	[tilespmem:s16+$0xA330] =	vst v4  }
0x1c: {  	v4 =	vld [tilespmem:$0xA1B0];
	_ =	sdelay $0x4  }
0x1d: {  	[tilespmem:s16+$0xF330] =	vst v4  }
0x1e: {  	v4 =	vld [tilespmem:$0xA040];
	_ =	sdelay $0x4  }
0x1f: {  	[tilespmem:s16+$0xA340] =	vst v4  }
0x20: {  	v4 =	vld [tilespmem:$0xA1C0];
	_ =	sdelay $0x4  }
0x21: {  	[tilespmem:s16+$0xF340] =	vst v4  }
0x22: {  	v4 =	vld [tilespmem:$0xA050];
	_ =	sdelay $0x4  }
0x23: {  	[tilespmem:s16+$0xA350] =	vst v4  }
0x24: {  	v4 =	vld [tilespmem:$0xA1D0];
	_ =	sdelay $0x4  }
0x25: {  	[tilespmem:s16+$0xF350] =	vst v4  }
0x26: {  	v4 =	vld [tilespmem:$0xA060];
	_ =	sdelay $0x4  }
0x27: {  	[tilespmem:s16+$0xA360] =	vst v4  }
0x28: {  	v4 =	vld [tilespmem:$0xA1E0];
	_ =	sdelay $0x4  }
0x29: {  	[tilespmem:s16+$0xF360] =	vst v4  }
0x2a: {  	v4 =	vld [tilespmem:$0xA070];
	_ =	sdelay $0x4  }
0x2b: {  	[tilespmem:s16+$0xA370] =	vst v4  }
0x2c: {  	v4 =	vld [tilespmem:$0xA1F0];
	_ =	sdelay $0x4  }
0x2d: {  	[tilespmem:s16+$0xF370] =	vst v4  }
0x2e: {  	[tilespmem:$0xA000] =	vst v0  }
0x2f: {  	[tilespmem:$0xA180] =	vst v1  }
0x30: {  	[tilespmem:$0xA010] =	vst v0  }
0x31: {  	[tilespmem:$0xA190] =	vst v1  }
0x32: {  	[tilespmem:$0xA020] =	vst v0  }
0x33: {  	[tilespmem:$0xA1A0] =	vst v1  }
0x34: {  	[tilespmem:$0xA030] =	vst v0  }
0x35: {  	[tilespmem:$0xA1B0] =	vst v1  }
0x36: {  	[tilespmem:$0xA040] =	vst v0  }
0x37: {  	[tilespmem:$0xA1C0] =	vst v1  }
0x38: {  	[tilespmem:$0xA050] =	vst v0  }
0x39: {  	[tilespmem:$0xA1D0] =	vst v1;
	v4 =	vld [tilespmem:$0xA000]  }
0x3a: {  	[tilespmem:$0xA060] =	vst v0  }
0x3b: {  	[tilespmem:$0xA1E0] =	vst v1  }
0x3c: {  	[tilespmem:$0xA070] =	vst v0  }
0x3d: {  	[tilespmem:$0xA1F0] =	vst v1  }
0x3e: {  	[tilespmem:s16+$0xA380] =	vst v4  }
0x3f: {  	v4 =	vld [tilespmem:$0xA180];
	_ =	sdelay $0x4  }
0x40: {  	[tilespmem:s16+$0xF380] =	vst v4  }
0x41: {  	v4 =	vld [tilespmem:$0xA010];
	_ =	sdelay $0x4  }
0x42: {  	[tilespmem:s16+$0xA390] =	vst v4  }
0x43: {  	v4 =	vld [tilespmem:$0xA190];
	_ =	sdelay $0x4  }
0x44: {  	[tilespmem:s16+$0xF390] =	vst v4  }
0x45: {  	v4 =	vld [tilespmem:$0xA020];
	_ =	sdelay $0x4  }
0x46: {  	[tilespmem:s16+$0xA3A0] =	vst v4  }
0x47: {  	v4 =	vld [tilespmem:$0xA1A0];
	_ =	sdelay $0x4  }
0x48: {  	[tilespmem:s16+$0xF3A0] =	vst v4  }
0x49: {  	v4 =	vld [tilespmem:$0xA030];
	_ =	sdelay $0x4  }
0x4a: {  	[tilespmem:s16+$0xA3B0] =	vst v4  }
0x4b: {  	v4 =	vld [tilespmem:$0xA1B0];
	_ =	sdelay $0x4  }
0x4c: {  	[tilespmem:s16+$0xF3B0] =	vst v4  }
0x4d: {  	v4 =	vld [tilespmem:$0xA040];
	_ =	sdelay $0x4  }
0x4e: {  	[tilespmem:s16+$0xA3C0] =	vst v4  }
0x4f: {  	v4 =	vld [tilespmem:$0xA1C0];
	_ =	sdelay $0x4  }
0x50: {  	[tilespmem:s16+$0xF3C0] =	vst v4  }
0x51: {  	v4 =	vld [tilespmem:$0xA050];
	_ =	sdelay $0x4  }
0x52: {  	[tilespmem:s16+$0xA3D0] =	vst v4  }
0x53: {  	v4 =	vld [tilespmem:$0xA1D0];
	_ =	sdelay $0x4  }
0x54: {  	[tilespmem:s16+$0xF3D0] =	vst v4  }
0x55: {  	v4 =	vld [tilespmem:$0xA060];
	_ =	sdelay $0x4  }
0x56: {  	[tilespmem:s16+$0xA3E0] =	vst v4  }
0x57: {  	v4 =	vld [tilespmem:$0xA1E0];
	_ =	sdelay $0x4  }
0x58: {  	[tilespmem:s16+$0xF3E0] =	vst v4  }
0x59: {  	v4 =	vld [tilespmem:$0xA070];
	_ =	sdelay $0x3  }
0x5a: {  	s17 =	sadd.s32 $0x2, s15;
	s30 =	sand.u32 $0x1, s15  }
0x5b: {  	p0 =	slt.s32 s17, $0x1;
	p1 =	seq.s32 s30, $0x1;
	[tilespmem:s16+$0xA3F0] =	vst v4  }
0x5c: {  	s31 =	sshrl.u32 s17, $0x1F;
	p0 =	por !p0, !p1;
	v4 =	vld [tilespmem:$0xA1F0]  }
0x5d: {  	s15 =	sadd.s32 s31, s17;
	s17 =	simm.s32 $0x1;
	p0 =	por !p0, !p0  }
0x5e: {  	s15 =	sshrl.u32 s15, $0x1;
	s17 =	simm.s32 @!p0 $0x0  }
0x5f: {  	s15 =	ssub.s32 s15, s17  }
0x60: {  	s15 =	sshll.u32 s15, $0x1  }
0x61: {  	[tilespmem:s16+$0xF3F0] =	vst v4;
	v4 =	vmov s15  }
0x62: {  	[tilespmem:$0x14300] =	vst v4  }
0x63: {  	[tilespmem:$0x14310] =	vst v4  }
0x64: {  	[tilespmem:$0x14320] =	vst v4  }
0x65: {  	[tilespmem:$0x14330] =	vst v4  }
0x66: {  	[tilespmem:$0x14340] =	vst v4  }
0x67: {  	[tilespmem:$0x14350] =	vst v4  }
0x68: {  	[tilespmem:$0x14360] =	vst v4  }
0x69: {  	[tilespmem:$0x14370] =	vst v4  }
0x6a: {  	[hbm4b:s5+s2] =	stream.linear.scatter [tilespmem:s11], [sflag:$0x1], $0x5000, $0x38;
	[tilespmem:$0x14380] =	vst v63  }
0x6b: {  	_ =	swait.ge [sflag:s9], $0x5000  }
0x6c: {  	[sflag:s9] =	ssyncset.done $0x0  }
0x6d: {  	[sflag:s9] =	ssyncadd.s32 $0xFFFFB000  }
0x6e: {  	[hbm4b:s6+s2] =	stream.linear.scatter [tilespmem:s12], [sflag:$0x1], $0x5000, $0x38;
	[tilespmem:$0x14380] =	vst v63  }
0x6f: {  	s14 =	sadd.s32 $0x1, s14;
	_ =	swait.ge [sflag:s9], $0x5000  }
0x70: {  	p0 =	sne.s32 s14, s8;
	[sflag:s9] =	ssyncset.done $0x0  }
.Ltmp1:
0x71: {  	[sflag:s9] =	ssyncadd.s32 $0xFFFFB000;
	(pc) =	sbr.rel @!p0 .LBB2_6-.Ltmp1, $4  }
0x72: {  	[hbm4b:s7+s2] =	stream.linear.scatter [tilespmem:s13], [sflag:$0x1], $0x80, $0x38;
	[tilespmem:$0x14380] =	vst v63  }
0x73: {  	_ =	swait.ge [sflag:s9], $0x80  }
0x74: {  	[sflag:s9] =	ssyncset.done $0x0  }
0x75: {  	[sflag:s9] =	ssyncadd.s32 $0xFFFFFF80  }
.LBB2_1:
0x76: {  	[tilespmem:s2], [sflag:$0x1] =	stream.linear.gather [hbm4b:s3+s2], $0x4E80, $0x38;
	[tilespmem:$0x14380] =	vst v63  }
0x77: {  	_ =	swait.ge [sflag:s9], $0x4E80  }
0x78: {  	[sflag:s9] =	ssyncset.done $0x0  }
0x79: {  	[sflag:s9] =	ssyncadd.s32 $0xFFFFB180  }
0x7a: {  	[tilespmem:s10], [sflag:$0x1] =	stream.linear.gather [hbm4b:s4+s2], $0x4E80, $0x38;
	[tilespmem:$0x14380] =	vst v63  }
0x7b: {  	_ =	swait.ge [sflag:s9], $0x4E80  }
0x7c: {  	[sflag:s9] =	ssyncset.done $0x0  }
0x7d: {  	[sflag:s9] =	ssyncadd.s32 $0xFFFFB180  }
0x7e: {  	[tilespmem:$0xA000] =	vst v0  }
0x7f: {  	[tilespmem:$0xA180] =	vst v1  }
0x80: {  	[tilespmem:$0xA010] =	vst v0  }
0x81: {  	[tilespmem:$0xA190] =	vst v1  }
0x82: {  	[tilespmem:$0xA020] =	vst v0  }
0x83: {  	[tilespmem:$0xA1A0] =	vst v1  }
0x84: {  	[tilespmem:$0xA030] =	vst v0  }
0x85: {  	[tilespmem:$0xA1B0] =	vst v1  }
0x86: {  	[tilespmem:$0xA040] =	vst v0  }
0x87: {  	[tilespmem:$0xA1C0] =	vst v1  }
0x88: {  	[tilespmem:$0xA050] =	vst v0  }
0x89: {  	[tilespmem:$0xA1D0] =	vst v1  }
0x8a: {  	[tilespmem:$0xA060] =	vst v0  }
0x8b: {  	[tilespmem:$0xA1E0] =	vst v1  }
0x8c: {  	[tilespmem:$0xA070] =	vst v0  }
0x8d: {  	[tilespmem:$0xA1F0] =	vst v1  }
0x8e: {  	[tilespmem:$0xA080] =	vst v0  }
0x8f: {  	[tilespmem:$0xA200] =	vst v1  }
0x90: {  	[tilespmem:$0xA090] =	vst v0  }
0x91: {  	[tilespmem:$0xA210] =	vst v1  }
0x92: {  	[tilespmem:$0xA0A0] =	vst v0  }
0x93: {  	[tilespmem:$0xA220] =	vst v1  }
0x94: {  	[tilespmem:$0xA0B0] =	vst v0  }
0x95: {  	[tilespmem:$0xA230] =	vst v1  }
0x96: {  	[tilespmem:$0xA0C0] =	vst v0  }
0x97: {  	[tilespmem:$0xA240] =	vst v1  }
0x98: {  	[tilespmem:$0xA0D0] =	vst v0  }
0x99: {  	[tilespmem:$0xA250] =	vst v1  }
0x9a: {  	[tilespmem:$0xA0E0] =	vst v0  }
.Ltmp2:
0x9b: {  	[tilespmem:$0xA260] =	vst v1;
	(pc) =	sbr.rel .LBB2_2-.Ltmp2, $4  }
0x9c: {  	[tilespmem:$0xA0F0] =	vst v0  }
0x9d: {  	[tilespmem:$0xA270] =	vst v1  }
0x9e: {  	[tilespmem:$0xA100] =	vst v0  }
0x9f: {  	s16 =	simm.s32 $0x0;
	s15 =	simm.s32 $0x0;
	s17 =	simm.s32 $0x0;
	[tilespmem:$0xA280] =	vst v1  }
.LBB2_4:
0xa0: {  	s16 =	sadd.s32 $0x40, s16  }
0xa1: {  	p1 =	sne.s32 s16, $0x13A00  }
.Ltmp3:
0xa2: {  	_ = 	snop;
	(pc) =	sbr.rel @!p1 .LBB2_5-.Ltmp3, $4  }
0xa3: {  	_ = 	snop  }
0xa4: {  	p0 =	sgt.s32 s17, $0x7F;
	s18 =	simm.s32 $0x1  }
0xa5: {  	s19 =	sadd.s32 $0xFFFFFF80, s17;
	s18 =	simm.s32 @!p0 $0x0  }
0xa6: {  	s17 =	smov.u32 @p0 s19;
	s15 =	sadd.s32 s18, s15  }
.LBB2_2:
0xa7: {  	s18 =	sshra.s32 s16, $0x2  }
0xa8: {  	v4 =	vld [tilespmem:s18+$0x5000];
	_ =	sdelay $0x4  }
0xa9: {  	vm0 =	vlt.s32 v4, $0x13F8  }
0xaa: {  	v5 =	vsel vm0, $0x1, v0  }
0xab: {  	(xrf0) =	vadd.scan.msk.s32 $0xffff, v5;
	_ =	sdelay $0x2  }
0xac: {  	v5 =	vld [tilespmem:s18+$0x0];
	_ =	sdelay $0x1  }
0xad: {  	v6 =	vsel vm0, v3, v2  }
0xae: {  	(xrf1) =	vsort.ascd.msk.u32 $0xffff, v6, v4;
	v4, _, _ =	vpop (xrf0)  }
0xaf: {  	(v2sf) =	vpush v4, $0xF  }
0xb0: {  	(xrf1) =	vsort.ascd.msk.u32 $0xffff, v6, v5;
	_ =	sdelay $0xc  }
0xb1: {  	_, v4, _ =	vpop (xrf1)  }
0xb2: {  	[tilespmem:s17+$0xA180] =	vst v4;
	_, v5, _ =	vpop (xrf1);
	s31 =	spop (v2sf)  }
0xb3: {  	[tilespmem:s17+$0xA000] =	vst v5;
	s17 =	sadd.s32 s17, s31  }
0xb4: {  	p0 =	slt.s32 s17, $0x80  }
.Ltmp4:
0xb5: {  	_ = 	snop;
	(pc) =	sbr.rel @p0 .LBB2_4-.Ltmp4, $1  }
0xb6: {  	_ =	sdelay $0x3  }
0xb7: {  	v4 =	vld [tilespmem:$0xA000];
	_ =	sdelay $0x3  }
0xb8: {  	s18 =	sshll.u32 s15, $0x7  }
0xb9: {  	[tilespmem:s18+$0xA300] =	vst v4  }
0xba: {  	v4 =	vld [tilespmem:$0xA180];
	_ =	sdelay $0x4  }
0xbb: {  	[tilespmem:s18+$0xF300] =	vst v4  }
0xbc: {  	v4 =	vld [tilespmem:$0xA010];
	_ =	sdelay $0x4  }
0xbd: {  	[tilespmem:s18+$0xA310] =	vst v4  }
0xbe: {  	v4 =	vld [tilespmem:$0xA190];
	_ =	sdelay $0x4  }
0xbf: {  	[tilespmem:s18+$0xF310] =	vst v4  }
0xc0: {  	v4 =	vld [tilespmem:$0xA020];
	_ =	sdelay $0x4  }
0xc1: {  	[tilespmem:s18+$0xA320] =	vst v4  }
0xc2: {  	v4 =	vld [tilespmem:$0xA1A0];
	_ =	sdelay $0x4  }
0xc3: {  	[tilespmem:s18+$0xF320] =	vst v4  }
0xc4: {  	v4 =	vld [tilespmem:$0xA030];
	_ =	sdelay $0x4  }
0xc5: {  	[tilespmem:s18+$0xA330] =	vst v4  }
0xc6: {  	v4 =	vld [tilespmem:$0xA1B0];
	_ =	sdelay $0x4  }
0xc7: {  	[tilespmem:s18+$0xF330] =	vst v4  }
0xc8: {  	v4 =	vld [tilespmem:$0xA040];
	_ =	sdelay $0x4  }
0xc9: {  	[tilespmem:s18+$0xA340] =	vst v4  }
0xca: {  	v4 =	vld [tilespmem:$0xA1C0];
	_ =	sdelay $0x4  }
0xcb: {  	[tilespmem:s18+$0xF340] =	vst v4  }
0xcc: {  	v4 =	vld [tilespmem:$0xA050];
	_ =	sdelay $0x4  }
0xcd: {  	[tilespmem:s18+$0xA350] =	vst v4  }
0xce: {  	v4 =	vld [tilespmem:$0xA1D0];
	_ =	sdelay $0x4  }
0xcf: {  	[tilespmem:s18+$0xF350] =	vst v4  }
0xd0: {  	v4 =	vld [tilespmem:$0xA060];
	_ =	sdelay $0x4  }
0xd1: {  	[tilespmem:s18+$0xA360] =	vst v4  }
0xd2: {  	v4 =	vld [tilespmem:$0xA1E0];
	_ =	sdelay $0x4  }
0xd3: {  	[tilespmem:s18+$0xF360] =	vst v4  }
0xd4: {  	v4 =	vld [tilespmem:$0xA070];
	_ =	sdelay $0x4  }
0xd5: {  	[tilespmem:s18+$0xA370] =	vst v4  }
0xd6: {  	v4 =	vld [tilespmem:$0xA1F0];
	_ =	sdelay $0x4  }
0xd7: {  	[tilespmem:s18+$0xF370] =	vst v4  }
0xd8: {  	v4 =	vld [tilespmem:$0xA080]  }
0xd9: {  	v5 =	vld [tilespmem:$0xA200]  }
0xda: {  	v6 =	vld [tilespmem:$0xA090]  }
0xdb: {  	v7 =	vld [tilespmem:$0xA210]  }
0xdc: {  	v8 =	vld [tilespmem:$0xA0A0];
	[tilespmem:$0xA210] =	vst v1  }
0xdd: {  	v57 =	vld [tilespmem:$0xA230];
	[tilespmem:$0xA230] =	vst v1  }
0xde: {  	v59 =	vld [tilespmem:$0xA240];
	[tilespmem:$0xA240] =	vst v1  }
0xdf: {  	v61 =	vld [tilespmem:$0xA260];
	[tilespmem:$0xA260] =	vst v1  }
0xe0: {  	v63 =	vld [tilespmem:$0xA280];
	[tilespmem:$0xA280] =	vst v1  }
0xe1: {  	[tilespmem:$0xA000] =	vst v4  }
0xe2: {  	v58 =	vld [tilespmem:$0xA0C0];
	[tilespmem:$0xA180] =	vst v5  }
0xe3: {  	[tilespmem:$0xA010] =	vst v6  }
0xe4: {  	v60 =	vld [tilespmem:$0xA0E0];
	[tilespmem:$0xA190] =	vst v7  }
0xe5: {  	v4 =	vld [tilespmem:$0xA220];
	[tilespmem:$0xA020] =	vst v8  }
0xe6: {  	v5 =	vld [tilespmem:$0xA0B0];
	[tilespmem:$0xA1B0] =	vst v57  }
0xe7: {  	[tilespmem:$0xA040] =	vst v58  }
0xe8: {  	v62 =	vld [tilespmem:$0xA0F0];
	[tilespmem:$0xA1C0] =	vst v59  }
0xe9: {  	[tilespmem:$0xA060] =	vst v60  }
0xea: {  	[tilespmem:$0xA1A0] =	vst v4;
	v4 =	vld [tilespmem:$0xA0D0]  }
0xeb: {  	[tilespmem:$0xA030] =	vst v5;
	v5 =	vld [tilespmem:$0xA250]  }
0xec: {  	[tilespmem:$0xA1E0] =	vst v61  }
0xed: {  	[tilespmem:$0xA070] =	vst v62  }
0xee: {  	[tilespmem:$0xA200] =	vst v63  }
0xef: {  	[tilespmem:$0xA050] =	vst v4;
	v4 =	vld [tilespmem:$0xA270]  }
0xf0: {  	[tilespmem:$0xA1D0] =	vst v5;
	v5 =	vld [tilespmem:$0xA100]  }
.Ltmp5:
0xf1: {  	[tilespmem:$0xA220] =	vst v1;
	(pc) =	sbr.rel .LBB2_4-.Ltmp5, $4  }
0xf2: {  	[tilespmem:$0xA250] =	vst v1  }
0xf3: {  	[tilespmem:$0xA270] =	vst v1  }
0xf4: {  	[tilespmem:$0xA1F0] =	vst v4  }
0xf5: {  	[tilespmem:$0xA080] =	vst v5  }
.LBB2_6:
0xf6: {  	_ =	sfence.sel $0x180000  }
0xf7: {  	[bflag:$0x0] =	sbarrier.arrive $0xFFFF  }
0xf8: {  	p0 =	sne.s32 s0, $0x0;
	_ =	strace $0x90000047  }
0xf9: {  	s0 =	sadd.s32 @!p0 $0x100000, s1;
	[bflag:$0x2] =	sbarrier.arrive $0xFFFF  }
0xfa: {  	[sflag:s0] =	ssyncadd.tile.s32 @!p0 $0x1;
	_ =	shalt  }
.Lfunc_end2:
_tile_overlayer_lowered:
.L_overlay_start_2:
0xfb: {  	(tag) =	ssettag $0x2  }
0xfc: {  	s0 =	rddreg [dreg:$0x0];
	s2 =	stileid.u32  }
0xfd: {  	s1 =	rddreg [dreg:$0x1];
	p0 =	sne.s32 s2, $0x0  }
0xfe: {  	s3 =	rddreg [dreg:$0x2];
	[bflag:$0x3] =	sbarrier.arrive $0xFFFF;
	s2 =	simm.s32 @!p0 $0x1C01  }
0xff: {  	[timem:s3], [sflag:s2] =	dma.local @!p0 [hbm:s0], s1  }
0x100: {  	s0 =	simm.s32 @!p0 $0x1  }
0x101: {  	_ =	swait.ge @!p0 [sflag:s0], s1  }
0x102: {  	s1 =	ssub.s32 @!p0 $0x0, s1;
	[sflag:s0] =	ssyncset.done @!p0 $0x0  }
0x103: {  	[sflag:s0] =	ssyncadd.s32 @!p0 s1  }
0x104: {  	[bflag:$0x3] =	sbarrier.arrive $0xFFFF  }
0x105: {  	_ =	shalt  }

// kernel: kernel.15.cloned.1.call-start
scs
__scs_entry_jumppad:
0x0: {  	(pc) =	sbr.rel $0x88, $3  }
0x1: {  	(tag) =	ssettag $0x0;
	lr =	simm.s32 $0x1  }
0x2: {  	[smem:$0x3F92] =	sst lr;
	_ =	strace $0xD0000000  }
0x3: {  	_ = 	snop  }
0x4: {  	_ = 	snop  }
0x5: {  	_ = 	snop  }
0x6: {  	_ = 	snop  }
0x7: {  	_ = 	snop  }
__scs_overlays_trampoline_lowered:
0x8: {  	[smem:$0x3FA1] =	sst s0  }
0x9: {  	[smem:$0x3FA2] =	sst s1  }
0xa: {  	[smem:$0x3FA3] =	sst s2  }
0xb: {  	[smem:$0x3FA4] =	sst s3  }
0xc: {  	[smem:$0x3FA5] =	sst s4  }
0xd: {  	[smem:$0x3FA6] =	sst s5  }
0xe: {  	[smem:$0x3FA7] =	sst s6  }
0xf: {  	[smem:$0x3FA8] =	sst s7  }
0x10: {  	[smem:$0x3FA9] =	sst s8  }
0x11: {  	[smem:$0x3FAA] =	sst s9;
	s0 =	simm.s32 @!p0 $0x0  }
0x12: {  	s1 =	sld [smem:$0x3F90];
	s0 =	simm.s32 @p0 $0x1  }
0x13: {  	[smem:$0x3FAB] =	sst s0;
	s0 =	simm.s32 @!p1 $0x0  }
0x14: {  	s2 =	sld [smem:$0x3F8F];
	s0 =	simm.s32 @p1 $0x1  }
0x15: {  	[smem:$0x3FAC] =	sst s0;
	s0 =	simm.s32 @!p2 $0x0  }
0x16: {  	s3 =	sld [smem:$0x3FDB];
	s0 =	simm.s32 @p2 $0x1  }
0x17: {  	s4 =	simm.s32 $0x1BF5;
	[smem:$0x3FAE] =	sst s0  }
0x18: {  	s0 =	sld [smem:$0x3F91];
	_ =	swait.ge [sflag:s4], $0x0  }
0x19: {  	s7 =	sld [smem:$0x3F92]  }
0x1a: {  	s8 =	sadd.s32 $0xFFFFE003, lr  }
0x1b: {  	s9 =	sadd.s32 $0xFFFFFEF7, lr;
	s5 =	simm.s32 $0xFFFFFFFF;
	p2 =	slt.u32 s8, $0xFFFFF086  }
0x1c: {  	p1 =	slt.u32 s9, $0xF7A;
	s5 =	simm.s32 @!p2 $0x0  }
0x1d: {  	s5 =	simm.s32 @p1 $0x1;
	p0 =	seq.s32 s7, s2  }
0x1e: {  	s7 =	smul.u32 @!p0 $0xF7A, s2;
	p2 =	seq.s32 @!p0 s5, $0x0  }
0x1f: {  	s9 =	smul.u32 $0xF7A, s1;
	s8 =	simm.s32 @!p0 $0x1BF5;
	p2 =	por !p2, p0  }
0x20: {  	[sflag:s8] =	ssyncset.s32 @!p0 $0xFFFFF086;
	s6 =	sadd.s32 @!p0 s3, s7;
	s7 =	simm.s32 @!p0 $0x108  }
0x21: {  	s3 =	sadd.s32 s3, s9;
	s6 =	sadd.s32 @!p0 $0x88, s6;
	s7 =	simm.s32 @p2 $0x1082  }
0x22: {  	[simem:s7], [sflag:s8] =	dma.local @!p0 [hbm:s6], $0xF7A  }
0x23: {  	s9 =	sor.u32 $0xD0000000, s2;
	s6 =	simm.s32 $0x108;
	_ =	swait.ge @!p0 [sflag:s8], $0x0  }
0x24: {  	s3 =	sadd.s32 $0x88, s3;
	s6 =	simm.s32 @!p1 $0x1082;
	[sflag:s4] =	ssyncset.s32 $0xFFFFF086  }
0x25: {  	[simem:s6], [sflag:s4] =	dma.local [hbm:s3], $0xF7A  }
0x26: {  	[smem:$0x3F92] =	sst s1;
	(tag) =	ssettag s2;
	_ =	strace s9  }
0x27: {  	s1 =	sld [smem:$0x3FA2]  }
0x28: {  	s2 =	sld [smem:$0x3FA3]  }
0x29: {  	s4 =	sld [smem:$0x3FA5]  }
0x2a: {  	p0 =	seq.s32 s5, $0x0;
	s5 =	sld [smem:$0x3FA6]  }
0x2b: {  	s6 =	sld [smem:$0x3FA7]  }
0x2c: {  	s7 =	sld [smem:$0x3FA8]  }
0x2d: {  	s3 =	simm.s32 $0x108;
	s8 =	sld [smem:$0x3FA9]  }
0x2e: {  	s3 =	simm.s32 @!p0 $0x1082;
	s9 =	sld [smem:$0x3FAA]  }
0x2f: {  	lr =	sadd.s32 s0, s3;
	s0 =	sld [smem:$0x3FA1]  }
0x30: {  	s3 =	sld [smem:$0x3FA4]  }
0x31: {  	[smem:$0x3FAD] =	sst s10  }
0x32: {  	s10 =	sld [smem:$0x3FAB];
	_ =	sdelay $0x3  }
0x33: {  	p0 =	seq.s32 s10, $0x1;
	s10 =	sld [smem:$0x3FAD];
	_ =	sdelay $0x3  }
0x34: {  	[smem:$0x3FAD] =	sst s10  }
0x35: {  	s10 =	sld [smem:$0x3FAC];
	_ =	sdelay $0x3  }
0x36: {  	p1 =	seq.s32 s10, $0x1;
	s10 =	sld [smem:$0x3FAD];
	_ =	sdelay $0x3  }
0x37: {  	[smem:$0x3FAD] =	sst s10  }
0x38: {  	s10 =	sld [smem:$0x3FAE]  }
0x39: {  	_ = 	snop;
	(pc) =	sbr.ind lr, $3  }
0x3a: {  	_ = 	snop  }
0x3b: {  	_ = 	snop  }
0x3c: {  	p2 =	seq.s32 s10, $0x1;
	s10 =	sld [smem:$0x3FAD]  }
0x3d: {  	_ =	shalt  }
0x3e: {  	_ =	shalt  }
0x3f: {  	_ =	shalt  }
0x40: {  	_ =	shalt  }
0x41: {  	_ =	shalt  }
0x42: {  	_ =	shalt  }
0x43: {  	_ =	shalt  }
0x44: {  	_ =	shalt  }
0x45: {  	_ =	shalt  }
0x46: {  	_ =	shalt  }
0x47: {  	_ =	shalt  }
0x48: {  	_ =	shalt  }
0x49: {  	_ =	shalt  }
0x4a: {  	_ =	shalt  }
0x4b: {  	_ =	shalt  }
0x4c: {  	_ =	shalt  }
0x4d: {  	_ =	shalt  }
0x4e: {  	_ =	shalt  }
0x4f: {  	_ =	shalt  }
0x50: {  	_ =	shalt  }
0x51: {  	_ =	shalt  }
0x52: {  	_ =	shalt  }
0x53: {  	_ =	shalt  }
0x54: {  	_ =	shalt  }
0x55: {  	_ =	shalt  }
0x56: {  	_ =	shalt  }
0x57: {  	_ =	shalt  }
0x58: {  	_ =	shalt  }
0x59: {  	_ =	shalt  }
0x5a: {  	_ =	shalt  }
0x5b: {  	_ =	shalt  }
0x5c: {  	_ =	shalt  }
0x5d: {  	_ =	shalt  }
0x5e: {  	_ =	shalt  }
0x5f: {  	_ =	shalt  }
0x60: {  	_ =	shalt  }
0x61: {  	_ =	shalt  }
0x62: {  	_ =	shalt  }
0x63: {  	_ =	shalt  }
0x64: {  	_ =	shalt  }
0x65: {  	_ =	shalt  }
0x66: {  	_ =	shalt  }
0x67: {  	_ =	shalt  }
0x68: {  	_ =	shalt  }
0x69: {  	_ =	shalt  }
0x6a: {  	_ =	shalt  }
0x6b: {  	_ =	shalt  }
0x6c: {  	_ =	shalt  }
0x6d: {  	_ =	shalt  }
0x6e: {  	_ =	shalt  }
0x6f: {  	_ =	shalt  }
0x70: {  	_ =	shalt  }
0x71: {  	_ =	shalt  }
0x72: {  	_ =	shalt  }
0x73: {  	_ =	shalt  }
0x74: {  	_ =	shalt  }
0x75: {  	_ =	shalt  }
0x76: {  	_ =	shalt  }
0x77: {  	_ =	shalt  }
0x78: {  	_ =	shalt  }
0x79: {  	_ =	shalt  }
0x7a: {  	_ =	shalt  }
0x7b: {  	_ =	shalt  }
0x7c: {  	_ =	shalt  }
0x7d: {  	_ =	shalt  }
0x7e: {  	_ =	shalt  }
0x7f: {  	_ =	shalt  }
0x80: {  	_ =	shalt  }
0x81: {  	_ =	shalt  }
0x82: {  	_ =	shalt  }
0x83: {  	_ =	shalt  }
0x84: {  	_ =	shalt  }
0x85: {  	_ =	shalt  }
0x86: {  	_ =	shalt  }
0x87: {  	_ =	shalt  }
.Lfunc_end0:
.L_simem_size_0:
called_computation.1_lowered:
.L_overlay_start_0:
0x88: {  	s2 =	sld [smem:$0x3FD9]  }
0x89: {  	s3 =	sld [smem:$0x3FFE];
	_ =	sdelay $0x1  }
0x8a: {  	s1 =	srdreg.scid  }
0x8b: {  	s0 =	sand.u32 $0x1, s1  }
0x8c: {  	s16 =	sshll.u32 s0, $0xA;
	s2 =	sadd.s32 s3, s2  }
0x8d: {  	s2 =	sadd.s32 s2, s16  }
0x8e: {  	[smem:$0x3FB9] =	sst s2  }
0x8f: {  	_ = 	snop  }
0x90: {  	(tm) =	ssettm $0x1  }
0x91: {  	s17 =	sld [smem:$0x3FFB];
	_ =	sdelay $0x3  }
0x92: {  	_ =	strace s17  }
0x93: {  	s2 =	sld [smem:$0x3FFC];
	_ =	sdelay $0x3  }
0x94: {  	_ =	strace s2  }
0x95: {  	s2 =	sld [smem:$0x3FFD];
	_ =	sdelay $0x3  }
0x96: {  	_ =	strace s2  }
0x97: {  	_ =	strace $0x8FFFFFFF  }
0x98: {  	s18 =	sld [smem:$0x3FDB];
	_ =	sdelay $0x1  }
0x99: {  	s19 =	simm.s32 $_scs_section_size  }
0x9a: {  	s4 =	simm.s32 $_size__tile_overlayer_lowered;
	s5 =	simm.s32 $_tile_overlayer_lowered  }
0x9b: {  	s22 =	simm.s32 $0x1BFF;
	s21 =	sshll.u32 s5, $0x1;
	s2 =	sadd.s32 s19, s18  }
0x9c: {  	s6 =	simm.s32 $0x0;
	s20 =	sshll.u32 s4, $0x1;
	s4 =	sadd.s32 s21, s2  }
0x9d: {  	[timem:s6], [sflag:s22] =	dma.local [hbm:s4], s20  }
0x9e: {  	_ =	swait.ge [sflag:s22], s20  }
0x9f: {  	s3 =	ssub.s32 $0x0, s20;
	[sflag:s22] =	ssyncset.done $0x0  }
0xa0: {  	[sflag:s22] =	ssyncadd.s32 s3;
	_ =	sdelay $0x1  }
0xa1: {  	s23 =	simm.s32 $0x1B8B  }
0xa2: {  	_ =	swait.ge [sflag:s23], $0x1  }
0xa3: {  	[sflag:s23] =	ssyncset.done $0x0  }
0xa4: {  	s25 =	simm.s32 $0x1B8E;
	s24 =	sld [smem:$0x3FFE];
	[sflag:s23] =	ssyncadd.s32 $0xFFFFFFFF  }
0xa5: {  	s26 =	simm.s32 $execute0_lowered;
	[smem:$0x3FD2] =	sst s25  }
0xa6: {  	s4 =	sshll.u32 s26, $0x1;
	_ =	strace $0x80000049;
	[dreg:$0x1] =	wrdreg $0xFFFFFFFF  }
0xa7: {  	s28 =	simm.s32 $_size_execute0_lowered;
	s2 =	sadd.s32 s2, s4;
	[dreg:$0x0] =	wrdreg $0x0  }
0xa8: {  	s4 =	sshll.u32 s28, $0x1;
	[dreg:$0x2] =	wrdreg s2  }
0xa9: {  	[dreg:$0x3] =	wrdreg s4  }
0xaa: {  	[dreg:$0x4] =	wrdreg $0xC0  }
0xab: {  	_ =	task [dreg:s6], $0x5FFFF  }
0xac: {  	[dreg:$0x1] =	wrdreg $0xFFFFFFFF  }
0xad: {  	[dreg:$0x0] =	wrdreg $0x60  }
0xae: {  	[dreg:$0x2] =	wrdreg s24  }
0xaf: {  	[dreg:$0x3] =	wrdreg $0xD0800  }
0xb0: {  	[dreg:$0x4] =	wrdreg $0x9  }
0xb1: {  	_ =	task.clear_ibuf [dreg:s6], $0x5FFFF;
	_ =	strace $0x90000049  }
0xb2: {  	s29 =	simm.s32 $0x9;
	_ =	strace $0x8000004B  }
0xb3: {  	_ =	swait.ge [sflag:s29], $0x1  }
0xb4: {  	[sflag:s29] =	ssyncadd.s32 $0xFFFFFFFF  }
0xb5: {  	_ =	strace $0x9000004B  }
0xb6: {  	_ =	sfence  }
0xb7: {  	s30 =	sld [smem:$0x0];
	_ =	sdelay $0x2  }
0xb8: {  	s31 =	sshll.u32 s1, $0xD;
	s1 =	sshrl.u32 s1, $0x2  }
0xb9: {  	s3 =	sand.u32 $0x4000, s31;
	s1 =	sadd.s32 s1, s30  }
0xba: {  	s0 =	sor.u32 s3, s0;
	s1 =	sshll.u32 s1, $0x11  }
0xbb: {  	s0 =	sor.u32 s1, s0  }
0xbc: {  	s0 =	sadd.s32 $0x8F2B, s0  }
0xbd: {  	[sflag:s0] =	ssyncadd.remote.s32 $0x1  }
0xbe: {  	_ =	sfence.sel $0xFFFF  }
0xbf: {  	[dreg:$0x0] =	wrdreg $0xFFFFFFFF;
	(pc) =	sbr.abs _section_cstart, $3  }
0xc0: {  	[dreg:$0x1] =	wrdreg $0xFFFFFFFF  }
0xc1: {  	_ =	task.clear_ibuf [dreg:s6], $0x2FFFF;
	_ =	strace $0x9FFFFFFF  }
0xc2: {  	(tm) =	ssettm $0x7FFFFFFF  }
0xc3: {  	_ =	shalt  }
tec
execute0_lowered:
.L_overlay_start_1:
0x0: {  	(tag) =	ssettag $0x1  }
0x1: {  	s5 =	rddreg [dreg:$0x0]  }
0x2: {  	s0 =	srdreg.scid;
	s2 =	rddreg [dreg:$0x1]  }
0x3: {  	s1 =	rddreg [dreg:$0x2];
	s3 =	simm.s32 $0x0;
	s10 =	sand.u32 $0x1, s0  }
0x4: {  	s18 =	simm.s32 $0x80;
	s0 =	stileid.u32;
	s4 =	smul.u32 $0x50000, s10  }
0x5: {  	s19 =	simm.s32 $0x1;
	s23 =	simm.s32 $0x0;
	s6 =	smul.u32 $0x5000, s0  }
0x6: {  	[smem:$0x7FF] =	sst s3;
	s13 =	sadd.s32 $0x4AC00, s5;
	s9 =	smul.u32 $0x28000, s0  }
0x7: {  	_ =	strace $0x8000004A;
	s7 =	sshll.u32 s0, $0x4;
	s15 =	smul.u32 $0xA000, s0  }
0x8: {  	s8 =	ssub.s32 $0x2, s10;
	s16 =	smul.u32 $0xA0000, s10;
	s10 =	sshll.u32 s10, $0x8  }
0x9: {  	s20 =	sshll.u32 s0, $0x6;
	s12 =	sadd.s32 s7, s5;
	s28 =	sshrl.u32 s8, $0x1  }
0xa: {  	s20 =	sor.u32 $0x1C02, s20;
	s6 =	sadd.s32 s6, s4;
	s4 =	sadd.s32 $0x4A00, s5  }
0xb: {  	s14 =	ssub.s32 s8, s28;
	s29 =	sshrl.u32 s9, $0x2;
	s17 =	sadd.s32 $0x5000, s15  }
0xc: {  	s10 =	sadd.s32 s10, s12;
	s30 =	sadd.s32 s15, s16;
	s15 =	simm.s32 $0x2  }
0xd: {  	s6 =	sshrl.u32 s6, $0x3;
	s31 =	sadd.s32 s16, s17;
	s10 =	sadd.s32 $0x4AA00, s10  }
0xe: {  	s22 =	sadd.s32 s17, s2;
	s16 =	simm.s32 $0x5080;
	s17 =	simm.s32 $0x5000  }
.Ltmp0:
0xf: {  	s11 =	sadd.s32 s6, s5;
	s5 =	sadd.s32 $0x5200, s5;
	(pc) =	sbr.rel .LBB2_1-.Ltmp0, $4  }
0x10: {  	s6 =	sadd.s32 s29, s2;
	s12 =	sshrl.u32 s31, $0x3;
	s22 =	sshrl.u32 s22, $0x3  }
0x11: {  	s7 =	sadd.s32 $0x4000, s6;
	s8 =	sadd.s32 $0x8000, s6;
	s9 =	sadd.s32 $0x36A00, s11  }
0x12: {  	s11 =	sshrl.u32 s30, $0x3;
	s12 =	sadd.s32 s13, s12;
	s21 =	sshrl.u32 s6, $0x3  }
0x13: {  	s11 =	sadd.s32 s13, s11;
	s13 =	smax.u32 s14, $0x1;
	s14 =	simm.s32 $0x9080  }
.LBB2_6:
0x14: {  	[sflag:s19] =	ssyncadd.s32 $0xFFFFC000  }
.LBB2_7:
0x15: {  	[bflag:$0x0] =	sbarrier.arrive $0xFFFF  }
0x16: {  	[hbm:s11], [sflag:s20] =	dma.local [spmem:s21], $0xA00  }
0x17: {  	s23 =	sadd.s32 $0x1, s23;
	_ =	swait.ge [sflag:s15], $0xA00  }
0x18: {  	p0 =	sne.s32 s23, s13;
	[sflag:s15] =	ssyncset.done $0x0  }
.Ltmp1:
0x19: {  	[sflag:s15] =	ssyncadd.s32 $0xFFFFF600;
	(pc) =	sbr.rel @!p0 .LBB2_8-.Ltmp1, $4  }
0x1a: {  	[hbm:s12], [sflag:s20] =	dma.local [spmem:s22], $0xA00  }
0x1b: {  	_ =	swait.ge [sflag:s15], $0xA00  }
0x1c: {  	[sflag:s15] =	ssyncset.done $0x0  }
0x1d: {  	[sflag:s15] =	ssyncadd.s32 $0xFFFFF600  }
.LBB2_1:
0x1e: {  	[tilespmem:s14], [sflag:$0x2] =	stream.linear.gather [hbm4b:s4+s3], $0x4000, $0x38;
	[tilespmem:$0x17080] =	vst v63  }
0x1f: {  	_ =	swait.ge [sflag:s15], $0x4000  }
0x20: {  	[sflag:s15] =	ssyncset.done $0x0  }
0x21: {  	[sflag:s15] =	ssyncadd.s32 $0xFFFFC000  }
0x22: {  	[tilespmem:s16], [sflag:$0x2] =	stream.linear.gather [hbm4b:s5+s3], $0x4000, $0x38;
	[tilespmem:$0x17080] =	vst v63  }
0x23: {  	_ =	swait.ge [sflag:s15], $0x4000  }
0x24: {  	[sflag:s15] =	ssyncset.done $0x0  }
0x25: {  	[sflag:s15] =	ssyncadd.s32 $0xFFFFC000  }
0x26: {  	[spmem:s6] =	stream.linear.scatter [tilespmem:s14], [sflag:$0x2], $0x4000, $0x38;
	[tilespmem:$0x17080] =	vst v63  }
0x27: {  	_ =	swait.ge [sflag:s15], $0x4000  }
0x28: {  	[sflag:s15] =	ssyncset.done $0x0  }
0x29: {  	[sflag:s15] =	ssyncadd.s32 $0xFFFFC000  }
0x2a: {  	[spmem:s7] =	stream.linear.scatter [tilespmem:s14], [sflag:$0x2], $0x4000, $0x38;
	[tilespmem:$0x17080] =	vst v63  }
0x2b: {  	_ =	swait.ge [sflag:s15], $0x4000  }
0x2c: {  	[sflag:s15] =	ssyncset.done $0x0  }
0x2d: {  	[sflag:s15] =	ssyncadd.s32 $0xFFFFC000  }
0x2e: {  	[spmem:s8] =	stream.linear.scatter [tilespmem:s14], [sflag:$0x2], $0x2000, $0x38;
	[tilespmem:$0x17080] =	vst v63  }
0x2f: {  	_ =	swait.ge [sflag:s15], $0x2000  }
0x30: {  	[sflag:s15] =	ssyncset.done $0x0  }
0x31: {  	[sflag:s15] =	ssyncadd.s32 $0xFFFFE000  }
0x32: {  	[tilespmem:s3], [sflag:$0x2] =	stream.linear.gather [hbm4b:s9+s3], $0x5000, $0x38;
	[tilespmem:$0x17080] =	vst v63  }
0x33: {  	_ =	swait.ge [sflag:s15], $0x5000  }
0x34: {  	[sflag:s15] =	ssyncset.done $0x0  }
0x35: {  	[sflag:s15] =	ssyncadd.s32 $0xFFFFB000  }
0x36: {  	[tilespmem:s17], [sflag:$0x2] =	stream.linear.gather [hbm4b:s10+s3], $0x80, $0x38;
	[tilespmem:$0x17080] =	vst v63  }
0x37: {  	_ =	swait.ge [sflag:s15], $0x80  }
0x38: {  	[sflag:s15] =	ssyncset.done $0x0  }
0x39: {  	[sflag:s15] =	ssyncadd.s32 $0xFFFFFF80  }
0x3a: {  	v0 =	vld [tilespmem:$0x5000];
	_ =	sdelay $0x4  }
0x3b: {  	v0 =	vxor.u32 $0x80000000, v0  }
0x3c: {  	(xrf0) =	vmax.scan.msk.u32 $0xffff, v0;
	_ =	sdelay $0x5  }
0x3d: {  	v0, _, _ =	vpop (xrf0)  }
0x3e: {  	(v2sf) =	vpush v0, $0xF;
	_ =	sdelay $0xe  }
0x3f: {  	s24 =	spop (v2sf)  }
0x40: {  	s24 =	sxor.u32 $0x80000000, s24  }
0x41: {  	p0 =	slt.s32 s24, $0x1  }
.Ltmp2:
0x42: {  	_ = 	snop;
	(pc) =	sbr.rel @p0 .LBB2_7-.Ltmp2, $2  }
0x43: {  	_ =	sdelay $0x1  }
0x44: {  	[bflag:$0x0] =	sbarrier.arrive $0xFFFF;
	_ =	sdelay $0x1  }
0x45: {  	p0 =	sne.s32 s24, $0x1  }
.Ltmp3:
0x46: {  	_ = 	snop;
	(pc) =	sbr.rel @!p0 .LBB2_4-.Ltmp3, $3  }
0x47: {  	_ =	sdelay $0x1  }
0x48: {  	[spmem:s2] =	stream.indirect.scatter.add.f32 [tilespmem:s16], [sflag:$0x1], $0x80, s3, s18, $0xb8;
	[tilespmem:$0x17080] =	vst v63  }
0x49: {  	s25 =	sadd.s32 $0xFFFFFFFF, s24;
	s26 =	simm.s32 $0x0  }
.LBB2_3:
0x4a: {  	p0 =	sne.s32 s25, $0x1  }
.Ltmp4:
0x4b: {  	_ = 	snop;
	(pc) =	sbr.rel @p0 .LBB2_3-.Ltmp4, $3  }
0x4c: {  	_ = 	snop  }
0x4d: {  	s25 =	sadd.s32 $0xFFFFFFFF, s25;
	s26 =	sadd.s32 $0x80, s26;
	_ =	sdelay $0x1  }
0x4e: {  	[spmem:s2] =	stream.indirect.scatter.add.f32 [tilespmem:s16], [sflag:$0x1], $0x80, s26, s18, $0xb8;
	[tilespmem:$0x17080] =	vst v63  }
.LBB2_4:
0x4f: {  	p0 =	sne.s32 s24, $0x1  }
.Ltmp5:
0x50: {  	_ = 	snop;
	(pc) =	sbr.rel @!p0 .LBB2_6-.Ltmp5, $3  }
0x51: {  	_ =	sdelay $0x1  }
0x52: {  	_ =	swait.ge [sflag:s19], $0x4000  }
0x53: {  	s24 =	sadd.s32 $0xFFFFFFFF, s24;
	[sflag:s19] =	ssyncset.done $0x0  }
.LBB2_5:
0x54: {  	p0 =	sne.s32 s24, $0x1;
	s24 =	sadd.s32 $0xFFFFFFFF, s24;
	[sflag:s19] =	ssyncadd.s32 $0xFFFFC000  }
.Ltmp6:
0x55: {  	(pc) =	sbr.rel @p0 .LBB2_5-.Ltmp6, $3  }
0x56: {  	_ =	sdelay $0x1  }
0x57: {  	_ =	swait.ge [sflag:s19], $0x4000  }
0x58: {  	[sflag:s19] =	ssyncset.done $0x0  }
.Ltmp7:
0x59: {  	_ = 	snop;
	(pc) =	sbr.rel .LBB2_6-.Ltmp7, $1  }
0x5a: {  	_ =	sdelay $0x3  }
.LBB2_8:
0x5b: {  	_ =	sfence.sel $0x180000  }
0x5c: {  	[bflag:$0x0] =	sbarrier.arrive $0xFFFF  }
0x5d: {  	p0 =	sne.s32 s0, $0x0;
	_ =	strace $0x9000004A  }
0x5e: {  	s0 =	sadd.s32 @!p0 $0x100000, s1;
	[bflag:$0x2] =	sbarrier.arrive $0xFFFF  }
0x5f: {  	[sflag:s0] =	ssyncadd.tile.s32 @!p0 $0x1;
	_ =	shalt  }
.Lfunc_end2:
_tile_overlayer_lowered:
.L_overlay_start_2:
0x60: {  	(tag) =	ssettag $0x2  }
0x61: {  	s0 =	rddreg [dreg:$0x0];
	s2 =	stileid.u32  }
0x62: {  	s1 =	rddreg [dreg:$0x1];
	p0 =	sne.s32 s2, $0x0  }
0x63: {  	s3 =	rddreg [dreg:$0x2];
	[bflag:$0x3] =	sbarrier.arrive $0xFFFF;
	s2 =	simm.s32 @!p0 $0x1C02  }
0x64: {  	[timem:s3], [sflag:s2] =	dma.local @!p0 [hbm:s0], s1  }
0x65: {  	s0 =	simm.s32 @!p0 $0x2  }
0x66: {  	_ =	swait.ge @!p0 [sflag:s0], s1  }
0x67: {  	s1 =	ssub.s32 @!p0 $0x0, s1;
	[sflag:s0] =	ssyncset.done @!p0 $0x0  }
0x68: {  	[sflag:s0] =	ssyncadd.s32 @!p0 s1  }
0x69: {  	[bflag:$0x3] =	sbarrier.arrive $0xFFFF  }
0x6a: {  	_ =	shalt  }

// kernel: kernel.18.cloned.1.call-start
scs
__scs_entry_jumppad:
0x0: {  	(pc) =	sbr.rel $0x88, $3  }
0x1: {  	(tag) =	ssettag $0x0;
	lr =	simm.s32 $0x1  }
0x2: {  	[smem:$0x3F92] =	sst lr;
	_ =	strace $0xD0000000  }
0x3: {  	_ = 	snop  }
0x4: {  	_ = 	snop  }
0x5: {  	_ = 	snop  }
0x6: {  	_ = 	snop  }
0x7: {  	_ = 	snop  }
__scs_overlays_trampoline_lowered:
0x8: {  	[smem:$0x3FA1] =	sst s0  }
0x9: {  	[smem:$0x3FA2] =	sst s1  }
0xa: {  	[smem:$0x3FA3] =	sst s2  }
0xb: {  	[smem:$0x3FA4] =	sst s3  }
0xc: {  	[smem:$0x3FA5] =	sst s4  }
0xd: {  	[smem:$0x3FA6] =	sst s5  }
0xe: {  	[smem:$0x3FA7] =	sst s6  }
0xf: {  	[smem:$0x3FA8] =	sst s7  }
0x10: {  	[smem:$0x3FA9] =	sst s8  }
0x11: {  	[smem:$0x3FAA] =	sst s9;
	s0 =	simm.s32 @!p0 $0x0  }
0x12: {  	s1 =	sld [smem:$0x3F90];
	s0 =	simm.s32 @p0 $0x1  }
0x13: {  	[smem:$0x3FAB] =	sst s0;
	s0 =	simm.s32 @!p1 $0x0  }
0x14: {  	s2 =	sld [smem:$0x3F8F];
	s0 =	simm.s32 @p1 $0x1  }
0x15: {  	[smem:$0x3FAC] =	sst s0;
	s0 =	simm.s32 @!p2 $0x0  }
0x16: {  	s3 =	sld [smem:$0x3FDB];
	s0 =	simm.s32 @p2 $0x1  }
0x17: {  	s4 =	simm.s32 $0x1BF5;
	[smem:$0x3FAE] =	sst s0  }
0x18: {  	s0 =	sld [smem:$0x3F91];
	_ =	swait.ge [sflag:s4], $0x0  }
0x19: {  	s7 =	sld [smem:$0x3F92]  }
0x1a: {  	s8 =	sadd.s32 $0xFFFFE003, lr  }
0x1b: {  	s9 =	sadd.s32 $0xFFFFFEF7, lr;
	s5 =	simm.s32 $0xFFFFFFFF;
	p2 =	slt.u32 s8, $0xFFFFF086  }
0x1c: {  	p1 =	slt.u32 s9, $0xF7A;
	s5 =	simm.s32 @!p2 $0x0  }
0x1d: {  	s5 =	simm.s32 @p1 $0x1;
	p0 =	seq.s32 s7, s2  }
0x1e: {  	s7 =	smul.u32 @!p0 $0xF7A, s2;
	p2 =	seq.s32 @!p0 s5, $0x0  }
0x1f: {  	s9 =	smul.u32 $0xF7A, s1;
	s8 =	simm.s32 @!p0 $0x1BF5;
	p2 =	por !p2, p0  }
0x20: {  	[sflag:s8] =	ssyncset.s32 @!p0 $0xFFFFF086;
	s6 =	sadd.s32 @!p0 s3, s7;
	s7 =	simm.s32 @!p0 $0x108  }
0x21: {  	s3 =	sadd.s32 s3, s9;
	s6 =	sadd.s32 @!p0 $0x88, s6;
	s7 =	simm.s32 @p2 $0x1082  }
0x22: {  	[simem:s7], [sflag:s8] =	dma.local @!p0 [hbm:s6], $0xF7A  }
0x23: {  	s9 =	sor.u32 $0xD0000000, s2;
	s6 =	simm.s32 $0x108;
	_ =	swait.ge @!p0 [sflag:s8], $0x0  }
0x24: {  	s3 =	sadd.s32 $0x88, s3;
	s6 =	simm.s32 @!p1 $0x1082;
	[sflag:s4] =	ssyncset.s32 $0xFFFFF086  }
0x25: {  	[simem:s6], [sflag:s4] =	dma.local [hbm:s3], $0xF7A  }
0x26: {  	[smem:$0x3F92] =	sst s1;
	(tag) =	ssettag s2;
	_ =	strace s9  }
0x27: {  	s1 =	sld [smem:$0x3FA2]  }
0x28: {  	s2 =	sld [smem:$0x3FA3]  }
0x29: {  	s4 =	sld [smem:$0x3FA5]  }
0x2a: {  	p0 =	seq.s32 s5, $0x0;
	s5 =	sld [smem:$0x3FA6]  }
0x2b: {  	s6 =	sld [smem:$0x3FA7]  }
0x2c: {  	s7 =	sld [smem:$0x3FA8]  }
0x2d: {  	s3 =	simm.s32 $0x108;
	s8 =	sld [smem:$0x3FA9]  }
0x2e: {  	s3 =	simm.s32 @!p0 $0x1082;
	s9 =	sld [smem:$0x3FAA]  }
0x2f: {  	lr =	sadd.s32 s0, s3;
	s0 =	sld [smem:$0x3FA1]  }
0x30: {  	s3 =	sld [smem:$0x3FA4]  }
0x31: {  	[smem:$0x3FAD] =	sst s10  }
0x32: {  	s10 =	sld [smem:$0x3FAB];
	_ =	sdelay $0x3  }
0x33: {  	p0 =	seq.s32 s10, $0x1;
	s10 =	sld [smem:$0x3FAD];
	_ =	sdelay $0x3  }
0x34: {  	[smem:$0x3FAD] =	sst s10  }
0x35: {  	s10 =	sld [smem:$0x3FAC];
	_ =	sdelay $0x3  }
0x36: {  	p1 =	seq.s32 s10, $0x1;
	s10 =	sld [smem:$0x3FAD];
	_ =	sdelay $0x3  }
0x37: {  	[smem:$0x3FAD] =	sst s10  }
0x38: {  	s10 =	sld [smem:$0x3FAE]  }
0x39: {  	_ = 	snop;
	(pc) =	sbr.ind lr, $3  }
0x3a: {  	_ = 	snop  }
0x3b: {  	_ = 	snop  }
0x3c: {  	p2 =	seq.s32 s10, $0x1;
	s10 =	sld [smem:$0x3FAD]  }
0x3d: {  	_ =	shalt  }
0x3e: {  	_ =	shalt  }
0x3f: {  	_ =	shalt  }
0x40: {  	_ =	shalt  }
0x41: {  	_ =	shalt  }
0x42: {  	_ =	shalt  }
0x43: {  	_ =	shalt  }
0x44: {  	_ =	shalt  }
0x45: {  	_ =	shalt  }
0x46: {  	_ =	shalt  }
0x47: {  	_ =	shalt  }
0x48: {  	_ =	shalt  }
0x49: {  	_ =	shalt  }
0x4a: {  	_ =	shalt  }
0x4b: {  	_ =	shalt  }
0x4c: {  	_ =	shalt  }
0x4d: {  	_ =	shalt  }
0x4e: {  	_ =	shalt  }
0x4f: {  	_ =	shalt  }
0x50: {  	_ =	shalt  }
0x51: {  	_ =	shalt  }
0x52: {  	_ =	shalt  }
0x53: {  	_ =	shalt  }
0x54: {  	_ =	shalt  }
0x55: {  	_ =	shalt  }
0x56: {  	_ =	shalt  }
0x57: {  	_ =	shalt  }
0x58: {  	_ =	shalt  }
0x59: {  	_ =	shalt  }
0x5a: {  	_ =	shalt  }
0x5b: {  	_ =	shalt  }
0x5c: {  	_ =	shalt  }
0x5d: {  	_ =	shalt  }
0x5e: {  	_ =	shalt  }
0x5f: {  	_ =	shalt  }
0x60: {  	_ =	shalt  }
0x61: {  	_ =	shalt  }
0x62: {  	_ =	shalt  }
0x63: {  	_ =	shalt  }
0x64: {  	_ =	shalt  }
0x65: {  	_ =	shalt  }
0x66: {  	_ =	shalt  }
0x67: {  	_ =	shalt  }
0x68: {  	_ =	shalt  }
0x69: {  	_ =	shalt  }
0x6a: {  	_ =	shalt  }
0x6b: {  	_ =	shalt  }
0x6c: {  	_ =	shalt  }
0x6d: {  	_ =	shalt  }
0x6e: {  	_ =	shalt  }
0x6f: {  	_ =	shalt  }
0x70: {  	_ =	shalt  }
0x71: {  	_ =	shalt  }
0x72: {  	_ =	shalt  }
0x73: {  	_ =	shalt  }
0x74: {  	_ =	shalt  }
0x75: {  	_ =	shalt  }
0x76: {  	_ =	shalt  }
0x77: {  	_ =	shalt  }
0x78: {  	_ =	shalt  }
0x79: {  	_ =	shalt  }
0x7a: {  	_ =	shalt  }
0x7b: {  	_ =	shalt  }
0x7c: {  	_ =	shalt  }
0x7d: {  	_ =	shalt  }
0x7e: {  	_ =	shalt  }
0x7f: {  	_ =	shalt  }
0x80: {  	_ =	shalt  }
0x81: {  	_ =	shalt  }
0x82: {  	_ =	shalt  }
0x83: {  	_ =	shalt  }
0x84: {  	_ =	shalt  }
0x85: {  	_ =	shalt  }
0x86: {  	_ =	shalt  }
0x87: {  	_ =	shalt  }
.Lfunc_end0:
.L_simem_size_0:
called_computation.2_lowered:
.L_overlay_start_0:
0x88: {  	s2 =	sld [smem:$0x3FD9]  }
0x89: {  	s3 =	sld [smem:$0x3FFE];
	_ =	sdelay $0x1  }
0x8a: {  	s1 =	srdreg.scid  }
0x8b: {  	s0 =	sand.u32 $0x1, s1  }
0x8c: {  	s16 =	sshll.u32 s0, $0xA;
	s2 =	sadd.s32 s3, s2  }
0x8d: {  	s2 =	sadd.s32 s2, s16  }
0x8e: {  	[smem:$0x3FB9] =	sst s2  }
0x8f: {  	_ = 	snop  }
0x90: {  	(tm) =	ssettm $0x1  }
0x91: {  	s17 =	sld [smem:$0x3FFB];
	_ =	sdelay $0x3  }
0x92: {  	_ =	strace s17  }
0x93: {  	s2 =	sld [smem:$0x3FFC];
	_ =	sdelay $0x3  }
0x94: {  	_ =	strace s2  }
0x95: {  	s2 =	sld [smem:$0x3FFD];
	_ =	sdelay $0x3  }
0x96: {  	_ =	strace s2  }
0x97: {  	_ =	strace $0x8FFFFFFF  }
0x98: {  	s18 =	sld [smem:$0x3FDB];
	_ =	sdelay $0x1  }
0x99: {  	s19 =	simm.s32 $_scs_section_size  }
0x9a: {  	s4 =	simm.s32 $_size__tile_overlayer_lowered;
	s5 =	simm.s32 $_tile_overlayer_lowered  }
0x9b: {  	s22 =	simm.s32 $0x1BFF;
	s21 =	sshll.u32 s5, $0x1;
	s2 =	sadd.s32 s19, s18  }
0x9c: {  	s6 =	simm.s32 $0x0;
	s20 =	sshll.u32 s4, $0x1;
	s4 =	sadd.s32 s21, s2  }
0x9d: {  	[timem:s6], [sflag:s22] =	dma.local [hbm:s4], s20  }
0x9e: {  	_ =	swait.ge [sflag:s22], s20  }
0x9f: {  	s3 =	ssub.s32 $0x0, s20;
	[sflag:s22] =	ssyncset.done $0x0  }
0xa0: {  	[sflag:s22] =	ssyncadd.s32 s3;
	_ =	sdelay $0x1  }
0xa1: {  	s23 =	simm.s32 $0x1B8B  }
0xa2: {  	_ =	swait.ge [sflag:s23], $0x1  }
0xa3: {  	[sflag:s23] =	ssyncset.done $0x0  }
0xa4: {  	s25 =	simm.s32 $0x1B8E;
	s24 =	sld [smem:$0x3FFE];
	[sflag:s23] =	ssyncadd.s32 $0xFFFFFFFF  }
0xa5: {  	s26 =	simm.s32 $execute0_lowered;
	[smem:$0x3FD2] =	sst s25  }
0xa6: {  	s4 =	sshll.u32 s26, $0x1;
	_ =	strace $0x8000004C;
	[dreg:$0x1] =	wrdreg $0xFFFFFFFF  }
0xa7: {  	s28 =	simm.s32 $_size_execute0_lowered;
	s2 =	sadd.s32 s2, s4;
	[dreg:$0x0] =	wrdreg $0x0  }
0xa8: {  	s4 =	sshll.u32 s28, $0x1;
	[dreg:$0x2] =	wrdreg s2  }
0xa9: {  	[dreg:$0x3] =	wrdreg s4  }
0xaa: {  	[dreg:$0x4] =	wrdreg $0xC0  }
0xab: {  	_ =	task [dreg:s6], $0x5FFFF  }
0xac: {  	[dreg:$0x1] =	wrdreg $0xFFFFFFFF  }
0xad: {  	[dreg:$0x0] =	wrdreg $0x60  }
0xae: {  	[dreg:$0x2] =	wrdreg s24  }
0xaf: {  	[dreg:$0x3] =	wrdreg $0x120800  }
0xb0: {  	[dreg:$0x4] =	wrdreg $0x9  }
0xb1: {  	_ =	task.clear_ibuf [dreg:s6], $0x5FFFF;
	_ =	strace $0x9000004C  }
0xb2: {  	s29 =	simm.s32 $0x9;
	_ =	strace $0x8000004E  }
0xb3: {  	_ =	swait.ge [sflag:s29], $0x1  }
0xb4: {  	[sflag:s29] =	ssyncadd.s32 $0xFFFFFFFF  }
0xb5: {  	_ =	strace $0x9000004E  }
0xb6: {  	_ =	sfence  }
0xb7: {  	s30 =	sld [smem:$0x0];
	_ =	sdelay $0x2  }
0xb8: {  	s31 =	sshll.u32 s1, $0xD;
	s1 =	sshrl.u32 s1, $0x2  }
0xb9: {  	s3 =	sand.u32 $0x4000, s31;
	s1 =	sadd.s32 s1, s30  }
0xba: {  	s0 =	sor.u32 s3, s0;
	s1 =	sshll.u32 s1, $0x11  }
0xbb: {  	s0 =	sor.u32 s1, s0  }
0xbc: {  	s0 =	sadd.s32 $0x8F2B, s0  }
0xbd: {  	[sflag:s0] =	ssyncadd.remote.s32 $0x1  }
0xbe: {  	_ =	sfence.sel $0xFFFF  }
0xbf: {  	[dreg:$0x0] =	wrdreg $0xFFFFFFFF;
	(pc) =	sbr.abs _section_cstart, $3  }
0xc0: {  	[dreg:$0x1] =	wrdreg $0xFFFFFFFF  }
0xc1: {  	_ =	task.clear_ibuf [dreg:s6], $0x2FFFF;
	_ =	strace $0x9FFFFFFF  }
0xc2: {  	(tm) =	ssettm $0x7FFFFFFF  }
0xc3: {  	_ =	shalt  }
tec
execute0_lowered:
.L_overlay_start_1:
0x0: {  	(tag) =	ssettag $0x1  }
0x1: {  	s0 =	rddreg [dreg:$0x0]  }
0x2: {  	s1 =	rddreg [dreg:$0x1];
	s2 =	srdreg.scid;
	s3 =	simm.s32 $0x0  }
0x3: {  	s24 =	stileid.u32;
	s18 =	simm.s32 $0xA000;
	s19 =	simm.s32 $0x80  }
0x4: {  	s20 =	simm.s32 $0xE080;
	s21 =	simm.s32 $0x1;
	s22 =	simm.s32 $0x2  }
0x5: {  	s11 =	sand.u32 $0x1, s2;
	[smem:$0x7FF] =	sst s3;
	s7 =	smul.u32 $0x5000, s24  }
0x6: {  	s4 =	sadd.s32 $0x4AC00, s0;
	s5 =	sadd.s32 $0x5A00, s0;
	s8 =	smul.u32 $0x28000, s24  }
0x7: {  	s25 =	sshll.u32 s24, $0x4;
	s13 =	smul.u32 $0xA000, s24;
	s24 =	simm.s32 $0x0  }
0x8: {  	s6 =	smul.u32 $0x50000, s11;
	_ =	strace $0x8000004D;
	s12 =	sadd.s32 s25, s0  }
0x9: {  	s26 =	ssub.s32 $0x2, s11;
	s15 =	smul.u32 $0xA0000, s11;
	s11 =	sshll.u32 s11, $0x8  }
0xa: {  	s28 =	sshrl.u32 s26, $0x1;
	s8 =	sshrl.u32 s8, $0x2;
	s16 =	sadd.s32 $0x5000, s13  }
0xb: {  	s11 =	sadd.s32 s11, s12;
	s6 =	sadd.s32 s7, s6;
	s14 =	ssub.s32 s26, s28  }
0xc: {  	s13 =	sadd.s32 s13, s15;
	s15 =	sadd.s32 s15, s16;
	s11 =	sadd.s32 $0x4AA00, s11  }
0xd: {  	s31 =	sadd.s32 s16, s1;
	s16 =	simm.s32 $0x3;
	s6 =	sshrl.u32 s6, $0x3  }
.Ltmp0:
0xe: {  	s29 =	sshrl.u32 s13, $0x3;
	s30 =	sshrl.u32 s15, $0x3;
	(pc) =	sbr.rel .LBB2_1-.Ltmp0, $4  }
0xf: {  	s14 =	smax.u32 s14, $0x1;
	s15 =	simm.s32 $0xA080;
	s23 =	sshrl.u32 s31, $0x3  }
0x10: {  	s10 =	sadd.s32 s6, s0;
	s0 =	sadd.s32 $0x71E00, s0;
	s6 =	sadd.s32 s8, s1  }
0x11: {  	s7 =	sadd.s32 $0x4000, s6;
	s8 =	sadd.s32 $0x8000, s6;
	s9 =	sadd.s32 $0x22A00, s10  }
0x12: {  	s10 =	sadd.s32 $0x36A00, s10;
	s12 =	sadd.s32 s0, s29;
	s13 =	sadd.s32 s0, s30  }
.LBB2_4:
0x13: {  	[sflag:s16] =	ssyncadd.s32 $0xFFFFC000;
	s2 =	simm.s32 @!p1 $0xE080  }
0x14: {  	[tilespmem:s2], [sflag:$0x2] =	stream.indirect.gather @!p1 [hbm4b:s4+s0], $0x80, s31, s0, $0xb8;
	[tilespmem:$0x1C080] =	vst v63  }
.LBB2_5:
0x15: {  	s0 =	stileid.u32  }
0x16: {  	s0 =	sshll.u32 s0, $0x6  }
0x17: {  	[bflag:$0x0] =	sbarrier.arrive $0xFFFF;
	s2 =	sshrl.u32 s6, $0x3;
	s0 =	sor.u32 $0x1C03, s0  }
0x18: {  	[hbm:s12], [sflag:s0] =	dma.local [spmem:s2], $0xA00  }
0x19: {  	s24 =	sadd.s32 $0x1, s24;
	_ =	swait.ge [sflag:s16], $0xA00  }
0x1a: {  	p0 =	sne.s32 s24, s14;
	[sflag:s16] =	ssyncset.done $0x0  }
.Ltmp1:
0x1b: {  	[sflag:s16] =	ssyncadd.s32 $0xFFFFF600;
	(pc) =	sbr.rel @!p0 .LBB2_6-.Ltmp1, $4  }
0x1c: {  	[hbm:s13], [sflag:s0] =	dma.local [spmem:s23], $0xA00  }
0x1d: {  	_ =	swait.ge [sflag:s16], $0xA00  }
0x1e: {  	[sflag:s16] =	ssyncset.done $0x0  }
0x1f: {  	[sflag:s16] =	ssyncadd.s32 $0xFFFFF600  }
.LBB2_1:
0x20: {  	[tilespmem:s15], [sflag:$0x3] =	stream.linear.gather [hbm4b:s5+s3], $0x4000, $0x38;
	[tilespmem:$0x1C080] =	vst v63  }
0x21: {  	_ =	swait.ge [sflag:s16], $0x4000  }
0x22: {  	[sflag:s16] =	ssyncset.done $0x0  }
0x23: {  	[sflag:s16] =	ssyncadd.s32 $0xFFFFC000  }
0x24: {  	[spmem:s6] =	stream.linear.scatter [tilespmem:s15], [sflag:$0x3], $0x4000, $0x38;
	[tilespmem:$0x1C080] =	vst v63  }
0x25: {  	_ =	swait.ge [sflag:s16], $0x4000  }
0x26: {  	[sflag:s16] =	ssyncset.done $0x0  }
0x27: {  	[sflag:s16] =	ssyncadd.s32 $0xFFFFC000  }
0x28: {  	[spmem:s7] =	stream.linear.scatter [tilespmem:s15], [sflag:$0x3], $0x4000, $0x38;
	[tilespmem:$0x1C080] =	vst v63  }
0x29: {  	_ =	swait.ge [sflag:s16], $0x4000  }
0x2a: {  	[sflag:s16] =	ssyncset.done $0x0  }
0x2b: {  	[sflag:s16] =	ssyncadd.s32 $0xFFFFC000  }
0x2c: {  	[spmem:s8] =	stream.linear.scatter [tilespmem:s15], [sflag:$0x3], $0x2000, $0x38;
	[tilespmem:$0x1C080] =	vst v63  }
0x2d: {  	_ =	swait.ge [sflag:s16], $0x2000  }
0x2e: {  	[sflag:s16] =	ssyncset.done $0x0  }
0x2f: {  	[sflag:s16] =	ssyncadd.s32 $0xFFFFE000  }
0x30: {  	[tilespmem:s3], [sflag:$0x3] =	stream.linear.gather [hbm4b:s9+s3], $0x5000, $0x38;
	[tilespmem:$0x1C080] =	vst v63  }
0x31: {  	_ =	swait.ge [sflag:s16], $0x5000  }
0x32: {  	[sflag:s16] =	ssyncset.done $0x0  }
0x33: {  	s0 =	simm.s32 $0x5000;
	[sflag:s16] =	ssyncadd.s32 $0xFFFFB000  }
0x34: {  	[tilespmem:s0], [sflag:$0x3] =	stream.linear.gather [hbm4b:s10+s3], $0x5000, $0x38;
	[tilespmem:$0x1C080] =	vst v63  }
0x35: {  	_ =	swait.ge [sflag:s16], $0x5000  }
0x36: {  	[sflag:s16] =	ssyncset.done $0x0  }
0x37: {  	[sflag:s16] =	ssyncadd.s32 $0xFFFFB000  }
0x38: {  	[tilespmem:s18], [sflag:$0x3] =	stream.linear.gather [hbm4b:s11+s3], $0x80, $0x38;
	[tilespmem:$0x1C080] =	vst v63  }
0x39: {  	_ =	swait.ge [sflag:s16], $0x80  }
0x3a: {  	[sflag:s16] =	ssyncset.done $0x0  }
0x3b: {  	[sflag:s16] =	ssyncadd.s32 $0xFFFFFF80  }
0x3c: {  	v0 =	vld [tilespmem:$0xA000];
	_ =	sdelay $0x4  }
0x3d: {  	v0 =	vxor.u32 $0x80000000, v0  }
0x3e: {  	(xrf0) =	vmax.scan.msk.u32 $0xffff, v0;
	_ =	sdelay $0x5  }
0x3f: {  	v0, _, _ =	vpop (xrf0)  }
0x40: {  	(v2sf) =	vpush v0, $0xF;
	_ =	sdelay $0xe  }
0x41: {  	s30 =	spop (v2sf)  }
0x42: {  	s25 =	sxor.u32 $0x80000000, s30  }
0x43: {  	p1 =	sgt.s32 s30, $0xFFFFFFFF;
	s0 =	sand.u32 $0x1, s30;
	p0 =	slt.s32 s25, $0x1  }
0x44: {  	p6 =	seq.s32 s0, $0x1;
	p0 =	por p1, p0  }
0x45: {  	s31 =	sshrl.u32 s25, $0x1F;
	p0 =	por !p0, !p6  }
0x46: {  	s26 =	simm.s32 $0x1;
	s0 =	sadd.s32 s31, s25;
	p0 =	por !p0, !p0  }
0x47: {  	s0 =	sshra.s32 s0, $0x1;
	s26 =	simm.s32 @!p0 $0x0  }
0x48: {  	s26 =	ssub.s32 s0, s26  }
0x49: {  	p0 =	slt.s32 s26, $0x1  }
.Ltmp2:
0x4a: {  	_ = 	snop;
	(pc) =	sbr.rel @p0 .LBB2_5-.Ltmp2, $4  }
0x4b: {  	[bflag:$0x0] =	sbarrier.arrive $0xFFFF  }
0x4c: {  	[tilespmem:s15], [sflag:$0x1] =	stream.indirect.gather [hbm4b:s4+s19], $0x80, s3, s19, $0xb8;
	[tilespmem:$0x1C080] =	vst v63  }
0x4d: {  	_ = 	snop  }
0x4e: {  	[tilespmem:s20], [sflag:$0x2] =	stream.indirect.gather [hbm4b:s4+s19], $0x80, s19, s19, $0xb8;
	[tilespmem:$0x1C080] =	vst v63  }
0x4f: {  	_ =	swait.ge [sflag:s21], $0x4000  }
0x50: {  	[sflag:s21] =	ssyncset.done $0x0  }
0x51: {  	s0 =	simm.s32 $0x5000;
	[sflag:s21] =	ssyncadd.s32 $0xFFFFC000  }
0x52: {  	[spmem:s1] =	stream.indirect.scatter.add.f32 [tilespmem:s15], [sflag:$0x3], $0x80, s0, s19, $0xb8;
	[tilespmem:$0x1C080] =	vst v63  }
0x53: {  	p0 =	sle.s32 s25, $0x2;
	_ =	swait.ge [sflag:s16], $0x4000  }
0x54: {  	s26 =	sadd.s32 $0xFFFFFFFF, s26;
	s28 =	simm.s32 @!p0 $0x80;
	[sflag:s16] =	ssyncset.done $0x0  }
0x55: {  	s29 =	simm.s32 @!p0 $0xA080;
	s0 =	simm.s32 $0x100;
	[sflag:s16] =	ssyncadd.s32 $0xFFFFC000  }
0x56: {  	[tilespmem:s29], [sflag:$0x1] =	stream.indirect.gather @!p0 [hbm4b:s4+s28], $0x80, s0, s28, $0xb8;
	[tilespmem:$0x1C080] =	vst v63  }
0x57: {  	p0 =	sne.s32 s26, $0x0;
	_ =	swait.ge [sflag:s22], $0x4000  }
.Ltmp3:
0x58: {  	s17 =	simm.s32 $0x5080;
	[sflag:s22] =	ssyncset.done $0x0;
	(pc) =	sbr.rel @!p0 .LBB2_4-.Ltmp3, $4  }
0x59: {  	p1 =	sle.s32 s25, $0x3;
	s30 =	simm.s32 $0x5180;
	[sflag:s22] =	ssyncadd.s32 $0xFFFFC000  }
0x5a: {  	[spmem:s1] =	stream.indirect.scatter.add.f32 [tilespmem:s20], [sflag:$0x3], $0x80, s17, s19, $0xb8;
	[tilespmem:$0x1C080] =	vst v63  }
0x5b: {  	s31 =	simm.s32 @!p1 $0x180;
	s28 =	simm.s32 $0x4;
	_ =	swait.ge [sflag:s16], $0x4000  }
0x5c: {  	s29 =	simm.s32 $0x200;
	s0 =	simm.s32 @!p1 $0x80;
	[sflag:s16] =	ssyncset.done $0x0  }
.LBB2_3:
0x5d: {  	s26 =	sadd.s32 $0xFFFFFFFF, s26;
	[sflag:s16] =	ssyncadd.s32 $0xFFFFC000;
	s2 =	simm.s32 @!p1 $0xE080  }
0x5e: {  	[tilespmem:s2], [sflag:$0x2] =	stream.indirect.gather @!p1 [hbm4b:s4+s0], $0x80, s31, s0, $0xb8;
	[tilespmem:$0x1C080] =	vst v63  }
0x5f: {  	p0 =	sne.s32 s26, $0x0;
	s0 =	smov.u32 s28;
	_ =	swait.ge [sflag:s21], $0x4000  }
0x60: {  	s2 =	sadd.s32 $0xFFFFFF80, s30;
	s31 =	smov.u32 s29;
	[sflag:s21] =	ssyncset.done $0x0  }
0x61: {  	[sflag:s21] =	ssyncadd.s32 $0xFFFFC000  }
0x62: {  	[spmem:s1] =	stream.indirect.scatter.add.f32 [tilespmem:s15], [sflag:$0x3], $0x80, s2, s19, $0xb8;
	[tilespmem:$0x1C080] =	vst v63  }
0x63: {  	p1 =	sge.s32 s28, s25;
	_ =	swait.ge [sflag:s16], $0x4000  }
0x64: {  	s17 =	simm.s32 @!p1 $0xA080;
	s2 =	simm.s32 @!p1 $0x80;
	[sflag:s16] =	ssyncset.done $0x0  }
0x65: {  	[sflag:s16] =	ssyncadd.s32 $0xFFFFC000  }
0x66: {  	[tilespmem:s17], [sflag:$0x1] =	stream.indirect.gather @!p1 [hbm4b:s4+s2], $0x80, s29, s2, $0xb8;
	[tilespmem:$0x1C080] =	vst v63  }
0x67: {  	_ =	swait.ge [sflag:s22], $0x4000  }
.Ltmp4:
0x68: {  	s28 =	sadd.s32 $0x2, s28;
	[sflag:s22] =	ssyncset.done $0x0;
	(pc) =	sbr.rel @p0 .LBB2_3-.Ltmp4, $4  }
0x69: {  	s0 =	sadd.s32 $0x1, s0;
	s29 =	sadd.s32 $0x100, s29;
	[sflag:s22] =	ssyncadd.s32 $0xFFFFC000  }
0x6a: {  	[spmem:s1] =	stream.indirect.scatter.add.f32 [tilespmem:s20], [sflag:$0x3], $0x80, s30, s19, $0xb8;
	[tilespmem:$0x1C080] =	vst v63  }
0x6b: {  	p1 =	sge.s32 s0, s25;
	s30 =	sadd.s32 $0x100, s30;
	_ =	swait.ge [sflag:s16], $0x4000  }
0x6c: {  	s31 =	sadd.s32 @!p1 $0x80, s31;
	s0 =	simm.s32 @!p1 $0x80;
	[sflag:s16] =	ssyncset.done $0x0  }
.Ltmp5:
0x6d: {  	_ = 	snop;
	(pc) =	sbr.rel .LBB2_4-.Ltmp5, $1  }
0x6e: {  	_ =	sdelay $0x3  }
.LBB2_6:
0x6f: {  	_ =	sfence.sel $0x180000  }
0x70: {  	[bflag:$0x0] =	sbarrier.arrive $0xFFFF  }
0x71: {  	_ =	strace $0x9000004D  }
0x72: {  	s0 =	stileid.u32;
	[bflag:$0x2] =	sbarrier.arrive $0xFFFF  }
0x73: {  	p0 =	sne.s32 s0, $0x0;
	s0 =	rddreg [dreg:$0x2]  }
0x74: {  	s0 =	sadd.s32 @!p0 $0x100000, s0  }
0x75: {  	[sflag:s0] =	ssyncadd.tile.s32 @!p0 $0x1;
	_ =	shalt  }
.Lfunc_end2:
_tile_overlayer_lowered:
.L_overlay_start_2:
0x76: {  	(tag) =	ssettag $0x2  }
0x77: {  	s0 =	rddreg [dreg:$0x0];
	s2 =	stileid.u32  }
0x78: {  	s1 =	rddreg [dreg:$0x1];
	p0 =	sne.s32 s2, $0x0  }
0x79: {  	s3 =	rddreg [dreg:$0x2];
	[bflag:$0x3] =	sbarrier.arrive $0xFFFF;
	s2 =	simm.s32 @!p0 $0x1C03  }
0x7a: {  	[timem:s3], [sflag:s2] =	dma.local @!p0 [hbm:s0], s1  }
0x7b: {  	s0 =	simm.s32 @!p0 $0x3  }
0x7c: {  	_ =	swait.ge @!p0 [sflag:s0], s1  }
0x7d: {  	s1 =	ssub.s32 @!p0 $0x0, s1;
	[sflag:s0] =	ssyncset.done @!p0 $0x0  }
0x7e: {  	[sflag:s0] =	ssyncadd.s32 @!p0 s1  }
0x7f: {  	[bflag:$0x3] =	sbarrier.arrive $0xFFFF  }
0x80: {  	_ =	shalt  }

// kernel: kernel.21.cloned.1.call-start
scs
__scs_entry_jumppad:
0x0: {  	(pc) =	sbr.rel $0x88, $3  }
0x1: {  	(tag) =	ssettag $0x0;
	lr =	simm.s32 $0x1  }
0x2: {  	[smem:$0x3F92] =	sst lr;
	_ =	strace $0xD0000000  }
0x3: {  	_ = 	snop  }
0x4: {  	_ = 	snop  }
0x5: {  	_ = 	snop  }
0x6: {  	_ = 	snop  }
0x7: {  	_ = 	snop  }
__scs_overlays_trampoline_lowered:
0x8: {  	[smem:$0x3FA1] =	sst s0  }
0x9: {  	[smem:$0x3FA2] =	sst s1  }
0xa: {  	[smem:$0x3FA3] =	sst s2  }
0xb: {  	[smem:$0x3FA4] =	sst s3  }
0xc: {  	[smem:$0x3FA5] =	sst s4  }
0xd: {  	[smem:$0x3FA6] =	sst s5  }
0xe: {  	[smem:$0x3FA7] =	sst s6  }
0xf: {  	[smem:$0x3FA8] =	sst s7  }
0x10: {  	[smem:$0x3FA9] =	sst s8  }
0x11: {  	[smem:$0x3FAA] =	sst s9;
	s0 =	simm.s32 @!p0 $0x0  }
0x12: {  	s1 =	sld [smem:$0x3F90];
	s0 =	simm.s32 @p0 $0x1  }
0x13: {  	[smem:$0x3FAB] =	sst s0;
	s0 =	simm.s32 @!p1 $0x0  }
0x14: {  	s2 =	sld [smem:$0x3F8F];
	s0 =	simm.s32 @p1 $0x1  }
0x15: {  	[smem:$0x3FAC] =	sst s0;
	s0 =	simm.s32 @!p2 $0x0  }
0x16: {  	s3 =	sld [smem:$0x3FDB];
	s0 =	simm.s32 @p2 $0x1  }
0x17: {  	s4 =	simm.s32 $0x1BF5;
	[smem:$0x3FAE] =	sst s0  }
0x18: {  	s0 =	sld [smem:$0x3F91];
	_ =	swait.ge [sflag:s4], $0x0  }
0x19: {  	s7 =	sld [smem:$0x3F92]  }
0x1a: {  	s8 =	sadd.s32 $0xFFFFE003, lr  }
0x1b: {  	s9 =	sadd.s32 $0xFFFFFEF7, lr;
	s5 =	simm.s32 $0xFFFFFFFF;
	p2 =	slt.u32 s8, $0xFFFFF086  }
0x1c: {  	p1 =	slt.u32 s9, $0xF7A;
	s5 =	simm.s32 @!p2 $0x0  }
0x1d: {  	s5 =	simm.s32 @p1 $0x1;
	p0 =	seq.s32 s7, s2  }
0x1e: {  	s7 =	smul.u32 @!p0 $0xF7A, s2;
	p2 =	seq.s32 @!p0 s5, $0x0  }
0x1f: {  	s9 =	smul.u32 $0xF7A, s1;
	s8 =	simm.s32 @!p0 $0x1BF5;
	p2 =	por !p2, p0  }
0x20: {  	[sflag:s8] =	ssyncset.s32 @!p0 $0xFFFFF086;
	s6 =	sadd.s32 @!p0 s3, s7;
	s7 =	simm.s32 @!p0 $0x108  }
0x21: {  	s3 =	sadd.s32 s3, s9;
	s6 =	sadd.s32 @!p0 $0x88, s6;
	s7 =	simm.s32 @p2 $0x1082  }
0x22: {  	[simem:s7], [sflag:s8] =	dma.local @!p0 [hbm:s6], $0xF7A  }
0x23: {  	s9 =	sor.u32 $0xD0000000, s2;
	s6 =	simm.s32 $0x108;
	_ =	swait.ge @!p0 [sflag:s8], $0x0  }
0x24: {  	s3 =	sadd.s32 $0x88, s3;
	s6 =	simm.s32 @!p1 $0x1082;
	[sflag:s4] =	ssyncset.s32 $0xFFFFF086  }
0x25: {  	[simem:s6], [sflag:s4] =	dma.local [hbm:s3], $0xF7A  }
0x26: {  	[smem:$0x3F92] =	sst s1;
	(tag) =	ssettag s2;
	_ =	strace s9  }
0x27: {  	s1 =	sld [smem:$0x3FA2]  }
0x28: {  	s2 =	sld [smem:$0x3FA3]  }
0x29: {  	s4 =	sld [smem:$0x3FA5]  }
0x2a: {  	p0 =	seq.s32 s5, $0x0;
	s5 =	sld [smem:$0x3FA6]  }
0x2b: {  	s6 =	sld [smem:$0x3FA7]  }
0x2c: {  	s7 =	sld [smem:$0x3FA8]  }
0x2d: {  	s3 =	simm.s32 $0x108;
	s8 =	sld [smem:$0x3FA9]  }
0x2e: {  	s3 =	simm.s32 @!p0 $0x1082;
	s9 =	sld [smem:$0x3FAA]  }
0x2f: {  	lr =	sadd.s32 s0, s3;
	s0 =	sld [smem:$0x3FA1]  }
0x30: {  	s3 =	sld [smem:$0x3FA4]  }
0x31: {  	[smem:$0x3FAD] =	sst s10  }
0x32: {  	s10 =	sld [smem:$0x3FAB];
	_ =	sdelay $0x3  }
0x33: {  	p0 =	seq.s32 s10, $0x1;
	s10 =	sld [smem:$0x3FAD];
	_ =	sdelay $0x3  }
0x34: {  	[smem:$0x3FAD] =	sst s10  }
0x35: {  	s10 =	sld [smem:$0x3FAC];
	_ =	sdelay $0x3  }
0x36: {  	p1 =	seq.s32 s10, $0x1;
	s10 =	sld [smem:$0x3FAD];
	_ =	sdelay $0x3  }
0x37: {  	[smem:$0x3FAD] =	sst s10  }
0x38: {  	s10 =	sld [smem:$0x3FAE]  }
0x39: {  	_ = 	snop;
	(pc) =	sbr.ind lr, $3  }
0x3a: {  	_ = 	snop  }
0x3b: {  	_ = 	snop  }
0x3c: {  	p2 =	seq.s32 s10, $0x1;
	s10 =	sld [smem:$0x3FAD]  }
0x3d: {  	_ =	shalt  }
0x3e: {  	_ =	shalt  }
0x3f: {  	_ =	shalt  }
0x40: {  	_ =	shalt  }
0x41: {  	_ =	shalt  }
0x42: {  	_ =	shalt  }
0x43: {  	_ =	shalt  }
0x44: {  	_ =	shalt  }
0x45: {  	_ =	shalt  }
0x46: {  	_ =	shalt  }
0x47: {  	_ =	shalt  }
0x48: {  	_ =	shalt  }
0x49: {  	_ =	shalt  }
0x4a: {  	_ =	shalt  }
0x4b: {  	_ =	shalt  }
0x4c: {  	_ =	shalt  }
0x4d: {  	_ =	shalt  }
0x4e: {  	_ =	shalt  }
0x4f: {  	_ =	shalt  }
0x50: {  	_ =	shalt  }
0x51: {  	_ =	shalt  }
0x52: {  	_ =	shalt  }
0x53: {  	_ =	shalt  }
0x54: {  	_ =	shalt  }
0x55: {  	_ =	shalt  }
0x56: {  	_ =	shalt  }
0x57: {  	_ =	shalt  }
0x58: {  	_ =	shalt  }
0x59: {  	_ =	shalt  }
0x5a: {  	_ =	shalt  }
0x5b: {  	_ =	shalt  }
0x5c: {  	_ =	shalt  }
0x5d: {  	_ =	shalt  }
0x5e: {  	_ =	shalt  }
0x5f: {  	_ =	shalt  }
0x60: {  	_ =	shalt  }
0x61: {  	_ =	shalt  }
0x62: {  	_ =	shalt  }
0x63: {  	_ =	shalt  }
0x64: {  	_ =	shalt  }
0x65: {  	_ =	shalt  }
0x66: {  	_ =	shalt  }
0x67: {  	_ =	shalt  }
0x68: {  	_ =	shalt  }
0x69: {  	_ =	shalt  }
0x6a: {  	_ =	shalt  }
0x6b: {  	_ =	shalt  }
0x6c: {  	_ =	shalt  }
0x6d: {  	_ =	shalt  }
0x6e: {  	_ =	shalt  }
0x6f: {  	_ =	shalt  }
0x70: {  	_ =	shalt  }
0x71: {  	_ =	shalt  }
0x72: {  	_ =	shalt  }
0x73: {  	_ =	shalt  }
0x74: {  	_ =	shalt  }
0x75: {  	_ =	shalt  }
0x76: {  	_ =	shalt  }
0x77: {  	_ =	shalt  }
0x78: {  	_ =	shalt  }
0x79: {  	_ =	shalt  }
0x7a: {  	_ =	shalt  }
0x7b: {  	_ =	shalt  }
0x7c: {  	_ =	shalt  }
0x7d: {  	_ =	shalt  }
0x7e: {  	_ =	shalt  }
0x7f: {  	_ =	shalt  }
0x80: {  	_ =	shalt  }
0x81: {  	_ =	shalt  }
0x82: {  	_ =	shalt  }
0x83: {  	_ =	shalt  }
0x84: {  	_ =	shalt  }
0x85: {  	_ =	shalt  }
0x86: {  	_ =	shalt  }
0x87: {  	_ =	shalt  }
.Lfunc_end0:
.L_simem_size_0:
called_computation.3_lowered:
.L_overlay_start_0:
0x88: {  	s2 =	sld [smem:$0x3FD9]  }
0x89: {  	s3 =	sld [smem:$0x3FFE];
	_ =	sdelay $0x1  }
0x8a: {  	s1 =	srdreg.scid  }
0x8b: {  	s0 =	sand.u32 $0x1, s1  }
0x8c: {  	s16 =	sshll.u32 s0, $0xA;
	s2 =	sadd.s32 s3, s2  }
0x8d: {  	s2 =	sadd.s32 s2, s16  }
0x8e: {  	[smem:$0x3FB9] =	sst s2  }
0x8f: {  	_ = 	snop  }
0x90: {  	(tm) =	ssettm $0x1  }
0x91: {  	s17 =	sld [smem:$0x3FFB];
	_ =	sdelay $0x3  }
0x92: {  	_ =	strace s17  }
0x93: {  	s2 =	sld [smem:$0x3FFC];
	_ =	sdelay $0x3  }
0x94: {  	_ =	strace s2  }
0x95: {  	s2 =	sld [smem:$0x3FFD];
	_ =	sdelay $0x3  }
0x96: {  	_ =	strace s2  }
0x97: {  	_ =	strace $0x8FFFFFFF  }
0x98: {  	s18 =	sld [smem:$0x3FDB];
	_ =	sdelay $0x1  }
0x99: {  	s19 =	simm.s32 $_scs_section_size  }
0x9a: {  	s4 =	simm.s32 $_size__tile_overlayer_lowered;
	s5 =	simm.s32 $_tile_overlayer_lowered  }
0x9b: {  	s22 =	simm.s32 $0x1BFF;
	s21 =	sshll.u32 s5, $0x1;
	s2 =	sadd.s32 s19, s18  }
0x9c: {  	s6 =	simm.s32 $0x0;
	s20 =	sshll.u32 s4, $0x1;
	s4 =	sadd.s32 s21, s2  }
0x9d: {  	[timem:s6], [sflag:s22] =	dma.local [hbm:s4], s20  }
0x9e: {  	_ =	swait.ge [sflag:s22], s20  }
0x9f: {  	s3 =	ssub.s32 $0x0, s20;
	[sflag:s22] =	ssyncset.done $0x0  }
0xa0: {  	[sflag:s22] =	ssyncadd.s32 s3;
	_ =	sdelay $0x1  }
0xa1: {  	s23 =	simm.s32 $0x1B8B  }
0xa2: {  	_ =	swait.ge [sflag:s23], $0x1  }
0xa3: {  	[sflag:s23] =	ssyncset.done $0x0  }
0xa4: {  	s25 =	simm.s32 $0x1B8E;
	s24 =	sld [smem:$0x3FFE];
	[sflag:s23] =	ssyncadd.s32 $0xFFFFFFFF  }
0xa5: {  	s26 =	simm.s32 $execute0_lowered;
	[smem:$0x3FD2] =	sst s25  }
0xa6: {  	s4 =	sshll.u32 s26, $0x1;
	_ =	strace $0x8000004F;
	[dreg:$0x1] =	wrdreg $0xFFFFFFFF  }
0xa7: {  	s28 =	simm.s32 $_size_execute0_lowered;
	s2 =	sadd.s32 s2, s4;
	[dreg:$0x0] =	wrdreg $0x0  }
0xa8: {  	s4 =	sshll.u32 s28, $0x1;
	[dreg:$0x2] =	wrdreg s2  }
0xa9: {  	[dreg:$0x3] =	wrdreg s4  }
0xaa: {  	[dreg:$0x4] =	wrdreg $0xC0  }
0xab: {  	_ =	task [dreg:s6], $0x5FFFF  }
0xac: {  	[dreg:$0x1] =	wrdreg $0xFFFFFFFF  }
0xad: {  	[dreg:$0x0] =	wrdreg $0x60  }
0xae: {  	[dreg:$0x2] =	wrdreg s24  }
0xaf: {  	[dreg:$0x3] =	wrdreg $0x120800  }
0xb0: {  	[dreg:$0x4] =	wrdreg $0x9  }
0xb1: {  	_ =	task.clear_ibuf [dreg:s6], $0x5FFFF;
	_ =	strace $0x9000004F  }
0xb2: {  	s29 =	simm.s32 $0x9;
	_ =	strace $0x80000051  }
0xb3: {  	_ =	swait.ge [sflag:s29], $0x1  }
0xb4: {  	[sflag:s29] =	ssyncadd.s32 $0xFFFFFFFF  }
0xb5: {  	_ =	strace $0x90000051  }
0xb6: {  	_ =	sfence  }
0xb7: {  	s30 =	sld [smem:$0x0];
	_ =	sdelay $0x2  }
0xb8: {  	s31 =	sshll.u32 s1, $0xD;
	s1 =	sshrl.u32 s1, $0x2  }
0xb9: {  	s3 =	sand.u32 $0x4000, s31;
	s1 =	sadd.s32 s1, s30  }
0xba: {  	s0 =	sor.u32 s3, s0;
	s1 =	sshll.u32 s1, $0x11  }
0xbb: {  	s0 =	sor.u32 s1, s0  }
0xbc: {  	s0 =	sadd.s32 $0x8F2B, s0  }
0xbd: {  	[sflag:s0] =	ssyncadd.remote.s32 $0x1  }
0xbe: {  	_ =	sfence.sel $0xFFFF  }
0xbf: {  	[dreg:$0x0] =	wrdreg $0xFFFFFFFF;
	(pc) =	sbr.abs _section_cstart, $3  }
0xc0: {  	[dreg:$0x1] =	wrdreg $0xFFFFFFFF  }
0xc1: {  	_ =	task.clear_ibuf [dreg:s6], $0x2FFFF;
	_ =	strace $0x9FFFFFFF  }
0xc2: {  	(tm) =	ssettm $0x7FFFFFFF  }
0xc3: {  	_ =	shalt  }
tec
execute0_lowered:
.L_overlay_start_1:
0x0: {  	(tag) =	ssettag $0x1  }
0x1: {  	s0 =	rddreg [dreg:$0x0]  }
0x2: {  	s1 =	rddreg [dreg:$0x1];
	s2 =	srdreg.scid;
	s3 =	simm.s32 $0x0  }
0x3: {  	s24 =	stileid.u32;
	s18 =	simm.s32 $0xA000;
	s19 =	simm.s32 $0x80  }
0x4: {  	s20 =	simm.s32 $0xE080;
	s21 =	simm.s32 $0x1;
	s22 =	simm.s32 $0x2  }
0x5: {  	s11 =	sand.u32 $0x1, s2;
	[smem:$0x7FF] =	sst s3;
	s7 =	smul.u32 $0x5000, s24  }
0x6: {  	s4 =	sadd.s32 $0x4AC00, s0;
	s5 =	sadd.s32 $0x6A00, s0;
	s8 =	smul.u32 $0x28000, s24  }
0x7: {  	s25 =	sshll.u32 s24, $0x4;
	s13 =	smul.u32 $0xA000, s24;
	s24 =	simm.s32 $0x0  }
0x8: {  	s6 =	smul.u32 $0x50000, s11;
	_ =	strace $0x80000050;
	s12 =	sadd.s32 s25, s0  }
0x9: {  	s26 =	ssub.s32 $0x2, s11;
	s15 =	smul.u32 $0xA0000, s11;
	s11 =	sshll.u32 s11, $0x8  }
0xa: {  	s28 =	sshrl.u32 s26, $0x1;
	s8 =	sshrl.u32 s8, $0x2;
	s16 =	sadd.s32 $0x5000, s13  }
0xb: {  	s11 =	sadd.s32 s11, s12;
	s6 =	sadd.s32 s7, s6;
	s14 =	ssub.s32 s26, s28  }
0xc: {  	s13 =	sadd.s32 s13, s15;
	s15 =	sadd.s32 s15, s16;
	s11 =	sadd.s32 $0x4AA00, s11  }
0xd: {  	s31 =	sadd.s32 s16, s1;
	s16 =	simm.s32 $0x3;
	s6 =	sshrl.u32 s6, $0x3  }
.Ltmp0:
0xe: {  	s29 =	sshrl.u32 s13, $0x3;
	s30 =	sshrl.u32 s15, $0x3;
	(pc) =	sbr.rel .LBB2_1-.Ltmp0, $4  }
0xf: {  	s14 =	smax.u32 s14, $0x1;
	s15 =	simm.s32 $0xA080;
	s23 =	sshrl.u32 s31, $0x3  }
0x10: {  	s10 =	sadd.s32 s6, s0;
	s0 =	sadd.s32 $0x71E00, s0;
	s6 =	sadd.s32 s8, s1  }
0x11: {  	s7 =	sadd.s32 $0x4000, s6;
	s8 =	sadd.s32 $0x8000, s6;
	s9 =	sadd.s32 $0x22A00, s10  }
0x12: {  	s10 =	sadd.s32 $0x36A00, s10;
	s12 =	sadd.s32 s0, s29;
	s13 =	sadd.s32 s0, s30  }
.LBB2_4:
0x13: {  	[sflag:s16] =	ssyncadd.s32 $0xFFFFC000;
	s2 =	simm.s32 @!p1 $0xE080  }
0x14: {  	[tilespmem:s2], [sflag:$0x2] =	stream.indirect.gather @!p1 [hbm4b:s4+s0], $0x80, s31, s0, $0xb8;
	[tilespmem:$0x1C080] =	vst v63  }
.LBB2_5:
0x15: {  	s0 =	stileid.u32  }
0x16: {  	s0 =	sshll.u32 s0, $0x6  }
0x17: {  	[bflag:$0x0] =	sbarrier.arrive $0xFFFF;
	s2 =	sshrl.u32 s6, $0x3;
	s0 =	sor.u32 $0x1C03, s0  }
0x18: {  	[hbm:s12], [sflag:s0] =	dma.local [spmem:s2], $0xA00  }
0x19: {  	s24 =	sadd.s32 $0x1, s24;
	_ =	swait.ge [sflag:s16], $0xA00  }
0x1a: {  	p0 =	sne.s32 s24, s14;
	[sflag:s16] =	ssyncset.done $0x0  }
.Ltmp1:
0x1b: {  	[sflag:s16] =	ssyncadd.s32 $0xFFFFF600;
	(pc) =	sbr.rel @!p0 .LBB2_6-.Ltmp1, $4  }
0x1c: {  	[hbm:s13], [sflag:s0] =	dma.local [spmem:s23], $0xA00  }
0x1d: {  	_ =	swait.ge [sflag:s16], $0xA00  }
0x1e: {  	[sflag:s16] =	ssyncset.done $0x0  }
0x1f: {  	[sflag:s16] =	ssyncadd.s32 $0xFFFFF600  }
.LBB2_1:
0x20: {  	[tilespmem:s15], [sflag:$0x3] =	stream.linear.gather [hbm4b:s5+s3], $0x4000, $0x38;
	[tilespmem:$0x1C080] =	vst v63  }
0x21: {  	_ =	swait.ge [sflag:s16], $0x4000  }
0x22: {  	[sflag:s16] =	ssyncset.done $0x0  }
0x23: {  	[sflag:s16] =	ssyncadd.s32 $0xFFFFC000  }
0x24: {  	[spmem:s6] =	stream.linear.scatter [tilespmem:s15], [sflag:$0x3], $0x4000, $0x38;
	[tilespmem:$0x1C080] =	vst v63  }
0x25: {  	_ =	swait.ge [sflag:s16], $0x4000  }
0x26: {  	[sflag:s16] =	ssyncset.done $0x0  }
0x27: {  	[sflag:s16] =	ssyncadd.s32 $0xFFFFC000  }
0x28: {  	[spmem:s7] =	stream.linear.scatter [tilespmem:s15], [sflag:$0x3], $0x4000, $0x38;
	[tilespmem:$0x1C080] =	vst v63  }
0x29: {  	_ =	swait.ge [sflag:s16], $0x4000  }
0x2a: {  	[sflag:s16] =	ssyncset.done $0x0  }
0x2b: {  	[sflag:s16] =	ssyncadd.s32 $0xFFFFC000  }
0x2c: {  	[spmem:s8] =	stream.linear.scatter [tilespmem:s15], [sflag:$0x3], $0x2000, $0x38;
	[tilespmem:$0x1C080] =	vst v63  }
0x2d: {  	_ =	swait.ge [sflag:s16], $0x2000  }
0x2e: {  	[sflag:s16] =	ssyncset.done $0x0  }
0x2f: {  	[sflag:s16] =	ssyncadd.s32 $0xFFFFE000  }
0x30: {  	[tilespmem:s3], [sflag:$0x3] =	stream.linear.gather [hbm4b:s9+s3], $0x5000, $0x38;
	[tilespmem:$0x1C080] =	vst v63  }
0x31: {  	_ =	swait.ge [sflag:s16], $0x5000  }
0x32: {  	[sflag:s16] =	ssyncset.done $0x0  }
0x33: {  	s0 =	simm.s32 $0x5000;
	[sflag:s16] =	ssyncadd.s32 $0xFFFFB000  }
0x34: {  	[tilespmem:s0], [sflag:$0x3] =	stream.linear.gather [hbm4b:s10+s3], $0x5000, $0x38;
	[tilespmem:$0x1C080] =	vst v63  }
0x35: {  	_ =	swait.ge [sflag:s16], $0x5000  }
0x36: {  	[sflag:s16] =	ssyncset.done $0x0  }
0x37: {  	[sflag:s16] =	ssyncadd.s32 $0xFFFFB000  }
0x38: {  	[tilespmem:s18], [sflag:$0x3] =	stream.linear.gather [hbm4b:s11+s3], $0x80, $0x38;
	[tilespmem:$0x1C080] =	vst v63  }
0x39: {  	_ =	swait.ge [sflag:s16], $0x80  }
0x3a: {  	[sflag:s16] =	ssyncset.done $0x0  }
0x3b: {  	[sflag:s16] =	ssyncadd.s32 $0xFFFFFF80  }
0x3c: {  	v0 =	vld [tilespmem:$0xA000];
	_ =	sdelay $0x4  }
0x3d: {  	v0 =	vxor.u32 $0x80000000, v0  }
0x3e: {  	(xrf0) =	vmax.scan.msk.u32 $0xffff, v0;
	_ =	sdelay $0x5  }
0x3f: {  	v0, _, _ =	vpop (xrf0)  }
0x40: {  	(v2sf) =	vpush v0, $0xF;
	_ =	sdelay $0xe  }
0x41: {  	s30 =	spop (v2sf)  }
0x42: {  	s25 =	sxor.u32 $0x80000000, s30  }
0x43: {  	p1 =	sgt.s32 s30, $0xFFFFFFFF;
	s0 =	sand.u32 $0x1, s30;
	p0 =	slt.s32 s25, $0x1  }
0x44: {  	p6 =	seq.s32 s0, $0x1;
	p0 =	por p1, p0  }
0x45: {  	s31 =	sshrl.u32 s25, $0x1F;
	p0 =	por !p0, !p6  }
0x46: {  	s26 =	simm.s32 $0x1;
	s0 =	sadd.s32 s31, s25;
	p0 =	por !p0, !p0  }
0x47: {  	s0 =	sshra.s32 s0, $0x1;
	s26 =	simm.s32 @!p0 $0x0  }
0x48: {  	s26 =	ssub.s32 s0, s26  }
0x49: {  	p0 =	slt.s32 s26, $0x1  }
.Ltmp2:
0x4a: {  	_ = 	snop;
	(pc) =	sbr.rel @p0 .LBB2_5-.Ltmp2, $4  }
0x4b: {  	[bflag:$0x0] =	sbarrier.arrive $0xFFFF  }
0x4c: {  	[tilespmem:s15], [sflag:$0x1] =	stream.indirect.gather [hbm4b:s4+s19], $0x80, s3, s19, $0xb8;
	[tilespmem:$0x1C080] =	vst v63  }
0x4d: {  	_ = 	snop  }
0x4e: {  	[tilespmem:s20], [sflag:$0x2] =	stream.indirect.gather [hbm4b:s4+s19], $0x80, s19, s19, $0xb8;
	[tilespmem:$0x1C080] =	vst v63  }
0x4f: {  	_ =	swait.ge [sflag:s21], $0x4000  }
0x50: {  	[sflag:s21] =	ssyncset.done $0x0  }
0x51: {  	s0 =	simm.s32 $0x5000;
	[sflag:s21] =	ssyncadd.s32 $0xFFFFC000  }
0x52: {  	[spmem:s1] =	stream.indirect.scatter.add.f32 [tilespmem:s15], [sflag:$0x3], $0x80, s0, s19, $0xb8;
	[tilespmem:$0x1C080] =	vst v63  }
0x53: {  	p0 =	sle.s32 s25, $0x2;
	_ =	swait.ge [sflag:s16], $0x4000  }
0x54: {  	s26 =	sadd.s32 $0xFFFFFFFF, s26;
	s28 =	simm.s32 @!p0 $0x80;
	[sflag:s16] =	ssyncset.done $0x0  }
0x55: {  	s29 =	simm.s32 @!p0 $0xA080;
	s0 =	simm.s32 $0x100;
	[sflag:s16] =	ssyncadd.s32 $0xFFFFC000  }
0x56: {  	[tilespmem:s29], [sflag:$0x1] =	stream.indirect.gather @!p0 [hbm4b:s4+s28], $0x80, s0, s28, $0xb8;
	[tilespmem:$0x1C080] =	vst v63  }
0x57: {  	p0 =	sne.s32 s26, $0x0;
	_ =	swait.ge [sflag:s22], $0x4000  }
.Ltmp3:
0x58: {  	s17 =	simm.s32 $0x5080;
	[sflag:s22] =	ssyncset.done $0x0;
	(pc) =	sbr.rel @!p0 .LBB2_4-.Ltmp3, $4  }
0x59: {  	p1 =	sle.s32 s25, $0x3;
	s30 =	simm.s32 $0x5180;
	[sflag:s22] =	ssyncadd.s32 $0xFFFFC000  }
0x5a: {  	[spmem:s1] =	stream.indirect.scatter.add.f32 [tilespmem:s20], [sflag:$0x3], $0x80, s17, s19, $0xb8;
	[tilespmem:$0x1C080] =	vst v63  }
0x5b: {  	s31 =	simm.s32 @!p1 $0x180;
	s28 =	simm.s32 $0x4;
	_ =	swait.ge [sflag:s16], $0x4000  }
0x5c: {  	s29 =	simm.s32 $0x200;
	s0 =	simm.s32 @!p1 $0x80;
	[sflag:s16] =	ssyncset.done $0x0  }
.LBB2_3:
0x5d: {  	s26 =	sadd.s32 $0xFFFFFFFF, s26;
	[sflag:s16] =	ssyncadd.s32 $0xFFFFC000;
	s2 =	simm.s32 @!p1 $0xE080  }
0x5e: {  	[tilespmem:s2], [sflag:$0x2] =	stream.indirect.gather @!p1 [hbm4b:s4+s0], $0x80, s31, s0, $0xb8;
	[tilespmem:$0x1C080] =	vst v63  }
0x5f: {  	p0 =	sne.s32 s26, $0x0;
	s0 =	smov.u32 s28;
	_ =	swait.ge [sflag:s21], $0x4000  }
0x60: {  	s2 =	sadd.s32 $0xFFFFFF80, s30;
	s31 =	smov.u32 s29;
	[sflag:s21] =	ssyncset.done $0x0  }
0x61: {  	[sflag:s21] =	ssyncadd.s32 $0xFFFFC000  }
0x62: {  	[spmem:s1] =	stream.indirect.scatter.add.f32 [tilespmem:s15], [sflag:$0x3], $0x80, s2, s19, $0xb8;
	[tilespmem:$0x1C080] =	vst v63  }
0x63: {  	p1 =	sge.s32 s28, s25;
	_ =	swait.ge [sflag:s16], $0x4000  }
0x64: {  	s17 =	simm.s32 @!p1 $0xA080;
	s2 =	simm.s32 @!p1 $0x80;
	[sflag:s16] =	ssyncset.done $0x0  }
0x65: {  	[sflag:s16] =	ssyncadd.s32 $0xFFFFC000  }
0x66: {  	[tilespmem:s17], [sflag:$0x1] =	stream.indirect.gather @!p1 [hbm4b:s4+s2], $0x80, s29, s2, $0xb8;
	[tilespmem:$0x1C080] =	vst v63  }
0x67: {  	_ =	swait.ge [sflag:s22], $0x4000  }
.Ltmp4:
0x68: {  	s28 =	sadd.s32 $0x2, s28;
	[sflag:s22] =	ssyncset.done $0x0;
	(pc) =	sbr.rel @p0 .LBB2_3-.Ltmp4, $4  }
0x69: {  	s0 =	sadd.s32 $0x1, s0;
	s29 =	sadd.s32 $0x100, s29;
	[sflag:s22] =	ssyncadd.s32 $0xFFFFC000  }
0x6a: {  	[spmem:s1] =	stream.indirect.scatter.add.f32 [tilespmem:s20], [sflag:$0x3], $0x80, s30, s19, $0xb8;
	[tilespmem:$0x1C080] =	vst v63  }
0x6b: {  	p1 =	sge.s32 s0, s25;
	s30 =	sadd.s32 $0x100, s30;
	_ =	swait.ge [sflag:s16], $0x4000  }
0x6c: {  	s31 =	sadd.s32 @!p1 $0x80, s31;
	s0 =	simm.s32 @!p1 $0x80;
	[sflag:s16] =	ssyncset.done $0x0  }
.Ltmp5:
0x6d: {  	_ = 	snop;
	(pc) =	sbr.rel .LBB2_4-.Ltmp5, $1  }
0x6e: {  	_ =	sdelay $0x3  }
.LBB2_6:
0x6f: {  	_ =	sfence.sel $0x180000  }
0x70: {  	[bflag:$0x0] =	sbarrier.arrive $0xFFFF  }
0x71: {  	_ =	strace $0x90000050  }
0x72: {  	s0 =	stileid.u32;
	[bflag:$0x2] =	sbarrier.arrive $0xFFFF  }
0x73: {  	p0 =	sne.s32 s0, $0x0;
	s0 =	rddreg [dreg:$0x2]  }
0x74: {  	s0 =	sadd.s32 @!p0 $0x100000, s0  }
0x75: {  	[sflag:s0] =	ssyncadd.tile.s32 @!p0 $0x1;
	_ =	shalt  }
.Lfunc_end2:
_tile_overlayer_lowered:
.L_overlay_start_2:
0x76: {  	(tag) =	ssettag $0x2  }
0x77: {  	s0 =	rddreg [dreg:$0x0];
	s2 =	stileid.u32  }
0x78: {  	s1 =	rddreg [dreg:$0x1];
	p0 =	sne.s32 s2, $0x0  }
0x79: {  	s3 =	rddreg [dreg:$0x2];
	[bflag:$0x3] =	sbarrier.arrive $0xFFFF;
	s2 =	simm.s32 @!p0 $0x1C03  }
0x7a: {  	[timem:s3], [sflag:s2] =	dma.local @!p0 [hbm:s0], s1  }
0x7b: {  	s0 =	simm.s32 @!p0 $0x3  }
0x7c: {  	_ =	swait.ge @!p0 [sflag:s0], s1  }
0x7d: {  	s1 =	ssub.s32 @!p0 $0x0, s1;
	[sflag:s0] =	ssyncset.done @!p0 $0x0  }
0x7e: {  	[sflag:s0] =	ssyncadd.s32 @!p0 s1  }
0x7f: {  	[bflag:$0x3] =	sbarrier.arrive $0xFFFF  }
0x80: {  	_ =	shalt  }

// kernel: kernel.24.cloned.1.call-start
scs
__scs_entry_jumppad:
0x0: {  	(pc) =	sbr.rel $0x88, $3  }
0x1: {  	(tag) =	ssettag $0x0;
	lr =	simm.s32 $0x1  }
0x2: {  	[smem:$0x3F92] =	sst lr;
	_ =	strace $0xD0000000  }
0x3: {  	_ = 	snop  }
0x4: {  	_ = 	snop  }
0x5: {  	_ = 	snop  }
0x6: {  	_ = 	snop  }
0x7: {  	_ = 	snop  }
__scs_overlays_trampoline_lowered:
0x8: {  	[smem:$0x3FA1] =	sst s0  }
0x9: {  	[smem:$0x3FA2] =	sst s1  }
0xa: {  	[smem:$0x3FA3] =	sst s2  }
0xb: {  	[smem:$0x3FA4] =	sst s3  }
0xc: {  	[smem:$0x3FA5] =	sst s4  }
0xd: {  	[smem:$0x3FA6] =	sst s5  }
0xe: {  	[smem:$0x3FA7] =	sst s6  }
0xf: {  	[smem:$0x3FA8] =	sst s7  }
0x10: {  	[smem:$0x3FA9] =	sst s8  }
0x11: {  	[smem:$0x3FAA] =	sst s9;
	s0 =	simm.s32 @!p0 $0x0  }
0x12: {  	s1 =	sld [smem:$0x3F90];
	s0 =	simm.s32 @p0 $0x1  }
0x13: {  	[smem:$0x3FAB] =	sst s0;
	s0 =	simm.s32 @!p1 $0x0  }
0x14: {  	s2 =	sld [smem:$0x3F8F];
	s0 =	simm.s32 @p1 $0x1  }
0x15: {  	[smem:$0x3FAC] =	sst s0;
	s0 =	simm.s32 @!p2 $0x0  }
0x16: {  	s3 =	sld [smem:$0x3FDB];
	s0 =	simm.s32 @p2 $0x1  }
0x17: {  	s4 =	simm.s32 $0x1BF5;
	[smem:$0x3FAE] =	sst s0  }
0x18: {  	s0 =	sld [smem:$0x3F91];
	_ =	swait.ge [sflag:s4], $0x0  }
0x19: {  	s7 =	sld [smem:$0x3F92]  }
0x1a: {  	s8 =	sadd.s32 $0xFFFFE003, lr  }
0x1b: {  	s9 =	sadd.s32 $0xFFFFFEF7, lr;
	s5 =	simm.s32 $0xFFFFFFFF;
	p2 =	slt.u32 s8, $0xFFFFF086  }
0x1c: {  	p1 =	slt.u32 s9, $0xF7A;
	s5 =	simm.s32 @!p2 $0x0  }
0x1d: {  	s5 =	simm.s32 @p1 $0x1;
	p0 =	seq.s32 s7, s2  }
0x1e: {  	s7 =	smul.u32 @!p0 $0xF7A, s2;
	p2 =	seq.s32 @!p0 s5, $0x0  }
0x1f: {  	s9 =	smul.u32 $0xF7A, s1;
	s8 =	simm.s32 @!p0 $0x1BF5;
	p2 =	por !p2, p0  }
0x20: {  	[sflag:s8] =	ssyncset.s32 @!p0 $0xFFFFF086;
	s6 =	sadd.s32 @!p0 s3, s7;
	s7 =	simm.s32 @!p0 $0x108  }
0x21: {  	s3 =	sadd.s32 s3, s9;
	s6 =	sadd.s32 @!p0 $0x88, s6;
	s7 =	simm.s32 @p2 $0x1082  }
0x22: {  	[simem:s7], [sflag:s8] =	dma.local @!p0 [hbm:s6], $0xF7A  }
0x23: {  	s9 =	sor.u32 $0xD0000000, s2;
	s6 =	simm.s32 $0x108;
	_ =	swait.ge @!p0 [sflag:s8], $0x0  }
0x24: {  	s3 =	sadd.s32 $0x88, s3;
	s6 =	simm.s32 @!p1 $0x1082;
	[sflag:s4] =	ssyncset.s32 $0xFFFFF086  }
0x25: {  	[simem:s6], [sflag:s4] =	dma.local [hbm:s3], $0xF7A  }
0x26: {  	[smem:$0x3F92] =	sst s1;
	(tag) =	ssettag s2;
	_ =	strace s9  }
0x27: {  	s1 =	sld [smem:$0x3FA2]  }
0x28: {  	s2 =	sld [smem:$0x3FA3]  }
0x29: {  	s4 =	sld [smem:$0x3FA5]  }
0x2a: {  	p0 =	seq.s32 s5, $0x0;
	s5 =	sld [smem:$0x3FA6]  }
0x2b: {  	s6 =	sld [smem:$0x3FA7]  }
0x2c: {  	s7 =	sld [smem:$0x3FA8]  }
0x2d: {  	s3 =	simm.s32 $0x108;
	s8 =	sld [smem:$0x3FA9]  }
0x2e: {  	s3 =	simm.s32 @!p0 $0x1082;
	s9 =	sld [smem:$0x3FAA]  }
0x2f: {  	lr =	sadd.s32 s0, s3;
	s0 =	sld [smem:$0x3FA1]  }
0x30: {  	s3 =	sld [smem:$0x3FA4]  }
0x31: {  	[smem:$0x3FAD] =	sst s10  }
0x32: {  	s10 =	sld [smem:$0x3FAB];
	_ =	sdelay $0x3  }
0x33: {  	p0 =	seq.s32 s10, $0x1;
	s10 =	sld [smem:$0x3FAD];
	_ =	sdelay $0x3  }
0x34: {  	[smem:$0x3FAD] =	sst s10  }
0x35: {  	s10 =	sld [smem:$0x3FAC];
	_ =	sdelay $0x3  }
0x36: {  	p1 =	seq.s32 s10, $0x1;
	s10 =	sld [smem:$0x3FAD];
	_ =	sdelay $0x3  }
0x37: {  	[smem:$0x3FAD] =	sst s10  }
0x38: {  	s10 =	sld [smem:$0x3FAE]  }
0x39: {  	_ = 	snop;
	(pc) =	sbr.ind lr, $3  }
0x3a: {  	_ = 	snop  }
0x3b: {  	_ = 	snop  }
0x3c: {  	p2 =	seq.s32 s10, $0x1;
	s10 =	sld [smem:$0x3FAD]  }
0x3d: {  	_ =	shalt  }
0x3e: {  	_ =	shalt  }
0x3f: {  	_ =	shalt  }
0x40: {  	_ =	shalt  }
0x41: {  	_ =	shalt  }
0x42: {  	_ =	shalt  }
0x43: {  	_ =	shalt  }
0x44: {  	_ =	shalt  }
0x45: {  	_ =	shalt  }
0x46: {  	_ =	shalt  }
0x47: {  	_ =	shalt  }
0x48: {  	_ =	shalt  }
0x49: {  	_ =	shalt  }
0x4a: {  	_ =	shalt  }
0x4b: {  	_ =	shalt  }
0x4c: {  	_ =	shalt  }
0x4d: {  	_ =	shalt  }
0x4e: {  	_ =	shalt  }
0x4f: {  	_ =	shalt  }
0x50: {  	_ =	shalt  }
0x51: {  	_ =	shalt  }
0x52: {  	_ =	shalt  }
0x53: {  	_ =	shalt  }
0x54: {  	_ =	shalt  }
0x55: {  	_ =	shalt  }
0x56: {  	_ =	shalt  }
0x57: {  	_ =	shalt  }
0x58: {  	_ =	shalt  }
0x59: {  	_ =	shalt  }
0x5a: {  	_ =	shalt  }
0x5b: {  	_ =	shalt  }
0x5c: {  	_ =	shalt  }
0x5d: {  	_ =	shalt  }
0x5e: {  	_ =	shalt  }
0x5f: {  	_ =	shalt  }
0x60: {  	_ =	shalt  }
0x61: {  	_ =	shalt  }
0x62: {  	_ =	shalt  }
0x63: {  	_ =	shalt  }
0x64: {  	_ =	shalt  }
0x65: {  	_ =	shalt  }
0x66: {  	_ =	shalt  }
0x67: {  	_ =	shalt  }
0x68: {  	_ =	shalt  }
0x69: {  	_ =	shalt  }
0x6a: {  	_ =	shalt  }
0x6b: {  	_ =	shalt  }
0x6c: {  	_ =	shalt  }
0x6d: {  	_ =	shalt  }
0x6e: {  	_ =	shalt  }
0x6f: {  	_ =	shalt  }
0x70: {  	_ =	shalt  }
0x71: {  	_ =	shalt  }
0x72: {  	_ =	shalt  }
0x73: {  	_ =	shalt  }
0x74: {  	_ =	shalt  }
0x75: {  	_ =	shalt  }
0x76: {  	_ =	shalt  }
0x77: {  	_ =	shalt  }
0x78: {  	_ =	shalt  }
0x79: {  	_ =	shalt  }
0x7a: {  	_ =	shalt  }
0x7b: {  	_ =	shalt  }
0x7c: {  	_ =	shalt  }
0x7d: {  	_ =	shalt  }
0x7e: {  	_ =	shalt  }
0x7f: {  	_ =	shalt  }
0x80: {  	_ =	shalt  }
0x81: {  	_ =	shalt  }
0x82: {  	_ =	shalt  }
0x83: {  	_ =	shalt  }
0x84: {  	_ =	shalt  }
0x85: {  	_ =	shalt  }
0x86: {  	_ =	shalt  }
0x87: {  	_ =	shalt  }
.Lfunc_end0:
.L_simem_size_0:
called_computation.4_lowered:
.L_overlay_start_0:
0x88: {  	s2 =	sld [smem:$0x3FD9]  }
0x89: {  	s3 =	sld [smem:$0x3FFE];
	_ =	sdelay $0x1  }
0x8a: {  	s1 =	srdreg.scid  }
0x8b: {  	s0 =	sand.u32 $0x1, s1  }
0x8c: {  	s16 =	sshll.u32 s0, $0xA;
	s2 =	sadd.s32 s3, s2  }
0x8d: {  	s2 =	sadd.s32 s2, s16  }
0x8e: {  	[smem:$0x3FB9] =	sst s2  }
0x8f: {  	_ = 	snop  }
0x90: {  	(tm) =	ssettm $0x1  }
0x91: {  	s17 =	sld [smem:$0x3FFB];
	_ =	sdelay $0x3  }
0x92: {  	_ =	strace s17  }
0x93: {  	s2 =	sld [smem:$0x3FFC];
	_ =	sdelay $0x3  }
0x94: {  	_ =	strace s2  }
0x95: {  	s2 =	sld [smem:$0x3FFD];
	_ =	sdelay $0x3  }
0x96: {  	_ =	strace s2  }
0x97: {  	_ =	strace $0x8FFFFFFF  }
0x98: {  	s18 =	sld [smem:$0x3FDB];
	_ =	sdelay $0x1  }
0x99: {  	s19 =	simm.s32 $_scs_section_size  }
0x9a: {  	s4 =	simm.s32 $_size__tile_overlayer_lowered;
	s5 =	simm.s32 $_tile_overlayer_lowered  }
0x9b: {  	s22 =	simm.s32 $0x1BFF;
	s21 =	sshll.u32 s5, $0x1;
	s2 =	sadd.s32 s19, s18  }
0x9c: {  	s6 =	simm.s32 $0x0;
	s20 =	sshll.u32 s4, $0x1;
	s4 =	sadd.s32 s21, s2  }
0x9d: {  	[timem:s6], [sflag:s22] =	dma.local [hbm:s4], s20  }
0x9e: {  	_ =	swait.ge [sflag:s22], s20  }
0x9f: {  	s3 =	ssub.s32 $0x0, s20;
	[sflag:s22] =	ssyncset.done $0x0  }
0xa0: {  	[sflag:s22] =	ssyncadd.s32 s3;
	_ =	sdelay $0x1  }
0xa1: {  	s23 =	simm.s32 $0x1B8B  }
0xa2: {  	_ =	swait.ge [sflag:s23], $0x1  }
0xa3: {  	[sflag:s23] =	ssyncset.done $0x0  }
0xa4: {  	s25 =	simm.s32 $0x1B8E;
	s24 =	sld [smem:$0x3FFE];
	[sflag:s23] =	ssyncadd.s32 $0xFFFFFFFF  }
0xa5: {  	s26 =	simm.s32 $execute0_lowered;
	[smem:$0x3FD2] =	sst s25  }
0xa6: {  	s4 =	sshll.u32 s26, $0x1;
	_ =	strace $0x80000052;
	[dreg:$0x1] =	wrdreg $0xFFFFFFFF  }
0xa7: {  	s28 =	simm.s32 $_size_execute0_lowered;
	s2 =	sadd.s32 s2, s4;
	[dreg:$0x0] =	wrdreg $0x0  }
0xa8: {  	s4 =	sshll.u32 s28, $0x1;
	[dreg:$0x2] =	wrdreg s2  }
0xa9: {  	[dreg:$0x3] =	wrdreg s4  }
0xaa: {  	[dreg:$0x4] =	wrdreg $0xC0  }
0xab: {  	_ =	task [dreg:s6], $0x5FFFF  }
0xac: {  	[dreg:$0x1] =	wrdreg $0xFFFFFFFF  }
0xad: {  	[dreg:$0x0] =	wrdreg $0x60  }
0xae: {  	[dreg:$0x2] =	wrdreg s24  }
0xaf: {  	[dreg:$0x3] =	wrdreg $0x120800  }
0xb0: {  	[dreg:$0x4] =	wrdreg $0x9  }
0xb1: {  	_ =	task.clear_ibuf [dreg:s6], $0x5FFFF;
	_ =	strace $0x90000052  }
0xb2: {  	s29 =	simm.s32 $0x9;
	_ =	strace $0x80000054  }
0xb3: {  	_ =	swait.ge [sflag:s29], $0x1  }
0xb4: {  	[sflag:s29] =	ssyncadd.s32 $0xFFFFFFFF  }
0xb5: {  	_ =	strace $0x90000054  }
0xb6: {  	_ =	sfence  }
0xb7: {  	s30 =	sld [smem:$0x0];
	_ =	sdelay $0x2  }
0xb8: {  	s31 =	sshll.u32 s1, $0xD;
	s1 =	sshrl.u32 s1, $0x2  }
0xb9: {  	s3 =	sand.u32 $0x4000, s31;
	s1 =	sadd.s32 s1, s30  }
0xba: {  	s0 =	sor.u32 s3, s0;
	s1 =	sshll.u32 s1, $0x11  }
0xbb: {  	s0 =	sor.u32 s1, s0  }
0xbc: {  	s0 =	sadd.s32 $0x8F2B, s0  }
0xbd: {  	[sflag:s0] =	ssyncadd.remote.s32 $0x1  }
0xbe: {  	_ =	sfence.sel $0xFFFF  }
0xbf: {  	[dreg:$0x0] =	wrdreg $0xFFFFFFFF;
	(pc) =	sbr.abs _section_cstart, $3  }
0xc0: {  	[dreg:$0x1] =	wrdreg $0xFFFFFFFF  }
0xc1: {  	_ =	task.clear_ibuf [dreg:s6], $0x2FFFF;
	_ =	strace $0x9FFFFFFF  }
0xc2: {  	(tm) =	ssettm $0x7FFFFFFF  }
0xc3: {  	_ =	shalt  }
tec
execute0_lowered:
.L_overlay_start_1:
0x0: {  	(tag) =	ssettag $0x1  }
0x1: {  	s0 =	rddreg [dreg:$0x0]  }
0x2: {  	s1 =	rddreg [dreg:$0x1];
	s2 =	srdreg.scid;
	s3 =	simm.s32 $0x0  }
0x3: {  	s24 =	stileid.u32;
	s18 =	simm.s32 $0xA000;
	s19 =	simm.s32 $0x80  }
0x4: {  	s20 =	simm.s32 $0xE080;
	s21 =	simm.s32 $0x1;
	s22 =	simm.s32 $0x2  }
0x5: {  	s11 =	sand.u32 $0x1, s2;
	[smem:$0x7FF] =	sst s3;
	s7 =	smul.u32 $0x5000, s24  }
0x6: {  	s4 =	sadd.s32 $0x4AC00, s0;
	s5 =	sadd.s32 $0x7A00, s0;
	s8 =	smul.u32 $0x28000, s24  }
0x7: {  	s25 =	sshll.u32 s24, $0x4;
	s13 =	smul.u32 $0xA000, s24;
	s24 =	simm.s32 $0x0  }
0x8: {  	s6 =	smul.u32 $0x50000, s11;
	_ =	strace $0x80000053;
	s12 =	sadd.s32 s25, s0  }
0x9: {  	s26 =	ssub.s32 $0x2, s11;
	s15 =	smul.u32 $0xA0000, s11;
	s11 =	sshll.u32 s11, $0x8  }
0xa: {  	s28 =	sshrl.u32 s26, $0x1;
	s8 =	sshrl.u32 s8, $0x2;
	s16 =	sadd.s32 $0x5000, s13  }
0xb: {  	s11 =	sadd.s32 s11, s12;
	s6 =	sadd.s32 s7, s6;
	s14 =	ssub.s32 s26, s28  }
0xc: {  	s13 =	sadd.s32 s13, s15;
	s15 =	sadd.s32 s15, s16;
	s11 =	sadd.s32 $0x4AA00, s11  }
0xd: {  	s31 =	sadd.s32 s16, s1;
	s16 =	simm.s32 $0x3;
	s6 =	sshrl.u32 s6, $0x3  }
.Ltmp0:
0xe: {  	s29 =	sshrl.u32 s13, $0x3;
	s30 =	sshrl.u32 s15, $0x3;
	(pc) =	sbr.rel .LBB2_1-.Ltmp0, $4  }
0xf: {  	s14 =	smax.u32 s14, $0x1;
	s15 =	simm.s32 $0xA080;
	s23 =	sshrl.u32 s31, $0x3  }
0x10: {  	s10 =	sadd.s32 s6, s0;
	s0 =	sadd.s32 $0x71E00, s0;
	s6 =	sadd.s32 s8, s1  }
0x11: {  	s7 =	sadd.s32 $0x4000, s6;
	s8 =	sadd.s32 $0x8000, s6;
	s9 =	sadd.s32 $0x22A00, s10  }
0x12: {  	s10 =	sadd.s32 $0x36A00, s10;
	s12 =	sadd.s32 s0, s29;
	s13 =	sadd.s32 s0, s30  }
.LBB2_4:
0x13: {  	[sflag:s16] =	ssyncadd.s32 $0xFFFFC000;
	s2 =	simm.s32 @!p1 $0xE080  }
0x14: {  	[tilespmem:s2], [sflag:$0x2] =	stream.indirect.gather @!p1 [hbm4b:s4+s0], $0x80, s31, s0, $0xb8;
	[tilespmem:$0x1C080] =	vst v63  }
.LBB2_5:
0x15: {  	s0 =	stileid.u32  }
0x16: {  	s0 =	sshll.u32 s0, $0x6  }
0x17: {  	[bflag:$0x0] =	sbarrier.arrive $0xFFFF;
	s2 =	sshrl.u32 s6, $0x3;
	s0 =	sor.u32 $0x1C03, s0  }
0x18: {  	[hbm:s12], [sflag:s0] =	dma.local [spmem:s2], $0xA00  }
0x19: {  	s24 =	sadd.s32 $0x1, s24;
	_ =	swait.ge [sflag:s16], $0xA00  }
0x1a: {  	p0 =	sne.s32 s24, s14;
	[sflag:s16] =	ssyncset.done $0x0  }
.Ltmp1:
0x1b: {  	[sflag:s16] =	ssyncadd.s32 $0xFFFFF600;
	(pc) =	sbr.rel @!p0 .LBB2_6-.Ltmp1, $4  }
0x1c: {  	[hbm:s13], [sflag:s0] =	dma.local [spmem:s23], $0xA00  }
0x1d: {  	_ =	swait.ge [sflag:s16], $0xA00  }
0x1e: {  	[sflag:s16] =	ssyncset.done $0x0  }
0x1f: {  	[sflag:s16] =	ssyncadd.s32 $0xFFFFF600  }
.LBB2_1:
0x20: {  	[tilespmem:s15], [sflag:$0x3] =	stream.linear.gather [hbm4b:s5+s3], $0x4000, $0x38;
	[tilespmem:$0x1C080] =	vst v63  }
0x21: {  	_ =	swait.ge [sflag:s16], $0x4000  }
0x22: {  	[sflag:s16] =	ssyncset.done $0x0  }
0x23: {  	[sflag:s16] =	ssyncadd.s32 $0xFFFFC000  }
0x24: {  	[spmem:s6] =	stream.linear.scatter [tilespmem:s15], [sflag:$0x3], $0x4000, $0x38;
	[tilespmem:$0x1C080] =	vst v63  }
0x25: {  	_ =	swait.ge [sflag:s16], $0x4000  }
0x26: {  	[sflag:s16] =	ssyncset.done $0x0  }
0x27: {  	[sflag:s16] =	ssyncadd.s32 $0xFFFFC000  }
0x28: {  	[spmem:s7] =	stream.linear.scatter [tilespmem:s15], [sflag:$0x3], $0x4000, $0x38;
	[tilespmem:$0x1C080] =	vst v63  }
0x29: {  	_ =	swait.ge [sflag:s16], $0x4000  }
0x2a: {  	[sflag:s16] =	ssyncset.done $0x0  }
0x2b: {  	[sflag:s16] =	ssyncadd.s32 $0xFFFFC000  }
0x2c: {  	[spmem:s8] =	stream.linear.scatter [tilespmem:s15], [sflag:$0x3], $0x2000, $0x38;
	[tilespmem:$0x1C080] =	vst v63  }
0x2d: {  	_ =	swait.ge [sflag:s16], $0x2000  }
0x2e: {  	[sflag:s16] =	ssyncset.done $0x0  }
0x2f: {  	[sflag:s16] =	ssyncadd.s32 $0xFFFFE000  }
0x30: {  	[tilespmem:s3], [sflag:$0x3] =	stream.linear.gather [hbm4b:s9+s3], $0x5000, $0x38;
	[tilespmem:$0x1C080] =	vst v63  }
0x31: {  	_ =	swait.ge [sflag:s16], $0x5000  }
0x32: {  	[sflag:s16] =	ssyncset.done $0x0  }
0x33: {  	s0 =	simm.s32 $0x5000;
	[sflag:s16] =	ssyncadd.s32 $0xFFFFB000  }
0x34: {  	[tilespmem:s0], [sflag:$0x3] =	stream.linear.gather [hbm4b:s10+s3], $0x5000, $0x38;
	[tilespmem:$0x1C080] =	vst v63  }
0x35: {  	_ =	swait.ge [sflag:s16], $0x5000  }
0x36: {  	[sflag:s16] =	ssyncset.done $0x0  }
0x37: {  	[sflag:s16] =	ssyncadd.s32 $0xFFFFB000  }
0x38: {  	[tilespmem:s18], [sflag:$0x3] =	stream.linear.gather [hbm4b:s11+s3], $0x80, $0x38;
	[tilespmem:$0x1C080] =	vst v63  }
0x39: {  	_ =	swait.ge [sflag:s16], $0x80  }
0x3a: {  	[sflag:s16] =	ssyncset.done $0x0  }
0x3b: {  	[sflag:s16] =	ssyncadd.s32 $0xFFFFFF80  }
0x3c: {  	v0 =	vld [tilespmem:$0xA000];
	_ =	sdelay $0x4  }
0x3d: {  	v0 =	vxor.u32 $0x80000000, v0  }
0x3e: {  	(xrf0) =	vmax.scan.msk.u32 $0xffff, v0;
	_ =	sdelay $0x5  }
0x3f: {  	v0, _, _ =	vpop (xrf0)  }
0x40: {  	(v2sf) =	vpush v0, $0xF;
	_ =	sdelay $0xe  }
0x41: {  	s30 =	spop (v2sf)  }
0x42: {  	s25 =	sxor.u32 $0x80000000, s30  }
0x43: {  	p1 =	sgt.s32 s30, $0xFFFFFFFF;
	s0 =	sand.u32 $0x1, s30;
	p0 =	slt.s32 s25, $0x1  }
0x44: {  	p6 =	seq.s32 s0, $0x1;
	p0 =	por p1, p0  }
0x45: {  	s31 =	sshrl.u32 s25, $0x1F;
	p0 =	por !p0, !p6  }
0x46: {  	s26 =	simm.s32 $0x1;
	s0 =	sadd.s32 s31, s25;
	p0 =	por !p0, !p0  }
0x47: {  	s0 =	sshra.s32 s0, $0x1;
	s26 =	simm.s32 @!p0 $0x0  }
0x48: {  	s26 =	ssub.s32 s0, s26  }
0x49: {  	p0 =	slt.s32 s26, $0x1  }
.Ltmp2:
0x4a: {  	_ = 	snop;
	(pc) =	sbr.rel @p0 .LBB2_5-.Ltmp2, $4  }
0x4b: {  	[bflag:$0x0] =	sbarrier.arrive $0xFFFF  }
0x4c: {  	[tilespmem:s15], [sflag:$0x1] =	stream.indirect.gather [hbm4b:s4+s19], $0x80, s3, s19, $0xb8;
	[tilespmem:$0x1C080] =	vst v63  }
0x4d: {  	_ = 	snop  }
0x4e: {  	[tilespmem:s20], [sflag:$0x2] =	stream.indirect.gather [hbm4b:s4+s19], $0x80, s19, s19, $0xb8;
	[tilespmem:$0x1C080] =	vst v63  }
0x4f: {  	_ =	swait.ge [sflag:s21], $0x4000  }
0x50: {  	[sflag:s21] =	ssyncset.done $0x0  }
0x51: {  	s0 =	simm.s32 $0x5000;
	[sflag:s21] =	ssyncadd.s32 $0xFFFFC000  }
0x52: {  	[spmem:s1] =	stream.indirect.scatter.add.f32 [tilespmem:s15], [sflag:$0x3], $0x80, s0, s19, $0xb8;
	[tilespmem:$0x1C080] =	vst v63  }
0x53: {  	p0 =	sle.s32 s25, $0x2;
	_ =	swait.ge [sflag:s16], $0x4000  }
0x54: {  	s26 =	sadd.s32 $0xFFFFFFFF, s26;
	s28 =	simm.s32 @!p0 $0x80;
	[sflag:s16] =	ssyncset.done $0x0  }
0x55: {  	s29 =	simm.s32 @!p0 $0xA080;
	s0 =	simm.s32 $0x100;
	[sflag:s16] =	ssyncadd.s32 $0xFFFFC000  }
0x56: {  	[tilespmem:s29], [sflag:$0x1] =	stream.indirect.gather @!p0 [hbm4b:s4+s28], $0x80, s0, s28, $0xb8;
	[tilespmem:$0x1C080] =	vst v63  }
0x57: {  	p0 =	sne.s32 s26, $0x0;
	_ =	swait.ge [sflag:s22], $0x4000  }
.Ltmp3:
0x58: {  	s17 =	simm.s32 $0x5080;
	[sflag:s22] =	ssyncset.done $0x0;
	(pc) =	sbr.rel @!p0 .LBB2_4-.Ltmp3, $4  }
0x59: {  	p1 =	sle.s32 s25, $0x3;
	s30 =	simm.s32 $0x5180;
	[sflag:s22] =	ssyncadd.s32 $0xFFFFC000  }
0x5a: {  	[spmem:s1] =	stream.indirect.scatter.add.f32 [tilespmem:s20], [sflag:$0x3], $0x80, s17, s19, $0xb8;
	[tilespmem:$0x1C080] =	vst v63  }
0x5b: {  	s31 =	simm.s32 @!p1 $0x180;
	s28 =	simm.s32 $0x4;
	_ =	swait.ge [sflag:s16], $0x4000  }
0x5c: {  	s29 =	simm.s32 $0x200;
	s0 =	simm.s32 @!p1 $0x80;
	[sflag:s16] =	ssyncset.done $0x0  }
.LBB2_3:
0x5d: {  	s26 =	sadd.s32 $0xFFFFFFFF, s26;
	[sflag:s16] =	ssyncadd.s32 $0xFFFFC000;
	s2 =	simm.s32 @!p1 $0xE080  }
0x5e: {  	[tilespmem:s2], [sflag:$0x2] =	stream.indirect.gather @!p1 [hbm4b:s4+s0], $0x80, s31, s0, $0xb8;
	[tilespmem:$0x1C080] =	vst v63  }
0x5f: {  	p0 =	sne.s32 s26, $0x0;
	s0 =	smov.u32 s28;
	_ =	swait.ge [sflag:s21], $0x4000  }
0x60: {  	s2 =	sadd.s32 $0xFFFFFF80, s30;
	s31 =	smov.u32 s29;
	[sflag:s21] =	ssyncset.done $0x0  }
0x61: {  	[sflag:s21] =	ssyncadd.s32 $0xFFFFC000  }
0x62: {  	[spmem:s1] =	stream.indirect.scatter.add.f32 [tilespmem:s15], [sflag:$0x3], $0x80, s2, s19, $0xb8;
	[tilespmem:$0x1C080] =	vst v63  }
0x63: {  	p1 =	sge.s32 s28, s25;
	_ =	swait.ge [sflag:s16], $0x4000  }
0x64: {  	s17 =	simm.s32 @!p1 $0xA080;
	s2 =	simm.s32 @!p1 $0x80;
	[sflag:s16] =	ssyncset.done $0x0  }
0x65: {  	[sflag:s16] =	ssyncadd.s32 $0xFFFFC000  }
0x66: {  	[tilespmem:s17], [sflag:$0x1] =	stream.indirect.gather @!p1 [hbm4b:s4+s2], $0x80, s29, s2, $0xb8;
	[tilespmem:$0x1C080] =	vst v63  }
0x67: {  	_ =	swait.ge [sflag:s22], $0x4000  }
.Ltmp4:
0x68: {  	s28 =	sadd.s32 $0x2, s28;
	[sflag:s22] =	ssyncset.done $0x0;
	(pc) =	sbr.rel @p0 .LBB2_3-.Ltmp4, $4  }
0x69: {  	s0 =	sadd.s32 $0x1, s0;
	s29 =	sadd.s32 $0x100, s29;
	[sflag:s22] =	ssyncadd.s32 $0xFFFFC000  }
0x6a: {  	[spmem:s1] =	stream.indirect.scatter.add.f32 [tilespmem:s20], [sflag:$0x3], $0x80, s30, s19, $0xb8;
	[tilespmem:$0x1C080] =	vst v63  }
0x6b: {  	p1 =	sge.s32 s0, s25;
	s30 =	sadd.s32 $0x100, s30;
	_ =	swait.ge [sflag:s16], $0x4000  }
0x6c: {  	s31 =	sadd.s32 @!p1 $0x80, s31;
	s0 =	simm.s32 @!p1 $0x80;
	[sflag:s16] =	ssyncset.done $0x0  }
.Ltmp5:
0x6d: {  	_ = 	snop;
	(pc) =	sbr.rel .LBB2_4-.Ltmp5, $1  }
0x6e: {  	_ =	sdelay $0x3  }
.LBB2_6:
0x6f: {  	_ =	sfence.sel $0x180000  }
0x70: {  	[bflag:$0x0] =	sbarrier.arrive $0xFFFF  }
0x71: {  	_ =	strace $0x90000053  }
0x72: {  	s0 =	stileid.u32;
	[bflag:$0x2] =	sbarrier.arrive $0xFFFF  }
0x73: {  	p0 =	sne.s32 s0, $0x0;
	s0 =	rddreg [dreg:$0x2]  }
0x74: {  	s0 =	sadd.s32 @!p0 $0x100000, s0  }
0x75: {  	[sflag:s0] =	ssyncadd.tile.s32 @!p0 $0x1;
	_ =	shalt  }
.Lfunc_end2:
_tile_overlayer_lowered:
.L_overlay_start_2:
0x76: {  	(tag) =	ssettag $0x2  }
0x77: {  	s0 =	rddreg [dreg:$0x0];
	s2 =	stileid.u32  }
0x78: {  	s1 =	rddreg [dreg:$0x1];
	p0 =	sne.s32 s2, $0x0  }
0x79: {  	s3 =	rddreg [dreg:$0x2];
	[bflag:$0x3] =	sbarrier.arrive $0xFFFF;
	s2 =	simm.s32 @!p0 $0x1C03  }
0x7a: {  	[timem:s3], [sflag:s2] =	dma.local @!p0 [hbm:s0], s1  }
0x7b: {  	s0 =	simm.s32 @!p0 $0x3  }
0x7c: {  	_ =	swait.ge @!p0 [sflag:s0], s1  }
0x7d: {  	s1 =	ssub.s32 @!p0 $0x0, s1;
	[sflag:s0] =	ssyncset.done @!p0 $0x0  }
0x7e: {  	[sflag:s0] =	ssyncadd.s32 @!p0 s1  }
0x7f: {  	[bflag:$0x3] =	sbarrier.arrive $0xFFFF  }
0x80: {  	_ =	shalt  }

</sc_bundles>
